<compile_context>
chip_gen: v7x
topology: tpu7x:2x2x1
jax: 0.10.2.dev20260603
libtpu: 0.0.44.dev20260713+nightly
codegen_flags: <defaults>
</compile_context>

<pallas_src>
import jax
import jax.numpy as jnp
from jax import lax
from jax.experimental import pallas as pl
from jax.experimental.pallas import tpu as pltpu
from jax.experimental.pallas import tpu_sc as plsc

N = 10000
E = 320000
D = 128

NC = 2
NS = 16
L = 16
NW = NC * NS
EPT = E // NW
K = 40
NCHUNK = EPT // K
NBUF = 5
SROWS = 80
STRIPE = 624
TAIL = N - NS * STRIPE
ZR = 48


def _sc_body(dst3_hbm, logit3_hbm, feats_hbm, p_hbm, s_hbm,
             idx_v, logit_v, feats_v, s2_v, zero_v, p_sh,
             in_sems, sc_sems):
    cid = lax.axis_index("c")
    sid = lax.axis_index("s")
    wid = cid * NS + sid
    base0 = wid * EPT

    def fire_in(ci, b):
        pltpu.async_copy(feats_hbm.at[pl.ds(base0 + ci * K, K)],
                         feats_v.at[b], in_sems.at[b])
        pltpu.async_copy(dst3_hbm.at[wid, ci], idx_v.at[b], in_sems.at[b])
        pltpu.async_copy(logit3_hbm.at[wid, ci], logit_v.at[b], in_sems.at[b])

    def wait_in(ci, b):
        pltpu.make_async_copy(feats_hbm.at[pl.ds(base0 + ci * K, K)],
                              feats_v.at[b], in_sems.at[b]).wait()
        pltpu.make_async_copy(dst3_hbm.at[wid, ci], idx_v.at[b],
                              in_sems.at[b]).wait()
        pltpu.make_async_copy(logit3_hbm.at[wid, ci], logit_v.at[b],
                              in_sems.at[b]).wait()

    for b in range(NBUF):
        fire_in(b, b)

    def zz(i, _):
        for j in range(D // L):
            zero_v[i, pl.ds(j * L, L)] = jnp.zeros((L,), jnp.float32)
        return 0
    lax.fori_loop(0, ZR, zz, 0)

    def zs(i, _):
        for j in range(D // L):
            s2_v[i, pl.ds(j * L, L)] = jnp.zeros((L,), jnp.float32)
        return 0
    lax.fori_loop(0, SROWS, zs, 0)

    row0 = sid * STRIPE
    for z in range(STRIPE // ZR):
        pltpu.sync_copy(zero_v, p_sh.at[pl.ds(row0 + z * ZR, ZR)])

    @pl.when(sid == NS - 1)
    def _():
        pltpu.sync_copy(zero_v.at[pl.ds(0, TAIL)],
                        p_sh.at[pl.ds(NS * STRIPE, TAIL)])

    plsc.subcore_barrier()

    lane0 = lax.iota(jnp.int32, L) == 0

    def fire_sc(b):
        pltpu.async_copy(feats_v.at[b], p_sh.at[idx_v.at[b]],
                         sc_sems.at[b], add=True)

    def drain_sc(b):
        pltpu.make_async_copy(feats_v.at[b], p_sh.at[idx_v.at[b]],
                              sc_sems.at[b]).wait()

    def outer(g, _):
        for b in range(NBUF):
            ci = g * NBUF + b
            wait_in(ci, b)

            b16 = jnp.full((L,), b, jnp.int32)

            def edge(e, _):
                e16 = jnp.full((L,), e, jnp.int32)
                w = jnp.exp(plsc.load_gather(logit_v, [b16, e16]))
                d16 = plsc.load_gather(idx_v, [b16, e16])
                r16 = lax.shift_right_logical(d16, 7)
                c16 = lax.bitwise_and(d16, 127)
                plsc.addupdate_scatter(s2_v, [r16, c16], w, mask=lane0)
                for j in range(D // L):
                    sl = pl.ds(j * L, L)
                    feats_v[b, e, sl] = feats_v[b, e, sl] * w
                return 0
            lax.fori_loop(0, K, edge, 0, unroll=4)
            fire_sc(b)

            pb = (b - 3) % NBUF

            @pl.when(ci >= 3)
            def _():
                drain_sc(pb)

            @pl.when(jnp.logical_and(ci >= 3, ci <= NCHUNK - 3))
            def _():
                fire_in(ci + 2, pb)
        return 0
    lax.fori_loop(0, NCHUNK // NBUF, outer, 0)

    for b in range(NBUF - 3, NBUF):
        drain_sc(b)

    pltpu.sync_copy(s2_v, s_hbm.at[wid])
    plsc.subcore_barrier()
    pltpu.sync_copy(p_sh.at[pl.ds(row0, STRIPE)],
                    p_hbm.at[cid, pl.ds(row0, STRIPE)])

    @pl.when(sid == NS - 1)
    def _():
        pltpu.sync_copy(p_sh.at[pl.ds(NS * STRIPE, TAIL)],
                        p_hbm.at[cid, pl.ds(NS * STRIPE, TAIL)])


@jax.jit
def _sc_accum(dst3, logit3, edge_feats):
    mesh = plsc.VectorSubcoreMesh(core_axis_name="c", subcore_axis_name="s")
    return pl.kernel(
        _sc_body,
        out_type=(jax.ShapeDtypeStruct((NC, N, D), jnp.float32),
                  jax.ShapeDtypeStruct((NW, SROWS, D), jnp.float32)),
        mesh=mesh,
        scratch_types=[
            pltpu.VMEM((NBUF, K), jnp.int32),
            pltpu.VMEM((NBUF, K), jnp.float32),
            pltpu.VMEM((NBUF, K, D), jnp.float32),
            pltpu.VMEM((SROWS, D), jnp.float32),
            pltpu.VMEM((ZR, D), jnp.float32),
            pltpu.VMEM_SHARED((N, D), jnp.float32),
            pltpu.SemaphoreType.DMA((NBUF,)),
            pltpu.SemaphoreType.DMA((NBUF,)),
        ],
        compiler_params=pltpu.CompilerParams(needs_layout_passes=False),
    )(dst3, logit3, edge_feats)


def _tc_body(p_ref, st_ref, nf_ref, we_ref, be_ref, wih_ref, whh_ref,
             bih_ref, bhh_ref, out_ref):
    psum = p_ref[0] + p_ref[1]
    ssum = jnp.sum(st_ref[...], axis=1, keepdims=True)
    nonempty = ssum > 0.0
    inv = jnp.where(nonempty, 1.0 / jnp.where(nonempty, ssum, 1.0), 0.0)
    a = psum * inv
    et = lax.dot_general(a, we_ref[...], (((1,), (1,)), ((), ())),
                         preferred_element_type=jnp.float32) + be_ref[...]
    c = jnp.where(nonempty, et, 0.0)
    ctx = jnp.where(c > 0.0, c, jnp.exp(jnp.minimum(c, 0.0)) - 1.0)
    nf = nf_ref[...]
    gi = lax.dot_general(ctx, wih_ref[...], (((1,), (1,)), ((), ())),
                         preferred_element_type=jnp.float32) + bih_ref[...]
    gh = lax.dot_general(nf, whh_ref[...], (((1,), (1,)), ((), ())),
                         preferred_element_type=jnp.float32) + bhh_ref[...]
    r = jax.nn.sigmoid(gi[:, :D] + gh[:, :D])
    z = jax.nn.sigmoid(gi[:, D:2 * D] + gh[:, D:2 * D])
    n = jnp.tanh(gi[:, 2 * D:] + r * gh[:, 2 * D:])
    h = (1.0 - z) * n + z * nf
    out_ref[...] = jnp.maximum(h, 0.0)


@jax.jit
def _tc_dense(p, s_t, node_feats, W_edge, b_edge, W_ih, W_hh, b_ih, b_hh):
    full = lambda shape: pl.BlockSpec(shape, lambda: (0,) * len(shape))
    return pl.pallas_call(
        _tc_body,
        in_specs=[
            full((NC, N, D)),
            full((N, NW)),
            full((N, D)),
            full((D, D)),
            full((1, D)),
            full((3 * D, D)),
            full((3 * D, D)),
            full((1, 3 * D)),
            full((1, 3 * D)),
        ],
        out_specs=full((N, D)),
        out_shape=jax.ShapeDtypeStruct((N, D), jnp.float32),
    )(p, s_t, node_feats, W_edge, b_edge, W_ih, W_hh, b_ih, b_hh)


def kernel(edge_index, edge_logits, edge_feats, node_feats,
           W_edge, b_edge, W_ih, W_hh, b_ih, b_hh):
    dst3 = edge_index[1].astype(jnp.int32).reshape(NW, NCHUNK, K)
    logit3 = edge_logits[:, 0].astype(jnp.float32).reshape(NW, NCHUNK, K)
    p, s = _sc_accum(dst3, logit3, edge_feats)
    s_t = s.reshape(NW, SROWS * D)[:, :N].T
    return _tc_dense(p, s_t, node_feats, W_edge,
                     b_edge.reshape(1, D), W_ih, W_hh,
                     b_ih.reshape(1, 3 * D), b_hh.reshape(1, 3 * D))

# --- scband reference (transcript-rebuilt; emitter-appended) ---
"""Pipeline reference for scband-attentive-gru1-74345883893922 (READ-ONLY COPY).

The authoritative reference and input builder live on the scoring server;
editing this copy changes nothing except your own understanding.
"""

import jax, jax.numpy as jnp
import numpy as np

N = 10000
E = 320000
D = 128   # node_feat_size == edge_hidden_size
F_E = 128 # edge_feat_size


def setup_inputs(seed: int = 0) -> dict:
    key = jax.random.key(seed)
    ks = jax.random.split(key, 10)
    edge_index = jax.random.randint(ks[0], (2, E), 0, N, dtype=jnp.int64)
    edge_logits = jax.random.normal(ks[1], (E, 1), dtype=jnp.float32)
    edge_feats = jax.random.normal(ks[2], (E, F_E), dtype=jnp.float32)
    node_feats = jax.random.normal(ks[3], (N, D), dtype=jnp.float32)
    # nn.Linear(edge_feat_size, edge_hidden_size) params
    s_lin = 1.0 / np.sqrt(F_E)
    W_edge = jax.random.uniform(ks[4], (D, F_E), jnp.float32, -s_lin, s_lin)
    b_edge = jax.random.uniform(ks[5], (D,), jnp.float32, -s_lin, s_lin)
    # nn.GRUCell(edge_hidden_size, node_feat_size) params (r,z,n stacked)
    s_gru = 1.0 / np.sqrt(D)
    W_ih = jax.random.uniform(ks[6], (3 * D, D), jnp.float32, -s_gru, s_gru)
    W_hh = jax.random.uniform(ks[7], (3 * D, D), jnp.float32, -s_gru, s_gru)
    b_ih = jax.random.uniform(ks[8], (3 * D,), jnp.float32, -s_gru, s_gru)
    b_hh = jax.random.uniform(ks[9], (3 * D,), jnp.float32, -s_gru, s_gru)
    return {
        "edge_index": edge_index,
        "edge_logits": edge_logits,
        "edge_feats": edge_feats,
        "node_feats": node_feats,
        "W_edge": W_edge,
        "b_edge": b_edge,
        "W_ih": W_ih,
        "W_hh": W_hh,
        "b_ih": b_ih,
        "b_hh": b_hh,
    }


def reference(edge_index, edge_logits, edge_feats, node_feats,
              W_edge, b_edge, W_ih, W_hh, b_ih, b_hh):
    dst = edge_index[1]
    logits = edge_logits[:, 0]
    # edge_softmax over incoming edges of each destination node
    seg_max = jax.ops.segment_max(logits, dst, num_segments=N)
    ex = jnp.exp(logits - seg_max[dst])
    denom = jax.ops.segment_sum(ex, dst, num_segments=N)
    alpha = ex / denom[dst]
    # edge_transform: Dropout (identity in eval) + Linear
    et = edge_feats @ W_edge.T + b_edge
    e = alpha[:, None] * et
    # copy_e message + sum reduce to destination nodes
    c = jax.ops.segment_sum(e, dst, num_segments=N)
    context = jax.nn.elu(c)
    # GRUCell(context, node_feats); PyTorch gate order: r, z, n
    gi = context @ W_ih.T + b_ih
    gh = node_feats @ W_hh.T + b_hh
    i_r, i_z, i_n = jnp.split(gi, 3, axis=1)
    h_r, h_z, h_n = jnp.split(gh, 3, axis=1)
    r = jax.nn.sigmoid(i_r + h_r)
    z = jax.nn.sigmoid(i_z + h_z)
    n = jnp.tanh(i_n + r * h_n)
    h_new = (1.0 - z) * n + z * node_feats
    return jax.nn.relu(h_new)

if __name__ == "__main__":
    import jax
    _d = setup_inputs()
    print(jax.jit(kernel)(*tuple(_d.values())))

</pallas_src>

<mosaic_0001>
#map = affine_map<(d0, d1) -> (0, 0, 0)>
#map1 = affine_map<(d0, d1) -> (0, 0)>
module attributes {stable_mosaic.version = 14 : i64} {
  func.func @_sc_body(%arg0: i32, %arg1: i32, %arg2: memref<32x250x40xi32, #tpu.memory_space<hbm>>, %arg3: memref<32x250x40xf32, #tpu.memory_space<hbm>>, %arg4: memref<320000x128xf32, #tpu.memory_space<hbm>>, %arg5: memref<2x10000x128xf32, #tpu.memory_space<hbm>>, %arg6: memref<32x80x128xf32, #tpu.memory_space<hbm>>, %arg7: memref<5x40xi32, #tpu.memory_space<vmem>>, %arg8: memref<5x40xf32, #tpu.memory_space<vmem>>, %arg9: memref<5x40x128xf32, #tpu.memory_space<vmem>>, %arg10: memref<80x128xf32, #tpu.memory_space<vmem>>, %arg11: memref<48x128xf32, #tpu.memory_space<vmem>>, %arg12: memref<10000x128xf32, #tpu.memory_space<vmem_shared>>, %arg13: memref<5x!tpu.dma_semaphore, #tpu.memory_space<semaphore_mem>>, %arg14: memref<5x!tpu.dma_semaphore, #tpu.memory_space<semaphore_mem>>) attributes {dimension_semantics = [#tpu.dimension_semantics<core_parallel>, #tpu.dimension_semantics<subcore_parallel>], iteration_bounds = array<i64: 2, 16>, scalar_prefetch = 0 : i64, scratch_operands = 8 : i64, tpu.core_type = #tpu.core_type<sc_vector_subcore>, window_params = [{transform_indices = #map}, {transform_indices = #map}, {transform_indices = #map1}, {transform_indices = #map}, {transform_indices = #map}]} {
    %mul3A = arith.constant 16 : i32
    %mul3A_0 = arith.muli %arg0, %mul3A : i32
    %add3A = arith.addi %mul3A_0, %arg1 : i32
    %mul3A_1 = arith.constant 10000 : i32
    %mul3A_2 = arith.muli %add3A, %mul3A_1 : i32
    %add3A_3 = arith.constant 0 : i32
    %add3A_4 = arith.addi %mul3A_2, %add3A_3 : i32
    %dma_start3A = arith.constant 0 : i32
    %dma_start3A_5 = arith.constant 0 : i32
    %dma_start3A_6 = arith.constant 0 : i32
    %dma_start3A_7 = arith.constant 0 : i32
    %dma_start3A_8 = tpu.memref_slice %arg9[%dma_start3A, %dma_start3A_6, %dma_start3A_7] : memref<5x40x128xf32, #tpu.memory_space<vmem>> -> memref<1x40x128xf32, #tpu.memory_space<vmem>>
    %dma_start3A_9 = tpu.memref_squeeze %dma_start3A_8 : memref<1x40x128xf32, #tpu.memory_space<vmem>> -> memref<40x128xf32, #tpu.memory_space<vmem>>
    %dma_start3A_10 = arith.constant 0 : i32
    %dma_start3A_11 = tpu.memref_slice %arg4[%add3A_4, %dma_start3A_10] : memref<320000x128xf32, #tpu.memory_space<hbm>> -> memref<40x128xf32, #tpu.memory_space<hbm>>
    %dma_start3A_12 = tpu.memref_slice %arg13[%dma_start3A_5] : memref<5x!tpu.dma_semaphore, #tpu.memory_space<semaphore_mem>> -> memref<1x!tpu.dma_semaphore, #tpu.memory_space<semaphore_mem>>
    %dma_start3A_13 = tpu.memref_squeeze %dma_start3A_12 : memref<1x!tpu.dma_semaphore, #tpu.memory_space<semaphore_mem>> -> memref<!tpu.dma_semaphore, #tpu.memory_space<semaphore_mem>>
    %dma_start3A_14 = arith.constant 0 : i32
    %dma_start3A_15 = arith.constant 0 : i32
    %dma_start3A_16 = tpu.memref_slice %arg9[%dma_start3A, %dma_start3A_14, %dma_start3A_15] : memref<5x40x128xf32, #tpu.memory_space<vmem>> -> memref<1x40x128xf32, #tpu.memory_space<vmem>>
    %dma_start3A_17 = tpu.memref_squeeze %dma_start3A_16 : memref<1x40x128xf32, #tpu.memory_space<vmem>> -> memref<40x128xf32, #tpu.memory_space<vmem>>
    %dma_start3A_18 = arith.constant 0 : i32
    %dma_start3A_19 = tpu.memref_slice %arg4[%add3A_4, %dma_start3A_18] : memref<320000x128xf32, #tpu.memory_space<hbm>> -> memref<40x128xf32, #tpu.memory_space<hbm>>
    tpu.enqueue_dma source(%dma_start3A_19 : memref<40x128xf32, #tpu.memory_space<hbm>>) target(%dma_start3A_17 : memref<40x128xf32, #tpu.memory_space<vmem>>) target_semaphore(%dma_start3A_13 : memref<!tpu.dma_semaphore, #tpu.memory_space<semaphore_mem>>)
    %dma_start3A_20 = arith.constant 0 : i32
    %dma_start3A_21 = arith.constant 0 : i32
    %dma_start3A_22 = arith.constant 0 : i32
    %dma_start3A_23 = arith.constant 0 : i32
    %dma_start3A_24 = tpu.memref_slice %arg7[%dma_start3A_21, %dma_start3A_23] : memref<5x40xi32, #tpu.memory_space<vmem>> -> memref<1x40xi32, #tpu.memory_space<vmem>>
    %dma_start3A_25 = tpu.memref_squeeze %dma_start3A_24 : memref<1x40xi32, #tpu.memory_space<vmem>> -> memref<40xi32, #tpu.memory_space<vmem>>
    %dma_start3A_26 = arith.constant 0 : i32
    %dma_start3A_27 = tpu.memref_slice %arg2[%add3A, %dma_start3A_20, %dma_start3A_26] : memref<32x250x40xi32, #tpu.memory_space<hbm>> -> memref<1x1x40xi32, #tpu.memory_space<hbm>>
    %dma_start3A_28 = tpu.memref_squeeze %dma_start3A_27 : memref<1x1x40xi32, #tpu.memory_space<hbm>> -> memref<40xi32, #tpu.memory_space<hbm>>
    %dma_start3A_29 = tpu.memref_slice %arg13[%dma_start3A_22] : memref<5x!tpu.dma_semaphore, #tpu.memory_space<semaphore_mem>> -> memref<1x!tpu.dma_semaphore, #tpu.memory_space<semaphore_mem>>
    %dma_start3A_30 = tpu.memref_squeeze %dma_start3A_29 : memref<1x!tpu.dma_semaphore, #tpu.memory_space<semaphore_mem>> -> memref<!tpu.dma_semaphore, #tpu.memory_space<semaphore_mem>>
    %dma_start3A_31 = arith.constant 0 : i32
    %dma_start3A_32 = tpu.memref_slice %arg7[%dma_start3A_21, %dma_start3A_31] : memref<5x40xi32, #tpu.memory_space<vmem>> -> memref<1x40xi32, #tpu.memory_space<vmem>>
    %dma_start3A_33 = tpu.memref_squeeze %dma_start3A_32 : memref<1x40xi32, #tpu.memory_space<vmem>> -> memref<40xi32, #tpu.memory_space<vmem>>
    %dma_start3A_34 = arith.constant 0 : i32
    %dma_start3A_35 = tpu.memref_slice %arg2[%add3A, %dma_start3A_20, %dma_start3A_34] : memref<32x250x40xi32, #tpu.memory_space<hbm>> -> memref<1x1x40xi32, #tpu.memory_space<hbm>>
    %dma_start3A_36 = tpu.memref_squeeze %dma_start3A_35 : memref<1x1x40xi32, #tpu.memory_space<hbm>> -> memref<40xi32, #tpu.memory_space<hbm>>
    tpu.enqueue_dma source(%dma_start3A_36 : memref<40xi32, #tpu.memory_space<hbm>>) target(%dma_start3A_33 : memref<40xi32, #tpu.memory_space<vmem>>) target_semaphore(%dma_start3A_30 : memref<!tpu.dma_semaphore, #tpu.memory_space<semaphore_mem>>)
    %dma_start3A_37 = arith.constant 0 : i32
    %dma_start3A_38 = arith.constant 0 : i32
    %dma_start3A_39 = arith.constant 0 : i32
    %dma_start3A_40 = arith.constant 0 : i32
    %dma_start3A_41 = tpu.memref_slice %arg8[%dma_start3A_38, %dma_start3A_40] : memref<5x40xf32, #tpu.memory_space<vmem>> -> memref<1x40xf32, #tpu.memory_space<vmem>>
    %dma_start3A_42 = tpu.memref_squeeze %dma_start3A_41 : memref<1x40xf32, #tpu.memory_space<vmem>> -> memref<40xf32, #tpu.memory_space<vmem>>
    %dma_start3A_43 = arith.constant 0 : i32
    %dma_start3A_44 = tpu.memref_slice %arg3[%add3A, %dma_start3A_37, %dma_start3A_43] : memref<32x250x40xf32, #tpu.memory_space<hbm>> -> memref<1x1x40xf32, #tpu.memory_space<hbm>>
    %dma_start3A_45 = tpu.memref_squeeze %dma_start3A_44 : memref<1x1x40xf32, #tpu.memory_space<hbm>> -> memref<40xf32, #tpu.memory_space<hbm>>
    %dma_start3A_46 = tpu.memref_slice %arg13[%dma_start3A_39] : memref<5x!tpu.dma_semaphore, #tpu.memory_space<semaphore_mem>> -> memref<1x!tpu.dma_semaphore, #tpu.memory_space<semaphore_mem>>
    %dma_start3A_47 = tpu.memref_squeeze %dma_start3A_46 : memref<1x!tpu.dma_semaphore, #tpu.memory_space<semaphore_mem>> -> memref<!tpu.dma_semaphore, #tpu.memory_space<semaphore_mem>>
    %dma_start3A_48 = arith.constant 0 : i32
    %dma_start3A_49 = tpu.memref_slice %arg8[%dma_start3A_38, %dma_start3A_48] : memref<5x40xf32, #tpu.memory_space<vmem>> -> memref<1x40xf32, #tpu.memory_space<vmem>>
    %dma_start3A_50 = tpu.memref_squeeze %dma_start3A_49 : memref<1x40xf32, #tpu.memory_space<vmem>> -> memref<40xf32, #tpu.memory_space<vmem>>
    %dma_start3A_51 = arith.constant 0 : i32
    %dma_start3A_52 = tpu.memref_slice %arg3[%add3A, %dma_start3A_37, %dma_start3A_51] : memref<32x250x40xf32, #tpu.memory_space<hbm>> -> memref<1x1x40xf32, #tpu.memory_space<hbm>>
    %dma_start3A_53 = tpu.memref_squeeze %dma_start3A_52 : memref<1x1x40xf32, #tpu.memory_space<hbm>> -> memref<40xf32, #tpu.memory_space<hbm>>
    tpu.enqueue_dma source(%dma_start3A_53 : memref<40xf32, #tpu.memory_space<hbm>>) target(%dma_start3A_50 : memref<40xf32, #tpu.memory_space<vmem>>) target_semaphore(%dma_start3A_47 : memref<!tpu.dma_semaphore, #tpu.memory_space<semaphore_mem>>)
    %add3A_54 = arith.constant 40 : i32
    %add3A_55 = arith.addi %mul3A_2, %add3A_54 : i32
    %dma_start3A_56 = arith.constant 1 : i32
    %dma_start3A_57 = arith.constant 1 : i32
    %dma_start3A_58 = arith.constant 0 : i32
    %dma_start3A_59 = arith.constant 0 : i32
    %dma_start3A_60 = tpu.memref_slice %arg9[%dma_start3A_56, %dma_start3A_58, %dma_start3A_59] : memref<5x40x128xf32, #tpu.memory_space<vmem>> -> memref<1x40x128xf32, #tpu.memory_space<vmem>>
    %dma_start3A_61 = tpu.memref_squeeze %dma_start3A_60 : memref<1x40x128xf32, #tpu.memory_space<vmem>> -> memref<40x128xf32, #tpu.memory_space<vmem>>
    %dma_start3A_62 = arith.constant 0 : i32
    %dma_start3A_63 = tpu.memref_slice %arg4[%add3A_55, %dma_start3A_62] : memref<320000x128xf32, #tpu.memory_space<hbm>> -> memref<40x128xf32, #tpu.memory_space<hbm>>
    %dma_start3A_64 = tpu.memref_slice %arg13[%dma_start3A_57] : memref<5x!tpu.dma_semaphore, #tpu.memory_space<semaphore_mem>> -> memref<1x!tpu.dma_semaphore, #tpu.memory_space<semaphore_mem>>
    %dma_start3A_65 = tpu.memref_squeeze %dma_start3A_64 : memref<1x!tpu.dma_semaphore, #tpu.memory_space<semaphore_mem>> -> memref<!tpu.dma_semaphore, #tpu.memory_space<semaphore_mem>>
    %dma_start3A_66 = arith.constant 0 : i32
    %dma_start3A_67 = arith.constant 0 : i32
    %dma_start3A_68 = tpu.memref_slice %arg9[%dma_start3A_56, %dma_start3A_66, %dma_start3A_67] : memref<5x40x128xf32, #tpu.memory_space<vmem>> -> memref<1x40x128xf32, #tpu.memory_space<vmem>>
    %dma_start3A_69 = tpu.memref_squeeze %dma_start3A_68 : memref<1x40x128xf32, #tpu.memory_space<vmem>> -> memref<40x128xf32, #tpu.memory_space<vmem>>
    %dma_start3A_70 = arith.constant 0 : i32
    %dma_start3A_71 = tpu.memref_slice %arg4[%add3A_55, %dma_start3A_70] : memref<320000x128xf32, #tpu.memory_space<hbm>> -> memref<40x128xf32, #tpu.memory_space<hbm>>
    tpu.enqueue_dma source(%dma_start3A_71 : memref<40x128xf32, #tpu.memory_space<hbm>>) target(%dma_start3A_69 : memref<40x128xf32, #tpu.memory_space<vmem>>) target_semaphore(%dma_start3A_65 : memref<!tpu.dma_semaphore, #tpu.memory_space<semaphore_mem>>)
    %dma_start3A_72 = arith.constant 1 : i32
    %dma_start3A_73 = arith.constant 1 : i32
    %dma_start3A_74 = arith.constant 1 : i32
    %dma_start3A_75 = arith.constant 0 : i32
    %dma_start3A_76 = tpu.memref_slice %arg7[%dma_start3A_73, %dma_start3A_75] : memref<5x40xi32, #tpu.memory_space<vmem>> -> memref<1x40xi32, #tpu.memory_space<vmem>>
    %dma_start3A_77 = tpu.memref_squeeze %dma_start3A_76 : memref<1x40xi32, #tpu.memory_space<vmem>> -> memref<40xi32, #tpu.memory_space<vmem>>
    %dma_start3A_78 = arith.constant 0 : i32
    %dma_start3A_79 = tpu.memref_slice %arg2[%add3A, %dma_start3A_72, %dma_start3A_78] : memref<32x250x40xi32, #tpu.memory_space<hbm>> -> memref<1x1x40xi32, #tpu.memory_space<hbm>>
    %dma_start3A_80 = tpu.memref_squeeze %dma_start3A_79 : memref<1x1x40xi32, #tpu.memory_space<hbm>> -> memref<40xi32, #tpu.memory_space<hbm>>
    %dma_start3A_81 = tpu.memref_slice %arg13[%dma_start3A_74] : memref<5x!tpu.dma_semaphore, #tpu.memory_space<semaphore_mem>> -> memref<1x!tpu.dma_semaphore, #tpu.memory_space<semaphore_mem>>
    %dma_start3A_82 = tpu.memref_squeeze %dma_start3A_81 : memref<1x!tpu.dma_semaphore, #tpu.memory_space<semaphore_mem>> -> memref<!tpu.dma_semaphore, #tpu.memory_space<semaphore_mem>>
    %dma_start3A_83 = arith.constant 0 : i32
    %dma_start3A_84 = tpu.memref_slice %arg7[%dma_start3A_73, %dma_start3A_83] : memref<5x40xi32, #tpu.memory_space<vmem>> -> memref<1x40xi32, #tpu.memory_space<vmem>>
    %dma_start3A_85 = tpu.memref_squeeze %dma_start3A_84 : memref<1x40xi32, #tpu.memory_space<vmem>> -> memref<40xi32, #tpu.memory_space<vmem>>
    %dma_start3A_86 = arith.constant 0 : i32
    %dma_start3A_87 = tpu.memref_slice %arg2[%add3A, %dma_start3A_72, %dma_start3A_86] : memref<32x250x40xi32, #tpu.memory_space<hbm>> -> memref<1x1x40xi32, #tpu.memory_space<hbm>>
    %dma_start3A_88 = tpu.memref_squeeze %dma_start3A_87 : memref<1x1x40xi32, #tpu.memory_space<hbm>> -> memref<40xi32, #tpu.memory_space<hbm>>
    tpu.enqueue_dma source(%dma_start3A_88 : memref<40xi32, #tpu.memory_space<hbm>>) target(%dma_start3A_85 : memref<40xi32, #tpu.memory_space<vmem>>) target_semaphore(%dma_start3A_82 : memref<!tpu.dma_semaphore, #tpu.memory_space<semaphore_mem>>)
    %dma_start3A_89 = arith.constant 1 : i32
    %dma_start3A_90 = arith.constant 1 : i32
    %dma_start3A_91 = arith.constant 1 : i32
    %dma_start3A_92 = arith.constant 0 : i32
    %dma_start3A_93 = tpu.memref_slice %arg8[%dma_start3A_90, %dma_start3A_92] : memref<5x40xf32, #tpu.memory_space<vmem>> -> memref<1x40xf32, #tpu.memory_space<vmem>>
    %dma_start3A_94 = tpu.memref_squeeze %dma_start3A_93 : memref<1x40xf32, #tpu.memory_space<vmem>> -> memref<40xf32, #tpu.memory_space<vmem>>
    %dma_start3A_95 = arith.constant 0 : i32
    %dma_start3A_96 = tpu.memref_slice %arg3[%add3A, %dma_start3A_89, %dma_start3A_95] : memref<32x250x40xf32, #tpu.memory_space<hbm>> -> memref<1x1x40xf32, #tpu.memory_space<hbm>>
    %dma_start3A_97 = tpu.memref_squeeze %dma_start3A_96 : memref<1x1x40xf32, #tpu.memory_space<hbm>> -> memref<40xf32, #tpu.memory_space<hbm>>
    %dma_start3A_98 = tpu.memref_slice %arg13[%dma_start3A_91] : memref<5x!tpu.dma_semaphore, #tpu.memory_space<semaphore_mem>> -> memref<1x!tpu.dma_semaphore, #tpu.memory_space<semaphore_mem>>
    %dma_start3A_99 = tpu.memref_squeeze %dma_start3A_98 : memref<1x!tpu.dma_semaphore, #tpu.memory_space<semaphore_mem>> -> memref<!tpu.dma_semaphore, #tpu.memory_space<semaphore_mem>>
    %dma_start3A_100 = arith.constant 0 : i32
    %dma_start3A_101 = tpu.memref_slice %arg8[%dma_start3A_90, %dma_start3A_100] : memref<5x40xf32, #tpu.memory_space<vmem>> -> memref<1x40xf32, #tpu.memory_space<vmem>>
    %dma_start3A_102 = tpu.memref_squeeze %dma_start3A_101 : memref<1x40xf32, #tpu.memory_space<vmem>> -> memref<40xf32, #tpu.memory_space<vmem>>
    %dma_start3A_103 = arith.constant 0 : i32
    %dma_start3A_104 = tpu.memref_slice %arg3[%add3A, %dma_start3A_89, %dma_start3A_103] : memref<32x250x40xf32, #tpu.memory_space<hbm>> -> memref<1x1x40xf32, #tpu.memory_space<hbm>>
    %dma_start3A_105 = tpu.memref_squeeze %dma_start3A_104 : memref<1x1x40xf32, #tpu.memory_space<hbm>> -> memref<40xf32, #tpu.memory_space<hbm>>
    tpu.enqueue_dma source(%dma_start3A_105 : memref<40xf32, #tpu.memory_space<hbm>>) target(%dma_start3A_102 : memref<40xf32, #tpu.memory_space<vmem>>) target_semaphore(%dma_start3A_99 : memref<!tpu.dma_semaphore, #tpu.memory_space<semaphore_mem>>)
    %add3A_106 = arith.constant 80 : i32
    %add3A_107 = arith.addi %mul3A_2, %add3A_106 : i32
    %dma_start3A_108 = arith.constant 2 : i32
    %dma_start3A_109 = arith.constant 2 : i32
    %dma_start3A_110 = arith.constant 0 : i32
    %dma_start3A_111 = arith.constant 0 : i32
    %dma_start3A_112 = tpu.memref_slice %arg9[%dma_start3A_108, %dma_start3A_110, %dma_start3A_111] : memref<5x40x128xf32, #tpu.memory_space<vmem>> -> memref<1x40x128xf32, #tpu.memory_space<vmem>>
    %dma_start3A_113 = tpu.memref_squeeze %dma_start3A_112 : memref<1x40x128xf32, #tpu.memory_space<vmem>> -> memref<40x128xf32, #tpu.memory_space<vmem>>
    %dma_start3A_114 = arith.constant 0 : i32
    %dma_start3A_115 = tpu.memref_slice %arg4[%add3A_107, %dma_start3A_114] : memref<320000x128xf32, #tpu.memory_space<hbm>> -> memref<40x128xf32, #tpu.memory_space<hbm>>
    %dma_start3A_116 = tpu.memref_slice %arg13[%dma_start3A_109] : memref<5x!tpu.dma_semaphore, #tpu.memory_space<semaphore_mem>> -> memref<1x!tpu.dma_semaphore, #tpu.memory_space<semaphore_mem>>
    %dma_start3A_117 = tpu.memref_squeeze %dma_start3A_116 : memref<1x!tpu.dma_semaphore, #tpu.memory_space<semaphore_mem>> -> memref<!tpu.dma_semaphore, #tpu.memory_space<semaphore_mem>>
    %dma_start3A_118 = arith.constant 0 : i32
    %dma_start3A_119 = arith.constant 0 : i32
    %dma_start3A_120 = tpu.memref_slice %arg9[%dma_start3A_108, %dma_start3A_118, %dma_start3A_119] : memref<5x40x128xf32, #tpu.memory_space<vmem>> -> memref<1x40x128xf32, #tpu.memory_space<vmem>>
    %dma_start3A_121 = tpu.memref_squeeze %dma_start3A_120 : memref<1x40x128xf32, #tpu.memory_space<vmem>> -> memref<40x128xf32, #tpu.memory_space<vmem>>
    %dma_start3A_122 = arith.constant 0 : i32
    %dma_start3A_123 = tpu.memref_slice %arg4[%add3A_107, %dma_start3A_122] : memref<320000x128xf32, #tpu.memory_space<hbm>> -> memref<40x128xf32, #tpu.memory_space<hbm>>
    tpu.enqueue_dma source(%dma_start3A_123 : memref<40x128xf32, #tpu.memory_space<hbm>>) target(%dma_start3A_121 : memref<40x128xf32, #tpu.memory_space<vmem>>) target_semaphore(%dma_start3A_117 : memref<!tpu.dma_semaphore, #tpu.memory_space<semaphore_mem>>)
    %dma_start3A_124 = arith.constant 2 : i32
    %dma_start3A_125 = arith.constant 2 : i32
    %dma_start3A_126 = arith.constant 2 : i32
    %dma_start3A_127 = arith.constant 0 : i32
    %dma_start3A_128 = tpu.memref_slice %arg7[%dma_start3A_125, %dma_start3A_127] : memref<5x40xi32, #tpu.memory_space<vmem>> -> memref<1x40xi32, #tpu.memory_space<vmem>>
    %dma_start3A_129 = tpu.memref_squeeze %dma_start3A_128 : memref<1x40xi32, #tpu.memory_space<vmem>> -> memref<40xi32, #tpu.memory_space<vmem>>
    %dma_start3A_130 = arith.constant 0 : i32
    %dma_start3A_131 = tpu.memref_slice %arg2[%add3A, %dma_start3A_124, %dma_start3A_130] : memref<32x250x40xi32, #tpu.memory_space<hbm>> -> memref<1x1x40xi32, #tpu.memory_space<hbm>>
    %dma_start3A_132 = tpu.memref_squeeze %dma_start3A_131 : memref<1x1x40xi32, #tpu.memory_space<hbm>> -> memref<40xi32, #tpu.memory_space<hbm>>
    %dma_start3A_133 = tpu.memref_slice %arg13[%dma_start3A_126] : memref<5x!tpu.dma_semaphore, #tpu.memory_space<semaphore_mem>> -> memref<1x!tpu.dma_semaphore, #tpu.memory_space<semaphore_mem>>
    %dma_start3A_134 = tpu.memref_squeeze %dma_start3A_133 : memref<1x!tpu.dma_semaphore, #tpu.memory_space<semaphore_mem>> -> memref<!tpu.dma_semaphore, #tpu.memory_space<semaphore_mem>>
    %dma_start3A_135 = arith.constant 0 : i32
    %dma_start3A_136 = tpu.memref_slice %arg7[%dma_start3A_125, %dma_start3A_135] : memref<5x40xi32, #tpu.memory_space<vmem>> -> memref<1x40xi32, #tpu.memory_space<vmem>>
    %dma_start3A_137 = tpu.memref_squeeze %dma_start3A_136 : memref<1x40xi32, #tpu.memory_space<vmem>> -> memref<40xi32, #tpu.memory_space<vmem>>
    %dma_start3A_138 = arith.constant 0 : i32
    %dma_start3A_139 = tpu.memref_slice %arg2[%add3A, %dma_start3A_124, %dma_start3A_138] : memref<32x250x40xi32, #tpu.memory_space<hbm>> -> memref<1x1x40xi32, #tpu.memory_space<hbm>>
    %dma_start3A_140 = tpu.memref_squeeze %dma_start3A_139 : memref<1x1x40xi32, #tpu.memory_space<hbm>> -> memref<40xi32, #tpu.memory_space<hbm>>
    tpu.enqueue_dma source(%dma_start3A_140 : memref<40xi32, #tpu.memory_space<hbm>>) target(%dma_start3A_137 : memref<40xi32, #tpu.memory_space<vmem>>) target_semaphore(%dma_start3A_134 : memref<!tpu.dma_semaphore, #tpu.memory_space<semaphore_mem>>)
    %dma_start3A_141 = arith.constant 2 : i32
    %dma_start3A_142 = arith.constant 2 : i32
    %dma_start3A_143 = arith.constant 2 : i32
    %dma_start3A_144 = arith.constant 0 : i32
    %dma_start3A_145 = tpu.memref_slice %arg8[%dma_start3A_142, %dma_start3A_144] : memref<5x40xf32, #tpu.memory_space<vmem>> -> memref<1x40xf32, #tpu.memory_space<vmem>>
    %dma_start3A_146 = tpu.memref_squeeze %dma_start3A_145 : memref<1x40xf32, #tpu.memory_space<vmem>> -> memref<40xf32, #tpu.memory_space<vmem>>
    %dma_start3A_147 = arith.constant 0 : i32
    %dma_start3A_148 = tpu.memref_slice %arg3[%add3A, %dma_start3A_141, %dma_start3A_147] : memref<32x250x40xf32, #tpu.memory_space<hbm>> -> memref<1x1x40xf32, #tpu.memory_space<hbm>>
    %dma_start3A_149 = tpu.memref_squeeze %dma_start3A_148 : memref<1x1x40xf32, #tpu.memory_space<hbm>> -> memref<40xf32, #tpu.memory_space<hbm>>
    %dma_start3A_150 = tpu.memref_slice %arg13[%dma_start3A_143] : memref<5x!tpu.dma_semaphore, #tpu.memory_space<semaphore_mem>> -> memref<1x!tpu.dma_semaphore, #tpu.memory_space<semaphore_mem>>
    %dma_start3A_151 = tpu.memref_squeeze %dma_start3A_150 : memref<1x!tpu.dma_semaphore, #tpu.memory_space<semaphore_mem>> -> memref<!tpu.dma_semaphore, #tpu.memory_space<semaphore_mem>>
    %dma_start3A_152 = arith.constant 0 : i32
    %dma_start3A_153 = tpu.memref_slice %arg8[%dma_start3A_142, %dma_start3A_152] : memref<5x40xf32, #tpu.memory_space<vmem>> -> memref<1x40xf32, #tpu.memory_space<vmem>>
    %dma_start3A_154 = tpu.memref_squeeze %dma_start3A_153 : memref<1x40xf32, #tpu.memory_space<vmem>> -> memref<40xf32, #tpu.memory_space<vmem>>
    %dma_start3A_155 = arith.constant 0 : i32
    %dma_start3A_156 = tpu.memref_slice %arg3[%add3A, %dma_start3A_141, %dma_start3A_155] : memref<32x250x40xf32, #tpu.memory_space<hbm>> -> memref<1x1x40xf32, #tpu.memory_space<hbm>>
    %dma_start3A_157 = tpu.memref_squeeze %dma_start3A_156 : memref<1x1x40xf32, #tpu.memory_space<hbm>> -> memref<40xf32, #tpu.memory_space<hbm>>
    tpu.enqueue_dma source(%dma_start3A_157 : memref<40xf32, #tpu.memory_space<hbm>>) target(%dma_start3A_154 : memref<40xf32, #tpu.memory_space<vmem>>) target_semaphore(%dma_start3A_151 : memref<!tpu.dma_semaphore, #tpu.memory_space<semaphore_mem>>)
    %add3A_158 = arith.constant 120 : i32
    %add3A_159 = arith.addi %mul3A_2, %add3A_158 : i32
    %dma_start3A_160 = arith.constant 3 : i32
    %dma_start3A_161 = arith.constant 3 : i32
    %dma_start3A_162 = arith.constant 0 : i32
    %dma_start3A_163 = arith.constant 0 : i32
    %dma_start3A_164 = tpu.memref_slice %arg9[%dma_start3A_160, %dma_start3A_162, %dma_start3A_163] : memref<5x40x128xf32, #tpu.memory_space<vmem>> -> memref<1x40x128xf32, #tpu.memory_space<vmem>>
    %dma_start3A_165 = tpu.memref_squeeze %dma_start3A_164 : memref<1x40x128xf32, #tpu.memory_space<vmem>> -> memref<40x128xf32, #tpu.memory_space<vmem>>
    %dma_start3A_166 = arith.constant 0 : i32
    %dma_start3A_167 = tpu.memref_slice %arg4[%add3A_159, %dma_start3A_166] : memref<320000x128xf32, #tpu.memory_space<hbm>> -> memref<40x128xf32, #tpu.memory_space<hbm>>
    %dma_start3A_168 = tpu.memref_slice %arg13[%dma_start3A_161] : memref<5x!tpu.dma_semaphore, #tpu.memory_space<semaphore_mem>> -> memref<1x!tpu.dma_semaphore, #tpu.memory_space<semaphore_mem>>
    %dma_start3A_169 = tpu.memref_squeeze %dma_start3A_168 : memref<1x!tpu.dma_semaphore, #tpu.memory_space<semaphore_mem>> -> memref<!tpu.dma_semaphore, #tpu.memory_space<semaphore_mem>>
    %dma_start3A_170 = arith.constant 0 : i32
    %dma_start3A_171 = arith.constant 0 : i32
    %dma_start3A_172 = tpu.memref_slice %arg9[%dma_start3A_160, %dma_start3A_170, %dma_start3A_171] : memref<5x40x128xf32, #tpu.memory_space<vmem>> -> memref<1x40x128xf32, #tpu.memory_space<vmem>>
    %dma_start3A_173 = tpu.memref_squeeze %dma_start3A_172 : memref<1x40x128xf32, #tpu.memory_space<vmem>> -> memref<40x128xf32, #tpu.memory_space<vmem>>
    %dma_start3A_174 = arith.constant 0 : i32
    %dma_start3A_175 = tpu.memref_slice %arg4[%add3A_159, %dma_start3A_174] : memref<320000x128xf32, #tpu.memory_space<hbm>> -> memref<40x128xf32, #tpu.memory_space<hbm>>
    tpu.enqueue_dma source(%dma_start3A_175 : memref<40x128xf32, #tpu.memory_space<hbm>>) target(%dma_start3A_173 : memref<40x128xf32, #tpu.memory_space<vmem>>) target_semaphore(%dma_start3A_169 : memref<!tpu.dma_semaphore, #tpu.memory_space<semaphore_mem>>)
    %dma_start3A_176 = arith.constant 3 : i32
    %dma_start3A_177 = arith.constant 3 : i32
    %dma_start3A_178 = arith.constant 3 : i32
    %dma_start3A_179 = arith.constant 0 : i32
    %dma_start3A_180 = tpu.memref_slice %arg7[%dma_start3A_177, %dma_start3A_179] : memref<5x40xi32, #tpu.memory_space<vmem>> -> memref<1x40xi32, #tpu.memory_space<vmem>>
    %dma_start3A_181 = tpu.memref_squeeze %dma_start3A_180 : memref<1x40xi32, #tpu.memory_space<vmem>> -> memref<40xi32, #tpu.memory_space<vmem>>
    %dma_start3A_182 = arith.constant 0 : i32
    %dma_start3A_183 = tpu.memref_slice %arg2[%add3A, %dma_start3A_176, %dma_start3A_182] : memref<32x250x40xi32, #tpu.memory_space<hbm>> -> memref<1x1x40xi32, #tpu.memory_space<hbm>>
    %dma_start3A_184 = tpu.memref_squeeze %dma_start3A_183 : memref<1x1x40xi32, #tpu.memory_space<hbm>> -> memref<40xi32, #tpu.memory_space<hbm>>
    %dma_start3A_185 = tpu.memref_slice %arg13[%dma_start3A_178] : memref<5x!tpu.dma_semaphore, #tpu.memory_space<semaphore_mem>> -> memref<1x!tpu.dma_semaphore, #tpu.memory_space<semaphore_mem>>
    %dma_start3A_186 = tpu.memref_squeeze %dma_start3A_185 : memref<1x!tpu.dma_semaphore, #tpu.memory_space<semaphore_mem>> -> memref<!tpu.dma_semaphore, #tpu.memory_space<semaphore_mem>>
    %dma_start3A_187 = arith.constant 0 : i32
    %dma_start3A_188 = tpu.memref_slice %arg7[%dma_start3A_177, %dma_start3A_187] : memref<5x40xi32, #tpu.memory_space<vmem>> -> memref<1x40xi32, #tpu.memory_space<vmem>>
    %dma_start3A_189 = tpu.memref_squeeze %dma_start3A_188 : memref<1x40xi32, #tpu.memory_space<vmem>> -> memref<40xi32, #tpu.memory_space<vmem>>
    %dma_start3A_190 = arith.constant 0 : i32
    %dma_start3A_191 = tpu.memref_slice %arg2[%add3A, %dma_start3A_176, %dma_start3A_190] : memref<32x250x40xi32, #tpu.memory_space<hbm>> -> memref<1x1x40xi32, #tpu.memory_space<hbm>>
    %dma_start3A_192 = tpu.memref_squeeze %dma_start3A_191 : memref<1x1x40xi32, #tpu.memory_space<hbm>> -> memref<40xi32, #tpu.memory_space<hbm>>
    tpu.enqueue_dma source(%dma_start3A_192 : memref<40xi32, #tpu.memory_space<hbm>>) target(%dma_start3A_189 : memref<40xi32, #tpu.memory_space<vmem>>) target_semaphore(%dma_start3A_186 : memref<!tpu.dma_semaphore, #tpu.memory_space<semaphore_mem>>)
    %dma_start3A_193 = arith.constant 3 : i32
    %dma_start3A_194 = arith.constant 3 : i32
    %dma_start3A_195 = arith.constant 3 : i32
    %dma_start3A_196 = arith.constant 0 : i32
    %dma_start3A_197 = tpu.memref_slice %arg8[%dma_start3A_194, %dma_start3A_196] : memref<5x40xf32, #tpu.memory_space<vmem>> -> memref<1x40xf32, #tpu.memory_space<vmem>>
    %dma_start3A_198 = tpu.memref_squeeze %dma_start3A_197 : memref<1x40xf32, #tpu.memory_space<vmem>> -> memref<40xf32, #tpu.memory_space<vmem>>
    %dma_start3A_199 = arith.constant 0 : i32
    %dma_start3A_200 = tpu.memref_slice %arg3[%add3A, %dma_start3A_193, %dma_start3A_199] : memref<32x250x40xf32, #tpu.memory_space<hbm>> -> memref<1x1x40xf32, #tpu.memory_space<hbm>>
    %dma_start3A_201 = tpu.memref_squeeze %dma_start3A_200 : memref<1x1x40xf32, #tpu.memory_space<hbm>> -> memref<40xf32, #tpu.memory_space<hbm>>
    %dma_start3A_202 = tpu.memref_slice %arg13[%dma_start3A_195] : memref<5x!tpu.dma_semaphore, #tpu.memory_space<semaphore_mem>> -> memref<1x!tpu.dma_semaphore, #tpu.memory_space<semaphore_mem>>
    %dma_start3A_203 = tpu.memref_squeeze %dma_start3A_202 : memref<1x!tpu.dma_semaphore, #tpu.memory_space<semaphore_mem>> -> memref<!tpu.dma_semaphore, #tpu.memory_space<semaphore_mem>>
    %dma_start3A_204 = arith.constant 0 : i32
    %dma_start3A_205 = tpu.memref_slice %arg8[%dma_start3A_194, %dma_start3A_204] : memref<5x40xf32, #tpu.memory_space<vmem>> -> memref<1x40xf32, #tpu.memory_space<vmem>>
    %dma_start3A_206 = tpu.memref_squeeze %dma_start3A_205 : memref<1x40xf32, #tpu.memory_space<vmem>> -> memref<40xf32, #tpu.memory_space<vmem>>
    %dma_start3A_207 = arith.constant 0 : i32
    %dma_start3A_208 = tpu.memref_slice %arg3[%add3A, %dma_start3A_193, %dma_start3A_207] : memref<32x250x40xf32, #tpu.memory_space<hbm>> -> memref<1x1x40xf32, #tpu.memory_space<hbm>>
    %dma_start3A_209 = tpu.memref_squeeze %dma_start3A_208 : memref<1x1x40xf32, #tpu.memory_space<hbm>> -> memref<40xf32, #tpu.memory_space<hbm>>
    tpu.enqueue_dma source(%dma_start3A_209 : memref<40xf32, #tpu.memory_space<hbm>>) target(%dma_start3A_206 : memref<40xf32, #tpu.memory_space<vmem>>) target_semaphore(%dma_start3A_203 : memref<!tpu.dma_semaphore, #tpu.memory_space<semaphore_mem>>)
    %add3A_210 = arith.constant 160 : i32
    %add3A_211 = arith.addi %mul3A_2, %add3A_210 : i32
    %dma_start3A_212 = arith.constant 4 : i32
    %dma_start3A_213 = arith.constant 4 : i32
    %dma_start3A_214 = arith.constant 0 : i32
    %dma_start3A_215 = arith.constant 0 : i32
    %dma_start3A_216 = tpu.memref_slice %arg9[%dma_start3A_212, %dma_start3A_214, %dma_start3A_215] : memref<5x40x128xf32, #tpu.memory_space<vmem>> -> memref<1x40x128xf32, #tpu.memory_space<vmem>>
    %dma_start3A_217 = tpu.memref_squeeze %dma_start3A_216 : memref<1x40x128xf32, #tpu.memory_space<vmem>> -> memref<40x128xf32, #tpu.memory_space<vmem>>
    %dma_start3A_218 = arith.constant 0 : i32
    %dma_start3A_219 = tpu.memref_slice %arg4[%add3A_211, %dma_start3A_218] : memref<320000x128xf32, #tpu.memory_space<hbm>> -> memref<40x128xf32, #tpu.memory_space<hbm>>
    %dma_start3A_220 = tpu.memref_slice %arg13[%dma_start3A_213] : memref<5x!tpu.dma_semaphore, #tpu.memory_space<semaphore_mem>> -> memref<1x!tpu.dma_semaphore, #tpu.memory_space<semaphore_mem>>
    %dma_start3A_221 = tpu.memref_squeeze %dma_start3A_220 : memref<1x!tpu.dma_semaphore, #tpu.memory_space<semaphore_mem>> -> memref<!tpu.dma_semaphore, #tpu.memory_space<semaphore_mem>>
    %dma_start3A_222 = arith.constant 0 : i32
    %dma_start3A_223 = arith.constant 0 : i32
    %dma_start3A_224 = tpu.memref_slice %arg9[%dma_start3A_212, %dma_start3A_222, %dma_start3A_223] : memref<5x40x128xf32, #tpu.memory_space<vmem>> -> memref<1x40x128xf32, #tpu.memory_space<vmem>>
    %dma_start3A_225 = tpu.memref_squeeze %dma_start3A_224 : memref<1x40x128xf32, #tpu.memory_space<vmem>> -> memref<40x128xf32, #tpu.memory_space<vmem>>
    %dma_start3A_226 = arith.constant 0 : i32
    %dma_start3A_227 = tpu.memref_slice %arg4[%add3A_211, %dma_start3A_226] : memref<320000x128xf32, #tpu.memory_space<hbm>> -> memref<40x128xf32, #tpu.memory_space<hbm>>
    tpu.enqueue_dma source(%dma_start3A_227 : memref<40x128xf32, #tpu.memory_space<hbm>>) target(%dma_start3A_225 : memref<40x128xf32, #tpu.memory_space<vmem>>) target_semaphore(%dma_start3A_221 : memref<!tpu.dma_semaphore, #tpu.memory_space<semaphore_mem>>)
    %dma_start3A_228 = arith.constant 4 : i32
    %dma_start3A_229 = arith.constant 4 : i32
    %dma_start3A_230 = arith.constant 4 : i32
    %dma_start3A_231 = arith.constant 0 : i32
    %dma_start3A_232 = tpu.memref_slice %arg7[%dma_start3A_229, %dma_start3A_231] : memref<5x40xi32, #tpu.memory_space<vmem>> -> memref<1x40xi32, #tpu.memory_space<vmem>>
    %dma_start3A_233 = tpu.memref_squeeze %dma_start3A_232 : memref<1x40xi32, #tpu.memory_space<vmem>> -> memref<40xi32, #tpu.memory_space<vmem>>
    %dma_start3A_234 = arith.constant 0 : i32
    %dma_start3A_235 = tpu.memref_slice %arg2[%add3A, %dma_start3A_228, %dma_start3A_234] : memref<32x250x40xi32, #tpu.memory_space<hbm>> -> memref<1x1x40xi32, #tpu.memory_space<hbm>>
    %dma_start3A_236 = tpu.memref_squeeze %dma_start3A_235 : memref<1x1x40xi32, #tpu.memory_space<hbm>> -> memref<40xi32, #tpu.memory_space<hbm>>
    %dma_start3A_237 = tpu.memref_slice %arg13[%dma_start3A_230] : memref<5x!tpu.dma_semaphore, #tpu.memory_space<semaphore_mem>> -> memref<1x!tpu.dma_semaphore, #tpu.memory_space<semaphore_mem>>
    %dma_start3A_238 = tpu.memref_squeeze %dma_start3A_237 : memref<1x!tpu.dma_semaphore, #tpu.memory_space<semaphore_mem>> -> memref<!tpu.dma_semaphore, #tpu.memory_space<semaphore_mem>>
    %dma_start3A_239 = arith.constant 0 : i32
    %dma_start3A_240 = tpu.memref_slice %arg7[%dma_start3A_229, %dma_start3A_239] : memref<5x40xi32, #tpu.memory_space<vmem>> -> memref<1x40xi32, #tpu.memory_space<vmem>>
    %dma_start3A_241 = tpu.memref_squeeze %dma_start3A_240 : memref<1x40xi32, #tpu.memory_space<vmem>> -> memref<40xi32, #tpu.memory_space<vmem>>
    %dma_start3A_242 = arith.constant 0 : i32
    %dma_start3A_243 = tpu.memref_slice %arg2[%add3A, %dma_start3A_228, %dma_start3A_242] : memref<32x250x40xi32, #tpu.memory_space<hbm>> -> memref<1x1x40xi32, #tpu.memory_space<hbm>>
    %dma_start3A_244 = tpu.memref_squeeze %dma_start3A_243 : memref<1x1x40xi32, #tpu.memory_space<hbm>> -> memref<40xi32, #tpu.memory_space<hbm>>
    tpu.enqueue_dma source(%dma_start3A_244 : memref<40xi32, #tpu.memory_space<hbm>>) target(%dma_start3A_241 : memref<40xi32, #tpu.memory_space<vmem>>) target_semaphore(%dma_start3A_238 : memref<!tpu.dma_semaphore, #tpu.memory_space<semaphore_mem>>)
    %dma_start3A_245 = arith.constant 4 : i32
    %dma_start3A_246 = arith.constant 4 : i32
    %dma_start3A_247 = arith.constant 4 : i32
    %dma_start3A_248 = arith.constant 0 : i32
    %dma_start3A_249 = tpu.memref_slice %arg8[%dma_start3A_246, %dma_start3A_248] : memref<5x40xf32, #tpu.memory_space<vmem>> -> memref<1x40xf32, #tpu.memory_space<vmem>>
    %dma_start3A_250 = tpu.memref_squeeze %dma_start3A_249 : memref<1x40xf32, #tpu.memory_space<vmem>> -> memref<40xf32, #tpu.memory_space<vmem>>
    %dma_start3A_251 = arith.constant 0 : i32
    %dma_start3A_252 = tpu.memref_slice %arg3[%add3A, %dma_start3A_245, %dma_start3A_251] : memref<32x250x40xf32, #tpu.memory_space<hbm>> -> memref<1x1x40xf32, #tpu.memory_space<hbm>>
    %dma_start3A_253 = tpu.memref_squeeze %dma_start3A_252 : memref<1x1x40xf32, #tpu.memory_space<hbm>> -> memref<40xf32, #tpu.memory_space<hbm>>
    %dma_start3A_254 = tpu.memref_slice %arg13[%dma_start3A_247] : memref<5x!tpu.dma_semaphore, #tpu.memory_space<semaphore_mem>> -> memref<1x!tpu.dma_semaphore, #tpu.memory_space<semaphore_mem>>
    %dma_start3A_255 = tpu.memref_squeeze %dma_start3A_254 : memref<1x!tpu.dma_semaphore, #tpu.memory_space<semaphore_mem>> -> memref<!tpu.dma_semaphore, #tpu.memory_space<semaphore_mem>>
    %dma_start3A_256 = arith.constant 0 : i32
    %dma_start3A_257 = tpu.memref_slice %arg8[%dma_start3A_246, %dma_start3A_256] : memref<5x40xf32, #tpu.memory_space<vmem>> -> memref<1x40xf32, #tpu.memory_space<vmem>>
    %dma_start3A_258 = tpu.memref_squeeze %dma_start3A_257 : memref<1x40xf32, #tpu.memory_space<vmem>> -> memref<40xf32, #tpu.memory_space<vmem>>
    %dma_start3A_259 = arith.constant 0 : i32
    %dma_start3A_260 = tpu.memref_slice %arg3[%add3A, %dma_start3A_245, %dma_start3A_259] : memref<32x250x40xf32, #tpu.memory_space<hbm>> -> memref<1x1x40xf32, #tpu.memory_space<hbm>>
    %dma_start3A_261 = tpu.memref_squeeze %dma_start3A_260 : memref<1x1x40xf32, #tpu.memory_space<hbm>> -> memref<40xf32, #tpu.memory_space<hbm>>
    tpu.enqueue_dma source(%dma_start3A_261 : memref<40xf32, #tpu.memory_space<hbm>>) target(%dma_start3A_258 : memref<40xf32, #tpu.memory_space<vmem>>) target_semaphore(%dma_start3A_255 : memref<!tpu.dma_semaphore, #tpu.memory_space<semaphore_mem>>)
    %scan3A = arith.constant 0 : i32
    %scan3A_262 = arith.constant 0 : i32
    %scan3A_263 = arith.constant 48 : i32
    %scan3A_264 = arith.addi %scan3A_262, %scan3A_263 : i32
    %scan3A_265 = arith.constant 1 : i32
    %scan3A_266 = scf.for %scan3A_365 = %scan3A_262 to %scan3A_264 step %scan3A_265 iter_args(%scan3A_366 = %scan3A) -> (i32)  : i32 {
      %broadcast_in_dim3A = arith.constant 0.000000e+00 : f32
      %broadcast_in_dim3A_367 = vector.broadcast %broadcast_in_dim3A : f32 to vector<16xf32>
      %swap3A = arith.index_cast %scan3A_365 : i32 to index
      %swap3A_368 = arith.constant 0 : index
      %swap3A_369 = tpu.vector_load %arg11[%swap3A, %swap3A_368] {strides = array<i32>} : memref<48x128xf32, #tpu.memory_space<vmem>>, vector<16xf32>,
      tpu.vector_store %arg11[%swap3A, %swap3A_368], %broadcast_in_dim3A_367 {strides = array<i32>} : memref<48x128xf32, #tpu.memory_space<vmem>>, vector<16xf32>,
      %broadcast_in_dim3A_370 = arith.constant 0.000000e+00 : f32
      %broadcast_in_dim3A_371 = vector.broadcast %broadcast_in_dim3A_370 : f32 to vector<16xf32>
      %swap3A_372 = arith.index_cast %scan3A_365 : i32 to index
      %swap3A_373 = arith.constant 16 : index
      %swap3A_374 = tpu.vector_load %arg11[%swap3A_372, %swap3A_373] {strides = array<i32>} : memref<48x128xf32, #tpu.memory_space<vmem>>, vector<16xf32>,
      tpu.vector_store %arg11[%swap3A_372, %swap3A_373], %broadcast_in_dim3A_371 {strides = array<i32>} : memref<48x128xf32, #tpu.memory_space<vmem>>, vector<16xf32>,
      %broadcast_in_dim3A_375 = arith.constant 0.000000e+00 : f32
      %broadcast_in_dim3A_376 = vector.broadcast %broadcast_in_dim3A_375 : f32 to vector<16xf32>
      %swap3A_377 = arith.index_cast %scan3A_365 : i32 to index
      %swap3A_378 = arith.constant 32 : index
      %swap3A_379 = tpu.vector_load %arg11[%swap3A_377, %swap3A_378] {strides = array<i32>} : memref<48x128xf32, #tpu.memory_space<vmem>>, vector<16xf32>,
      tpu.vector_store %arg11[%swap3A_377, %swap3A_378], %broadcast_in_dim3A_376 {strides = array<i32>} : memref<48x128xf32, #tpu.memory_space<vmem>>, vector<16xf32>,
      %broadcast_in_dim3A_380 = arith.constant 0.000000e+00 : f32
      %broadcast_in_dim3A_381 = vector.broadcast %broadcast_in_dim3A_380 : f32 to vector<16xf32>
      %swap3A_382 = arith.index_cast %scan3A_365 : i32 to index
      %swap3A_383 = arith.constant 48 : index
      %swap3A_384 = tpu.vector_load %arg11[%swap3A_382, %swap3A_383] {strides = array<i32>} : memref<48x128xf32, #tpu.memory_space<vmem>>, vector<16xf32>,
      tpu.vector_store %arg11[%swap3A_382, %swap3A_383], %broadcast_in_dim3A_381 {strides = array<i32>} : memref<48x128xf32, #tpu.memory_space<vmem>>, vector<16xf32>,
      %broadcast_in_dim3A_385 = arith.constant 0.000000e+00 : f32
      %broadcast_in_dim3A_386 = vector.broadcast %broadcast_in_dim3A_385 : f32 to vector<16xf32>
      %swap3A_387 = arith.index_cast %scan3A_365 : i32 to index
      %swap3A_388 = arith.constant 64 : index
      %swap3A_389 = tpu.vector_load %arg11[%swap3A_387, %swap3A_388] {strides = array<i32>} : memref<48x128xf32, #tpu.memory_space<vmem>>, vector<16xf32>,
      tpu.vector_store %arg11[%swap3A_387, %swap3A_388], %broadcast_in_dim3A_386 {strides = array<i32>} : memref<48x128xf32, #tpu.memory_space<vmem>>, vector<16xf32>,
      %broadcast_in_dim3A_390 = arith.constant 0.000000e+00 : f32
      %broadcast_in_dim3A_391 = vector.broadcast %broadcast_in_dim3A_390 : f32 to vector<16xf32>
      %swap3A_392 = arith.index_cast %scan3A_365 : i32 to index
      %swap3A_393 = arith.constant 80 : index
      %swap3A_394 = tpu.vector_load %arg11[%swap3A_392, %swap3A_393] {strides = array<i32>} : memref<48x128xf32, #tpu.memory_space<vmem>>, vector<16xf32>,
      tpu.vector_store %arg11[%swap3A_392, %swap3A_393], %broadcast_in_dim3A_391 {strides = array<i32>} : memref<48x128xf32, #tpu.memory_space<vmem>>, vector<16xf32>,
      %broadcast_in_dim3A_395 = arith.constant 0.000000e+00 : f32
      %broadcast_in_dim3A_396 = vector.broadcast %broadcast_in_dim3A_395 : f32 to vector<16xf32>
      %swap3A_397 = arith.index_cast %scan3A_365 : i32 to index
      %swap3A_398 = arith.constant 96 : index
      %swap3A_399 = tpu.vector_load %arg11[%swap3A_397, %swap3A_398] {strides = array<i32>} : memref<48x128xf32, #tpu.memory_space<vmem>>, vector<16xf32>,
      tpu.vector_store %arg11[%swap3A_397, %swap3A_398], %broadcast_in_dim3A_396 {strides = array<i32>} : memref<48x128xf32, #tpu.memory_space<vmem>>, vector<16xf32>,
      %broadcast_in_dim3A_400 = arith.constant 0.000000e+00 : f32
      %broadcast_in_dim3A_401 = vector.broadcast %broadcast_in_dim3A_400 : f32 to vector<16xf32>
      %swap3A_402 = arith.index_cast %scan3A_365 : i32 to index
      %swap3A_403 = arith.constant 112 : index
      %swap3A_404 = tpu.vector_load %arg11[%swap3A_402, %swap3A_403] {strides = array<i32>} : memref<48x128xf32, #tpu.memory_space<vmem>>, vector<16xf32>,
      tpu.vector_store %arg11[%swap3A_402, %swap3A_403], %broadcast_in_dim3A_401 {strides = array<i32>} : memref<48x128xf32, #tpu.memory_space<vmem>>, vector<16xf32>,
      %scan3A_405 = arith.constant 0 : i32
      scf.yield %scan3A_405 : i32
    }
    %scan3A_267 = arith.constant 48 : i32
    %scan3A_268 = arith.constant 0 : i32
    %scan3A_269 = arith.constant 0 : i32
    %scan3A_270 = arith.constant 80 : i32
    %scan3A_271 = arith.addi %scan3A_269, %scan3A_270 : i32
    %scan3A_272 = arith.constant 1 : i32
    %scan3A_273 = scf.for %scan3A_365 = %scan3A_269 to %scan3A_271 step %scan3A_272 iter_args(%scan3A_366 = %scan3A_268) -> (i32)  : i32 {
      %broadcast_in_dim3A = arith.constant 0.000000e+00 : f32
      %broadcast_in_dim3A_367 = vector.broadcast %broadcast_in_dim3A : f32 to vector<16xf32>
      %swap3A = arith.index_cast %scan3A_365 : i32 to index
      %swap3A_368 = arith.constant 0 : index
      %swap3A_369 = tpu.vector_load %arg10[%swap3A, %swap3A_368] {strides = array<i32>} : memref<80x128xf32, #tpu.memory_space<vmem>>, vector<16xf32>,
      tpu.vector_store %arg10[%swap3A, %swap3A_368], %broadcast_in_dim3A_367 {strides = array<i32>} : memref<80x128xf32, #tpu.memory_space<vmem>>, vector<16xf32>,
      %broadcast_in_dim3A_370 = arith.constant 0.000000e+00 : f32
      %broadcast_in_dim3A_371 = vector.broadcast %broadcast_in_dim3A_370 : f32 to vector<16xf32>
      %swap3A_372 = arith.index_cast %scan3A_365 : i32 to index
      %swap3A_373 = arith.constant 16 : index
      %swap3A_374 = tpu.vector_load %arg10[%swap3A_372, %swap3A_373] {strides = array<i32>} : memref<80x128xf32, #tpu.memory_space<vmem>>, vector<16xf32>,
      tpu.vector_store %arg10[%swap3A_372, %swap3A_373], %broadcast_in_dim3A_371 {strides = array<i32>} : memref<80x128xf32, #tpu.memory_space<vmem>>, vector<16xf32>,
      %broadcast_in_dim3A_375 = arith.constant 0.000000e+00 : f32
      %broadcast_in_dim3A_376 = vector.broadcast %broadcast_in_dim3A_375 : f32 to vector<16xf32>
      %swap3A_377 = arith.index_cast %scan3A_365 : i32 to index
      %swap3A_378 = arith.constant 32 : index
      %swap3A_379 = tpu.vector_load %arg10[%swap3A_377, %swap3A_378] {strides = array<i32>} : memref<80x128xf32, #tpu.memory_space<vmem>>, vector<16xf32>,
      tpu.vector_store %arg10[%swap3A_377, %swap3A_378], %broadcast_in_dim3A_376 {strides = array<i32>} : memref<80x128xf32, #tpu.memory_space<vmem>>, vector<16xf32>,
      %broadcast_in_dim3A_380 = arith.constant 0.000000e+00 : f32
      %broadcast_in_dim3A_381 = vector.broadcast %broadcast_in_dim3A_380 : f32 to vector<16xf32>
      %swap3A_382 = arith.index_cast %scan3A_365 : i32 to index
      %swap3A_383 = arith.constant 48 : index
      %swap3A_384 = tpu.vector_load %arg10[%swap3A_382, %swap3A_383] {strides = array<i32>} : memref<80x128xf32, #tpu.memory_space<vmem>>, vector<16xf32>,
      tpu.vector_store %arg10[%swap3A_382, %swap3A_383], %broadcast_in_dim3A_381 {strides = array<i32>} : memref<80x128xf32, #tpu.memory_space<vmem>>, vector<16xf32>,
      %broadcast_in_dim3A_385 = arith.constant 0.000000e+00 : f32
      %broadcast_in_dim3A_386 = vector.broadcast %broadcast_in_dim3A_385 : f32 to vector<16xf32>
      %swap3A_387 = arith.index_cast %scan3A_365 : i32 to index
      %swap3A_388 = arith.constant 64 : index
      %swap3A_389 = tpu.vector_load %arg10[%swap3A_387, %swap3A_388] {strides = array<i32>} : memref<80x128xf32, #tpu.memory_space<vmem>>, vector<16xf32>,
      tpu.vector_store %arg10[%swap3A_387, %swap3A_388], %broadcast_in_dim3A_386 {strides = array<i32>} : memref<80x128xf32, #tpu.memory_space<vmem>>, vector<16xf32>,
      %broadcast_in_dim3A_390 = arith.constant 0.000000e+00 : f32
      %broadcast_in_dim3A_391 = vector.broadcast %broadcast_in_dim3A_390 : f32 to vector<16xf32>
      %swap3A_392 = arith.index_cast %scan3A_365 : i32 to index
      %swap3A_393 = arith.constant 80 : index
      %swap3A_394 = tpu.vector_load %arg10[%swap3A_392, %swap3A_393] {strides = array<i32>} : memref<80x128xf32, #tpu.memory_space<vmem>>, vector<16xf32>,
      tpu.vector_store %arg10[%swap3A_392, %swap3A_393], %broadcast_in_dim3A_391 {strides = array<i32>} : memref<80x128xf32, #tpu.memory_space<vmem>>, vector<16xf32>,
      %broadcast_in_dim3A_395 = arith.constant 0.000000e+00 : f32
      %broadcast_in_dim3A_396 = vector.broadcast %broadcast_in_dim3A_395 : f32 to vector<16xf32>
      %swap3A_397 = arith.index_cast %scan3A_365 : i32 to index
      %swap3A_398 = arith.constant 96 : index
      %swap3A_399 = tpu.vector_load %arg10[%swap3A_397, %swap3A_398] {strides = array<i32>} : memref<80x128xf32, #tpu.memory_space<vmem>>, vector<16xf32>,
      tpu.vector_store %arg10[%swap3A_397, %swap3A_398], %broadcast_in_dim3A_396 {strides = array<i32>} : memref<80x128xf32, #tpu.memory_space<vmem>>, vector<16xf32>,
      %broadcast_in_dim3A_400 = arith.constant 0.000000e+00 : f32
      %broadcast_in_dim3A_401 = vector.broadcast %broadcast_in_dim3A_400 : f32 to vector<16xf32>
      %swap3A_402 = arith.index_cast %scan3A_365 : i32 to index
      %swap3A_403 = arith.constant 112 : index
      %swap3A_404 = tpu.vector_load %arg10[%swap3A_402, %swap3A_403] {strides = array<i32>} : memref<80x128xf32, #tpu.memory_space<vmem>>, vector<16xf32>,
      tpu.vector_store %arg10[%swap3A_402, %swap3A_403], %broadcast_in_dim3A_401 {strides = array<i32>} : memref<80x128xf32, #tpu.memory_space<vmem>>, vector<16xf32>,
      %scan3A_405 = arith.constant 0 : i32
      scf.yield %scan3A_405 : i32
    }
    %scan3A_274 = arith.constant 80 : i32
    %mul3A_275 = arith.constant 624 : i32
    %mul3A_276 = arith.muli %arg1, %mul3A_275 : i32
    %add3A_277 = arith.constant 0 : i32
    %add3A_278 = arith.addi %mul3A_276, %add3A_277 : i32
    "tpu.region"() ({
      %run_scoped3A = tpu.sem_alloc : memref<!tpu.dma_semaphore, #tpu.memory_space<semaphore_mem>>
      %dma_start3A_365 = arith.constant 0 : i32
      %dma_start3A_366 = tpu.memref_slice %arg12[%add3A_278, %dma_start3A_365] : memref<10000x128xf32, #tpu.memory_space<vmem_shared>> -> memref<48x128xf32, #tpu.memory_space<vmem_shared>>
      %dma_start3A_367 = arith.constant 0 : i32
      %dma_start3A_368 = tpu.memref_slice %arg12[%add3A_278, %dma_start3A_367] : memref<10000x128xf32, #tpu.memory_space<vmem_shared>> -> memref<48x128xf32, #tpu.memory_space<vmem_shared>>
      tpu.enqueue_dma source(%arg11 : memref<48x128xf32, #tpu.memory_space<vmem>>) target(%dma_start3A_368 : memref<48x128xf32, #tpu.memory_space<vmem_shared>>) target_semaphore(%run_scoped3A : memref<!tpu.dma_semaphore, #tpu.memory_space<semaphore_mem>>)
      %dma_wait3A_369 = arith.constant 0 : i32
      %dma_wait3A_370 = tpu.memref_slice %arg12[%add3A_278, %dma_wait3A_369] : memref<10000x128xf32, #tpu.memory_space<vmem_shared>> -> memref<48x128xf32, #tpu.memory_space<vmem_shared>>
      %dma_wait3A_371 = arith.constant 0 : i32
      %dma_wait3A_372 = tpu.memref_slice %arg12[%add3A_278, %dma_wait3A_371] : memref<10000x128xf32, #tpu.memory_space<vmem_shared>> -> memref<48x128xf32, #tpu.memory_space<vmem_shared>>
      tpu.wait_dma2 semaphore(%run_scoped3A : memref<!tpu.dma_semaphore, #tpu.memory_space<semaphore_mem>>) src(%arg11 : memref<48x128xf32, #tpu.memory_space<vmem>>) dst(%dma_wait3A_372 : memref<48x128xf32, #tpu.memory_space<vmem_shared>>)
      tpu.yield
    }) : () -> ()
    %add3A_279 = arith.constant 48 : i32
    %add3A_280 = arith.addi %mul3A_276, %add3A_279 : i32
    "tpu.region"() ({
      %run_scoped3A = tpu.sem_alloc : memref<!tpu.dma_semaphore, #tpu.memory_space<semaphore_mem>>
      %dma_start3A_365 = arith.constant 0 : i32
      %dma_start3A_366 = tpu.memref_slice %arg12[%add3A_280, %dma_start3A_365] : memref<10000x128xf32, #tpu.memory_space<vmem_shared>> -> memref<48x128xf32, #tpu.memory_space<vmem_shared>>
      %dma_start3A_367 = arith.constant 0 : i32
      %dma_start3A_368 = tpu.memref_slice %arg12[%add3A_280, %dma_start3A_367] : memref<10000x128xf32, #tpu.memory_space<vmem_shared>> -> memref<48x128xf32, #tpu.memory_space<vmem_shared>>
      tpu.enqueue_dma source(%arg11 : memref<48x128xf32, #tpu.memory_space<vmem>>) target(%dma_start3A_368 : memref<48x128xf32, #tpu.memory_space<vmem_shared>>) target_semaphore(%run_scoped3A : memref<!tpu.dma_semaphore, #tpu.memory_space<semaphore_mem>>)
      %dma_wait3A_369 = arith.constant 0 : i32
      %dma_wait3A_370 = tpu.memref_slice %arg12[%add3A_280, %dma_wait3A_369] : memref<10000x128xf32, #tpu.memory_space<vmem_shared>> -> memref<48x128xf32, #tpu.memory_space<vmem_shared>>
      %dma_wait3A_371 = arith.constant 0 : i32
      %dma_wait3A_372 = tpu.memref_slice %arg12[%add3A_280, %dma_wait3A_371] : memref<10000x128xf32, #tpu.memory_space<vmem_shared>> -> memref<48x128xf32, #tpu.memory_space<vmem_shared>>
      tpu.wait_dma2 semaphore(%run_scoped3A : memref<!tpu.dma_semaphore, #tpu.memory_space<semaphore_mem>>) src(%arg11 : memref<48x128xf32, #tpu.memory_space<vmem>>) dst(%dma_wait3A_372 : memref<48x128xf32, #tpu.memory_space<vmem_shared>>)
      tpu.yield
    }) : () -> ()
    %add3A_281 = arith.constant 96 : i32
    %add3A_282 = arith.addi %mul3A_276, %add3A_281 : i32
    "tpu.region"() ({
      %run_scoped3A = tpu.sem_alloc : memref<!tpu.dma_semaphore, #tpu.memory_space<semaphore_mem>>
      %dma_start3A_365 = arith.constant 0 : i32
      %dma_start3A_366 = tpu.memref_slice %arg12[%add3A_282, %dma_start3A_365] : memref<10000x128xf32, #tpu.memory_space<vmem_shared>> -> memref<48x128xf32, #tpu.memory_space<vmem_shared>>
      %dma_start3A_367 = arith.constant 0 : i32
      %dma_start3A_368 = tpu.memref_slice %arg12[%add3A_282, %dma_start3A_367] : memref<10000x128xf32, #tpu.memory_space<vmem_shared>> -> memref<48x128xf32, #tpu.memory_space<vmem_shared>>
      tpu.enqueue_dma source(%arg11 : memref<48x128xf32, #tpu.memory_space<vmem>>) target(%dma_start3A_368 : memref<48x128xf32, #tpu.memory_space<vmem_shared>>) target_semaphore(%run_scoped3A : memref<!tpu.dma_semaphore, #tpu.memory_space<semaphore_mem>>)
      %dma_wait3A_369 = arith.constant 0 : i32
      %dma_wait3A_370 = tpu.memref_slice %arg12[%add3A_282, %dma_wait3A_369] : memref<10000x128xf32, #tpu.memory_space<vmem_shared>> -> memref<48x128xf32, #tpu.memory_space<vmem_shared>>
      %dma_wait3A_371 = arith.constant 0 : i32
      %dma_wait3A_372 = tpu.memref_slice %arg12[%add3A_282, %dma_wait3A_371] : memref<10000x128xf32, #tpu.memory_space<vmem_shared>> -> memref<48x128xf32, #tpu.memory_space<vmem_shared>>
      tpu.wait_dma2 semaphore(%run_scoped3A : memref<!tpu.dma_semaphore, #tpu.memory_space<semaphore_mem>>) src(%arg11 : memref<48x128xf32, #tpu.memory_space<vmem>>) dst(%dma_wait3A_372 : memref<48x128xf32, #tpu.memory_space<vmem_shared>>)
      tpu.yield
    }) : () -> ()
    %add3A_283 = arith.constant 144 : i32
    %add3A_284 = arith.addi %mul3A_276, %add3A_283 : i32
    "tpu.region"() ({
      %run_scoped3A = tpu.sem_alloc : memref<!tpu.dma_semaphore, #tpu.memory_space<semaphore_mem>>
      %dma_start3A_365 = arith.constant 0 : i32
      %dma_start3A_366 = tpu.memref_slice %arg12[%add3A_284, %dma_start3A_365] : memref<10000x128xf32, #tpu.memory_space<vmem_shared>> -> memref<48x128xf32, #tpu.memory_space<vmem_shared>>
      %dma_start3A_367 = arith.constant 0 : i32
      %dma_start3A_368 = tpu.memref_slice %arg12[%add3A_284, %dma_start3A_367] : memref<10000x128xf32, #tpu.memory_space<vmem_shared>> -> memref<48x128xf32, #tpu.memory_space<vmem_shared>>
      tpu.enqueue_dma source(%arg11 : memref<48x128xf32, #tpu.memory_space<vmem>>) target(%dma_start3A_368 : memref<48x128xf32, #tpu.memory_space<vmem_shared>>) target_semaphore(%run_scoped3A : memref<!tpu.dma_semaphore, #tpu.memory_space<semaphore_mem>>)
      %dma_wait3A_369 = arith.constant 0 : i32
      %dma_wait3A_370 = tpu.memref_slice %arg12[%add3A_284, %dma_wait3A_369] : memref<10000x128xf32, #tpu.memory_space<vmem_shared>> -> memref<48x128xf32, #tpu.memory_space<vmem_shared>>
      %dma_wait3A_371 = arith.constant 0 : i32
      %dma_wait3A_372 = tpu.memref_slice %arg12[%add3A_284, %dma_wait3A_371] : memref<10000x128xf32, #tpu.memory_space<vmem_shared>> -> memref<48x128xf32, #tpu.memory_space<vmem_shared>>
      tpu.wait_dma2 semaphore(%run_scoped3A : memref<!tpu.dma_semaphore, #tpu.memory_space<semaphore_mem>>) src(%arg11 : memref<48x128xf32, #tpu.memory_space<vmem>>) dst(%dma_wait3A_372 : memref<48x128xf32, #tpu.memory_space<vmem_shared>>)
      tpu.yield
    }) : () -> ()
    %add3A_285 = arith.constant 192 : i32
    %add3A_286 = arith.addi %mul3A_276, %add3A_285 : i32
    "tpu.region"() ({
      %run_scoped3A = tpu.sem_alloc : memref<!tpu.dma_semaphore, #tpu.memory_space<semaphore_mem>>
      %dma_start3A_365 = arith.constant 0 : i32
      %dma_start3A_366 = tpu.memref_slice %arg12[%add3A_286, %dma_start3A_365] : memref<10000x128xf32, #tpu.memory_space<vmem_shared>> -> memref<48x128xf32, #tpu.memory_space<vmem_shared>>
      %dma_start3A_367 = arith.constant 0 : i32
      %dma_start3A_368 = tpu.memref_slice %arg12[%add3A_286, %dma_start3A_367] : memref<10000x128xf32, #tpu.memory_space<vmem_shared>> -> memref<48x128xf32, #tpu.memory_space<vmem_shared>>
      tpu.enqueue_dma source(%arg11 : memref<48x128xf32, #tpu.memory_space<vmem>>) target(%dma_start3A_368 : memref<48x128xf32, #tpu.memory_space<vmem_shared>>) target_semaphore(%run_scoped3A : memref<!tpu.dma_semaphore, #tpu.memory_space<semaphore_mem>>)
      %dma_wait3A_369 = arith.constant 0 : i32
      %dma_wait3A_370 = tpu.memref_slice %arg12[%add3A_286, %dma_wait3A_369] : memref<10000x128xf32, #tpu.memory_space<vmem_shared>> -> memref<48x128xf32, #tpu.memory_space<vmem_shared>>
      %dma_wait3A_371 = arith.constant 0 : i32
      %dma_wait3A_372 = tpu.memref_slice %arg12[%add3A_286, %dma_wait3A_371] : memref<10000x128xf32, #tpu.memory_space<vmem_shared>> -> memref<48x128xf32, #tpu.memory_space<vmem_shared>>
      tpu.wait_dma2 semaphore(%run_scoped3A : memref<!tpu.dma_semaphore, #tpu.memory_space<semaphore_mem>>) src(%arg11 : memref<48x128xf32, #tpu.memory_space<vmem>>) dst(%dma_wait3A_372 : memref<48x128xf32, #tpu.memory_space<vmem_shared>>)
      tpu.yield
    }) : () -> ()
    %add3A_287 = arith.constant 240 : i32
    %add3A_288 = arith.addi %mul3A_276, %add3A_287 : i32
    "tpu.region"() ({
      %run_scoped3A = tpu.sem_alloc : memref<!tpu.dma_semaphore, #tpu.memory_space<semaphore_mem>>
      %dma_start3A_365 = arith.constant 0 : i32
      %dma_start3A_366 = tpu.memref_slice %arg12[%add3A_288, %dma_start3A_365] : memref<10000x128xf32, #tpu.memory_space<vmem_shared>> -> memref<48x128xf32, #tpu.memory_space<vmem_shared>>
      %dma_start3A_367 = arith.constant 0 : i32
      %dma_start3A_368 = tpu.memref_slice %arg12[%add3A_288, %dma_start3A_367] : memref<10000x128xf32, #tpu.memory_space<vmem_shared>> -> memref<48x128xf32, #tpu.memory_space<vmem_shared>>
      tpu.enqueue_dma source(%arg11 : memref<48x128xf32, #tpu.memory_space<vmem>>) target(%dma_start3A_368 : memref<48x128xf32, #tpu.memory_space<vmem_shared>>) target_semaphore(%run_scoped3A : memref<!tpu.dma_semaphore, #tpu.memory_space<semaphore_mem>>)
      %dma_wait3A_369 = arith.constant 0 : i32
      %dma_wait3A_370 = tpu.memref_slice %arg12[%add3A_288, %dma_wait3A_369] : memref<10000x128xf32, #tpu.memory_space<vmem_shared>> -> memref<48x128xf32, #tpu.memory_space<vmem_shared>>
      %dma_wait3A_371 = arith.constant 0 : i32
      %dma_wait3A_372 = tpu.memref_slice %arg12[%add3A_288, %dma_wait3A_371] : memref<10000x128xf32, #tpu.memory_space<vmem_shared>> -> memref<48x128xf32, #tpu.memory_space<vmem_shared>>
      tpu.wait_dma2 semaphore(%run_scoped3A : memref<!tpu.dma_semaphore, #tpu.memory_space<semaphore_mem>>) src(%arg11 : memref<48x128xf32, #tpu.memory_space<vmem>>) dst(%dma_wait3A_372 : memref<48x128xf32, #tpu.memory_space<vmem_shared>>)
      tpu.yield
    }) : () -> ()
    %add3A_289 = arith.constant 288 : i32
    %add3A_290 = arith.addi %mul3A_276, %add3A_289 : i32
    "tpu.region"() ({
      %run_scoped3A = tpu.sem_alloc : memref<!tpu.dma_semaphore, #tpu.memory_space<semaphore_mem>>
      %dma_start3A_365 = arith.constant 0 : i32
      %dma_start3A_366 = tpu.memref_slice %arg12[%add3A_290, %dma_start3A_365] : memref<10000x128xf32, #tpu.memory_space<vmem_shared>> -> memref<48x128xf32, #tpu.memory_space<vmem_shared>>
      %dma_start3A_367 = arith.constant 0 : i32
      %dma_start3A_368 = tpu.memref_slice %arg12[%add3A_290, %dma_start3A_367] : memref<10000x128xf32, #tpu.memory_space<vmem_shared>> -> memref<48x128xf32, #tpu.memory_space<vmem_shared>>
      tpu.enqueue_dma source(%arg11 : memref<48x128xf32, #tpu.memory_space<vmem>>) target(%dma_start3A_368 : memref<48x128xf32, #tpu.memory_space<vmem_shared>>) target_semaphore(%run_scoped3A : memref<!tpu.dma_semaphore, #tpu.memory_space<semaphore_mem>>)
      %dma_wait3A_369 = arith.constant 0 : i32
      %dma_wait3A_370 = tpu.memref_slice %arg12[%add3A_290, %dma_wait3A_369] : memref<10000x128xf32, #tpu.memory_space<vmem_shared>> -> memref<48x128xf32, #tpu.memory_space<vmem_shared>>
      %dma_wait3A_371 = arith.constant 0 : i32
      %dma_wait3A_372 = tpu.memref_slice %arg12[%add3A_290, %dma_wait3A_371] : memref<10000x128xf32, #tpu.memory_space<vmem_shared>> -> memref<48x128xf32, #tpu.memory_space<vmem_shared>>
      tpu.wait_dma2 semaphore(%run_scoped3A : memref<!tpu.dma_semaphore, #tpu.memory_space<semaphore_mem>>) src(%arg11 : memref<48x128xf32, #tpu.memory_space<vmem>>) dst(%dma_wait3A_372 : memref<48x128xf32, #tpu.memory_space<vmem_shared>>)
      tpu.yield
    }) : () -> ()
    %add3A_291 = arith.constant 336 : i32
    %add3A_292 = arith.addi %mul3A_276, %add3A_291 : i32
    "tpu.region"() ({
      %run_scoped3A = tpu.sem_alloc : memref<!tpu.dma_semaphore, #tpu.memory_space<semaphore_mem>>
      %dma_start3A_365 = arith.constant 0 : i32
      %dma_start3A_366 = tpu.memref_slice %arg12[%add3A_292, %dma_start3A_365] : memref<10000x128xf32, #tpu.memory_space<vmem_shared>> -> memref<48x128xf32, #tpu.memory_space<vmem_shared>>
      %dma_start3A_367 = arith.constant 0 : i32
      %dma_start3A_368 = tpu.memref_slice %arg12[%add3A_292, %dma_start3A_367] : memref<10000x128xf32, #tpu.memory_space<vmem_shared>> -> memref<48x128xf32, #tpu.memory_space<vmem_shared>>
      tpu.enqueue_dma source(%arg11 : memref<48x128xf32, #tpu.memory_space<vmem>>) target(%dma_start3A_368 : memref<48x128xf32, #tpu.memory_space<vmem_shared>>) target_semaphore(%run_scoped3A : memref<!tpu.dma_semaphore, #tpu.memory_space<semaphore_mem>>)
      %dma_wait3A_369 = arith.constant 0 : i32
      %dma_wait3A_370 = tpu.memref_slice %arg12[%add3A_292, %dma_wait3A_369] : memref<10000x128xf32, #tpu.memory_space<vmem_shared>> -> memref<48x128xf32, #tpu.memory_space<vmem_shared>>
      %dma_wait3A_371 = arith.constant 0 : i32
      %dma_wait3A_372 = tpu.memref_slice %arg12[%add3A_292, %dma_wait3A_371] : memref<10000x128xf32, #tpu.memory_space<vmem_shared>> -> memref<48x128xf32, #tpu.memory_space<vmem_shared>>
      tpu.wait_dma2 semaphore(%run_scoped3A : memref<!tpu.dma_semaphore, #tpu.memory_space<semaphore_mem>>) src(%arg11 : memref<48x128xf32, #tpu.memory_space<vmem>>) dst(%dma_wait3A_372 : memref<48x128xf32, #tpu.memory_space<vmem_shared>>)
      tpu.yield
    }) : () -> ()
    %add3A_293 = arith.constant 384 : i32
    %add3A_294 = arith.addi %mul3A_276, %add3A_293 : i32
    "tpu.region"() ({
      %run_scoped3A = tpu.sem_alloc : memref<!tpu.dma_semaphore, #tpu.memory_space<semaphore_mem>>
      %dma_start3A_365 = arith.constant 0 : i32
      %dma_start3A_366 = tpu.memref_slice %arg12[%add3A_294, %dma_start3A_365] : memref<10000x128xf32, #tpu.memory_space<vmem_shared>> -> memref<48x128xf32, #tpu.memory_space<vmem_shared>>
      %dma_start3A_367 = arith.constant 0 : i32
      %dma_start3A_368 = tpu.memref_slice %arg12[%add3A_294, %dma_start3A_367] : memref<10000x128xf32, #tpu.memory_space<vmem_shared>> -> memref<48x128xf32, #tpu.memory_space<vmem_shared>>
      tpu.enqueue_dma source(%arg11 : memref<48x128xf32, #tpu.memory_space<vmem>>) target(%dma_start3A_368 : memref<48x128xf32, #tpu.memory_space<vmem_shared>>) target_semaphore(%run_scoped3A : memref<!tpu.dma_semaphore, #tpu.memory_space<semaphore_mem>>)
      %dma_wait3A_369 = arith.constant 0 : i32
      %dma_wait3A_370 = tpu.memref_slice %arg12[%add3A_294, %dma_wait3A_369] : memref<10000x128xf32, #tpu.memory_space<vmem_shared>> -> memref<48x128xf32, #tpu.memory_space<vmem_shared>>
      %dma_wait3A_371 = arith.constant 0 : i32
      %dma_wait3A_372 = tpu.memref_slice %arg12[%add3A_294, %dma_wait3A_371] : memref<10000x128xf32, #tpu.memory_space<vmem_shared>> -> memref<48x128xf32, #tpu.memory_space<vmem_shared>>
      tpu.wait_dma2 semaphore(%run_scoped3A : memref<!tpu.dma_semaphore, #tpu.memory_space<semaphore_mem>>) src(%arg11 : memref<48x128xf32, #tpu.memory_space<vmem>>) dst(%dma_wait3A_372 : memref<48x128xf32, #tpu.memory_space<vmem_shared>>)
      tpu.yield
    }) : () -> ()
    %add3A_295 = arith.constant 432 : i32
    %add3A_296 = arith.addi %mul3A_276, %add3A_295 : i32
    "tpu.region"() ({
      %run_scoped3A = tpu.sem_alloc : memref<!tpu.dma_semaphore, #tpu.memory_space<semaphore_mem>>
      %dma_start3A_365 = arith.constant 0 : i32
      %dma_start3A_366 = tpu.memref_slice %arg12[%add3A_296, %dma_start3A_365] : memref<10000x128xf32, #tpu.memory_space<vmem_shared>> -> memref<48x128xf32, #tpu.memory_space<vmem_shared>>
      %dma_start3A_367 = arith.constant 0 : i32
      %dma_start3A_368 = tpu.memref_slice %arg12[%add3A_296, %dma_start3A_367] : memref<10000x128xf32, #tpu.memory_space<vmem_shared>> -> memref<48x128xf32, #tpu.memory_space<vmem_shared>>
      tpu.enqueue_dma source(%arg11 : memref<48x128xf32, #tpu.memory_space<vmem>>) target(%dma_start3A_368 : memref<48x128xf32, #tpu.memory_space<vmem_shared>>) target_semaphore(%run_scoped3A : memref<!tpu.dma_semaphore, #tpu.memory_space<semaphore_mem>>)
      %dma_wait3A_369 = arith.constant 0 : i32
      %dma_wait3A_370 = tpu.memref_slice %arg12[%add3A_296, %dma_wait3A_369] : memref<10000x128xf32, #tpu.memory_space<vmem_shared>> -> memref<48x128xf32, #tpu.memory_space<vmem_shared>>
      %dma_wait3A_371 = arith.constant 0 : i32
      %dma_wait3A_372 = tpu.memref_slice %arg12[%add3A_296, %dma_wait3A_371] : memref<10000x128xf32, #tpu.memory_space<vmem_shared>> -> memref<48x128xf32, #tpu.memory_space<vmem_shared>>
      tpu.wait_dma2 semaphore(%run_scoped3A : memref<!tpu.dma_semaphore, #tpu.memory_space<semaphore_mem>>) src(%arg11 : memref<48x128xf32, #tpu.memory_space<vmem>>) dst(%dma_wait3A_372 : memref<48x128xf32, #tpu.memory_space<vmem_shared>>)
      tpu.yield
    }) : () -> ()
    %add3A_297 = arith.constant 480 : i32
    %add3A_298 = arith.addi %mul3A_276, %add3A_297 : i32
    "tpu.region"() ({
      %run_scoped3A = tpu.sem_alloc : memref<!tpu.dma_semaphore, #tpu.memory_space<semaphore_mem>>
      %dma_start3A_365 = arith.constant 0 : i32
      %dma_start3A_366 = tpu.memref_slice %arg12[%add3A_298, %dma_start3A_365] : memref<10000x128xf32, #tpu.memory_space<vmem_shared>> -> memref<48x128xf32, #tpu.memory_space<vmem_shared>>
      %dma_start3A_367 = arith.constant 0 : i32
      %dma_start3A_368 = tpu.memref_slice %arg12[%add3A_298, %dma_start3A_367] : memref<10000x128xf32, #tpu.memory_space<vmem_shared>> -> memref<48x128xf32, #tpu.memory_space<vmem_shared>>
      tpu.enqueue_dma source(%arg11 : memref<48x128xf32, #tpu.memory_space<vmem>>) target(%dma_start3A_368 : memref<48x128xf32, #tpu.memory_space<vmem_shared>>) target_semaphore(%run_scoped3A : memref<!tpu.dma_semaphore, #tpu.memory_space<semaphore_mem>>)
      %dma_wait3A_369 = arith.constant 0 : i32
      %dma_wait3A_370 = tpu.memref_slice %arg12[%add3A_298, %dma_wait3A_369] : memref<10000x128xf32, #tpu.memory_space<vmem_shared>> -> memref<48x128xf32, #tpu.memory_space<vmem_shared>>
      %dma_wait3A_371 = arith.constant 0 : i32
      %dma_wait3A_372 = tpu.memref_slice %arg12[%add3A_298, %dma_wait3A_371] : memref<10000x128xf32, #tpu.memory_space<vmem_shared>> -> memref<48x128xf32, #tpu.memory_space<vmem_shared>>
      tpu.wait_dma2 semaphore(%run_scoped3A : memref<!tpu.dma_semaphore, #tpu.memory_space<semaphore_mem>>) src(%arg11 : memref<48x128xf32, #tpu.memory_space<vmem>>) dst(%dma_wait3A_372 : memref<48x128xf32, #tpu.memory_space<vmem_shared>>)
      tpu.yield
    }) : () -> ()
    %add3A_299 = arith.constant 528 : i32
    %add3A_300 = arith.addi %mul3A_276, %add3A_299 : i32
    "tpu.region"() ({
      %run_scoped3A = tpu.sem_alloc : memref<!tpu.dma_semaphore, #tpu.memory_space<semaphore_mem>>
      %dma_start3A_365 = arith.constant 0 : i32
      %dma_start3A_366 = tpu.memref_slice %arg12[%add3A_300, %dma_start3A_365] : memref<10000x128xf32, #tpu.memory_space<vmem_shared>> -> memref<48x128xf32, #tpu.memory_space<vmem_shared>>
      %dma_start3A_367 = arith.constant 0 : i32
      %dma_start3A_368 = tpu.memref_slice %arg12[%add3A_300, %dma_start3A_367] : memref<10000x128xf32, #tpu.memory_space<vmem_shared>> -> memref<48x128xf32, #tpu.memory_space<vmem_shared>>
      tpu.enqueue_dma source(%arg11 : memref<48x128xf32, #tpu.memory_space<vmem>>) target(%dma_start3A_368 : memref<48x128xf32, #tpu.memory_space<vmem_shared>>) target_semaphore(%run_scoped3A : memref<!tpu.dma_semaphore, #tpu.memory_space<semaphore_mem>>)
      %dma_wait3A_369 = arith.constant 0 : i32
      %dma_wait3A_370 = tpu.memref_slice %arg12[%add3A_300, %dma_wait3A_369] : memref<10000x128xf32, #tpu.memory_space<vmem_shared>> -> memref<48x128xf32, #tpu.memory_space<vmem_shared>>
      %dma_wait3A_371 = arith.constant 0 : i32
      %dma_wait3A_372 = tpu.memref_slice %arg12[%add3A_300, %dma_wait3A_371] : memref<10000x128xf32, #tpu.memory_space<vmem_shared>> -> memref<48x128xf32, #tpu.memory_space<vmem_shared>>
      tpu.wait_dma2 semaphore(%run_scoped3A : memref<!tpu.dma_semaphore, #tpu.memory_space<semaphore_mem>>) src(%arg11 : memref<48x128xf32, #tpu.memory_space<vmem>>) dst(%dma_wait3A_372 : memref<48x128xf32, #tpu.memory_space<vmem_shared>>)
      tpu.yield
    }) : () -> ()
    %add3A_301 = arith.constant 576 : i32
    %add3A_302 = arith.addi %mul3A_276, %add3A_301 : i32
    "tpu.region"() ({
      %run_scoped3A = tpu.sem_alloc : memref<!tpu.dma_semaphore, #tpu.memory_space<semaphore_mem>>
      %dma_start3A_365 = arith.constant 0 : i32
      %dma_start3A_366 = tpu.memref_slice %arg12[%add3A_302, %dma_start3A_365] : memref<10000x128xf32, #tpu.memory_space<vmem_shared>> -> memref<48x128xf32, #tpu.memory_space<vmem_shared>>
      %dma_start3A_367 = arith.constant 0 : i32
      %dma_start3A_368 = tpu.memref_slice %arg12[%add3A_302, %dma_start3A_367] : memref<10000x128xf32, #tpu.memory_space<vmem_shared>> -> memref<48x128xf32, #tpu.memory_space<vmem_shared>>
      tpu.enqueue_dma source(%arg11 : memref<48x128xf32, #tpu.memory_space<vmem>>) target(%dma_start3A_368 : memref<48x128xf32, #tpu.memory_space<vmem_shared>>) target_semaphore(%run_scoped3A : memref<!tpu.dma_semaphore, #tpu.memory_space<semaphore_mem>>)
      %dma_wait3A_369 = arith.constant 0 : i32
      %dma_wait3A_370 = tpu.memref_slice %arg12[%add3A_302, %dma_wait3A_369] : memref<10000x128xf32, #tpu.memory_space<vmem_shared>> -> memref<48x128xf32, #tpu.memory_space<vmem_shared>>
      %dma_wait3A_371 = arith.constant 0 : i32
      %dma_wait3A_372 = tpu.memref_slice %arg12[%add3A_302, %dma_wait3A_371] : memref<10000x128xf32, #tpu.memory_space<vmem_shared>> -> memref<48x128xf32, #tpu.memory_space<vmem_shared>>
      tpu.wait_dma2 semaphore(%run_scoped3A : memref<!tpu.dma_semaphore, #tpu.memory_space<semaphore_mem>>) src(%arg11 : memref<48x128xf32, #tpu.memory_space<vmem>>) dst(%dma_wait3A_372 : memref<48x128xf32, #tpu.memory_space<vmem_shared>>)
      tpu.yield
    }) : () -> ()
    %eq3A = arith.constant 15 : i32
    %eq3A_303 = arith.cmpi eq, %arg1, %eq3A : i32
    %convert_element_type3A = arith.extui %eq3A_303 : i1 to i32
    %cond3A = arith.constant 0 : i32
    %cond3A_304 = arith.cmpi ne, %convert_element_type3A, %cond3A : i32
    scf.if %cond3A_304 {
      "tpu.region"() ({
        %run_scoped3A = tpu.sem_alloc : memref<!tpu.dma_semaphore, #tpu.memory_space<semaphore_mem>>
        %dma_start3A_365 = arith.constant 0 : i32
        %dma_start3A_366 = arith.constant 0 : i32
        %dma_start3A_367 = tpu.memref_slice %arg11[%dma_start3A_365, %dma_start3A_366] : memref<48x128xf32, #tpu.memory_space<vmem>> -> memref<16x128xf32, #tpu.memory_space<vmem>>
        %dma_start3A_368 = arith.constant 9984 : i32
        %dma_start3A_369 = arith.constant 0 : i32
        %dma_start3A_370 = tpu.memref_slice %arg12[%dma_start3A_368, %dma_start3A_369] : memref<10000x128xf32, #tpu.memory_space<vmem_shared>> -> memref<16x128xf32, #tpu.memory_space<vmem_shared>>
        %dma_start3A_371 = arith.constant 9984 : i32
        %dma_start3A_372 = arith.constant 0 : i32
        %dma_start3A_373 = tpu.memref_slice %arg12[%dma_start3A_371, %dma_start3A_372] : memref<10000x128xf32, #tpu.memory_space<vmem_shared>> -> memref<16x128xf32, #tpu.memory_space<vmem_shared>>
        %dma_start3A_374 = arith.constant 0 : i32
        %dma_start3A_375 = arith.constant 0 : i32
        %dma_start3A_376 = tpu.memref_slice %arg11[%dma_start3A_374, %dma_start3A_375] : memref<48x128xf32, #tpu.memory_space<vmem>> -> memref<16x128xf32, #tpu.memory_space<vmem>>
        tpu.enqueue_dma source(%dma_start3A_376 : memref<16x128xf32, #tpu.memory_space<vmem>>) target(%dma_start3A_373 : memref<16x128xf32, #tpu.memory_space<vmem_shared>>) target_semaphore(%run_scoped3A : memref<!tpu.dma_semaphore, #tpu.memory_space<semaphore_mem>>)
        %dma_wait3A_377 = arith.constant 0 : i32
        %dma_wait3A_378 = arith.constant 0 : i32
        %dma_wait3A_379 = tpu.memref_slice %arg11[%dma_wait3A_377, %dma_wait3A_378] : memref<48x128xf32, #tpu.memory_space<vmem>> -> memref<16x128xf32, #tpu.memory_space<vmem>>
        %dma_wait3A_380 = arith.constant 9984 : i32
        %dma_wait3A_381 = arith.constant 0 : i32
        %dma_wait3A_382 = tpu.memref_slice %arg12[%dma_wait3A_380, %dma_wait3A_381] : memref<10000x128xf32, #tpu.memory_space<vmem_shared>> -> memref<16x128xf32, #tpu.memory_space<vmem_shared>>
        %dma_wait3A_383 = arith.constant 9984 : i32
        %dma_wait3A_384 = arith.constant 0 : i32
        %dma_wait3A_385 = tpu.memref_slice %arg12[%dma_wait3A_383, %dma_wait3A_384] : memref<10000x128xf32, #tpu.memory_space<vmem_shared>> -> memref<16x128xf32, #tpu.memory_space<vmem_shared>>
        %dma_wait3A_386 = arith.constant 0 : i32
        %dma_wait3A_387 = arith.constant 0 : i32
        %dma_wait3A_388 = tpu.memref_slice %arg11[%dma_wait3A_386, %dma_wait3A_387] : memref<48x128xf32, #tpu.memory_space<vmem>> -> memref<16x128xf32, #tpu.memory_space<vmem>>
        tpu.wait_dma2 semaphore(%run_scoped3A : memref<!tpu.dma_semaphore, #tpu.memory_space<semaphore_mem>>) src(%dma_wait3A_388 : memref<16x128xf32, #tpu.memory_space<vmem>>) dst(%dma_wait3A_385 : memref<16x128xf32, #tpu.memory_space<vmem_shared>>)
        tpu.yield
      }) : () -> ()
    } else {
    }
    %barrier3A = arith.constant 0 : index
    tpu.barrier barrier_id(%barrier3A)
    %iota3A = tpu.iota {dimensions = array<i32: 0>} : vector<16xi32>
    %eq3A_305 = arith.constant 0 : i32
    %eq3A_306 = vector.broadcast %eq3A_305 : i32 to vector<16xi32>
    %eq3A_307 = arith.cmpi eq, %iota3A, %eq3A_306 : vector<16xi32>
    %scan3A_308 = arith.constant 0 : i32
    %scan3A_309 = arith.constant 0 : i32
    %scan3A_310 = arith.constant 50 : i32
    %scan3A_311 = arith.addi %scan3A_309, %scan3A_310 : i32
    %scan3A_312 = arith.constant 1 : i32
    %scan3A_313 = scf.for %scan3A_365 = %scan3A_309 to %scan3A_311 step %scan3A_312 iter_args(%scan3A_366 = %scan3A_308) -> (i32)  : i32 {
      %mul3A_367 = arith.constant 5 : i32
      %mul3A_368 = arith.muli %scan3A_365, %mul3A_367 : i32
      %add3A_369 = arith.constant 0 : i32
      %add3A_370 = arith.addi %mul3A_368, %add3A_369 : i32
      %mul3A_371 = arith.constant 40 : i32
      %mul3A_372 = arith.muli %add3A_370, %mul3A_371 : i32
      %add3A_373 = arith.addi %mul3A_2, %mul3A_372 : i32
      %dma_wait3A_374 = arith.constant 0 : i32
      %dma_wait3A_375 = arith.constant 0 : i32
      %dma_wait3A_376 = arith.constant 0 : i32
      %dma_wait3A_377 = arith.constant 0 : i32
      %dma_wait3A_378 = tpu.memref_slice %arg9[%dma_wait3A_374, %dma_wait3A_376, %dma_wait3A_377] : memref<5x40x128xf32, #tpu.memory_space<vmem>> -> memref<1x40x128xf32, #tpu.memory_space<vmem>>
      %dma_wait3A_379 = tpu.memref_squeeze %dma_wait3A_378 : memref<1x40x128xf32, #tpu.memory_space<vmem>> -> memref<40x128xf32, #tpu.memory_space<vmem>>
      %dma_wait3A_380 = arith.constant 0 : i32
      %dma_wait3A_381 = tpu.memref_slice %arg4[%add3A_373, %dma_wait3A_380] : memref<320000x128xf32, #tpu.memory_space<hbm>> -> memref<40x128xf32, #tpu.memory_space<hbm>>
      %dma_wait3A_382 = tpu.memref_slice %arg13[%dma_wait3A_375] : memref<5x!tpu.dma_semaphore, #tpu.memory_space<semaphore_mem>> -> memref<1x!tpu.dma_semaphore, #tpu.memory_space<semaphore_mem>>
      %dma_wait3A_383 = tpu.memref_squeeze %dma_wait3A_382 : memref<1x!tpu.dma_semaphore, #tpu.memory_space<semaphore_mem>> -> memref<!tpu.dma_semaphore, #tpu.memory_space<semaphore_mem>>
      %dma_wait3A_384 = arith.constant 0 : i32
      %dma_wait3A_385 = arith.constant 0 : i32
      %dma_wait3A_386 = tpu.memref_slice %arg9[%dma_wait3A_374, %dma_wait3A_384, %dma_wait3A_385] : memref<5x40x128xf32, #tpu.memory_space<vmem>> -> memref<1x40x128xf32, #tpu.memory_space<vmem>>
      %dma_wait3A_387 = tpu.memref_squeeze %dma_wait3A_386 : memref<1x40x128xf32, #tpu.memory_space<vmem>> -> memref<40x128xf32, #tpu.memory_space<vmem>>
      %dma_wait3A_388 = arith.constant 0 : i32
      %dma_wait3A_389 = tpu.memref_slice %arg4[%add3A_373, %dma_wait3A_388] : memref<320000x128xf32, #tpu.memory_space<hbm>> -> memref<40x128xf32, #tpu.memory_space<hbm>>
      tpu.wait_dma2 semaphore(%dma_wait3A_383 : memref<!tpu.dma_semaphore, #tpu.memory_space<semaphore_mem>>) src(%dma_wait3A_389 : memref<40x128xf32, #tpu.memory_space<hbm>>) dst(%dma_wait3A_387 : memref<40x128xf32, #tpu.memory_space<vmem>>)
      %dma_wait3A_390 = arith.constant 0 : i32
      %dma_wait3A_391 = arith.constant 0 : i32
      %dma_wait3A_392 = arith.constant 0 : i32
      %dma_wait3A_393 = tpu.memref_slice %arg7[%dma_wait3A_390, %dma_wait3A_392] : memref<5x40xi32, #tpu.memory_space<vmem>> -> memref<1x40xi32, #tpu.memory_space<vmem>>
      %dma_wait3A_394 = tpu.memref_squeeze %dma_wait3A_393 : memref<1x40xi32, #tpu.memory_space<vmem>> -> memref<40xi32, #tpu.memory_space<vmem>>
      %dma_wait3A_395 = arith.constant 0 : i32
      %dma_wait3A_396 = tpu.memref_slice %arg2[%add3A, %add3A_370, %dma_wait3A_395] : memref<32x250x40xi32, #tpu.memory_space<hbm>> -> memref<1x1x40xi32, #tpu.memory_space<hbm>>
      %dma_wait3A_397 = tpu.memref_squeeze %dma_wait3A_396 : memref<1x1x40xi32, #tpu.memory_space<hbm>> -> memref<40xi32, #tpu.memory_space<hbm>>
      %dma_wait3A_398 = tpu.memref_slice %arg13[%dma_wait3A_391] : memref<5x!tpu.dma_semaphore, #tpu.memory_space<semaphore_mem>> -> memref<1x!tpu.dma_semaphore, #tpu.memory_space<semaphore_mem>>
      %dma_wait3A_399 = tpu.memref_squeeze %dma_wait3A_398 : memref<1x!tpu.dma_semaphore, #tpu.memory_space<semaphore_mem>> -> memref<!tpu.dma_semaphore, #tpu.memory_space<semaphore_mem>>
      %dma_wait3A_400 = arith.constant 0 : i32
      %dma_wait3A_401 = tpu.memref_slice %arg7[%dma_wait3A_390, %dma_wait3A_400] : memref<5x40xi32, #tpu.memory_space<vmem>> -> memref<1x40xi32, #tpu.memory_space<vmem>>
      %dma_wait3A_402 = tpu.memref_squeeze %dma_wait3A_401 : memref<1x40xi32, #tpu.memory_space<vmem>> -> memref<40xi32, #tpu.memory_space<vmem>>
      %dma_wait3A_403 = arith.constant 0 : i32
      %dma_wait3A_404 = tpu.memref_slice %arg2[%add3A, %add3A_370, %dma_wait3A_403] : memref<32x250x40xi32, #tpu.memory_space<hbm>> -> memref<1x1x40xi32, #tpu.memory_space<hbm>>
      %dma_wait3A_405 = tpu.memref_squeeze %dma_wait3A_404 : memref<1x1x40xi32, #tpu.memory_space<hbm>> -> memref<40xi32, #tpu.memory_space<hbm>>
      tpu.wait_dma2 semaphore(%dma_wait3A_399 : memref<!tpu.dma_semaphore, #tpu.memory_space<semaphore_mem>>) src(%dma_wait3A_405 : memref<40xi32, #tpu.memory_space<hbm>>) dst(%dma_wait3A_402 : memref<40xi32, #tpu.memory_space<vmem>>)
      %dma_wait3A_406 = arith.constant 0 : i32
      %dma_wait3A_407 = arith.constant 0 : i32
      %dma_wait3A_408 = arith.constant 0 : i32
      %dma_wait3A_409 = tpu.memref_slice %arg8[%dma_wait3A_406, %dma_wait3A_408] : memref<5x40xf32, #tpu.memory_space<vmem>> -> memref<1x40xf32, #tpu.memory_space<vmem>>
      %dma_wait3A_410 = tpu.memref_squeeze %dma_wait3A_409 : memref<1x40xf32, #tpu.memory_space<vmem>> -> memref<40xf32, #tpu.memory_space<vmem>>
      %dma_wait3A_411 = arith.constant 0 : i32
      %dma_wait3A_412 = tpu.memref_slice %arg3[%add3A, %add3A_370, %dma_wait3A_411] : memref<32x250x40xf32, #tpu.memory_space<hbm>> -> memref<1x1x40xf32, #tpu.memory_space<hbm>>
      %dma_wait3A_413 = tpu.memref_squeeze %dma_wait3A_412 : memref<1x1x40xf32, #tpu.memory_space<hbm>> -> memref<40xf32, #tpu.memory_space<hbm>>
      %dma_wait3A_414 = tpu.memref_slice %arg13[%dma_wait3A_407] : memref<5x!tpu.dma_semaphore, #tpu.memory_space<semaphore_mem>> -> memref<1x!tpu.dma_semaphore, #tpu.memory_space<semaphore_mem>>
      %dma_wait3A_415 = tpu.memref_squeeze %dma_wait3A_414 : memref<1x!tpu.dma_semaphore, #tpu.memory_space<semaphore_mem>> -> memref<!tpu.dma_semaphore, #tpu.memory_space<semaphore_mem>>
      %dma_wait3A_416 = arith.constant 0 : i32
      %dma_wait3A_417 = tpu.memref_slice %arg8[%dma_wait3A_406, %dma_wait3A_416] : memref<5x40xf32, #tpu.memory_space<vmem>> -> memref<1x40xf32, #tpu.memory_space<vmem>>
      %dma_wait3A_418 = tpu.memref_squeeze %dma_wait3A_417 : memref<1x40xf32, #tpu.memory_space<vmem>> -> memref<40xf32, #tpu.memory_space<vmem>>
      %dma_wait3A_419 = arith.constant 0 : i32
      %dma_wait3A_420 = tpu.memref_slice %arg3[%add3A, %add3A_370, %dma_wait3A_419] : memref<32x250x40xf32, #tpu.memory_space<hbm>> -> memref<1x1x40xf32, #tpu.memory_space<hbm>>
      %dma_wait3A_421 = tpu.memref_squeeze %dma_wait3A_420 : memref<1x1x40xf32, #tpu.memory_space<hbm>> -> memref<40xf32, #tpu.memory_space<hbm>>
      tpu.wait_dma2 semaphore(%dma_wait3A_415 : memref<!tpu.dma_semaphore, #tpu.memory_space<semaphore_mem>>) src(%dma_wait3A_421 : memref<40xf32, #tpu.memory_space<hbm>>) dst(%dma_wait3A_418 : memref<40xf32, #tpu.memory_space<vmem>>)
      %broadcast_in_dim3A = arith.constant 0 : i32
      %broadcast_in_dim3A_422 = vector.broadcast %broadcast_in_dim3A : i32 to vector<16xi32>
      %scan3A_423 = arith.constant 0 : i32
      %scan3A_424 = arith.constant 0 : i32
      %scan3A_425 = arith.constant 40 : i32
      %scan3A_426 = arith.addi %scan3A_424, %scan3A_425 : i32
      %scan3A_427 = arith.constant 4 : i32
      %scan3A_428 = scf.for %scan3A_824 = %scan3A_424 to %scan3A_426 step %scan3A_427 iter_args(%scan3A_825 = %scan3A_423) -> (i32)  : i32 {
        %broadcast_in_dim3A_826 = vector.broadcast %scan3A_824 : i32 to vector<16xi32>
        %gather3A = tpu.vector_load_idx %arg8[%broadcast_in_dim3A_422, %broadcast_in_dim3A_826] : memref<5x40xf32, #tpu.memory_space<vmem>>[vector<16xi32>, vector<16xi32>], vector<16xf32>,
        %exp3A = math.exp %gather3A : vector<16xf32>
        %gather3A_827 = tpu.vector_load_idx %arg7[%broadcast_in_dim3A_422, %broadcast_in_dim3A_826] : memref<5x40xi32, #tpu.memory_space<vmem>>[vector<16xi32>, vector<16xi32>], vector<16xi32>,
        %shift_right_logical3A = arith.constant 7 : i32
        %shift_right_logical3A_828 = vector.broadcast %shift_right_logical3A : i32 to vector<16xi32>
        %shift_right_logical3A_829 = arith.shrui %gather3A_827, %shift_right_logical3A_828 : vector<16xi32>
        %and3A_830 = arith.constant 127 : i32
        %and3A_831 = vector.broadcast %and3A_830 : i32 to vector<16xi32>
        %and3A_832 = arith.andi %gather3A_827, %and3A_831 : vector<16xi32>
        tpu.vector_store_idx %arg10[%shift_right_logical3A_829, %and3A_832], %exp3A masked %eq3A_307 {add = true} : memref<80x128xf32, #tpu.memory_space<vmem>>[vector<16xi32>, vector<16xi32>], vector<16xf32>, vector<16xi1>
        %get3A = arith.constant 0 : i32
        %get3A_833 = arith.index_cast %get3A : i32 to index
        %get3A_834 = arith.index_cast %scan3A_824 : i32 to index
        %get3A_835 = arith.constant 0 : index
        %get3A_836 = tpu.vector_load %arg9[%get3A_833, %get3A_834, %get3A_835] {strides = array<i32>} : memref<5x40x128xf32, #tpu.memory_space<vmem>>, vector<16xf32>,
        %mul3A_837 = arith.mulf %get3A_836, %exp3A : vector<16xf32>
        %swap3A = arith.constant 0 : i32
        %swap3A_838 = arith.index_cast %swap3A : i32 to index
        %swap3A_839 = arith.index_cast %scan3A_824 : i32 to index
        %swap3A_840 = arith.constant 0 : index
        %swap3A_841 = tpu.vector_load %arg9[%swap3A_838, %swap3A_839, %swap3A_840] {strides = array<i32>} : memref<5x40x128xf32, #tpu.memory_space<vmem>>, vector<16xf32>,
        tpu.vector_store %arg9[%swap3A_838, %swap3A_839, %swap3A_840], %mul3A_837 {strides = array<i32>} : memref<5x40x128xf32, #tpu.memory_space<vmem>>, vector<16xf32>,
        %get3A_842 = arith.constant 0 : i32
        %get3A_843 = arith.index_cast %get3A_842 : i32 to index
        %get3A_844 = arith.index_cast %scan3A_824 : i32 to index
        %get3A_845 = arith.constant 16 : index
        %get3A_846 = tpu.vector_load %arg9[%get3A_843, %get3A_844, %get3A_845] {strides = array<i32>} : memref<5x40x128xf32, #tpu.memory_space<vmem>>, vector<16xf32>,
        %mul3A_847 = arith.mulf %get3A_846, %exp3A : vector<16xf32>
        %swap3A_848 = arith.constant 0 : i32
        %swap3A_849 = arith.index_cast %swap3A_848 : i32 to index
        %swap3A_850 = arith.index_cast %scan3A_824 : i32 to index
        %swap3A_851 = arith.constant 16 : index
        %swap3A_852 = tpu.vector_load %arg9[%swap3A_849, %swap3A_850, %swap3A_851] {strides = array<i32>} : memref<5x40x128xf32, #tpu.memory_space<vmem>>, vector<16xf32>,
        tpu.vector_store %arg9[%swap3A_849, %swap3A_850, %swap3A_851], %mul3A_847 {strides = array<i32>} : memref<5x40x128xf32, #tpu.memory_space<vmem>>, vector<16xf32>,
        %get3A_853 = arith.constant 0 : i32
        %get3A_854 = arith.index_cast %get3A_853 : i32 to index
        %get3A_855 = arith.index_cast %scan3A_824 : i32 to index
        %get3A_856 = arith.constant 32 : index
        %get3A_857 = tpu.vector_load %arg9[%get3A_854, %get3A_855, %get3A_856] {strides = array<i32>} : memref<5x40x128xf32, #tpu.memory_space<vmem>>, vector<16xf32>,
        %mul3A_858 = arith.mulf %get3A_857, %exp3A : vector<16xf32>
        %swap3A_859 = arith.constant 0 : i32
        %swap3A_860 = arith.index_cast %swap3A_859 : i32 to index
        %swap3A_861 = arith.index_cast %scan3A_824 : i32 to index
        %swap3A_862 = arith.constant 32 : index
        %swap3A_863 = tpu.vector_load %arg9[%swap3A_860, %swap3A_861, %swap3A_862] {strides = array<i32>} : memref<5x40x128xf32, #tpu.memory_space<vmem>>, vector<16xf32>,
        tpu.vector_store %arg9[%swap3A_860, %swap3A_861, %swap3A_862], %mul3A_858 {strides = array<i32>} : memref<5x40x128xf32, #tpu.memory_space<vmem>>, vector<16xf32>,
        %get3A_864 = arith.constant 0 : i32
        %get3A_865 = arith.index_cast %get3A_864 : i32 to index
        %get3A_866 = arith.index_cast %scan3A_824 : i32 to index
        %get3A_867 = arith.constant 48 : index
        %get3A_868 = tpu.vector_load %arg9[%get3A_865, %get3A_866, %get3A_867] {strides = array<i32>} : memref<5x40x128xf32, #tpu.memory_space<vmem>>, vector<16xf32>,
        %mul3A_869 = arith.mulf %get3A_868, %exp3A : vector<16xf32>
        %swap3A_870 = arith.constant 0 : i32
        %swap3A_871 = arith.index_cast %swap3A_870 : i32 to index
        %swap3A_872 = arith.index_cast %scan3A_824 : i32 to index
        %swap3A_873 = arith.constant 48 : index
        %swap3A_874 = tpu.vector_load %arg9[%swap3A_871, %swap3A_872, %swap3A_873] {strides = array<i32>} : memref<5x40x128xf32, #tpu.memory_space<vmem>>, vector<16xf32>,
        tpu.vector_store %arg9[%swap3A_871, %swap3A_872, %swap3A_873], %mul3A_869 {strides = array<i32>} : memref<5x40x128xf32, #tpu.memory_space<vmem>>, vector<16xf32>,
        %get3A_875 = arith.constant 0 : i32
        %get3A_876 = arith.index_cast %get3A_875 : i32 to index
        %get3A_877 = arith.index_cast %scan3A_824 : i32 to index
        %get3A_878 = arith.constant 64 : index
        %get3A_879 = tpu.vector_load %arg9[%get3A_876, %get3A_877, %get3A_878] {strides = array<i32>} : memref<5x40x128xf32, #tpu.memory_space<vmem>>, vector<16xf32>,
        %mul3A_880 = arith.mulf %get3A_879, %exp3A : vector<16xf32>
        %swap3A_881 = arith.constant 0 : i32
        %swap3A_882 = arith.index_cast %swap3A_881 : i32 to index
        %swap3A_883 = arith.index_cast %scan3A_824 : i32 to index
        %swap3A_884 = arith.constant 64 : index
        %swap3A_885 = tpu.vector_load %arg9[%swap3A_882, %swap3A_883, %swap3A_884] {strides = array<i32>} : memref<5x40x128xf32, #tpu.memory_space<vmem>>, vector<16xf32>,
        tpu.vector_store %arg9[%swap3A_882, %swap3A_883, %swap3A_884], %mul3A_880 {strides = array<i32>} : memref<5x40x128xf32, #tpu.memory_space<vmem>>, vector<16xf32>,
        %get3A_886 = arith.constant 0 : i32
        %get3A_887 = arith.index_cast %get3A_886 : i32 to index
        %get3A_888 = arith.index_cast %scan3A_824 : i32 to index
        %get3A_889 = arith.constant 80 : index
        %get3A_890 = tpu.vector_load %arg9[%get3A_887, %get3A_888, %get3A_889] {strides = array<i32>} : memref<5x40x128xf32, #tpu.memory_space<vmem>>, vector<16xf32>,
        %mul3A_891 = arith.mulf %get3A_890, %exp3A : vector<16xf32>
        %swap3A_892 = arith.constant 0 : i32
        %swap3A_893 = arith.index_cast %swap3A_892 : i32 to index
        %swap3A_894 = arith.index_cast %scan3A_824 : i32 to index
        %swap3A_895 = arith.constant 80 : index
        %swap3A_896 = tpu.vector_load %arg9[%swap3A_893, %swap3A_894, %swap3A_895] {strides = array<i32>} : memref<5x40x128xf32, #tpu.memory_space<vmem>>, vector<16xf32>,
        tpu.vector_store %arg9[%swap3A_893, %swap3A_894, %swap3A_895], %mul3A_891 {strides = array<i32>} : memref<5x40x128xf32, #tpu.memory_space<vmem>>, vector<16xf32>,
        %get3A_897 = arith.constant 0 : i32
        %get3A_898 = arith.index_cast %get3A_897 : i32 to index
        %get3A_899 = arith.index_cast %scan3A_824 : i32 to index
        %get3A_900 = arith.constant 96 : index
        %get3A_901 = tpu.vector_load %arg9[%get3A_898, %get3A_899, %get3A_900] {strides = array<i32>} : memref<5x40x128xf32, #tpu.memory_space<vmem>>, vector<16xf32>,
        %mul3A_902 = arith.mulf %get3A_901, %exp3A : vector<16xf32>
        %swap3A_903 = arith.constant 0 : i32
        %swap3A_904 = arith.index_cast %swap3A_903 : i32 to index
        %swap3A_905 = arith.index_cast %scan3A_824 : i32 to index
        %swap3A_906 = arith.constant 96 : index
        %swap3A_907 = tpu.vector_load %arg9[%swap3A_904, %swap3A_905, %swap3A_906] {strides = array<i32>} : memref<5x40x128xf32, #tpu.memory_space<vmem>>, vector<16xf32>,
        tpu.vector_store %arg9[%swap3A_904, %swap3A_905, %swap3A_906], %mul3A_902 {strides = array<i32>} : memref<5x40x128xf32, #tpu.memory_space<vmem>>, vector<16xf32>,
        %get3A_908 = arith.constant 0 : i32
        %get3A_909 = arith.index_cast %get3A_908 : i32 to index
        %get3A_910 = arith.index_cast %scan3A_824 : i32 to index
        %get3A_911 = arith.constant 112 : index
        %get3A_912 = tpu.vector_load %arg9[%get3A_909, %get3A_910, %get3A_911] {strides = array<i32>} : memref<5x40x128xf32, #tpu.memory_space<vmem>>, vector<16xf32>,
        %mul3A_913 = arith.mulf %get3A_912, %exp3A : vector<16xf32>
        %swap3A_914 = arith.constant 0 : i32
        %swap3A_915 = arith.index_cast %swap3A_914 : i32 to index
        %swap3A_916 = arith.index_cast %scan3A_824 : i32 to index
        %swap3A_917 = arith.constant 112 : index
        %swap3A_918 = tpu.vector_load %arg9[%swap3A_915, %swap3A_916, %swap3A_917] {strides = array<i32>} : memref<5x40x128xf32, #tpu.memory_space<vmem>>, vector<16xf32>,
        tpu.vector_store %arg9[%swap3A_915, %swap3A_916, %swap3A_917], %mul3A_913 {strides = array<i32>} : memref<5x40x128xf32, #tpu.memory_space<vmem>>, vector<16xf32>,
        %scan3A_919 = arith.constant 0 : i32
        %scan3A_920 = arith.constant 1 : i32
        %scan3A_921 = arith.addi %scan3A_824, %scan3A_920 : i32
        %broadcast_in_dim3A_922 = vector.broadcast %scan3A_921 : i32 to vector<16xi32>
        %gather3A_923 = tpu.vector_load_idx %arg8[%broadcast_in_dim3A_422, %broadcast_in_dim3A_922] : memref<5x40xf32, #tpu.memory_space<vmem>>[vector<16xi32>, vector<16xi32>], vector<16xf32>,
        %exp3A_924 = math.exp %gather3A_923 : vector<16xf32>
        %gather3A_925 = tpu.vector_load_idx %arg7[%broadcast_in_dim3A_422, %broadcast_in_dim3A_922] : memref<5x40xi32, #tpu.memory_space<vmem>>[vector<16xi32>, vector<16xi32>], vector<16xi32>,
        %shift_right_logical3A_926 = arith.constant 7 : i32
        %shift_right_logical3A_927 = vector.broadcast %shift_right_logical3A_926 : i32 to vector<16xi32>
        %shift_right_logical3A_928 = arith.shrui %gather3A_925, %shift_right_logical3A_927 : vector<16xi32>
        %and3A_929 = arith.constant 127 : i32
        %and3A_930 = vector.broadcast %and3A_929 : i32 to vector<16xi32>
        %and3A_931 = arith.andi %gather3A_925, %and3A_930 : vector<16xi32>
        tpu.vector_store_idx %arg10[%shift_right_logical3A_928, %and3A_931], %exp3A_924 masked %eq3A_307 {add = true} : memref<80x128xf32, #tpu.memory_space<vmem>>[vector<16xi32>, vector<16xi32>], vector<16xf32>, vector<16xi1>
        %get3A_932 = arith.constant 0 : i32
        %get3A_933 = arith.index_cast %get3A_932 : i32 to index
        %get3A_934 = arith.index_cast %scan3A_921 : i32 to index
        %get3A_935 = arith.constant 0 : index
        %get3A_936 = tpu.vector_load %arg9[%get3A_933, %get3A_934, %get3A_935] {strides = array<i32>} : memref<5x40x128xf32, #tpu.memory_space<vmem>>, vector<16xf32>,
        %mul3A_937 = arith.mulf %get3A_936, %exp3A_924 : vector<16xf32>
        %swap3A_938 = arith.constant 0 : i32
        %swap3A_939 = arith.index_cast %swap3A_938 : i32 to index
        %swap3A_940 = arith.index_cast %scan3A_921 : i32 to index
        %swap3A_941 = arith.constant 0 : index
        %swap3A_942 = tpu.vector_load %arg9[%swap3A_939, %swap3A_940, %swap3A_941] {strides = array<i32>} : memref<5x40x128xf32, #tpu.memory_space<vmem>>, vector<16xf32>,
        tpu.vector_store %arg9[%swap3A_939, %swap3A_940, %swap3A_941], %mul3A_937 {strides = array<i32>} : memref<5x40x128xf32, #tpu.memory_space<vmem>>, vector<16xf32>,
        %get3A_943 = arith.constant 0 : i32
        %get3A_944 = arith.index_cast %get3A_943 : i32 to index
        %get3A_945 = arith.index_cast %scan3A_921 : i32 to index
        %get3A_946 = arith.constant 16 : index
        %get3A_947 = tpu.vector_load %arg9[%get3A_944, %get3A_945, %get3A_946] {strides = array<i32>} : memref<5x40x128xf32, #tpu.memory_space<vmem>>, vector<16xf32>,
        %mul3A_948 = arith.mulf %get3A_947, %exp3A_924 : vector<16xf32>
        %swap3A_949 = arith.constant 0 : i32
        %swap3A_950 = arith.index_cast %swap3A_949 : i32 to index
        %swap3A_951 = arith.index_cast %scan3A_921 : i32 to index
        %swap3A_952 = arith.constant 16 : index
        %swap3A_953 = tpu.vector_load %arg9[%swap3A_950, %swap3A_951, %swap3A_952] {strides = array<i32>} : memref<5x40x128xf32, #tpu.memory_space<vmem>>, vector<16xf32>,
        tpu.vector_store %arg9[%swap3A_950, %swap3A_951, %swap3A_952], %mul3A_948 {strides = array<i32>} : memref<5x40x128xf32, #tpu.memory_space<vmem>>, vector<16xf32>,
        %get3A_954 = arith.constant 0 : i32
        %get3A_955 = arith.index_cast %get3A_954 : i32 to index
        %get3A_956 = arith.index_cast %scan3A_921 : i32 to index
        %get3A_957 = arith.constant 32 : index
        %get3A_958 = tpu.vector_load %arg9[%get3A_955, %get3A_956, %get3A_957] {strides = array<i32>} : memref<5x40x128xf32, #tpu.memory_space<vmem>>, vector<16xf32>,
        %mul3A_959 = arith.mulf %get3A_958, %exp3A_924 : vector<16xf32>
        %swap3A_960 = arith.constant 0 : i32
        %swap3A_961 = arith.index_cast %swap3A_960 : i32 to index
        %swap3A_962 = arith.index_cast %scan3A_921 : i32 to index
        %swap3A_963 = arith.constant 32 : index
        %swap3A_964 = tpu.vector_load %arg9[%swap3A_961, %swap3A_962, %swap3A_963] {strides = array<i32>} : memref<5x40x128xf32, #tpu.memory_space<vmem>>, vector<16xf32>,
        tpu.vector_store %arg9[%swap3A_961, %swap3A_962, %swap3A_963], %mul3A_959 {strides = array<i32>} : memref<5x40x128xf32, #tpu.memory_space<vmem>>, vector<16xf32>,
        %get3A_965 = arith.constant 0 : i32
        %get3A_966 = arith.index_cast %get3A_965 : i32 to index
        %get3A_967 = arith.index_cast %scan3A_921 : i32 to index
        %get3A_968 = arith.constant 48 : index
        %get3A_969 = tpu.vector_load %arg9[%get3A_966, %get3A_967, %get3A_968] {strides = array<i32>} : memref<5x40x128xf32, #tpu.memory_space<vmem>>, vector<16xf32>,
        %mul3A_970 = arith.mulf %get3A_969, %exp3A_924 : vector<16xf32>
        %swap3A_971 = arith.constant 0 : i32
        %swap3A_972 = arith.index_cast %swap3A_971 : i32 to index
        %swap3A_973 = arith.index_cast %scan3A_921 : i32 to index
        %swap3A_974 = arith.constant 48 : index
        %swap3A_975 = tpu.vector_load %arg9[%swap3A_972, %swap3A_973, %swap3A_974] {strides = array<i32>} : memref<5x40x128xf32, #tpu.memory_space<vmem>>, vector<16xf32>,
        tpu.vector_store %arg9[%swap3A_972, %swap3A_973, %swap3A_974], %mul3A_970 {strides = array<i32>} : memref<5x40x128xf32, #tpu.memory_space<vmem>>, vector<16xf32>,
        %get3A_976 = arith.constant 0 : i32
        %get3A_977 = arith.index_cast %get3A_976 : i32 to index
        %get3A_978 = arith.index_cast %scan3A_921 : i32 to index
        %get3A_979 = arith.constant 64 : index
        %get3A_980 = tpu.vector_load %arg9[%get3A_977, %get3A_978, %get3A_979] {strides = array<i32>} : memref<5x40x128xf32, #tpu.memory_space<vmem>>, vector<16xf32>,
        %mul3A_981 = arith.mulf %get3A_980, %exp3A_924 : vector<16xf32>
        %swap3A_982 = arith.constant 0 : i32
        %swap3A_983 = arith.index_cast %swap3A_982 : i32 to index
        %swap3A_984 = arith.index_cast %scan3A_921 : i32 to index
        %swap3A_985 = arith.constant 64 : index
        %swap3A_986 = tpu.vector_load %arg9[%swap3A_983, %swap3A_984, %swap3A_985] {strides = array<i32>} : memref<5x40x128xf32, #tpu.memory_space<vmem>>, vector<16xf32>,
        tpu.vector_store %arg9[%swap3A_983, %swap3A_984, %swap3A_985], %mul3A_981 {strides = array<i32>} : memref<5x40x128xf32, #tpu.memory_space<vmem>>, vector<16xf32>,
        %get3A_987 = arith.constant 0 : i32
        %get3A_988 = arith.index_cast %get3A_987 : i32 to index
        %get3A_989 = arith.index_cast %scan3A_921 : i32 to index
        %get3A_990 = arith.constant 80 : index
        %get3A_991 = tpu.vector_load %arg9[%get3A_988, %get3A_989, %get3A_990] {strides = array<i32>} : memref<5x40x128xf32, #tpu.memory_space<vmem>>, vector<16xf32>,
        %mul3A_992 = arith.mulf %get3A_991, %exp3A_924 : vector<16xf32>
        %swap3A_993 = arith.constant 0 : i32
        %swap3A_994 = arith.index_cast %swap3A_993 : i32 to index
        %swap3A_995 = arith.index_cast %scan3A_921 : i32 to index
        %swap3A_996 = arith.constant 80 : index
        %swap3A_997 = tpu.vector_load %arg9[%swap3A_994, %swap3A_995, %swap3A_996] {strides = array<i32>} : memref<5x40x128xf32, #tpu.memory_space<vmem>>, vector<16xf32>,
        tpu.vector_store %arg9[%swap3A_994, %swap3A_995, %swap3A_996], %mul3A_992 {strides = array<i32>} : memref<5x40x128xf32, #tpu.memory_space<vmem>>, vector<16xf32>,
        %get3A_998 = arith.constant 0 : i32
        %get3A_999 = arith.index_cast %get3A_998 : i32 to index
        %get3A_1000 = arith.index_cast %scan3A_921 : i32 to index
        %get3A_1001 = arith.constant 96 : index
        %get3A_1002 = tpu.vector_load %arg9[%get3A_999, %get3A_1000, %get3A_1001] {strides = array<i32>} : memref<5x40x128xf32, #tpu.memory_space<vmem>>, vector<16xf32>,
        %mul3A_1003 = arith.mulf %get3A_1002, %exp3A_924 : vector<16xf32>
        %swap3A_1004 = arith.constant 0 : i32
        %swap3A_1005 = arith.index_cast %swap3A_1004 : i32 to index
        %swap3A_1006 = arith.index_cast %scan3A_921 : i32 to index
        %swap3A_1007 = arith.constant 96 : index
        %swap3A_1008 = tpu.vector_load %arg9[%swap3A_1005, %swap3A_1006, %swap3A_1007] {strides = array<i32>} : memref<5x40x128xf32, #tpu.memory_space<vmem>>, vector<16xf32>,
        tpu.vector_store %arg9[%swap3A_1005, %swap3A_1006, %swap3A_1007], %mul3A_1003 {strides = array<i32>} : memref<5x40x128xf32, #tpu.memory_space<vmem>>, vector<16xf32>,
        %get3A_1009 = arith.constant 0 : i32
        %get3A_1010 = arith.index_cast %get3A_1009 : i32 to index
        %get3A_1011 = arith.index_cast %scan3A_921 : i32 to index
        %get3A_1012 = arith.constant 112 : index
        %get3A_1013 = tpu.vector_load %arg9[%get3A_1010, %get3A_1011, %get3A_1012] {strides = array<i32>} : memref<5x40x128xf32, #tpu.memory_space<vmem>>, vector<16xf32>,
        %mul3A_1014 = arith.mulf %get3A_1013, %exp3A_924 : vector<16xf32>
        %swap3A_1015 = arith.constant 0 : i32
        %swap3A_1016 = arith.index_cast %swap3A_1015 : i32 to index
        %swap3A_1017 = arith.index_cast %scan3A_921 : i32 to index
        %swap3A_1018 = arith.constant 112 : index
        %swap3A_1019 = tpu.vector_load %arg9[%swap3A_1016, %swap3A_1017, %swap3A_1018] {strides = array<i32>} : memref<5x40x128xf32, #tpu.memory_space<vmem>>, vector<16xf32>,
        tpu.vector_store %arg9[%swap3A_1016, %swap3A_1017, %swap3A_1018], %mul3A_1014 {strides = array<i32>} : memref<5x40x128xf32, #tpu.memory_space<vmem>>, vector<16xf32>,
        %scan3A_1020 = arith.constant 0 : i32
        %scan3A_1021 = arith.constant 2 : i32
        %scan3A_1022 = arith.addi %scan3A_824, %scan3A_1021 : i32
        %broadcast_in_dim3A_1023 = vector.broadcast %scan3A_1022 : i32 to vector<16xi32>
        %gather3A_1024 = tpu.vector_load_idx %arg8[%broadcast_in_dim3A_422, %broadcast_in_dim3A_1023] : memref<5x40xf32, #tpu.memory_space<vmem>>[vector<16xi32>, vector<16xi32>], vector<16xf32>,
        %exp3A_1025 = math.exp %gather3A_1024 : vector<16xf32>
        %gather3A_1026 = tpu.vector_load_idx %arg7[%broadcast_in_dim3A_422, %broadcast_in_dim3A_1023] : memref<5x40xi32, #tpu.memory_space<vmem>>[vector<16xi32>, vector<16xi32>], vector<16xi32>,
        %shift_right_logical3A_1027 = arith.constant 7 : i32
        %shift_right_logical3A_1028 = vector.broadcast %shift_right_logical3A_1027 : i32 to vector<16xi32>
        %shift_right_logical3A_1029 = arith.shrui %gather3A_1026, %shift_right_logical3A_1028 : vector<16xi32>
        %and3A_1030 = arith.constant 127 : i32
        %and3A_1031 = vector.broadcast %and3A_1030 : i32 to vector<16xi32>
        %and3A_1032 = arith.andi %gather3A_1026, %and3A_1031 : vector<16xi32>
        tpu.vector_store_idx %arg10[%shift_right_logical3A_1029, %and3A_1032], %exp3A_1025 masked %eq3A_307 {add = true} : memref<80x128xf32, #tpu.memory_space<vmem>>[vector<16xi32>, vector<16xi32>], vector<16xf32>, vector<16xi1>
        %get3A_1033 = arith.constant 0 : i32
        %get3A_1034 = arith.index_cast %get3A_1033 : i32 to index
        %get3A_1035 = arith.index_cast %scan3A_1022 : i32 to index
        %get3A_1036 = arith.constant 0 : index
        %get3A_1037 = tpu.vector_load %arg9[%get3A_1034, %get3A_1035, %get3A_1036] {strides = array<i32>} : memref<5x40x128xf32, #tpu.memory_space<vmem>>, vector<16xf32>,
        %mul3A_1038 = arith.mulf %get3A_1037, %exp3A_1025 : vector<16xf32>
        %swap3A_1039 = arith.constant 0 : i32
        %swap3A_1040 = arith.index_cast %swap3A_1039 : i32 to index
        %swap3A_1041 = arith.index_cast %scan3A_1022 : i32 to index
        %swap3A_1042 = arith.constant 0 : index
        %swap3A_1043 = tpu.vector_load %arg9[%swap3A_1040, %swap3A_1041, %swap3A_1042] {strides = array<i32>} : memref<5x40x128xf32, #tpu.memory_space<vmem>>, vector<16xf32>,
        tpu.vector_store %arg9[%swap3A_1040, %swap3A_1041, %swap3A_1042], %mul3A_1038 {strides = array<i32>} : memref<5x40x128xf32, #tpu.memory_space<vmem>>, vector<16xf32>,
        %get3A_1044 = arith.constant 0 : i32
        %get3A_1045 = arith.index_cast %get3A_1044 : i32 to index
        %get3A_1046 = arith.index_cast %scan3A_1022 : i32 to index
        %get3A_1047 = arith.constant 16 : index
        %get3A_1048 = tpu.vector_load %arg9[%get3A_1045, %get3A_1046, %get3A_1047] {strides = array<i32>} : memref<5x40x128xf32, #tpu.memory_space<vmem>>, vector<16xf32>,
        %mul3A_1049 = arith.mulf %get3A_1048, %exp3A_1025 : vector<16xf32>
        %swap3A_1050 = arith.constant 0 : i32
        %swap3A_1051 = arith.index_cast %swap3A_1050 : i32 to index
        %swap3A_1052 = arith.index_cast %scan3A_1022 : i32 to index
        %swap3A_1053 = arith.constant 16 : index
        %swap3A_1054 = tpu.vector_load %arg9[%swap3A_1051, %swap3A_1052, %swap3A_1053] {strides = array<i32>} : memref<5x40x128xf32, #tpu.memory_space<vmem>>, vector<16xf32>,
        tpu.vector_store %arg9[%swap3A_1051, %swap3A_1052, %swap3A_1053], %mul3A_1049 {strides = array<i32>} : memref<5x40x128xf32, #tpu.memory_space<vmem>>, vector<16xf32>,
        %get3A_1055 = arith.constant 0 : i32
        %get3A_1056 = arith.index_cast %get3A_1055 : i32 to index
        %get3A_1057 = arith.index_cast %scan3A_1022 : i32 to index
        %get3A_1058 = arith.constant 32 : index
        %get3A_1059 = tpu.vector_load %arg9[%get3A_1056, %get3A_1057, %get3A_1058] {strides = array<i32>} : memref<5x40x128xf32, #tpu.memory_space<vmem>>, vector<16xf32>,
        %mul3A_1060 = arith.mulf %get3A_1059, %exp3A_1025 : vector<16xf32>
        %swap3A_1061 = arith.constant 0 : i32
        %swap3A_1062 = arith.index_cast %swap3A_1061 : i32 to index
        %swap3A_1063 = arith.index_cast %scan3A_1022 : i32 to index
        %swap3A_1064 = arith.constant 32 : index
        %swap3A_1065 = tpu.vector_load %arg9[%swap3A_1062, %swap3A_1063, %swap3A_1064] {strides = array<i32>} : memref<5x40x128xf32, #tpu.memory_space<vmem>>, vector<16xf32>,
        tpu.vector_store %arg9[%swap3A_1062, %swap3A_1063, %swap3A_1064], %mul3A_1060 {strides = array<i32>} : memref<5x40x128xf32, #tpu.memory_space<vmem>>, vector<16xf32>,
        %get3A_1066 = arith.constant 0 : i32
        %get3A_1067 = arith.index_cast %get3A_1066 : i32 to index
        %get3A_1068 = arith.index_cast %scan3A_1022 : i32 to index
        %get3A_1069 = arith.constant 48 : index
        %get3A_1070 = tpu.vector_load %arg9[%get3A_1067, %get3A_1068, %get3A_1069] {strides = array<i32>} : memref<5x40x128xf32, #tpu.memory_space<vmem>>, vector<16xf32>,
        %mul3A_1071 = arith.mulf %get3A_1070, %exp3A_1025 : vector<16xf32>
        %swap3A_1072 = arith.constant 0 : i32
        %swap3A_1073 = arith.index_cast %swap3A_1072 : i32 to index
        %swap3A_1074 = arith.index_cast %scan3A_1022 : i32 to index
        %swap3A_1075 = arith.constant 48 : index
        %swap3A_1076 = tpu.vector_load %arg9[%swap3A_1073, %swap3A_1074, %swap3A_1075] {strides = array<i32>} : memref<5x40x128xf32, #tpu.memory_space<vmem>>, vector<16xf32>,
        tpu.vector_store %arg9[%swap3A_1073, %swap3A_1074, %swap3A_1075], %mul3A_1071 {strides = array<i32>} : memref<5x40x128xf32, #tpu.memory_space<vmem>>, vector<16xf32>,
        %get3A_1077 = arith.constant 0 : i32
        %get3A_1078 = arith.index_cast %get3A_1077 : i32 to index
        %get3A_1079 = arith.index_cast %scan3A_1022 : i32 to index
        %get3A_1080 = arith.constant 64 : index
        %get3A_1081 = tpu.vector_load %arg9[%get3A_1078, %get3A_1079, %get3A_1080] {strides = array<i32>} : memref<5x40x128xf32, #tpu.memory_space<vmem>>, vector<16xf32>,
        %mul3A_1082 = arith.mulf %get3A_1081, %exp3A_1025 : vector<16xf32>
        %swap3A_1083 = arith.constant 0 : i32
        %swap3A_1084 = arith.index_cast %swap3A_1083 : i32 to index
        %swap3A_1085 = arith.index_cast %scan3A_1022 : i32 to index
        %swap3A_1086 = arith.constant 64 : index
        %swap3A_1087 = tpu.vector_load %arg9[%swap3A_1084, %swap3A_1085, %swap3A_1086] {strides = array<i32>} : memref<5x40x128xf32, #tpu.memory_space<vmem>>, vector<16xf32>,
        tpu.vector_store %arg9[%swap3A_1084, %swap3A_1085, %swap3A_1086], %mul3A_1082 {strides = array<i32>} : memref<5x40x128xf32, #tpu.memory_space<vmem>>, vector<16xf32>,
        %get3A_1088 = arith.constant 0 : i32
        %get3A_1089 = arith.index_cast %get3A_1088 : i32 to index
        %get3A_1090 = arith.index_cast %scan3A_1022 : i32 to index
        %get3A_1091 = arith.constant 80 : index
        %get3A_1092 = tpu.vector_load %arg9[%get3A_1089, %get3A_1090, %get3A_1091] {strides = array<i32>} : memref<5x40x128xf32, #tpu.memory_space<vmem>>, vector<16xf32>,
        %mul3A_1093 = arith.mulf %get3A_1092, %exp3A_1025 : vector<16xf32>
        %swap3A_1094 = arith.constant 0 : i32
        %swap3A_1095 = arith.index_cast %swap3A_1094 : i32 to index
        %swap3A_1096 = arith.index_cast %scan3A_1022 : i32 to index
        %swap3A_1097 = arith.constant 80 : index
        %swap3A_1098 = tpu.vector_load %arg9[%swap3A_1095, %swap3A_1096, %swap3A_1097] {strides = array<i32>} : memref<5x40x128xf32, #tpu.memory_space<vmem>>, vector<16xf32>,
        tpu.vector_store %arg9[%swap3A_1095, %swap3A_1096, %swap3A_1097], %mul3A_1093 {strides = array<i32>} : memref<5x40x128xf32, #tpu.memory_space<vmem>>, vector<16xf32>,
        %get3A_1099 = arith.constant 0 : i32
        %get3A_1100 = arith.index_cast %get3A_1099 : i32 to index
        %get3A_1101 = arith.index_cast %scan3A_1022 : i32 to index
        %get3A_1102 = arith.constant 96 : index
        %get3A_1103 = tpu.vector_load %arg9[%get3A_1100, %get3A_1101, %get3A_1102] {strides = array<i32>} : memref<5x40x128xf32, #tpu.memory_space<vmem>>, vector<16xf32>,
        %mul3A_1104 = arith.mulf %get3A_1103, %exp3A_1025 : vector<16xf32>
        %swap3A_1105 = arith.constant 0 : i32
        %swap3A_1106 = arith.index_cast %swap3A_1105 : i32 to index
        %swap3A_1107 = arith.index_cast %scan3A_1022 : i32 to index
        %swap3A_1108 = arith.constant 96 : index
        %swap3A_1109 = tpu.vector_load %arg9[%swap3A_1106, %swap3A_1107, %swap3A_1108] {strides = array<i32>} : memref<5x40x128xf32, #tpu.memory_space<vmem>>, vector<16xf32>,
        tpu.vector_store %arg9[%swap3A_1106, %swap3A_1107, %swap3A_1108], %mul3A_1104 {strides = array<i32>} : memref<5x40x128xf32, #tpu.memory_space<vmem>>, vector<16xf32>,
        %get3A_1110 = arith.constant 0 : i32
        %get3A_1111 = arith.index_cast %get3A_1110 : i32 to index
        %get3A_1112 = arith.index_cast %scan3A_1022 : i32 to index
        %get3A_1113 = arith.constant 112 : index
        %get3A_1114 = tpu.vector_load %arg9[%get3A_1111, %get3A_1112, %get3A_1113] {strides = array<i32>} : memref<5x40x128xf32, #tpu.memory_space<vmem>>, vector<16xf32>,
        %mul3A_1115 = arith.mulf %get3A_1114, %exp3A_1025 : vector<16xf32>
        %swap3A_1116 = arith.constant 0 : i32
        %swap3A_1117 = arith.index_cast %swap3A_1116 : i32 to index
        %swap3A_1118 = arith.index_cast %scan3A_1022 : i32 to index
        %swap3A_1119 = arith.constant 112 : index
        %swap3A_1120 = tpu.vector_load %arg9[%swap3A_1117, %swap3A_1118, %swap3A_1119] {strides = array<i32>} : memref<5x40x128xf32, #tpu.memory_space<vmem>>, vector<16xf32>,
        tpu.vector_store %arg9[%swap3A_1117, %swap3A_1118, %swap3A_1119], %mul3A_1115 {strides = array<i32>} : memref<5x40x128xf32, #tpu.memory_space<vmem>>, vector<16xf32>,
        %scan3A_1121 = arith.constant 0 : i32
        %scan3A_1122 = arith.constant 3 : i32
        %scan3A_1123 = arith.addi %scan3A_824, %scan3A_1122 : i32
        %broadcast_in_dim3A_1124 = vector.broadcast %scan3A_1123 : i32 to vector<16xi32>
        %gather3A_1125 = tpu.vector_load_idx %arg8[%broadcast_in_dim3A_422, %broadcast_in_dim3A_1124] : memref<5x40xf32, #tpu.memory_space<vmem>>[vector<16xi32>, vector<16xi32>], vector<16xf32>,
        %exp3A_1126 = math.exp %gather3A_1125 : vector<16xf32>
        %gather3A_1127 = tpu.vector_load_idx %arg7[%broadcast_in_dim3A_422, %broadcast_in_dim3A_1124] : memref<5x40xi32, #tpu.memory_space<vmem>>[vector<16xi32>, vector<16xi32>], vector<16xi32>,
        %shift_right_logical3A_1128 = arith.constant 7 : i32
        %shift_right_logical3A_1129 = vector.broadcast %shift_right_logical3A_1128 : i32 to vector<16xi32>
        %shift_right_logical3A_1130 = arith.shrui %gather3A_1127, %shift_right_logical3A_1129 : vector<16xi32>
        %and3A_1131 = arith.constant 127 : i32
        %and3A_1132 = vector.broadcast %and3A_1131 : i32 to vector<16xi32>
        %and3A_1133 = arith.andi %gather3A_1127, %and3A_1132 : vector<16xi32>
        tpu.vector_store_idx %arg10[%shift_right_logical3A_1130, %and3A_1133], %exp3A_1126 masked %eq3A_307 {add = true} : memref<80x128xf32, #tpu.memory_space<vmem>>[vector<16xi32>, vector<16xi32>], vector<16xf32>, vector<16xi1>
        %get3A_1134 = arith.constant 0 : i32
        %get3A_1135 = arith.index_cast %get3A_1134 : i32 to index
        %get3A_1136 = arith.index_cast %scan3A_1123 : i32 to index
        %get3A_1137 = arith.constant 0 : index
        %get3A_1138 = tpu.vector_load %arg9[%get3A_1135, %get3A_1136, %get3A_1137] {strides = array<i32>} : memref<5x40x128xf32, #tpu.memory_space<vmem>>, vector<16xf32>,
        %mul3A_1139 = arith.mulf %get3A_1138, %exp3A_1126 : vector<16xf32>
        %swap3A_1140 = arith.constant 0 : i32
        %swap3A_1141 = arith.index_cast %swap3A_1140 : i32 to index
        %swap3A_1142 = arith.index_cast %scan3A_1123 : i32 to index
        %swap3A_1143 = arith.constant 0 : index
        %swap3A_1144 = tpu.vector_load %arg9[%swap3A_1141, %swap3A_1142, %swap3A_1143] {strides = array<i32>} : memref<5x40x128xf32, #tpu.memory_space<vmem>>, vector<16xf32>,
        tpu.vector_store %arg9[%swap3A_1141, %swap3A_1142, %swap3A_1143], %mul3A_1139 {strides = array<i32>} : memref<5x40x128xf32, #tpu.memory_space<vmem>>, vector<16xf32>,
        %get3A_1145 = arith.constant 0 : i32
        %get3A_1146 = arith.index_cast %get3A_1145 : i32 to index
        %get3A_1147 = arith.index_cast %scan3A_1123 : i32 to index
        %get3A_1148 = arith.constant 16 : index
        %get3A_1149 = tpu.vector_load %arg9[%get3A_1146, %get3A_1147, %get3A_1148] {strides = array<i32>} : memref<5x40x128xf32, #tpu.memory_space<vmem>>, vector<16xf32>,
        %mul3A_1150 = arith.mulf %get3A_1149, %exp3A_1126 : vector<16xf32>
        %swap3A_1151 = arith.constant 0 : i32
        %swap3A_1152 = arith.index_cast %swap3A_1151 : i32 to index
        %swap3A_1153 = arith.index_cast %scan3A_1123 : i32 to index
        %swap3A_1154 = arith.constant 16 : index
        %swap3A_1155 = tpu.vector_load %arg9[%swap3A_1152, %swap3A_1153, %swap3A_1154] {strides = array<i32>} : memref<5x40x128xf32, #tpu.memory_space<vmem>>, vector<16xf32>,
        tpu.vector_store %arg9[%swap3A_1152, %swap3A_1153, %swap3A_1154], %mul3A_1150 {strides = array<i32>} : memref<5x40x128xf32, #tpu.memory_space<vmem>>, vector<16xf32>,
        %get3A_1156 = arith.constant 0 : i32
        %get3A_1157 = arith.index_cast %get3A_1156 : i32 to index
        %get3A_1158 = arith.index_cast %scan3A_1123 : i32 to index
        %get3A_1159 = arith.constant 32 : index
        %get3A_1160 = tpu.vector_load %arg9[%get3A_1157, %get3A_1158, %get3A_1159] {strides = array<i32>} : memref<5x40x128xf32, #tpu.memory_space<vmem>>, vector<16xf32>,
        %mul3A_1161 = arith.mulf %get3A_1160, %exp3A_1126 : vector<16xf32>
        %swap3A_1162 = arith.constant 0 : i32
        %swap3A_1163 = arith.index_cast %swap3A_1162 : i32 to index
        %swap3A_1164 = arith.index_cast %scan3A_1123 : i32 to index
        %swap3A_1165 = arith.constant 32 : index
        %swap3A_1166 = tpu.vector_load %arg9[%swap3A_1163, %swap3A_1164, %swap3A_1165] {strides = array<i32>} : memref<5x40x128xf32, #tpu.memory_space<vmem>>, vector<16xf32>,
        tpu.vector_store %arg9[%swap3A_1163, %swap3A_1164, %swap3A_1165], %mul3A_1161 {strides = array<i32>} : memref<5x40x128xf32, #tpu.memory_space<vmem>>, vector<16xf32>,
        %get3A_1167 = arith.constant 0 : i32
        %get3A_1168 = arith.index_cast %get3A_1167 : i32 to index
        %get3A_1169 = arith.index_cast %scan3A_1123 : i32 to index
        %get3A_1170 = arith.constant 48 : index
        %get3A_1171 = tpu.vector_load %arg9[%get3A_1168, %get3A_1169, %get3A_1170] {strides = array<i32>} : memref<5x40x128xf32, #tpu.memory_space<vmem>>, vector<16xf32>,
        %mul3A_1172 = arith.mulf %get3A_1171, %exp3A_1126 : vector<16xf32>
        %swap3A_1173 = arith.constant 0 : i32
        %swap3A_1174 = arith.index_cast %swap3A_1173 : i32 to index
        %swap3A_1175 = arith.index_cast %scan3A_1123 : i32 to index
        %swap3A_1176 = arith.constant 48 : index
        %swap3A_1177 = tpu.vector_load %arg9[%swap3A_1174, %swap3A_1175, %swap3A_1176] {strides = array<i32>} : memref<5x40x128xf32, #tpu.memory_space<vmem>>, vector<16xf32>,
        tpu.vector_store %arg9[%swap3A_1174, %swap3A_1175, %swap3A_1176], %mul3A_1172 {strides = array<i32>} : memref<5x40x128xf32, #tpu.memory_space<vmem>>, vector<16xf32>,
        %get3A_1178 = arith.constant 0 : i32
        %get3A_1179 = arith.index_cast %get3A_1178 : i32 to index
        %get3A_1180 = arith.index_cast %scan3A_1123 : i32 to index
        %get3A_1181 = arith.constant 64 : index
        %get3A_1182 = tpu.vector_load %arg9[%get3A_1179, %get3A_1180, %get3A_1181] {strides = array<i32>} : memref<5x40x128xf32, #tpu.memory_space<vmem>>, vector<16xf32>,
        %mul3A_1183 = arith.mulf %get3A_1182, %exp3A_1126 : vector<16xf32>
        %swap3A_1184 = arith.constant 0 : i32
        %swap3A_1185 = arith.index_cast %swap3A_1184 : i32 to index
        %swap3A_1186 = arith.index_cast %scan3A_1123 : i32 to index
        %swap3A_1187 = arith.constant 64 : index
        %swap3A_1188 = tpu.vector_load %arg9[%swap3A_1185, %swap3A_1186, %swap3A_1187] {strides = array<i32>} : memref<5x40x128xf32, #tpu.memory_space<vmem>>, vector<16xf32>,
        tpu.vector_store %arg9[%swap3A_1185, %swap3A_1186, %swap3A_1187], %mul3A_1183 {strides = array<i32>} : memref<5x40x128xf32, #tpu.memory_space<vmem>>, vector<16xf32>,
        %get3A_1189 = arith.constant 0 : i32
        %get3A_1190 = arith.index_cast %get3A_1189 : i32 to index
        %get3A_1191 = arith.index_cast %scan3A_1123 : i32 to index
        %get3A_1192 = arith.constant 80 : index
        %get3A_1193 = tpu.vector_load %arg9[%get3A_1190, %get3A_1191, %get3A_1192] {strides = array<i32>} : memref<5x40x128xf32, #tpu.memory_space<vmem>>, vector<16xf32>,
        %mul3A_1194 = arith.mulf %get3A_1193, %exp3A_1126 : vector<16xf32>
        %swap3A_1195 = arith.constant 0 : i32
        %swap3A_1196 = arith.index_cast %swap3A_1195 : i32 to index
        %swap3A_1197 = arith.index_cast %scan3A_1123 : i32 to index
        %swap3A_1198 = arith.constant 80 : index
        %swap3A_1199 = tpu.vector_load %arg9[%swap3A_1196, %swap3A_1197, %swap3A_1198] {strides = array<i32>} : memref<5x40x128xf32, #tpu.memory_space<vmem>>, vector<16xf32>,
        tpu.vector_store %arg9[%swap3A_1196, %swap3A_1197, %swap3A_1198], %mul3A_1194 {strides = array<i32>} : memref<5x40x128xf32, #tpu.memory_space<vmem>>, vector<16xf32>,
        %get3A_1200 = arith.constant 0 : i32
        %get3A_1201 = arith.index_cast %get3A_1200 : i32 to index
        %get3A_1202 = arith.index_cast %scan3A_1123 : i32 to index
        %get3A_1203 = arith.constant 96 : index
        %get3A_1204 = tpu.vector_load %arg9[%get3A_1201, %get3A_1202, %get3A_1203] {strides = array<i32>} : memref<5x40x128xf32, #tpu.memory_space<vmem>>, vector<16xf32>,
        %mul3A_1205 = arith.mulf %get3A_1204, %exp3A_1126 : vector<16xf32>
        %swap3A_1206 = arith.constant 0 : i32
        %swap3A_1207 = arith.index_cast %swap3A_1206 : i32 to index
        %swap3A_1208 = arith.index_cast %scan3A_1123 : i32 to index
        %swap3A_1209 = arith.constant 96 : index
        %swap3A_1210 = tpu.vector_load %arg9[%swap3A_1207, %swap3A_1208, %swap3A_1209] {strides = array<i32>} : memref<5x40x128xf32, #tpu.memory_space<vmem>>, vector<16xf32>,
        tpu.vector_store %arg9[%swap3A_1207, %swap3A_1208, %swap3A_1209], %mul3A_1205 {strides = array<i32>} : memref<5x40x128xf32, #tpu.memory_space<vmem>>, vector<16xf32>,
        %get3A_1211 = arith.constant 0 : i32
        %get3A_1212 = arith.index_cast %get3A_1211 : i32 to index
        %get3A_1213 = arith.index_cast %scan3A_1123 : i32 to index
        %get3A_1214 = arith.constant 112 : index
        %get3A_1215 = tpu.vector_load %arg9[%get3A_1212, %get3A_1213, %get3A_1214] {strides = array<i32>} : memref<5x40x128xf32, #tpu.memory_space<vmem>>, vector<16xf32>,
        %mul3A_1216 = arith.mulf %get3A_1215, %exp3A_1126 : vector<16xf32>
        %swap3A_1217 = arith.constant 0 : i32
        %swap3A_1218 = arith.index_cast %swap3A_1217 : i32 to index
        %swap3A_1219 = arith.index_cast %scan3A_1123 : i32 to index
        %swap3A_1220 = arith.constant 112 : index
        %swap3A_1221 = tpu.vector_load %arg9[%swap3A_1218, %swap3A_1219, %swap3A_1220] {strides = array<i32>} : memref<5x40x128xf32, #tpu.memory_space<vmem>>, vector<16xf32>,
        tpu.vector_store %arg9[%swap3A_1218, %swap3A_1219, %swap3A_1220], %mul3A_1216 {strides = array<i32>} : memref<5x40x128xf32, #tpu.memory_space<vmem>>, vector<16xf32>,
        %scan3A_1222 = arith.constant 0 : i32
        scf.yield %scan3A_1222 : i32
      }
      %scan3A_429 = arith.constant 40 : i32
      %dma_start3A_430 = arith.constant 0 : i32
      %dma_start3A_431 = arith.constant 0 : i32
      %dma_start3A_432 = arith.constant 0 : i32
      %dma_start3A_433 = arith.constant 0 : i32
      %dma_start3A_434 = arith.constant 0 : i32
      %dma_start3A_435 = tpu.memref_slice %arg9[%dma_start3A_430, %dma_start3A_433, %dma_start3A_434] : memref<5x40x128xf32, #tpu.memory_space<vmem>> -> memref<1x40x128xf32, #tpu.memory_space<vmem>>
      %dma_start3A_436 = tpu.memref_squeeze %dma_start3A_435 : memref<1x40x128xf32, #tpu.memory_space<vmem>> -> memref<40x128xf32, #tpu.memory_space<vmem>>
      %dma_start3A_437 = arith.constant 0 : i32
      %dma_start3A_438 = tpu.memref_slice %arg7[%dma_start3A_431, %dma_start3A_437] : memref<5x40xi32, #tpu.memory_space<vmem>> -> memref<1x40xi32, #tpu.memory_space<vmem>>
      %dma_start3A_439 = tpu.memref_squeeze %dma_start3A_438 : memref<1x40xi32, #tpu.memory_space<vmem>> -> memref<40xi32, #tpu.memory_space<vmem>>
      %dma_start3A_440 = arith.constant 0 : i32
      %dma_start3A_441 = arith.constant 0 : i32
      %dma_start3A_442 = tpu.memref_slice %arg12[%dma_start3A_440, %dma_start3A_441] : memref<10000x128xf32, #tpu.memory_space<vmem_shared>> -> memref<10000x128xf32, #tpu.memory_space<vmem_shared>>
      %dma_start3A_443 = tpu.memref_slice %arg14[%dma_start3A_432] : memref<5x!tpu.dma_semaphore, #tpu.memory_space<semaphore_mem>> -> memref<1x!tpu.dma_semaphore, #tpu.memory_space<semaphore_mem>>
      %dma_start3A_444 = tpu.memref_squeeze %dma_start3A_443 : memref<1x!tpu.dma_semaphore, #tpu.memory_space<semaphore_mem>> -> memref<!tpu.dma_semaphore, #tpu.memory_space<semaphore_mem>>
      tpu.enqueue_indirect_dma source(%dma_start3A_436 : memref<40x128xf32, #tpu.memory_space<vmem>>) target(%dma_start3A_442 : memref<10000x128xf32, #tpu.memory_space<vmem_shared>>) offsets(%dma_start3A_439 : memref<40xi32, #tpu.memory_space<vmem>>) semaphore(%dma_start3A_444 : memref<!tpu.dma_semaphore, #tpu.memory_space<semaphore_mem>>) {add = true}
      %ge3A = arith.constant 3 : i32
      %ge3A_445 = arith.cmpi sge, %add3A_370, %ge3A : i32
      %convert_element_type3A_446 = arith.extui %ge3A_445 : i1 to i32
      %cond3A_447 = arith.constant 0 : i32
      %cond3A_448 = arith.cmpi ne, %convert_element_type3A_446, %cond3A_447 : i32
      scf.if %cond3A_448 {
        %dma_wait3A_824 = arith.constant 2 : i32
        %dma_wait3A_825 = arith.constant 2 : i32
        %dma_wait3A_826 = arith.constant 2 : i32
        %dma_wait3A_827 = arith.constant 0 : i32
        %dma_wait3A_828 = arith.constant 0 : i32
        %dma_wait3A_829 = tpu.memref_slice %arg9[%dma_wait3A_824, %dma_wait3A_827, %dma_wait3A_828] : memref<5x40x128xf32, #tpu.memory_space<vmem>> -> memref<1x40x128xf32, #tpu.memory_space<vmem>>
        %dma_wait3A_830 = tpu.memref_squeeze %dma_wait3A_829 : memref<1x40x128xf32, #tpu.memory_space<vmem>> -> memref<40x128xf32, #tpu.memory_space<vmem>>
        %dma_wait3A_831 = arith.constant 0 : i32
        %dma_wait3A_832 = tpu.memref_slice %arg7[%dma_wait3A_825, %dma_wait3A_831] : memref<5x40xi32, #tpu.memory_space<vmem>> -> memref<1x40xi32, #tpu.memory_space<vmem>>
        %dma_wait3A_833 = tpu.memref_squeeze %dma_wait3A_832 : memref<1x40xi32, #tpu.memory_space<vmem>> -> memref<40xi32, #tpu.memory_space<vmem>>
        %dma_wait3A_834 = arith.constant 0 : i32
        %dma_wait3A_835 = arith.constant 0 : i32
        %dma_wait3A_836 = tpu.memref_slice %arg12[%dma_wait3A_834, %dma_wait3A_835] : memref<10000x128xf32, #tpu.memory_space<vmem_shared>> -> memref<10000x128xf32, #tpu.memory_space<vmem_shared>>
        %dma_wait3A_837 = tpu.memref_slice %arg14[%dma_wait3A_826] : memref<5x!tpu.dma_semaphore, #tpu.memory_space<semaphore_mem>> -> memref<1x!tpu.dma_semaphore, #tpu.memory_space<semaphore_mem>>
        %dma_wait3A_838 = tpu.memref_squeeze %dma_wait3A_837 : memref<1x!tpu.dma_semaphore, #tpu.memory_space<semaphore_mem>> -> memref<!tpu.dma_semaphore, #tpu.memory_space<semaphore_mem>>
        tpu.wait_indirect_dma semaphore(%dma_wait3A_838 : memref<!tpu.dma_semaphore, #tpu.memory_space<semaphore_mem>>) src(%dma_wait3A_830 : memref<40x128xf32, #tpu.memory_space<vmem>>) dst(%dma_wait3A_836 : memref<10000x128xf32, #tpu.memory_space<vmem_shared>>)
      } else {
      }
      %ge3A_449 = arith.constant 3 : i32
      %ge3A_450 = arith.cmpi sge, %add3A_370, %ge3A_449 : i32
      %le3A = arith.constant 247 : i32
      %le3A_451 = arith.cmpi sle, %add3A_370, %le3A : i32
      %and3A = arith.andi %ge3A_450, %le3A_451 : i1
      %convert_element_type3A_452 = arith.extui %and3A : i1 to i32
      %cond3A_453 = arith.constant 0 : i32
      %cond3A_454 = arith.cmpi ne, %convert_element_type3A_452, %cond3A_453 : i32
      scf.if %cond3A_454 {
        %add3A_824 = arith.constant 2 : i32
        %add3A_825 = arith.addi %add3A_370, %add3A_824 : i32
        %mul3A_826 = arith.constant 40 : i32
        %mul3A_827 = arith.muli %add3A_825, %mul3A_826 : i32
        %add3A_828 = arith.addi %mul3A_2, %mul3A_827 : i32
        %dma_start3A_829 = arith.constant 2 : i32
        %dma_start3A_830 = arith.constant 2 : i32
        %dma_start3A_831 = arith.constant 0 : i32
        %dma_start3A_832 = arith.constant 0 : i32
        %dma_start3A_833 = tpu.memref_slice %arg9[%dma_start3A_829, %dma_start3A_831, %dma_start3A_832] : memref<5x40x128xf32, #tpu.memory_space<vmem>> -> memref<1x40x128xf32, #tpu.memory_space<vmem>>
        %dma_start3A_834 = tpu.memref_squeeze %dma_start3A_833 : memref<1x40x128xf32, #tpu.memory_space<vmem>> -> memref<40x128xf32, #tpu.memory_space<vmem>>
        %dma_start3A_835 = arith.constant 0 : i32
        %dma_start3A_836 = tpu.memref_slice %arg4[%add3A_828, %dma_start3A_835] : memref<320000x128xf32, #tpu.memory_space<hbm>> -> memref<40x128xf32, #tpu.memory_space<hbm>>
        %dma_start3A_837 = tpu.memref_slice %arg13[%dma_start3A_830] : memref<5x!tpu.dma_semaphore, #tpu.memory_space<semaphore_mem>> -> memref<1x!tpu.dma_semaphore, #tpu.memory_space<semaphore_mem>>
        %dma_start3A_838 = tpu.memref_squeeze %dma_start3A_837 : memref<1x!tpu.dma_semaphore, #tpu.memory_space<semaphore_mem>> -> memref<!tpu.dma_semaphore, #tpu.memory_space<semaphore_mem>>
        %dma_start3A_839 = arith.constant 0 : i32
        %dma_start3A_840 = arith.constant 0 : i32
        %dma_start3A_841 = tpu.memref_slice %arg9[%dma_start3A_829, %dma_start3A_839, %dma_start3A_840] : memref<5x40x128xf32, #tpu.memory_space<vmem>> -> memref<1x40x128xf32, #tpu.memory_space<vmem>>
        %dma_start3A_842 = tpu.memref_squeeze %dma_start3A_841 : memref<1x40x128xf32, #tpu.memory_space<vmem>> -> memref<40x128xf32, #tpu.memory_space<vmem>>
        %dma_start3A_843 = arith.constant 0 : i32
        %dma_start3A_844 = tpu.memref_slice %arg4[%add3A_828, %dma_start3A_843] : memref<320000x128xf32, #tpu.memory_space<hbm>> -> memref<40x128xf32, #tpu.memory_space<hbm>>
        tpu.enqueue_dma source(%dma_start3A_844 : memref<40x128xf32, #tpu.memory_space<hbm>>) target(%dma_start3A_842 : memref<40x128xf32, #tpu.memory_space<vmem>>) target_semaphore(%dma_start3A_838 : memref<!tpu.dma_semaphore, #tpu.memory_space<semaphore_mem>>)
        %dma_start3A_845 = arith.constant 2 : i32
        %dma_start3A_846 = arith.constant 2 : i32
        %dma_start3A_847 = arith.constant 0 : i32
        %dma_start3A_848 = tpu.memref_slice %arg7[%dma_start3A_845, %dma_start3A_847] : memref<5x40xi32, #tpu.memory_space<vmem>> -> memref<1x40xi32, #tpu.memory_space<vmem>>
        %dma_start3A_849 = tpu.memref_squeeze %dma_start3A_848 : memref<1x40xi32, #tpu.memory_space<vmem>> -> memref<40xi32, #tpu.memory_space<vmem>>
        %dma_start3A_850 = arith.constant 0 : i32
        %dma_start3A_851 = tpu.memref_slice %arg2[%add3A, %add3A_825, %dma_start3A_850] : memref<32x250x40xi32, #tpu.memory_space<hbm>> -> memref<1x1x40xi32, #tpu.memory_space<hbm>>
        %dma_start3A_852 = tpu.memref_squeeze %dma_start3A_851 : memref<1x1x40xi32, #tpu.memory_space<hbm>> -> memref<40xi32, #tpu.memory_space<hbm>>
        %dma_start3A_853 = tpu.memref_slice %arg13[%dma_start3A_846] : memref<5x!tpu.dma_semaphore, #tpu.memory_space<semaphore_mem>> -> memref<1x!tpu.dma_semaphore, #tpu.memory_space<semaphore_mem>>
        %dma_start3A_854 = tpu.memref_squeeze %dma_start3A_853 : memref<1x!tpu.dma_semaphore, #tpu.memory_space<semaphore_mem>> -> memref<!tpu.dma_semaphore, #tpu.memory_space<semaphore_mem>>
        %dma_start3A_855 = arith.constant 0 : i32
        %dma_start3A_856 = tpu.memref_slice %arg7[%dma_start3A_845, %dma_start3A_855] : memref<5x40xi32, #tpu.memory_space<vmem>> -> memref<1x40xi32, #tpu.memory_space<vmem>>
        %dma_start3A_857 = tpu.memref_squeeze %dma_start3A_856 : memref<1x40xi32, #tpu.memory_space<vmem>> -> memref<40xi32, #tpu.memory_space<vmem>>
        %dma_start3A_858 = arith.constant 0 : i32
        %dma_start3A_859 = tpu.memref_slice %arg2[%add3A, %add3A_825, %dma_start3A_858] : memref<32x250x40xi32, #tpu.memory_space<hbm>> -> memref<1x1x40xi32, #tpu.memory_space<hbm>>
        %dma_start3A_860 = tpu.memref_squeeze %dma_start3A_859 : memref<1x1x40xi32, #tpu.memory_space<hbm>> -> memref<40xi32, #tpu.memory_space<hbm>>
        tpu.enqueue_dma source(%dma_start3A_860 : memref<40xi32, #tpu.memory_space<hbm>>) target(%dma_start3A_857 : memref<40xi32, #tpu.memory_space<vmem>>) target_semaphore(%dma_start3A_854 : memref<!tpu.dma_semaphore, #tpu.memory_space<semaphore_mem>>)
        %dma_start3A_861 = arith.constant 2 : i32
        %dma_start3A_862 = arith.constant 2 : i32
        %dma_start3A_863 = arith.constant 0 : i32
        %dma_start3A_864 = tpu.memref_slice %arg8[%dma_start3A_861, %dma_start3A_863] : memref<5x40xf32, #tpu.memory_space<vmem>> -> memref<1x40xf32, #tpu.memory_space<vmem>>
        %dma_start3A_865 = tpu.memref_squeeze %dma_start3A_864 : memref<1x40xf32, #tpu.memory_space<vmem>> -> memref<40xf32, #tpu.memory_space<vmem>>
        %dma_start3A_866 = arith.constant 0 : i32
        %dma_start3A_867 = tpu.memref_slice %arg3[%add3A, %add3A_825, %dma_start3A_866] : memref<32x250x40xf32, #tpu.memory_space<hbm>> -> memref<1x1x40xf32, #tpu.memory_space<hbm>>
        %dma_start3A_868 = tpu.memref_squeeze %dma_start3A_867 : memref<1x1x40xf32, #tpu.memory_space<hbm>> -> memref<40xf32, #tpu.memory_space<hbm>>
        %dma_start3A_869 = tpu.memref_slice %arg13[%dma_start3A_862] : memref<5x!tpu.dma_semaphore, #tpu.memory_space<semaphore_mem>> -> memref<1x!tpu.dma_semaphore, #tpu.memory_space<semaphore_mem>>
        %dma_start3A_870 = tpu.memref_squeeze %dma_start3A_869 : memref<1x!tpu.dma_semaphore, #tpu.memory_space<semaphore_mem>> -> memref<!tpu.dma_semaphore, #tpu.memory_space<semaphore_mem>>
        %dma_start3A_871 = arith.constant 0 : i32
        %dma_start3A_872 = tpu.memref_slice %arg8[%dma_start3A_861, %dma_start3A_871] : memref<5x40xf32, #tpu.memory_space<vmem>> -> memref<1x40xf32, #tpu.memory_space<vmem>>
        %dma_start3A_873 = tpu.memref_squeeze %dma_start3A_872 : memref<1x40xf32, #tpu.memory_space<vmem>> -> memref<40xf32, #tpu.memory_space<vmem>>
        %dma_start3A_874 = arith.constant 0 : i32
        %dma_start3A_875 = tpu.memref_slice %arg3[%add3A, %add3A_825, %dma_start3A_874] : memref<32x250x40xf32, #tpu.memory_space<hbm>> -> memref<1x1x40xf32, #tpu.memory_space<hbm>>
        %dma_start3A_876 = tpu.memref_squeeze %dma_start3A_875 : memref<1x1x40xf32, #tpu.memory_space<hbm>> -> memref<40xf32, #tpu.memory_space<hbm>>
        tpu.enqueue_dma source(%dma_start3A_876 : memref<40xf32, #tpu.memory_space<hbm>>) target(%dma_start3A_873 : memref<40xf32, #tpu.memory_space<vmem>>) target_semaphore(%dma_start3A_870 : memref<!tpu.dma_semaphore, #tpu.memory_space<semaphore_mem>>)
      } else {
      }
      %mul3A_455 = arith.constant 5 : i32
      %mul3A_456 = arith.muli %scan3A_365, %mul3A_455 : i32
      %add3A_457 = arith.constant 1 : i32
      %add3A_458 = arith.addi %mul3A_456, %add3A_457 : i32
      %mul3A_459 = arith.constant 40 : i32
      %mul3A_460 = arith.muli %add3A_458, %mul3A_459 : i32
      %add3A_461 = arith.addi %mul3A_2, %mul3A_460 : i32
      %dma_wait3A_462 = arith.constant 1 : i32
      %dma_wait3A_463 = arith.constant 1 : i32
      %dma_wait3A_464 = arith.constant 0 : i32
      %dma_wait3A_465 = arith.constant 0 : i32
      %dma_wait3A_466 = tpu.memref_slice %arg9[%dma_wait3A_462, %dma_wait3A_464, %dma_wait3A_465] : memref<5x40x128xf32, #tpu.memory_space<vmem>> -> memref<1x40x128xf32, #tpu.memory_space<vmem>>
      %dma_wait3A_467 = tpu.memref_squeeze %dma_wait3A_466 : memref<1x40x128xf32, #tpu.memory_space<vmem>> -> memref<40x128xf32, #tpu.memory_space<vmem>>
      %dma_wait3A_468 = arith.constant 0 : i32
      %dma_wait3A_469 = tpu.memref_slice %arg4[%add3A_461, %dma_wait3A_468] : memref<320000x128xf32, #tpu.memory_space<hbm>> -> memref<40x128xf32, #tpu.memory_space<hbm>>
      %dma_wait3A_470 = tpu.memref_slice %arg13[%dma_wait3A_463] : memref<5x!tpu.dma_semaphore, #tpu.memory_space<semaphore_mem>> -> memref<1x!tpu.dma_semaphore, #tpu.memory_space<semaphore_mem>>
      %dma_wait3A_471 = tpu.memref_squeeze %dma_wait3A_470 : memref<1x!tpu.dma_semaphore, #tpu.memory_space<semaphore_mem>> -> memref<!tpu.dma_semaphore, #tpu.memory_space<semaphore_mem>>
      %dma_wait3A_472 = arith.constant 0 : i32
      %dma_wait3A_473 = arith.constant 0 : i32
      %dma_wait3A_474 = tpu.memref_slice %arg9[%dma_wait3A_462, %dma_wait3A_472, %dma_wait3A_473] : memref<5x40x128xf32, #tpu.memory_space<vmem>> -> memref<1x40x128xf32, #tpu.memory_space<vmem>>
      %dma_wait3A_475 = tpu.memref_squeeze %dma_wait3A_474 : memref<1x40x128xf32, #tpu.memory_space<vmem>> -> memref<40x128xf32, #tpu.memory_space<vmem>>
      %dma_wait3A_476 = arith.constant 0 : i32
      %dma_wait3A_477 = tpu.memref_slice %arg4[%add3A_461, %dma_wait3A_476] : memref<320000x128xf32, #tpu.memory_space<hbm>> -> memref<40x128xf32, #tpu.memory_space<hbm>>
      tpu.wait_dma2 semaphore(%dma_wait3A_471 : memref<!tpu.dma_semaphore, #tpu.memory_space<semaphore_mem>>) src(%dma_wait3A_477 : memref<40x128xf32, #tpu.memory_space<hbm>>) dst(%dma_wait3A_475 : memref<40x128xf32, #tpu.memory_space<vmem>>)
      %dma_wait3A_478 = arith.constant 1 : i32
      %dma_wait3A_479 = arith.constant 1 : i32
      %dma_wait3A_480 = arith.constant 0 : i32
      %dma_wait3A_481 = tpu.memref_slice %arg7[%dma_wait3A_478, %dma_wait3A_480] : memref<5x40xi32, #tpu.memory_space<vmem>> -> memref<1x40xi32, #tpu.memory_space<vmem>>
      %dma_wait3A_482 = tpu.memref_squeeze %dma_wait3A_481 : memref<1x40xi32, #tpu.memory_space<vmem>> -> memref<40xi32, #tpu.memory_space<vmem>>
      %dma_wait3A_483 = arith.constant 0 : i32
      %dma_wait3A_484 = tpu.memref_slice %arg2[%add3A, %add3A_458, %dma_wait3A_483] : memref<32x250x40xi32, #tpu.memory_space<hbm>> -> memref<1x1x40xi32, #tpu.memory_space<hbm>>
      %dma_wait3A_485 = tpu.memref_squeeze %dma_wait3A_484 : memref<1x1x40xi32, #tpu.memory_space<hbm>> -> memref<40xi32, #tpu.memory_space<hbm>>
      %dma_wait3A_486 = tpu.memref_slice %arg13[%dma_wait3A_479] : memref<5x!tpu.dma_semaphore, #tpu.memory_space<semaphore_mem>> -> memref<1x!tpu.dma_semaphore, #tpu.memory_space<semaphore_mem>>
      %dma_wait3A_487 = tpu.memref_squeeze %dma_wait3A_486 : memref<1x!tpu.dma_semaphore, #tpu.memory_space<semaphore_mem>> -> memref<!tpu.dma_semaphore, #tpu.memory_space<semaphore_mem>>
      %dma_wait3A_488 = arith.constant 0 : i32
      %dma_wait3A_489 = tpu.memref_slice %arg7[%dma_wait3A_478, %dma_wait3A_488] : memref<5x40xi32, #tpu.memory_space<vmem>> -> memref<1x40xi32, #tpu.memory_space<vmem>>
      %dma_wait3A_490 = tpu.memref_squeeze %dma_wait3A_489 : memref<1x40xi32, #tpu.memory_space<vmem>> -> memref<40xi32, #tpu.memory_space<vmem>>
      %dma_wait3A_491 = arith.constant 0 : i32
      %dma_wait3A_492 = tpu.memref_slice %arg2[%add3A, %add3A_458, %dma_wait3A_491] : memref<32x250x40xi32, #tpu.memory_space<hbm>> -> memref<1x1x40xi32, #tpu.memory_space<hbm>>
      %dma_wait3A_493 = tpu.memref_squeeze %dma_wait3A_492 : memref<1x1x40xi32, #tpu.memory_space<hbm>> -> memref<40xi32, #tpu.memory_space<hbm>>
      tpu.wait_dma2 semaphore(%dma_wait3A_487 : memref<!tpu.dma_semaphore, #tpu.memory_space<semaphore_mem>>) src(%dma_wait3A_493 : memref<40xi32, #tpu.memory_space<hbm>>) dst(%dma_wait3A_490 : memref<40xi32, #tpu.memory_space<vmem>>)
      %dma_wait3A_494 = arith.constant 1 : i32
      %dma_wait3A_495 = arith.constant 1 : i32
      %dma_wait3A_496 = arith.constant 0 : i32
      %dma_wait3A_497 = tpu.memref_slice %arg8[%dma_wait3A_494, %dma_wait3A_496] : memref<5x40xf32, #tpu.memory_space<vmem>> -> memref<1x40xf32, #tpu.memory_space<vmem>>
      %dma_wait3A_498 = tpu.memref_squeeze %dma_wait3A_497 : memref<1x40xf32, #tpu.memory_space<vmem>> -> memref<40xf32, #tpu.memory_space<vmem>>
      %dma_wait3A_499 = arith.constant 0 : i32
      %dma_wait3A_500 = tpu.memref_slice %arg3[%add3A, %add3A_458, %dma_wait3A_499] : memref<32x250x40xf32, #tpu.memory_space<hbm>> -> memref<1x1x40xf32, #tpu.memory_space<hbm>>
      %dma_wait3A_501 = tpu.memref_squeeze %dma_wait3A_500 : memref<1x1x40xf32, #tpu.memory_space<hbm>> -> memref<40xf32, #tpu.memory_space<hbm>>
      %dma_wait3A_502 = tpu.memref_slice %arg13[%dma_wait3A_495] : memref<5x!tpu.dma_semaphore, #tpu.memory_space<semaphore_mem>> -> memref<1x!tpu.dma_semaphore, #tpu.memory_space<semaphore_mem>>
      %dma_wait3A_503 = tpu.memref_squeeze %dma_wait3A_502 : memref<1x!tpu.dma_semaphore, #tpu.memory_space<semaphore_mem>> -> memref<!tpu.dma_semaphore, #tpu.memory_space<semaphore_mem>>
      %dma_wait3A_504 = arith.constant 0 : i32
      %dma_wait3A_505 = tpu.memref_slice %arg8[%dma_wait3A_494, %dma_wait3A_504] : memref<5x40xf32, #tpu.memory_space<vmem>> -> memref<1x40xf32, #tpu.memory_space<vmem>>
      %dma_wait3A_506 = tpu.memref_squeeze %dma_wait3A_505 : memref<1x40xf32, #tpu.memory_space<vmem>> -> memref<40xf32, #tpu.memory_space<vmem>>
      %dma_wait3A_507 = arith.constant 0 : i32
      %dma_wait3A_508 = tpu.memref_slice %arg3[%add3A, %add3A_458, %dma_wait3A_507] : memref<32x250x40xf32, #tpu.memory_space<hbm>> -> memref<1x1x40xf32, #tpu.memory_space<hbm>>
      %dma_wait3A_509 = tpu.memref_squeeze %dma_wait3A_508 : memref<1x1x40xf32, #tpu.memory_space<hbm>> -> memref<40xf32, #tpu.memory_space<hbm>>
      tpu.wait_dma2 semaphore(%dma_wait3A_503 : memref<!tpu.dma_semaphore, #tpu.memory_space<semaphore_mem>>) src(%dma_wait3A_509 : memref<40xf32, #tpu.memory_space<hbm>>) dst(%dma_wait3A_506 : memref<40xf32, #tpu.memory_space<vmem>>)
      %broadcast_in_dim3A_510 = arith.constant 1 : i32
      %broadcast_in_dim3A_511 = vector.broadcast %broadcast_in_dim3A_510 : i32 to vector<16xi32>
      %scan3A_512 = arith.constant 0 : i32
      %scan3A_513 = arith.constant 0 : i32
      %scan3A_514 = arith.constant 40 : i32
      %scan3A_515 = arith.addi %scan3A_513, %scan3A_514 : i32
      %scan3A_516 = arith.constant 4 : i32
      %scan3A_517 = scf.for %scan3A_824 = %scan3A_513 to %scan3A_515 step %scan3A_516 iter_args(%scan3A_825 = %scan3A_512) -> (i32)  : i32 {
        %broadcast_in_dim3A_826 = vector.broadcast %scan3A_824 : i32 to vector<16xi32>
        %gather3A = tpu.vector_load_idx %arg8[%broadcast_in_dim3A_511, %broadcast_in_dim3A_826] : memref<5x40xf32, #tpu.memory_space<vmem>>[vector<16xi32>, vector<16xi32>], vector<16xf32>,
        %exp3A = math.exp %gather3A : vector<16xf32>
        %gather3A_827 = tpu.vector_load_idx %arg7[%broadcast_in_dim3A_511, %broadcast_in_dim3A_826] : memref<5x40xi32, #tpu.memory_space<vmem>>[vector<16xi32>, vector<16xi32>], vector<16xi32>,
        %shift_right_logical3A = arith.constant 7 : i32
        %shift_right_logical3A_828 = vector.broadcast %shift_right_logical3A : i32 to vector<16xi32>
        %shift_right_logical3A_829 = arith.shrui %gather3A_827, %shift_right_logical3A_828 : vector<16xi32>
        %and3A_830 = arith.constant 127 : i32
        %and3A_831 = vector.broadcast %and3A_830 : i32 to vector<16xi32>
        %and3A_832 = arith.andi %gather3A_827, %and3A_831 : vector<16xi32>
        tpu.vector_store_idx %arg10[%shift_right_logical3A_829, %and3A_832], %exp3A masked %eq3A_307 {add = true} : memref<80x128xf32, #tpu.memory_space<vmem>>[vector<16xi32>, vector<16xi32>], vector<16xf32>, vector<16xi1>
        %get3A = arith.constant 1 : i32
        %get3A_833 = arith.index_cast %get3A : i32 to index
        %get3A_834 = arith.index_cast %scan3A_824 : i32 to index
        %get3A_835 = arith.constant 0 : index
        %get3A_836 = tpu.vector_load %arg9[%get3A_833, %get3A_834, %get3A_835] {strides = array<i32>} : memref<5x40x128xf32, #tpu.memory_space<vmem>>, vector<16xf32>,
        %mul3A_837 = arith.mulf %get3A_836, %exp3A : vector<16xf32>
        %swap3A = arith.constant 1 : i32
        %swap3A_838 = arith.index_cast %swap3A : i32 to index
        %swap3A_839 = arith.index_cast %scan3A_824 : i32 to index
        %swap3A_840 = arith.constant 0 : index
        %swap3A_841 = tpu.vector_load %arg9[%swap3A_838, %swap3A_839, %swap3A_840] {strides = array<i32>} : memref<5x40x128xf32, #tpu.memory_space<vmem>>, vector<16xf32>,
        tpu.vector_store %arg9[%swap3A_838, %swap3A_839, %swap3A_840], %mul3A_837 {strides = array<i32>} : memref<5x40x128xf32, #tpu.memory_space<vmem>>, vector<16xf32>,
        %get3A_842 = arith.constant 1 : i32
        %get3A_843 = arith.index_cast %get3A_842 : i32 to index
        %get3A_844 = arith.index_cast %scan3A_824 : i32 to index
        %get3A_845 = arith.constant 16 : index
        %get3A_846 = tpu.vector_load %arg9[%get3A_843, %get3A_844, %get3A_845] {strides = array<i32>} : memref<5x40x128xf32, #tpu.memory_space<vmem>>, vector<16xf32>,
        %mul3A_847 = arith.mulf %get3A_846, %exp3A : vector<16xf32>
        %swap3A_848 = arith.constant 1 : i32
        %swap3A_849 = arith.index_cast %swap3A_848 : i32 to index
        %swap3A_850 = arith.index_cast %scan3A_824 : i32 to index
        %swap3A_851 = arith.constant 16 : index
        %swap3A_852 = tpu.vector_load %arg9[%swap3A_849, %swap3A_850, %swap3A_851] {strides = array<i32>} : memref<5x40x128xf32, #tpu.memory_space<vmem>>, vector<16xf32>,
        tpu.vector_store %arg9[%swap3A_849, %swap3A_850, %swap3A_851], %mul3A_847 {strides = array<i32>} : memref<5x40x128xf32, #tpu.memory_space<vmem>>, vector<16xf32>,
        %get3A_853 = arith.constant 1 : i32
        %get3A_854 = arith.index_cast %get3A_853 : i32 to index
        %get3A_855 = arith.index_cast %scan3A_824 : i32 to index
        %get3A_856 = arith.constant 32 : index
        %get3A_857 = tpu.vector_load %arg9[%get3A_854, %get3A_855, %get3A_856] {strides = array<i32>} : memref<5x40x128xf32, #tpu.memory_space<vmem>>, vector<16xf32>,
        %mul3A_858 = arith.mulf %get3A_857, %exp3A : vector<16xf32>
        %swap3A_859 = arith.constant 1 : i32
        %swap3A_860 = arith.index_cast %swap3A_859 : i32 to index
        %swap3A_861 = arith.index_cast %scan3A_824 : i32 to index
        %swap3A_862 = arith.constant 32 : index
        %swap3A_863 = tpu.vector_load %arg9[%swap3A_860, %swap3A_861, %swap3A_862] {strides = array<i32>} : memref<5x40x128xf32, #tpu.memory_space<vmem>>, vector<16xf32>,
        tpu.vector_store %arg9[%swap3A_860, %swap3A_861, %swap3A_862], %mul3A_858 {strides = array<i32>} : memref<5x40x128xf32, #tpu.memory_space<vmem>>, vector<16xf32>,
        %get3A_864 = arith.constant 1 : i32
        %get3A_865 = arith.index_cast %get3A_864 : i32 to index
        %get3A_866 = arith.index_cast %scan3A_824 : i32 to index
        %get3A_867 = arith.constant 48 : index
        %get3A_868 = tpu.vector_load %arg9[%get3A_865, %get3A_866, %get3A_867] {strides = array<i32>} : memref<5x40x128xf32, #tpu.memory_space<vmem>>, vector<16xf32>,
        %mul3A_869 = arith.mulf %get3A_868, %exp3A : vector<16xf32>
        %swap3A_870 = arith.constant 1 : i32
        %swap3A_871 = arith.index_cast %swap3A_870 : i32 to index
        %swap3A_872 = arith.index_cast %scan3A_824 : i32 to index
        %swap3A_873 = arith.constant 48 : index
        %swap3A_874 = tpu.vector_load %arg9[%swap3A_871, %swap3A_872, %swap3A_873] {strides = array<i32>} : memref<5x40x128xf32, #tpu.memory_space<vmem>>, vector<16xf32>,
        tpu.vector_store %arg9[%swap3A_871, %swap3A_872, %swap3A_873], %mul3A_869 {strides = array<i32>} : memref<5x40x128xf32, #tpu.memory_space<vmem>>, vector<16xf32>,
        %get3A_875 = arith.constant 1 : i32
        %get3A_876 = arith.index_cast %get3A_875 : i32 to index
        %get3A_877 = arith.index_cast %scan3A_824 : i32 to index
        %get3A_878 = arith.constant 64 : index
        %get3A_879 = tpu.vector_load %arg9[%get3A_876, %get3A_877, %get3A_878] {strides = array<i32>} : memref<5x40x128xf32, #tpu.memory_space<vmem>>, vector<16xf32>,
        %mul3A_880 = arith.mulf %get3A_879, %exp3A : vector<16xf32>
        %swap3A_881 = arith.constant 1 : i32
        %swap3A_882 = arith.index_cast %swap3A_881 : i32 to index
        %swap3A_883 = arith.index_cast %scan3A_824 : i32 to index
        %swap3A_884 = arith.constant 64 : index
        %swap3A_885 = tpu.vector_load %arg9[%swap3A_882, %swap3A_883, %swap3A_884] {strides = array<i32>} : memref<5x40x128xf32, #tpu.memory_space<vmem>>, vector<16xf32>,
        tpu.vector_store %arg9[%swap3A_882, %swap3A_883, %swap3A_884], %mul3A_880 {strides = array<i32>} : memref<5x40x128xf32, #tpu.memory_space<vmem>>, vector<16xf32>,
        %get3A_886 = arith.constant 1 : i32
        %get3A_887 = arith.index_cast %get3A_886 : i32 to index
        %get3A_888 = arith.index_cast %scan3A_824 : i32 to index
        %get3A_889 = arith.constant 80 : index
        %get3A_890 = tpu.vector_load %arg9[%get3A_887, %get3A_888, %get3A_889] {strides = array<i32>} : memref<5x40x128xf32, #tpu.memory_space<vmem>>, vector<16xf32>,
        %mul3A_891 = arith.mulf %get3A_890, %exp3A : vector<16xf32>
        %swap3A_892 = arith.constant 1 : i32
        %swap3A_893 = arith.index_cast %swap3A_892 : i32 to index
        %swap3A_894 = arith.index_cast %scan3A_824 : i32 to index
        %swap3A_895 = arith.constant 80 : index
        %swap3A_896 = tpu.vector_load %arg9[%swap3A_893, %swap3A_894, %swap3A_895] {strides = array<i32>} : memref<5x40x128xf32, #tpu.memory_space<vmem>>, vector<16xf32>,
        tpu.vector_store %arg9[%swap3A_893, %swap3A_894, %swap3A_895], %mul3A_891 {strides = array<i32>} : memref<5x40x128xf32, #tpu.memory_space<vmem>>, vector<16xf32>,
        %get3A_897 = arith.constant 1 : i32
        %get3A_898 = arith.index_cast %get3A_897 : i32 to index
        %get3A_899 = arith.index_cast %scan3A_824 : i32 to index
        %get3A_900 = arith.constant 96 : index
        %get3A_901 = tpu.vector_load %arg9[%get3A_898, %get3A_899, %get3A_900] {strides = array<i32>} : memref<5x40x128xf32, #tpu.memory_space<vmem>>, vector<16xf32>,
        %mul3A_902 = arith.mulf %get3A_901, %exp3A : vector<16xf32>
        %swap3A_903 = arith.constant 1 : i32
        %swap3A_904 = arith.index_cast %swap3A_903 : i32 to index
        %swap3A_905 = arith.index_cast %scan3A_824 : i32 to index
        %swap3A_906 = arith.constant 96 : index
        %swap3A_907 = tpu.vector_load %arg9[%swap3A_904, %swap3A_905, %swap3A_906] {strides = array<i32>} : memref<5x40x128xf32, #tpu.memory_space<vmem>>, vector<16xf32>,
        tpu.vector_store %arg9[%swap3A_904, %swap3A_905, %swap3A_906], %mul3A_902 {strides = array<i32>} : memref<5x40x128xf32, #tpu.memory_space<vmem>>, vector<16xf32>,
        %get3A_908 = arith.constant 1 : i32
        %get3A_909 = arith.index_cast %get3A_908 : i32 to index
        %get3A_910 = arith.index_cast %scan3A_824 : i32 to index
        %get3A_911 = arith.constant 112 : index
        %get3A_912 = tpu.vector_load %arg9[%get3A_909, %get3A_910, %get3A_911] {strides = array<i32>} : memref<5x40x128xf32, #tpu.memory_space<vmem>>, vector<16xf32>,
        %mul3A_913 = arith.mulf %get3A_912, %exp3A : vector<16xf32>
        %swap3A_914 = arith.constant 1 : i32
        %swap3A_915 = arith.index_cast %swap3A_914 : i32 to index
        %swap3A_916 = arith.index_cast %scan3A_824 : i32 to index
        %swap3A_917 = arith.constant 112 : index
        %swap3A_918 = tpu.vector_load %arg9[%swap3A_915, %swap3A_916, %swap3A_917] {strides = array<i32>} : memref<5x40x128xf32, #tpu.memory_space<vmem>>, vector<16xf32>,
        tpu.vector_store %arg9[%swap3A_915, %swap3A_916, %swap3A_917], %mul3A_913 {strides = array<i32>} : memref<5x40x128xf32, #tpu.memory_space<vmem>>, vector<16xf32>,
        %scan3A_919 = arith.constant 0 : i32
        %scan3A_920 = arith.constant 1 : i32
        %scan3A_921 = arith.addi %scan3A_824, %scan3A_920 : i32
        %broadcast_in_dim3A_922 = vector.broadcast %scan3A_921 : i32 to vector<16xi32>
        %gather3A_923 = tpu.vector_load_idx %arg8[%broadcast_in_dim3A_511, %broadcast_in_dim3A_922] : memref<5x40xf32, #tpu.memory_space<vmem>>[vector<16xi32>, vector<16xi32>], vector<16xf32>,
        %exp3A_924 = math.exp %gather3A_923 : vector<16xf32>
        %gather3A_925 = tpu.vector_load_idx %arg7[%broadcast_in_dim3A_511, %broadcast_in_dim3A_922] : memref<5x40xi32, #tpu.memory_space<vmem>>[vector<16xi32>, vector<16xi32>], vector<16xi32>,
        %shift_right_logical3A_926 = arith.constant 7 : i32
        %shift_right_logical3A_927 = vector.broadcast %shift_right_logical3A_926 : i32 to vector<16xi32>
        %shift_right_logical3A_928 = arith.shrui %gather3A_925, %shift_right_logical3A_927 : vector<16xi32>
        %and3A_929 = arith.constant 127 : i32
        %and3A_930 = vector.broadcast %and3A_929 : i32 to vector<16xi32>
        %and3A_931 = arith.andi %gather3A_925, %and3A_930 : vector<16xi32>
        tpu.vector_store_idx %arg10[%shift_right_logical3A_928, %and3A_931], %exp3A_924 masked %eq3A_307 {add = true} : memref<80x128xf32, #tpu.memory_space<vmem>>[vector<16xi32>, vector<16xi32>], vector<16xf32>, vector<16xi1>
        %get3A_932 = arith.constant 1 : i32
        %get3A_933 = arith.index_cast %get3A_932 : i32 to index
        %get3A_934 = arith.index_cast %scan3A_921 : i32 to index
        %get3A_935 = arith.constant 0 : index
        %get3A_936 = tpu.vector_load %arg9[%get3A_933, %get3A_934, %get3A_935] {strides = array<i32>} : memref<5x40x128xf32, #tpu.memory_space<vmem>>, vector<16xf32>,
        %mul3A_937 = arith.mulf %get3A_936, %exp3A_924 : vector<16xf32>
        %swap3A_938 = arith.constant 1 : i32
        %swap3A_939 = arith.index_cast %swap3A_938 : i32 to index
        %swap3A_940 = arith.index_cast %scan3A_921 : i32 to index
        %swap3A_941 = arith.constant 0 : index
        %swap3A_942 = tpu.vector_load %arg9[%swap3A_939, %swap3A_940, %swap3A_941] {strides = array<i32>} : memref<5x40x128xf32, #tpu.memory_space<vmem>>, vector<16xf32>,
        tpu.vector_store %arg9[%swap3A_939, %swap3A_940, %swap3A_941], %mul3A_937 {strides = array<i32>} : memref<5x40x128xf32, #tpu.memory_space<vmem>>, vector<16xf32>,
        %get3A_943 = arith.constant 1 : i32
        %get3A_944 = arith.index_cast %get3A_943 : i32 to index
        %get3A_945 = arith.index_cast %scan3A_921 : i32 to index
        %get3A_946 = arith.constant 16 : index
        %get3A_947 = tpu.vector_load %arg9[%get3A_944, %get3A_945, %get3A_946] {strides = array<i32>} : memref<5x40x128xf32, #tpu.memory_space<vmem>>, vector<16xf32>,
        %mul3A_948 = arith.mulf %get3A_947, %exp3A_924 : vector<16xf32>
        %swap3A_949 = arith.constant 1 : i32
        %swap3A_950 = arith.index_cast %swap3A_949 : i32 to index
        %swap3A_951 = arith.index_cast %scan3A_921 : i32 to index
        %swap3A_952 = arith.constant 16 : index
        %swap3A_953 = tpu.vector_load %arg9[%swap3A_950, %swap3A_951, %swap3A_952] {strides = array<i32>} : memref<5x40x128xf32, #tpu.memory_space<vmem>>, vector<16xf32>,
        tpu.vector_store %arg9[%swap3A_950, %swap3A_951, %swap3A_952], %mul3A_948 {strides = array<i32>} : memref<5x40x128xf32, #tpu.memory_space<vmem>>, vector<16xf32>,
        %get3A_954 = arith.constant 1 : i32
        %get3A_955 = arith.index_cast %get3A_954 : i32 to index
        %get3A_956 = arith.index_cast %scan3A_921 : i32 to index
        %get3A_957 = arith.constant 32 : index
        %get3A_958 = tpu.vector_load %arg9[%get3A_955, %get3A_956, %get3A_957] {strides = array<i32>} : memref<5x40x128xf32, #tpu.memory_space<vmem>>, vector<16xf32>,
        %mul3A_959 = arith.mulf %get3A_958, %exp3A_924 : vector<16xf32>
        %swap3A_960 = arith.constant 1 : i32
        %swap3A_961 = arith.index_cast %swap3A_960 : i32 to index
        %swap3A_962 = arith.index_cast %scan3A_921 : i32 to index
        %swap3A_963 = arith.constant 32 : index
        %swap3A_964 = tpu.vector_load %arg9[%swap3A_961, %swap3A_962, %swap3A_963] {strides = array<i32>} : memref<5x40x128xf32, #tpu.memory_space<vmem>>, vector<16xf32>,
        tpu.vector_store %arg9[%swap3A_961, %swap3A_962, %swap3A_963], %mul3A_959 {strides = array<i32>} : memref<5x40x128xf32, #tpu.memory_space<vmem>>, vector<16xf32>,
        %get3A_965 = arith.constant 1 : i32
        %get3A_966 = arith.index_cast %get3A_965 : i32 to index
        %get3A_967 = arith.index_cast %scan3A_921 : i32 to index
        %get3A_968 = arith.constant 48 : index
        %get3A_969 = tpu.vector_load %arg9[%get3A_966, %get3A_967, %get3A_968] {strides = array<i32>} : memref<5x40x128xf32, #tpu.memory_space<vmem>>, vector<16xf32>,
        %mul3A_970 = arith.mulf %get3A_969, %exp3A_924 : vector<16xf32>
        %swap3A_971 = arith.constant 1 : i32
        %swap3A_972 = arith.index_cast %swap3A_971 : i32 to index
        %swap3A_973 = arith.index_cast %scan3A_921 : i32 to index
        %swap3A_974 = arith.constant 48 : index
        %swap3A_975 = tpu.vector_load %arg9[%swap3A_972, %swap3A_973, %swap3A_974] {strides = array<i32>} : memref<5x40x128xf32, #tpu.memory_space<vmem>>, vector<16xf32>,
        tpu.vector_store %arg9[%swap3A_972, %swap3A_973, %swap3A_974], %mul3A_970 {strides = array<i32>} : memref<5x40x128xf32, #tpu.memory_space<vmem>>, vector<16xf32>,
        %get3A_976 = arith.constant 1 : i32
        %get3A_977 = arith.index_cast %get3A_976 : i32 to index
        %get3A_978 = arith.index_cast %scan3A_921 : i32 to index
        %get3A_979 = arith.constant 64 : index
        %get3A_980 = tpu.vector_load %arg9[%get3A_977, %get3A_978, %get3A_979] {strides = array<i32>} : memref<5x40x128xf32, #tpu.memory_space<vmem>>, vector<16xf32>,
        %mul3A_981 = arith.mulf %get3A_980, %exp3A_924 : vector<16xf32>
        %swap3A_982 = arith.constant 1 : i32
        %swap3A_983 = arith.index_cast %swap3A_982 : i32 to index
        %swap3A_984 = arith.index_cast %scan3A_921 : i32 to index
        %swap3A_985 = arith.constant 64 : index
        %swap3A_986 = tpu.vector_load %arg9[%swap3A_983, %swap3A_984, %swap3A_985] {strides = array<i32>} : memref<5x40x128xf32, #tpu.memory_space<vmem>>, vector<16xf32>,
        tpu.vector_store %arg9[%swap3A_983, %swap3A_984, %swap3A_985], %mul3A_981 {strides = array<i32>} : memref<5x40x128xf32, #tpu.memory_space<vmem>>, vector<16xf32>,
        %get3A_987 = arith.constant 1 : i32
        %get3A_988 = arith.index_cast %get3A_987 : i32 to index
        %get3A_989 = arith.index_cast %scan3A_921 : i32 to index
        %get3A_990 = arith.constant 80 : index
        %get3A_991 = tpu.vector_load %arg9[%get3A_988, %get3A_989, %get3A_990] {strides = array<i32>} : memref<5x40x128xf32, #tpu.memory_space<vmem>>, vector<16xf32>,
        %mul3A_992 = arith.mulf %get3A_991, %exp3A_924 : vector<16xf32>
        %swap3A_993 = arith.constant 1 : i32
        %swap3A_994 = arith.index_cast %swap3A_993 : i32 to index
        %swap3A_995 = arith.index_cast %scan3A_921 : i32 to index
        %swap3A_996 = arith.constant 80 : index
        %swap3A_997 = tpu.vector_load %arg9[%swap3A_994, %swap3A_995, %swap3A_996] {strides = array<i32>} : memref<5x40x128xf32, #tpu.memory_space<vmem>>, vector<16xf32>,
        tpu.vector_store %arg9[%swap3A_994, %swap3A_995, %swap3A_996], %mul3A_992 {strides = array<i32>} : memref<5x40x128xf32, #tpu.memory_space<vmem>>, vector<16xf32>,
        %get3A_998 = arith.constant 1 : i32
        %get3A_999 = arith.index_cast %get3A_998 : i32 to index
        %get3A_1000 = arith.index_cast %scan3A_921 : i32 to index
        %get3A_1001 = arith.constant 96 : index
        %get3A_1002 = tpu.vector_load %arg9[%get3A_999, %get3A_1000, %get3A_1001] {strides = array<i32>} : memref<5x40x128xf32, #tpu.memory_space<vmem>>, vector<16xf32>,
        %mul3A_1003 = arith.mulf %get3A_1002, %exp3A_924 : vector<16xf32>
        %swap3A_1004 = arith.constant 1 : i32
        %swap3A_1005 = arith.index_cast %swap3A_1004 : i32 to index
        %swap3A_1006 = arith.index_cast %scan3A_921 : i32 to index
        %swap3A_1007 = arith.constant 96 : index
        %swap3A_1008 = tpu.vector_load %arg9[%swap3A_1005, %swap3A_1006, %swap3A_1007] {strides = array<i32>} : memref<5x40x128xf32, #tpu.memory_space<vmem>>, vector<16xf32>,
        tpu.vector_store %arg9[%swap3A_1005, %swap3A_1006, %swap3A_1007], %mul3A_1003 {strides = array<i32>} : memref<5x40x128xf32, #tpu.memory_space<vmem>>, vector<16xf32>,
        %get3A_1009 = arith.constant 1 : i32
        %get3A_1010 = arith.index_cast %get3A_1009 : i32 to index
        %get3A_1011 = arith.index_cast %scan3A_921 : i32 to index
        %get3A_1012 = arith.constant 112 : index
        %get3A_1013 = tpu.vector_load %arg9[%get3A_1010, %get3A_1011, %get3A_1012] {strides = array<i32>} : memref<5x40x128xf32, #tpu.memory_space<vmem>>, vector<16xf32>,
        %mul3A_1014 = arith.mulf %get3A_1013, %exp3A_924 : vector<16xf32>
        %swap3A_1015 = arith.constant 1 : i32
        %swap3A_1016 = arith.index_cast %swap3A_1015 : i32 to index
        %swap3A_1017 = arith.index_cast %scan3A_921 : i32 to index
        %swap3A_1018 = arith.constant 112 : index
        %swap3A_1019 = tpu.vector_load %arg9[%swap3A_1016, %swap3A_1017, %swap3A_1018] {strides = array<i32>} : memref<5x40x128xf32, #tpu.memory_space<vmem>>, vector<16xf32>,
        tpu.vector_store %arg9[%swap3A_1016, %swap3A_1017, %swap3A_1018], %mul3A_1014 {strides = array<i32>} : memref<5x40x128xf32, #tpu.memory_space<vmem>>, vector<16xf32>,
        %scan3A_1020 = arith.constant 0 : i32
        %scan3A_1021 = arith.constant 2 : i32
        %scan3A_1022 = arith.addi %scan3A_824, %scan3A_1021 : i32
        %broadcast_in_dim3A_1023 = vector.broadcast %scan3A_1022 : i32 to vector<16xi32>
        %gather3A_1024 = tpu.vector_load_idx %arg8[%broadcast_in_dim3A_511, %broadcast_in_dim3A_1023] : memref<5x40xf32, #tpu.memory_space<vmem>>[vector<16xi32>, vector<16xi32>], vector<16xf32>,
        %exp3A_1025 = math.exp %gather3A_1024 : vector<16xf32>
        %gather3A_1026 = tpu.vector_load_idx %arg7[%broadcast_in_dim3A_511, %broadcast_in_dim3A_1023] : memref<5x40xi32, #tpu.memory_space<vmem>>[vector<16xi32>, vector<16xi32>], vector<16xi32>,
        %shift_right_logical3A_1027 = arith.constant 7 : i32
        %shift_right_logical3A_1028 = vector.broadcast %shift_right_logical3A_1027 : i32 to vector<16xi32>
        %shift_right_logical3A_1029 = arith.shrui %gather3A_1026, %shift_right_logical3A_1028 : vector<16xi32>
        %and3A_1030 = arith.constant 127 : i32
        %and3A_1031 = vector.broadcast %and3A_1030 : i32 to vector<16xi32>
        %and3A_1032 = arith.andi %gather3A_1026, %and3A_1031 : vector<16xi32>
        tpu.vector_store_idx %arg10[%shift_right_logical3A_1029, %and3A_1032], %exp3A_1025 masked %eq3A_307 {add = true} : memref<80x128xf32, #tpu.memory_space<vmem>>[vector<16xi32>, vector<16xi32>], vector<16xf32>, vector<16xi1>
        %get3A_1033 = arith.constant 1 : i32
        %get3A_1034 = arith.index_cast %get3A_1033 : i32 to index
        %get3A_1035 = arith.index_cast %scan3A_1022 : i32 to index
        %get3A_1036 = arith.constant 0 : index
        %get3A_1037 = tpu.vector_load %arg9[%get3A_1034, %get3A_1035, %get3A_1036] {strides = array<i32>} : memref<5x40x128xf32, #tpu.memory_space<vmem>>, vector<16xf32>,
        %mul3A_1038 = arith.mulf %get3A_1037, %exp3A_1025 : vector<16xf32>
        %swap3A_1039 = arith.constant 1 : i32
        %swap3A_1040 = arith.index_cast %swap3A_1039 : i32 to index
        %swap3A_1041 = arith.index_cast %scan3A_1022 : i32 to index
        %swap3A_1042 = arith.constant 0 : index
        %swap3A_1043 = tpu.vector_load %arg9[%swap3A_1040, %swap3A_1041, %swap3A_1042] {strides = array<i32>} : memref<5x40x128xf32, #tpu.memory_space<vmem>>, vector<16xf32>,
        tpu.vector_store %arg9[%swap3A_1040, %swap3A_1041, %swap3A_1042], %mul3A_1038 {strides = array<i32>} : memref<5x40x128xf32, #tpu.memory_space<vmem>>, vector<16xf32>,
        %get3A_1044 = arith.constant 1 : i32
        %get3A_1045 = arith.index_cast %get3A_1044 : i32 to index
        %get3A_1046 = arith.index_cast %scan3A_1022 : i32 to index
        %get3A_1047 = arith.constant 16 : index
        %get3A_1048 = tpu.vector_load %arg9[%get3A_1045, %get3A_1046, %get3A_1047] {strides = array<i32>} : memref<5x40x128xf32, #tpu.memory_space<vmem>>, vector<16xf32>,
        %mul3A_1049 = arith.mulf %get3A_1048, %exp3A_1025 : vector<16xf32>
        %swap3A_1050 = arith.constant 1 : i32
        %swap3A_1051 = arith.index_cast %swap3A_1050 : i32 to index
        %swap3A_1052 = arith.index_cast %scan3A_1022 : i32 to index
        %swap3A_1053 = arith.constant 16 : index
        %swap3A_1054 = tpu.vector_load %arg9[%swap3A_1051, %swap3A_1052, %swap3A_1053] {strides = array<i32>} : memref<5x40x128xf32, #tpu.memory_space<vmem>>, vector<16xf32>,
        tpu.vector_store %arg9[%swap3A_1051, %swap3A_1052, %swap3A_1053], %mul3A_1049 {strides = array<i32>} : memref<5x40x128xf32, #tpu.memory_space<vmem>>, vector<16xf32>,
        %get3A_1055 = arith.constant 1 : i32
        %get3A_1056 = arith.index_cast %get3A_1055 : i32 to index
        %get3A_1057 = arith.index_cast %scan3A_1022 : i32 to index
        %get3A_1058 = arith.constant 32 : index
        %get3A_1059 = tpu.vector_load %arg9[%get3A_1056, %get3A_1057, %get3A_1058] {strides = array<i32>} : memref<5x40x128xf32, #tpu.memory_space<vmem>>, vector<16xf32>,
        %mul3A_1060 = arith.mulf %get3A_1059, %exp3A_1025 : vector<16xf32>
        %swap3A_1061 = arith.constant 1 : i32
        %swap3A_1062 = arith.index_cast %swap3A_1061 : i32 to index
        %swap3A_1063 = arith.index_cast %scan3A_1022 : i32 to index
        %swap3A_1064 = arith.constant 32 : index
        %swap3A_1065 = tpu.vector_load %arg9[%swap3A_1062, %swap3A_1063, %swap3A_1064] {strides = array<i32>} : memref<5x40x128xf32, #tpu.memory_space<vmem>>, vector<16xf32>,
        tpu.vector_store %arg9[%swap3A_1062, %swap3A_1063, %swap3A_1064], %mul3A_1060 {strides = array<i32>} : memref<5x40x128xf32, #tpu.memory_space<vmem>>, vector<16xf32>,
        %get3A_1066 = arith.constant 1 : i32
        %get3A_1067 = arith.index_cast %get3A_1066 : i32 to index
        %get3A_1068 = arith.index_cast %scan3A_1022 : i32 to index
        %get3A_1069 = arith.constant 48 : index
        %get3A_1070 = tpu.vector_load %arg9[%get3A_1067, %get3A_1068, %get3A_1069] {strides = array<i32>} : memref<5x40x128xf32, #tpu.memory_space<vmem>>, vector<16xf32>,
        %mul3A_1071 = arith.mulf %get3A_1070, %exp3A_1025 : vector<16xf32>
        %swap3A_1072 = arith.constant 1 : i32
        %swap3A_1073 = arith.index_cast %swap3A_1072 : i32 to index
        %swap3A_1074 = arith.index_cast %scan3A_1022 : i32 to index
        %swap3A_1075 = arith.constant 48 : index
        %swap3A_1076 = tpu.vector_load %arg9[%swap3A_1073, %swap3A_1074, %swap3A_1075] {strides = array<i32>} : memref<5x40x128xf32, #tpu.memory_space<vmem>>, vector<16xf32>,
        tpu.vector_store %arg9[%swap3A_1073, %swap3A_1074, %swap3A_1075], %mul3A_1071 {strides = array<i32>} : memref<5x40x128xf32, #tpu.memory_space<vmem>>, vector<16xf32>,
        %get3A_1077 = arith.constant 1 : i32
        %get3A_1078 = arith.index_cast %get3A_1077 : i32 to index
        %get3A_1079 = arith.index_cast %scan3A_1022 : i32 to index
        %get3A_1080 = arith.constant 64 : index
        %get3A_1081 = tpu.vector_load %arg9[%get3A_1078, %get3A_1079, %get3A_1080] {strides = array<i32>} : memref<5x40x128xf32, #tpu.memory_space<vmem>>, vector<16xf32>,
        %mul3A_1082 = arith.mulf %get3A_1081, %exp3A_1025 : vector<16xf32>
        %swap3A_1083 = arith.constant 1 : i32
        %swap3A_1084 = arith.index_cast %swap3A_1083 : i32 to index
        %swap3A_1085 = arith.index_cast %scan3A_1022 : i32 to index
        %swap3A_1086 = arith.constant 64 : index
        %swap3A_1087 = tpu.vector_load %arg9[%swap3A_1084, %swap3A_1085, %swap3A_1086] {strides = array<i32>} : memref<5x40x128xf32, #tpu.memory_space<vmem>>, vector<16xf32>,
        tpu.vector_store %arg9[%swap3A_1084, %swap3A_1085, %swap3A_1086], %mul3A_1082 {strides = array<i32>} : memref<5x40x128xf32, #tpu.memory_space<vmem>>, vector<16xf32>,
        %get3A_1088 = arith.constant 1 : i32
        %get3A_1089 = arith.index_cast %get3A_1088 : i32 to index
        %get3A_1090 = arith.index_cast %scan3A_1022 : i32 to index
        %get3A_1091 = arith.constant 80 : index
        %get3A_1092 = tpu.vector_load %arg9[%get3A_1089, %get3A_1090, %get3A_1091] {strides = array<i32>} : memref<5x40x128xf32, #tpu.memory_space<vmem>>, vector<16xf32>,
        %mul3A_1093 = arith.mulf %get3A_1092, %exp3A_1025 : vector<16xf32>
        %swap3A_1094 = arith.constant 1 : i32
        %swap3A_1095 = arith.index_cast %swap3A_1094 : i32 to index
        %swap3A_1096 = arith.index_cast %scan3A_1022 : i32 to index
        %swap3A_1097 = arith.constant 80 : index
        %swap3A_1098 = tpu.vector_load %arg9[%swap3A_1095, %swap3A_1096, %swap3A_1097] {strides = array<i32>} : memref<5x40x128xf32, #tpu.memory_space<vmem>>, vector<16xf32>,
        tpu.vector_store %arg9[%swap3A_1095, %swap3A_1096, %swap3A_1097], %mul3A_1093 {strides = array<i32>} : memref<5x40x128xf32, #tpu.memory_space<vmem>>, vector<16xf32>,
        %get3A_1099 = arith.constant 1 : i32
        %get3A_1100 = arith.index_cast %get3A_1099 : i32 to index
        %get3A_1101 = arith.index_cast %scan3A_1022 : i32 to index
        %get3A_1102 = arith.constant 96 : index
        %get3A_1103 = tpu.vector_load %arg9[%get3A_1100, %get3A_1101, %get3A_1102] {strides = array<i32>} : memref<5x40x128xf32, #tpu.memory_space<vmem>>, vector<16xf32>,
        %mul3A_1104 = arith.mulf %get3A_1103, %exp3A_1025 : vector<16xf32>
        %swap3A_1105 = arith.constant 1 : i32
        %swap3A_1106 = arith.index_cast %swap3A_1105 : i32 to index
        %swap3A_1107 = arith.index_cast %scan3A_1022 : i32 to index
        %swap3A_1108 = arith.constant 96 : index
        %swap3A_1109 = tpu.vector_load %arg9[%swap3A_1106, %swap3A_1107, %swap3A_1108] {strides = array<i32>} : memref<5x40x128xf32, #tpu.memory_space<vmem>>, vector<16xf32>,
        tpu.vector_store %arg9[%swap3A_1106, %swap3A_1107, %swap3A_1108], %mul3A_1104 {strides = array<i32>} : memref<5x40x128xf32, #tpu.memory_space<vmem>>, vector<16xf32>,
        %get3A_1110 = arith.constant 1 : i32
        %get3A_1111 = arith.index_cast %get3A_1110 : i32 to index
        %get3A_1112 = arith.index_cast %scan3A_1022 : i32 to index
        %get3A_1113 = arith.constant 112 : index
        %get3A_1114 = tpu.vector_load %arg9[%get3A_1111, %get3A_1112, %get3A_1113] {strides = array<i32>} : memref<5x40x128xf32, #tpu.memory_space<vmem>>, vector<16xf32>,
        %mul3A_1115 = arith.mulf %get3A_1114, %exp3A_1025 : vector<16xf32>
        %swap3A_1116 = arith.constant 1 : i32
        %swap3A_1117 = arith.index_cast %swap3A_1116 : i32 to index
        %swap3A_1118 = arith.index_cast %scan3A_1022 : i32 to index
        %swap3A_1119 = arith.constant 112 : index
        %swap3A_1120 = tpu.vector_load %arg9[%swap3A_1117, %swap3A_1118, %swap3A_1119] {strides = array<i32>} : memref<5x40x128xf32, #tpu.memory_space<vmem>>, vector<16xf32>,
        tpu.vector_store %arg9[%swap3A_1117, %swap3A_1118, %swap3A_1119], %mul3A_1115 {strides = array<i32>} : memref<5x40x128xf32, #tpu.memory_space<vmem>>, vector<16xf32>,
        %scan3A_1121 = arith.constant 0 : i32
        %scan3A_1122 = arith.constant 3 : i32
        %scan3A_1123 = arith.addi %scan3A_824, %scan3A_1122 : i32
        %broadcast_in_dim3A_1124 = vector.broadcast %scan3A_1123 : i32 to vector<16xi32>
        %gather3A_1125 = tpu.vector_load_idx %arg8[%broadcast_in_dim3A_511, %broadcast_in_dim3A_1124] : memref<5x40xf32, #tpu.memory_space<vmem>>[vector<16xi32>, vector<16xi32>], vector<16xf32>,
        %exp3A_1126 = math.exp %gather3A_1125 : vector<16xf32>
        %gather3A_1127 = tpu.vector_load_idx %arg7[%broadcast_in_dim3A_511, %broadcast_in_dim3A_1124] : memref<5x40xi32, #tpu.memory_space<vmem>>[vector<16xi32>, vector<16xi32>], vector<16xi32>,
        %shift_right_logical3A_1128 = arith.constant 7 : i32
        %shift_right_logical3A_1129 = vector.broadcast %shift_right_logical3A_1128 : i32 to vector<16xi32>
        %shift_right_logical3A_1130 = arith.shrui %gather3A_1127, %shift_right_logical3A_1129 : vector<16xi32>
        %and3A_1131 = arith.constant 127 : i32
        %and3A_1132 = vector.broadcast %and3A_1131 : i32 to vector<16xi32>
        %and3A_1133 = arith.andi %gather3A_1127, %and3A_1132 : vector<16xi32>
        tpu.vector_store_idx %arg10[%shift_right_logical3A_1130, %and3A_1133], %exp3A_1126 masked %eq3A_307 {add = true} : memref<80x128xf32, #tpu.memory_space<vmem>>[vector<16xi32>, vector<16xi32>], vector<16xf32>, vector<16xi1>
        %get3A_1134 = arith.constant 1 : i32
        %get3A_1135 = arith.index_cast %get3A_1134 : i32 to index
        %get3A_1136 = arith.index_cast %scan3A_1123 : i32 to index
        %get3A_1137 = arith.constant 0 : index
        %get3A_1138 = tpu.vector_load %arg9[%get3A_1135, %get3A_1136, %get3A_1137] {strides = array<i32>} : memref<5x40x128xf32, #tpu.memory_space<vmem>>, vector<16xf32>,
        %mul3A_1139 = arith.mulf %get3A_1138, %exp3A_1126 : vector<16xf32>
        %swap3A_1140 = arith.constant 1 : i32
        %swap3A_1141 = arith.index_cast %swap3A_1140 : i32 to index
        %swap3A_1142 = arith.index_cast %scan3A_1123 : i32 to index
        %swap3A_1143 = arith.constant 0 : index
        %swap3A_1144 = tpu.vector_load %arg9[%swap3A_1141, %swap3A_1142, %swap3A_1143] {strides = array<i32>} : memref<5x40x128xf32, #tpu.memory_space<vmem>>, vector<16xf32>,
        tpu.vector_store %arg9[%swap3A_1141, %swap3A_1142, %swap3A_1143], %mul3A_1139 {strides = array<i32>} : memref<5x40x128xf32, #tpu.memory_space<vmem>>, vector<16xf32>,
        %get3A_1145 = arith.constant 1 : i32
        %get3A_1146 = arith.index_cast %get3A_1145 : i32 to index
        %get3A_1147 = arith.index_cast %scan3A_1123 : i32 to index
        %get3A_1148 = arith.constant 16 : index
        %get3A_1149 = tpu.vector_load %arg9[%get3A_1146, %get3A_1147, %get3A_1148] {strides = array<i32>} : memref<5x40x128xf32, #tpu.memory_space<vmem>>, vector<16xf32>,
        %mul3A_1150 = arith.mulf %get3A_1149, %exp3A_1126 : vector<16xf32>
        %swap3A_1151 = arith.constant 1 : i32
        %swap3A_1152 = arith.index_cast %swap3A_1151 : i32 to index
        %swap3A_1153 = arith.index_cast %scan3A_1123 : i32 to index
        %swap3A_1154 = arith.constant 16 : index
        %swap3A_1155 = tpu.vector_load %arg9[%swap3A_1152, %swap3A_1153, %swap3A_1154] {strides = array<i32>} : memref<5x40x128xf32, #tpu.memory_space<vmem>>, vector<16xf32>,
        tpu.vector_store %arg9[%swap3A_1152, %swap3A_1153, %swap3A_1154], %mul3A_1150 {strides = array<i32>} : memref<5x40x128xf32, #tpu.memory_space<vmem>>, vector<16xf32>,
        %get3A_1156 = arith.constant 1 : i32
        %get3A_1157 = arith.index_cast %get3A_1156 : i32 to index
        %get3A_1158 = arith.index_cast %scan3A_1123 : i32 to index
        %get3A_1159 = arith.constant 32 : index
        %get3A_1160 = tpu.vector_load %arg9[%get3A_1157, %get3A_1158, %get3A_1159] {strides = array<i32>} : memref<5x40x128xf32, #tpu.memory_space<vmem>>, vector<16xf32>,
        %mul3A_1161 = arith.mulf %get3A_1160, %exp3A_1126 : vector<16xf32>
        %swap3A_1162 = arith.constant 1 : i32
        %swap3A_1163 = arith.index_cast %swap3A_1162 : i32 to index
        %swap3A_1164 = arith.index_cast %scan3A_1123 : i32 to index
        %swap3A_1165 = arith.constant 32 : index
        %swap3A_1166 = tpu.vector_load %arg9[%swap3A_1163, %swap3A_1164, %swap3A_1165] {strides = array<i32>} : memref<5x40x128xf32, #tpu.memory_space<vmem>>, vector<16xf32>,
        tpu.vector_store %arg9[%swap3A_1163, %swap3A_1164, %swap3A_1165], %mul3A_1161 {strides = array<i32>} : memref<5x40x128xf32, #tpu.memory_space<vmem>>, vector<16xf32>,
        %get3A_1167 = arith.constant 1 : i32
        %get3A_1168 = arith.index_cast %get3A_1167 : i32 to index
        %get3A_1169 = arith.index_cast %scan3A_1123 : i32 to index
        %get3A_1170 = arith.constant 48 : index
        %get3A_1171 = tpu.vector_load %arg9[%get3A_1168, %get3A_1169, %get3A_1170] {strides = array<i32>} : memref<5x40x128xf32, #tpu.memory_space<vmem>>, vector<16xf32>,
        %mul3A_1172 = arith.mulf %get3A_1171, %exp3A_1126 : vector<16xf32>
        %swap3A_1173 = arith.constant 1 : i32
        %swap3A_1174 = arith.index_cast %swap3A_1173 : i32 to index
        %swap3A_1175 = arith.index_cast %scan3A_1123 : i32 to index
        %swap3A_1176 = arith.constant 48 : index
        %swap3A_1177 = tpu.vector_load %arg9[%swap3A_1174, %swap3A_1175, %swap3A_1176] {strides = array<i32>} : memref<5x40x128xf32, #tpu.memory_space<vmem>>, vector<16xf32>,
        tpu.vector_store %arg9[%swap3A_1174, %swap3A_1175, %swap3A_1176], %mul3A_1172 {strides = array<i32>} : memref<5x40x128xf32, #tpu.memory_space<vmem>>, vector<16xf32>,
        %get3A_1178 = arith.constant 1 : i32
        %get3A_1179 = arith.index_cast %get3A_1178 : i32 to index
        %get3A_1180 = arith.index_cast %scan3A_1123 : i32 to index
        %get3A_1181 = arith.constant 64 : index
        %get3A_1182 = tpu.vector_load %arg9[%get3A_1179, %get3A_1180, %get3A_1181] {strides = array<i32>} : memref<5x40x128xf32, #tpu.memory_space<vmem>>, vector<16xf32>,
        %mul3A_1183 = arith.mulf %get3A_1182, %exp3A_1126 : vector<16xf32>
        %swap3A_1184 = arith.constant 1 : i32
        %swap3A_1185 = arith.index_cast %swap3A_1184 : i32 to index
        %swap3A_1186 = arith.index_cast %scan3A_1123 : i32 to index
        %swap3A_1187 = arith.constant 64 : index
        %swap3A_1188 = tpu.vector_load %arg9[%swap3A_1185, %swap3A_1186, %swap3A_1187] {strides = array<i32>} : memref<5x40x128xf32, #tpu.memory_space<vmem>>, vector<16xf32>,
        tpu.vector_store %arg9[%swap3A_1185, %swap3A_1186, %swap3A_1187], %mul3A_1183 {strides = array<i32>} : memref<5x40x128xf32, #tpu.memory_space<vmem>>, vector<16xf32>,
        %get3A_1189 = arith.constant 1 : i32
        %get3A_1190 = arith.index_cast %get3A_1189 : i32 to index
        %get3A_1191 = arith.index_cast %scan3A_1123 : i32 to index
        %get3A_1192 = arith.constant 80 : index
        %get3A_1193 = tpu.vector_load %arg9[%get3A_1190, %get3A_1191, %get3A_1192] {strides = array<i32>} : memref<5x40x128xf32, #tpu.memory_space<vmem>>, vector<16xf32>,
        %mul3A_1194 = arith.mulf %get3A_1193, %exp3A_1126 : vector<16xf32>
        %swap3A_1195 = arith.constant 1 : i32
        %swap3A_1196 = arith.index_cast %swap3A_1195 : i32 to index
        %swap3A_1197 = arith.index_cast %scan3A_1123 : i32 to index
        %swap3A_1198 = arith.constant 80 : index
        %swap3A_1199 = tpu.vector_load %arg9[%swap3A_1196, %swap3A_1197, %swap3A_1198] {strides = array<i32>} : memref<5x40x128xf32, #tpu.memory_space<vmem>>, vector<16xf32>,
        tpu.vector_store %arg9[%swap3A_1196, %swap3A_1197, %swap3A_1198], %mul3A_1194 {strides = array<i32>} : memref<5x40x128xf32, #tpu.memory_space<vmem>>, vector<16xf32>,
        %get3A_1200 = arith.constant 1 : i32
        %get3A_1201 = arith.index_cast %get3A_1200 : i32 to index
        %get3A_1202 = arith.index_cast %scan3A_1123 : i32 to index
        %get3A_1203 = arith.constant 96 : index
        %get3A_1204 = tpu.vector_load %arg9[%get3A_1201, %get3A_1202, %get3A_1203] {strides = array<i32>} : memref<5x40x128xf32, #tpu.memory_space<vmem>>, vector<16xf32>,
        %mul3A_1205 = arith.mulf %get3A_1204, %exp3A_1126 : vector<16xf32>
        %swap3A_1206 = arith.constant 1 : i32
        %swap3A_1207 = arith.index_cast %swap3A_1206 : i32 to index
        %swap3A_1208 = arith.index_cast %scan3A_1123 : i32 to index
        %swap3A_1209 = arith.constant 96 : index
        %swap3A_1210 = tpu.vector_load %arg9[%swap3A_1207, %swap3A_1208, %swap3A_1209] {strides = array<i32>} : memref<5x40x128xf32, #tpu.memory_space<vmem>>, vector<16xf32>,
        tpu.vector_store %arg9[%swap3A_1207, %swap3A_1208, %swap3A_1209], %mul3A_1205 {strides = array<i32>} : memref<5x40x128xf32, #tpu.memory_space<vmem>>, vector<16xf32>,
        %get3A_1211 = arith.constant 1 : i32
        %get3A_1212 = arith.index_cast %get3A_1211 : i32 to index
        %get3A_1213 = arith.index_cast %scan3A_1123 : i32 to index
        %get3A_1214 = arith.constant 112 : index
        %get3A_1215 = tpu.vector_load %arg9[%get3A_1212, %get3A_1213, %get3A_1214] {strides = array<i32>} : memref<5x40x128xf32, #tpu.memory_space<vmem>>, vector<16xf32>,
        %mul3A_1216 = arith.mulf %get3A_1215, %exp3A_1126 : vector<16xf32>
        %swap3A_1217 = arith.constant 1 : i32
        %swap3A_1218 = arith.index_cast %swap3A_1217 : i32 to index
        %swap3A_1219 = arith.index_cast %scan3A_1123 : i32 to index
        %swap3A_1220 = arith.constant 112 : index
        %swap3A_1221 = tpu.vector_load %arg9[%swap3A_1218, %swap3A_1219, %swap3A_1220] {strides = array<i32>} : memref<5x40x128xf32, #tpu.memory_space<vmem>>, vector<16xf32>,
        tpu.vector_store %arg9[%swap3A_1218, %swap3A_1219, %swap3A_1220], %mul3A_1216 {strides = array<i32>} : memref<5x40x128xf32, #tpu.memory_space<vmem>>, vector<16xf32>,
        %scan3A_1222 = arith.constant 0 : i32
        scf.yield %scan3A_1222 : i32
      }
      %scan3A_518 = arith.constant 40 : i32
      %dma_start3A_519 = arith.constant 1 : i32
      %dma_start3A_520 = arith.constant 1 : i32
      %dma_start3A_521 = arith.constant 1 : i32
      %dma_start3A_522 = arith.constant 0 : i32
      %dma_start3A_523 = arith.constant 0 : i32
      %dma_start3A_524 = tpu.memref_slice %arg9[%dma_start3A_519, %dma_start3A_522, %dma_start3A_523] : memref<5x40x128xf32, #tpu.memory_space<vmem>> -> memref<1x40x128xf32, #tpu.memory_space<vmem>>
      %dma_start3A_525 = tpu.memref_squeeze %dma_start3A_524 : memref<1x40x128xf32, #tpu.memory_space<vmem>> -> memref<40x128xf32, #tpu.memory_space<vmem>>
      %dma_start3A_526 = arith.constant 0 : i32
      %dma_start3A_527 = tpu.memref_slice %arg7[%dma_start3A_520, %dma_start3A_526] : memref<5x40xi32, #tpu.memory_space<vmem>> -> memref<1x40xi32, #tpu.memory_space<vmem>>
      %dma_start3A_528 = tpu.memref_squeeze %dma_start3A_527 : memref<1x40xi32, #tpu.memory_space<vmem>> -> memref<40xi32, #tpu.memory_space<vmem>>
      %dma_start3A_529 = arith.constant 0 : i32
      %dma_start3A_530 = arith.constant 0 : i32
      %dma_start3A_531 = tpu.memref_slice %arg12[%dma_start3A_529, %dma_start3A_530] : memref<10000x128xf32, #tpu.memory_space<vmem_shared>> -> memref<10000x128xf32, #tpu.memory_space<vmem_shared>>
      %dma_start3A_532 = tpu.memref_slice %arg14[%dma_start3A_521] : memref<5x!tpu.dma_semaphore, #tpu.memory_space<semaphore_mem>> -> memref<1x!tpu.dma_semaphore, #tpu.memory_space<semaphore_mem>>
      %dma_start3A_533 = tpu.memref_squeeze %dma_start3A_532 : memref<1x!tpu.dma_semaphore, #tpu.memory_space<semaphore_mem>> -> memref<!tpu.dma_semaphore, #tpu.memory_space<semaphore_mem>>
      tpu.enqueue_indirect_dma source(%dma_start3A_525 : memref<40x128xf32, #tpu.memory_space<vmem>>) target(%dma_start3A_531 : memref<10000x128xf32, #tpu.memory_space<vmem_shared>>) offsets(%dma_start3A_528 : memref<40xi32, #tpu.memory_space<vmem>>) semaphore(%dma_start3A_533 : memref<!tpu.dma_semaphore, #tpu.memory_space<semaphore_mem>>) {add = true}
      %ge3A_534 = arith.constant 3 : i32
      %ge3A_535 = arith.cmpi sge, %add3A_458, %ge3A_534 : i32
      %convert_element_type3A_536 = arith.extui %ge3A_535 : i1 to i32
      %cond3A_537 = arith.constant 0 : i32
      %cond3A_538 = arith.cmpi ne, %convert_element_type3A_536, %cond3A_537 : i32
      scf.if %cond3A_538 {
        %dma_wait3A_824 = arith.constant 3 : i32
        %dma_wait3A_825 = arith.constant 3 : i32
        %dma_wait3A_826 = arith.constant 3 : i32
        %dma_wait3A_827 = arith.constant 0 : i32
        %dma_wait3A_828 = arith.constant 0 : i32
        %dma_wait3A_829 = tpu.memref_slice %arg9[%dma_wait3A_824, %dma_wait3A_827, %dma_wait3A_828] : memref<5x40x128xf32, #tpu.memory_space<vmem>> -> memref<1x40x128xf32, #tpu.memory_space<vmem>>
        %dma_wait3A_830 = tpu.memref_squeeze %dma_wait3A_829 : memref<1x40x128xf32, #tpu.memory_space<vmem>> -> memref<40x128xf32, #tpu.memory_space<vmem>>
        %dma_wait3A_831 = arith.constant 0 : i32
        %dma_wait3A_832 = tpu.memref_slice %arg7[%dma_wait3A_825, %dma_wait3A_831] : memref<5x40xi32, #tpu.memory_space<vmem>> -> memref<1x40xi32, #tpu.memory_space<vmem>>
        %dma_wait3A_833 = tpu.memref_squeeze %dma_wait3A_832 : memref<1x40xi32, #tpu.memory_space<vmem>> -> memref<40xi32, #tpu.memory_space<vmem>>
        %dma_wait3A_834 = arith.constant 0 : i32
        %dma_wait3A_835 = arith.constant 0 : i32
        %dma_wait3A_836 = tpu.memref_slice %arg12[%dma_wait3A_834, %dma_wait3A_835] : memref<10000x128xf32, #tpu.memory_space<vmem_shared>> -> memref<10000x128xf32, #tpu.memory_space<vmem_shared>>
        %dma_wait3A_837 = tpu.memref_slice %arg14[%dma_wait3A_826] : memref<5x!tpu.dma_semaphore, #tpu.memory_space<semaphore_mem>> -> memref<1x!tpu.dma_semaphore, #tpu.memory_space<semaphore_mem>>
        %dma_wait3A_838 = tpu.memref_squeeze %dma_wait3A_837 : memref<1x!tpu.dma_semaphore, #tpu.memory_space<semaphore_mem>> -> memref<!tpu.dma_semaphore, #tpu.memory_space<semaphore_mem>>
        tpu.wait_indirect_dma semaphore(%dma_wait3A_838 : memref<!tpu.dma_semaphore, #tpu.memory_space<semaphore_mem>>) src(%dma_wait3A_830 : memref<40x128xf32, #tpu.memory_space<vmem>>) dst(%dma_wait3A_836 : memref<10000x128xf32, #tpu.memory_space<vmem_shared>>)
      } else {
      }
      %ge3A_539 = arith.constant 3 : i32
      %ge3A_540 = arith.cmpi sge, %add3A_458, %ge3A_539 : i32
      %le3A_541 = arith.constant 247 : i32
      %le3A_542 = arith.cmpi sle, %add3A_458, %le3A_541 : i32
      %and3A_543 = arith.andi %ge3A_540, %le3A_542 : i1
      %convert_element_type3A_544 = arith.extui %and3A_543 : i1 to i32
      %cond3A_545 = arith.constant 0 : i32
      %cond3A_546 = arith.cmpi ne, %convert_element_type3A_544, %cond3A_545 : i32
      scf.if %cond3A_546 {
        %add3A_824 = arith.constant 2 : i32
        %add3A_825 = arith.addi %add3A_458, %add3A_824 : i32
        %mul3A_826 = arith.constant 40 : i32
        %mul3A_827 = arith.muli %add3A_825, %mul3A_826 : i32
        %add3A_828 = arith.addi %mul3A_2, %mul3A_827 : i32
        %dma_start3A_829 = arith.constant 3 : i32
        %dma_start3A_830 = arith.constant 3 : i32
        %dma_start3A_831 = arith.constant 0 : i32
        %dma_start3A_832 = arith.constant 0 : i32
        %dma_start3A_833 = tpu.memref_slice %arg9[%dma_start3A_829, %dma_start3A_831, %dma_start3A_832] : memref<5x40x128xf32, #tpu.memory_space<vmem>> -> memref<1x40x128xf32, #tpu.memory_space<vmem>>
        %dma_start3A_834 = tpu.memref_squeeze %dma_start3A_833 : memref<1x40x128xf32, #tpu.memory_space<vmem>> -> memref<40x128xf32, #tpu.memory_space<vmem>>
        %dma_start3A_835 = arith.constant 0 : i32
        %dma_start3A_836 = tpu.memref_slice %arg4[%add3A_828, %dma_start3A_835] : memref<320000x128xf32, #tpu.memory_space<hbm>> -> memref<40x128xf32, #tpu.memory_space<hbm>>
        %dma_start3A_837 = tpu.memref_slice %arg13[%dma_start3A_830] : memref<5x!tpu.dma_semaphore, #tpu.memory_space<semaphore_mem>> -> memref<1x!tpu.dma_semaphore, #tpu.memory_space<semaphore_mem>>
        %dma_start3A_838 = tpu.memref_squeeze %dma_start3A_837 : memref<1x!tpu.dma_semaphore, #tpu.memory_space<semaphore_mem>> -> memref<!tpu.dma_semaphore, #tpu.memory_space<semaphore_mem>>
        %dma_start3A_839 = arith.constant 0 : i32
        %dma_start3A_840 = arith.constant 0 : i32
        %dma_start3A_841 = tpu.memref_slice %arg9[%dma_start3A_829, %dma_start3A_839, %dma_start3A_840] : memref<5x40x128xf32, #tpu.memory_space<vmem>> -> memref<1x40x128xf32, #tpu.memory_space<vmem>>
        %dma_start3A_842 = tpu.memref_squeeze %dma_start3A_841 : memref<1x40x128xf32, #tpu.memory_space<vmem>> -> memref<40x128xf32, #tpu.memory_space<vmem>>
        %dma_start3A_843 = arith.constant 0 : i32
        %dma_start3A_844 = tpu.memref_slice %arg4[%add3A_828, %dma_start3A_843] : memref<320000x128xf32, #tpu.memory_space<hbm>> -> memref<40x128xf32, #tpu.memory_space<hbm>>
        tpu.enqueue_dma source(%dma_start3A_844 : memref<40x128xf32, #tpu.memory_space<hbm>>) target(%dma_start3A_842 : memref<40x128xf32, #tpu.memory_space<vmem>>) target_semaphore(%dma_start3A_838 : memref<!tpu.dma_semaphore, #tpu.memory_space<semaphore_mem>>)
        %dma_start3A_845 = arith.constant 3 : i32
        %dma_start3A_846 = arith.constant 3 : i32
        %dma_start3A_847 = arith.constant 0 : i32
        %dma_start3A_848 = tpu.memref_slice %arg7[%dma_start3A_845, %dma_start3A_847] : memref<5x40xi32, #tpu.memory_space<vmem>> -> memref<1x40xi32, #tpu.memory_space<vmem>>
        %dma_start3A_849 = tpu.memref_squeeze %dma_start3A_848 : memref<1x40xi32, #tpu.memory_space<vmem>> -> memref<40xi32, #tpu.memory_space<vmem>>
        %dma_start3A_850 = arith.constant 0 : i32
        %dma_start3A_851 = tpu.memref_slice %arg2[%add3A, %add3A_825, %dma_start3A_850] : memref<32x250x40xi32, #tpu.memory_space<hbm>> -> memref<1x1x40xi32, #tpu.memory_space<hbm>>
        %dma_start3A_852 = tpu.memref_squeeze %dma_start3A_851 : memref<1x1x40xi32, #tpu.memory_space<hbm>> -> memref<40xi32, #tpu.memory_space<hbm>>
        %dma_start3A_853 = tpu.memref_slice %arg13[%dma_start3A_846] : memref<5x!tpu.dma_semaphore, #tpu.memory_space<semaphore_mem>> -> memref<1x!tpu.dma_semaphore, #tpu.memory_space<semaphore_mem>>
        %dma_start3A_854 = tpu.memref_squeeze %dma_start3A_853 : memref<1x!tpu.dma_semaphore, #tpu.memory_space<semaphore_mem>> -> memref<!tpu.dma_semaphore, #tpu.memory_space<semaphore_mem>>
        %dma_start3A_855 = arith.constant 0 : i32
        %dma_start3A_856 = tpu.memref_slice %arg7[%dma_start3A_845, %dma_start3A_855] : memref<5x40xi32, #tpu.memory_space<vmem>> -> memref<1x40xi32, #tpu.memory_space<vmem>>
        %dma_start3A_857 = tpu.memref_squeeze %dma_start3A_856 : memref<1x40xi32, #tpu.memory_space<vmem>> -> memref<40xi32, #tpu.memory_space<vmem>>
        %dma_start3A_858 = arith.constant 0 : i32
        %dma_start3A_859 = tpu.memref_slice %arg2[%add3A, %add3A_825, %dma_start3A_858] : memref<32x250x40xi32, #tpu.memory_space<hbm>> -> memref<1x1x40xi32, #tpu.memory_space<hbm>>
        %dma_start3A_860 = tpu.memref_squeeze %dma_start3A_859 : memref<1x1x40xi32, #tpu.memory_space<hbm>> -> memref<40xi32, #tpu.memory_space<hbm>>
        tpu.enqueue_dma source(%dma_start3A_860 : memref<40xi32, #tpu.memory_space<hbm>>) target(%dma_start3A_857 : memref<40xi32, #tpu.memory_space<vmem>>) target_semaphore(%dma_start3A_854 : memref<!tpu.dma_semaphore, #tpu.memory_space<semaphore_mem>>)
        %dma_start3A_861 = arith.constant 3 : i32
        %dma_start3A_862 = arith.constant 3 : i32
        %dma_start3A_863 = arith.constant 0 : i32
        %dma_start3A_864 = tpu.memref_slice %arg8[%dma_start3A_861, %dma_start3A_863] : memref<5x40xf32, #tpu.memory_space<vmem>> -> memref<1x40xf32, #tpu.memory_space<vmem>>
        %dma_start3A_865 = tpu.memref_squeeze %dma_start3A_864 : memref<1x40xf32, #tpu.memory_space<vmem>> -> memref<40xf32, #tpu.memory_space<vmem>>
        %dma_start3A_866 = arith.constant 0 : i32
        %dma_start3A_867 = tpu.memref_slice %arg3[%add3A, %add3A_825, %dma_start3A_866] : memref<32x250x40xf32, #tpu.memory_space<hbm>> -> memref<1x1x40xf32, #tpu.memory_space<hbm>>
        %dma_start3A_868 = tpu.memref_squeeze %dma_start3A_867 : memref<1x1x40xf32, #tpu.memory_space<hbm>> -> memref<40xf32, #tpu.memory_space<hbm>>
        %dma_start3A_869 = tpu.memref_slice %arg13[%dma_start3A_862] : memref<5x!tpu.dma_semaphore, #tpu.memory_space<semaphore_mem>> -> memref<1x!tpu.dma_semaphore, #tpu.memory_space<semaphore_mem>>
        %dma_start3A_870 = tpu.memref_squeeze %dma_start3A_869 : memref<1x!tpu.dma_semaphore, #tpu.memory_space<semaphore_mem>> -> memref<!tpu.dma_semaphore, #tpu.memory_space<semaphore_mem>>
        %dma_start3A_871 = arith.constant 0 : i32
        %dma_start3A_872 = tpu.memref_slice %arg8[%dma_start3A_861, %dma_start3A_871] : memref<5x40xf32, #tpu.memory_space<vmem>> -> memref<1x40xf32, #tpu.memory_space<vmem>>
        %dma_start3A_873 = tpu.memref_squeeze %dma_start3A_872 : memref<1x40xf32, #tpu.memory_space<vmem>> -> memref<40xf32, #tpu.memory_space<vmem>>
        %dma_start3A_874 = arith.constant 0 : i32
        %dma_start3A_875 = tpu.memref_slice %arg3[%add3A, %add3A_825, %dma_start3A_874] : memref<32x250x40xf32, #tpu.memory_space<hbm>> -> memref<1x1x40xf32, #tpu.memory_space<hbm>>
        %dma_start3A_876 = tpu.memref_squeeze %dma_start3A_875 : memref<1x1x40xf32, #tpu.memory_space<hbm>> -> memref<40xf32, #tpu.memory_space<hbm>>
        tpu.enqueue_dma source(%dma_start3A_876 : memref<40xf32, #tpu.memory_space<hbm>>) target(%dma_start3A_873 : memref<40xf32, #tpu.memory_space<vmem>>) target_semaphore(%dma_start3A_870 : memref<!tpu.dma_semaphore, #tpu.memory_space<semaphore_mem>>)
      } else {
      }
      %mul3A_547 = arith.constant 5 : i32
      %mul3A_548 = arith.muli %scan3A_365, %mul3A_547 : i32
      %add3A_549 = arith.constant 2 : i32
      %add3A_550 = arith.addi %mul3A_548, %add3A_549 : i32
      %mul3A_551 = arith.constant 40 : i32
      %mul3A_552 = arith.muli %add3A_550, %mul3A_551 : i32
      %add3A_553 = arith.addi %mul3A_2, %mul3A_552 : i32
      %dma_wait3A_554 = arith.constant 2 : i32
      %dma_wait3A_555 = arith.constant 2 : i32
      %dma_wait3A_556 = arith.constant 0 : i32
      %dma_wait3A_557 = arith.constant 0 : i32
      %dma_wait3A_558 = tpu.memref_slice %arg9[%dma_wait3A_554, %dma_wait3A_556, %dma_wait3A_557] : memref<5x40x128xf32, #tpu.memory_space<vmem>> -> memref<1x40x128xf32, #tpu.memory_space<vmem>>
      %dma_wait3A_559 = tpu.memref_squeeze %dma_wait3A_558 : memref<1x40x128xf32, #tpu.memory_space<vmem>> -> memref<40x128xf32, #tpu.memory_space<vmem>>
      %dma_wait3A_560 = arith.constant 0 : i32
      %dma_wait3A_561 = tpu.memref_slice %arg4[%add3A_553, %dma_wait3A_560] : memref<320000x128xf32, #tpu.memory_space<hbm>> -> memref<40x128xf32, #tpu.memory_space<hbm>>
      %dma_wait3A_562 = tpu.memref_slice %arg13[%dma_wait3A_555] : memref<5x!tpu.dma_semaphore, #tpu.memory_space<semaphore_mem>> -> memref<1x!tpu.dma_semaphore, #tpu.memory_space<semaphore_mem>>
      %dma_wait3A_563 = tpu.memref_squeeze %dma_wait3A_562 : memref<1x!tpu.dma_semaphore, #tpu.memory_space<semaphore_mem>> -> memref<!tpu.dma_semaphore, #tpu.memory_space<semaphore_mem>>
      %dma_wait3A_564 = arith.constant 0 : i32
      %dma_wait3A_565 = arith.constant 0 : i32
      %dma_wait3A_566 = tpu.memref_slice %arg9[%dma_wait3A_554, %dma_wait3A_564, %dma_wait3A_565] : memref<5x40x128xf32, #tpu.memory_space<vmem>> -> memref<1x40x128xf32, #tpu.memory_space<vmem>>
      %dma_wait3A_567 = tpu.memref_squeeze %dma_wait3A_566 : memref<1x40x128xf32, #tpu.memory_space<vmem>> -> memref<40x128xf32, #tpu.memory_space<vmem>>
      %dma_wait3A_568 = arith.constant 0 : i32
      %dma_wait3A_569 = tpu.memref_slice %arg4[%add3A_553, %dma_wait3A_568] : memref<320000x128xf32, #tpu.memory_space<hbm>> -> memref<40x128xf32, #tpu.memory_space<hbm>>
      tpu.wait_dma2 semaphore(%dma_wait3A_563 : memref<!tpu.dma_semaphore, #tpu.memory_space<semaphore_mem>>) src(%dma_wait3A_569 : memref<40x128xf32, #tpu.memory_space<hbm>>) dst(%dma_wait3A_567 : memref<40x128xf32, #tpu.memory_space<vmem>>)
      %dma_wait3A_570 = arith.constant 2 : i32
      %dma_wait3A_571 = arith.constant 2 : i32
      %dma_wait3A_572 = arith.constant 0 : i32
      %dma_wait3A_573 = tpu.memref_slice %arg7[%dma_wait3A_570, %dma_wait3A_572] : memref<5x40xi32, #tpu.memory_space<vmem>> -> memref<1x40xi32, #tpu.memory_space<vmem>>
      %dma_wait3A_574 = tpu.memref_squeeze %dma_wait3A_573 : memref<1x40xi32, #tpu.memory_space<vmem>> -> memref<40xi32, #tpu.memory_space<vmem>>
      %dma_wait3A_575 = arith.constant 0 : i32
      %dma_wait3A_576 = tpu.memref_slice %arg2[%add3A, %add3A_550, %dma_wait3A_575] : memref<32x250x40xi32, #tpu.memory_space<hbm>> -> memref<1x1x40xi32, #tpu.memory_space<hbm>>
      %dma_wait3A_577 = tpu.memref_squeeze %dma_wait3A_576 : memref<1x1x40xi32, #tpu.memory_space<hbm>> -> memref<40xi32, #tpu.memory_space<hbm>>
      %dma_wait3A_578 = tpu.memref_slice %arg13[%dma_wait3A_571] : memref<5x!tpu.dma_semaphore, #tpu.memory_space<semaphore_mem>> -> memref<1x!tpu.dma_semaphore, #tpu.memory_space<semaphore_mem>>
      %dma_wait3A_579 = tpu.memref_squeeze %dma_wait3A_578 : memref<1x!tpu.dma_semaphore, #tpu.memory_space<semaphore_mem>> -> memref<!tpu.dma_semaphore, #tpu.memory_space<semaphore_mem>>
      %dma_wait3A_580 = arith.constant 0 : i32
      %dma_wait3A_581 = tpu.memref_slice %arg7[%dma_wait3A_570, %dma_wait3A_580] : memref<5x40xi32, #tpu.memory_space<vmem>> -> memref<1x40xi32, #tpu.memory_space<vmem>>
      %dma_wait3A_582 = tpu.memref_squeeze %dma_wait3A_581 : memref<1x40xi32, #tpu.memory_space<vmem>> -> memref<40xi32, #tpu.memory_space<vmem>>
      %dma_wait3A_583 = arith.constant 0 : i32
      %dma_wait3A_584 = tpu.memref_slice %arg2[%add3A, %add3A_550, %dma_wait3A_583] : memref<32x250x40xi32, #tpu.memory_space<hbm>> -> memref<1x1x40xi32, #tpu.memory_space<hbm>>
      %dma_wait3A_585 = tpu.memref_squeeze %dma_wait3A_584 : memref<1x1x40xi32, #tpu.memory_space<hbm>> -> memref<40xi32, #tpu.memory_space<hbm>>
      tpu.wait_dma2 semaphore(%dma_wait3A_579 : memref<!tpu.dma_semaphore, #tpu.memory_space<semaphore_mem>>) src(%dma_wait3A_585 : memref<40xi32, #tpu.memory_space<hbm>>) dst(%dma_wait3A_582 : memref<40xi32, #tpu.memory_space<vmem>>)
      %dma_wait3A_586 = arith.constant 2 : i32
      %dma_wait3A_587 = arith.constant 2 : i32
      %dma_wait3A_588 = arith.constant 0 : i32
      %dma_wait3A_589 = tpu.memref_slice %arg8[%dma_wait3A_586, %dma_wait3A_588] : memref<5x40xf32, #tpu.memory_space<vmem>> -> memref<1x40xf32, #tpu.memory_space<vmem>>
      %dma_wait3A_590 = tpu.memref_squeeze %dma_wait3A_589 : memref<1x40xf32, #tpu.memory_space<vmem>> -> memref<40xf32, #tpu.memory_space<vmem>>
      %dma_wait3A_591 = arith.constant 0 : i32
      %dma_wait3A_592 = tpu.memref_slice %arg3[%add3A, %add3A_550, %dma_wait3A_591] : memref<32x250x40xf32, #tpu.memory_space<hbm>> -> memref<1x1x40xf32, #tpu.memory_space<hbm>>
      %dma_wait3A_593 = tpu.memref_squeeze %dma_wait3A_592 : memref<1x1x40xf32, #tpu.memory_space<hbm>> -> memref<40xf32, #tpu.memory_space<hbm>>
      %dma_wait3A_594 = tpu.memref_slice %arg13[%dma_wait3A_587] : memref<5x!tpu.dma_semaphore, #tpu.memory_space<semaphore_mem>> -> memref<1x!tpu.dma_semaphore, #tpu.memory_space<semaphore_mem>>
      %dma_wait3A_595 = tpu.memref_squeeze %dma_wait3A_594 : memref<1x!tpu.dma_semaphore, #tpu.memory_space<semaphore_mem>> -> memref<!tpu.dma_semaphore, #tpu.memory_space<semaphore_mem>>
      %dma_wait3A_596 = arith.constant 0 : i32
      %dma_wait3A_597 = tpu.memref_slice %arg8[%dma_wait3A_586, %dma_wait3A_596] : memref<5x40xf32, #tpu.memory_space<vmem>> -> memref<1x40xf32, #tpu.memory_space<vmem>>
      %dma_wait3A_598 = tpu.memref_squeeze %dma_wait3A_597 : memref<1x40xf32, #tpu.memory_space<vmem>> -> memref<40xf32, #tpu.memory_space<vmem>>
      %dma_wait3A_599 = arith.constant 0 : i32
      %dma_wait3A_600 = tpu.memref_slice %arg3[%add3A, %add3A_550, %dma_wait3A_599] : memref<32x250x40xf32, #tpu.memory_space<hbm>> -> memref<1x1x40xf32, #tpu.memory_space<hbm>>
      %dma_wait3A_601 = tpu.memref_squeeze %dma_wait3A_600 : memref<1x1x40xf32, #tpu.memory_space<hbm>> -> memref<40xf32, #tpu.memory_space<hbm>>
      tpu.wait_dma2 semaphore(%dma_wait3A_595 : memref<!tpu.dma_semaphore, #tpu.memory_space<semaphore_mem>>) src(%dma_wait3A_601 : memref<40xf32, #tpu.memory_space<hbm>>) dst(%dma_wait3A_598 : memref<40xf32, #tpu.memory_space<vmem>>)
      %broadcast_in_dim3A_602 = arith.constant 2 : i32
      %broadcast_in_dim3A_603 = vector.broadcast %broadcast_in_dim3A_602 : i32 to vector<16xi32>
      %scan3A_604 = arith.constant 0 : i32
      %scan3A_605 = arith.constant 0 : i32
      %scan3A_606 = arith.constant 40 : i32
      %scan3A_607 = arith.addi %scan3A_605, %scan3A_606 : i32
      %scan3A_608 = arith.constant 4 : i32
      %scan3A_609 = scf.for %scan3A_824 = %scan3A_605 to %scan3A_607 step %scan3A_608 iter_args(%scan3A_825 = %scan3A_604) -> (i32)  : i32 {
        %broadcast_in_dim3A_826 = vector.broadcast %scan3A_824 : i32 to vector<16xi32>
        %gather3A = tpu.vector_load_idx %arg8[%broadcast_in_dim3A_603, %broadcast_in_dim3A_826] : memref<5x40xf32, #tpu.memory_space<vmem>>[vector<16xi32>, vector<16xi32>], vector<16xf32>,
        %exp3A = math.exp %gather3A : vector<16xf32>
        %gather3A_827 = tpu.vector_load_idx %arg7[%broadcast_in_dim3A_603, %broadcast_in_dim3A_826] : memref<5x40xi32, #tpu.memory_space<vmem>>[vector<16xi32>, vector<16xi32>], vector<16xi32>,
        %shift_right_logical3A = arith.constant 7 : i32
        %shift_right_logical3A_828 = vector.broadcast %shift_right_logical3A : i32 to vector<16xi32>
        %shift_right_logical3A_829 = arith.shrui %gather3A_827, %shift_right_logical3A_828 : vector<16xi32>
        %and3A_830 = arith.constant 127 : i32
        %and3A_831 = vector.broadcast %and3A_830 : i32 to vector<16xi32>
        %and3A_832 = arith.andi %gather3A_827, %and3A_831 : vector<16xi32>
        tpu.vector_store_idx %arg10[%shift_right_logical3A_829, %and3A_832], %exp3A masked %eq3A_307 {add = true} : memref<80x128xf32, #tpu.memory_space<vmem>>[vector<16xi32>, vector<16xi32>], vector<16xf32>, vector<16xi1>
        %get3A = arith.constant 2 : i32
        %get3A_833 = arith.index_cast %get3A : i32 to index
        %get3A_834 = arith.index_cast %scan3A_824 : i32 to index
        %get3A_835 = arith.constant 0 : index
        %get3A_836 = tpu.vector_load %arg9[%get3A_833, %get3A_834, %get3A_835] {strides = array<i32>} : memref<5x40x128xf32, #tpu.memory_space<vmem>>, vector<16xf32>,
        %mul3A_837 = arith.mulf %get3A_836, %exp3A : vector<16xf32>
        %swap3A = arith.constant 2 : i32
        %swap3A_838 = arith.index_cast %swap3A : i32 to index
        %swap3A_839 = arith.index_cast %scan3A_824 : i32 to index
        %swap3A_840 = arith.constant 0 : index
        %swap3A_841 = tpu.vector_load %arg9[%swap3A_838, %swap3A_839, %swap3A_840] {strides = array<i32>} : memref<5x40x128xf32, #tpu.memory_space<vmem>>, vector<16xf32>,
        tpu.vector_store %arg9[%swap3A_838, %swap3A_839, %swap3A_840], %mul3A_837 {strides = array<i32>} : memref<5x40x128xf32, #tpu.memory_space<vmem>>, vector<16xf32>,
        %get3A_842 = arith.constant 2 : i32
        %get3A_843 = arith.index_cast %get3A_842 : i32 to index
        %get3A_844 = arith.index_cast %scan3A_824 : i32 to index
        %get3A_845 = arith.constant 16 : index
        %get3A_846 = tpu.vector_load %arg9[%get3A_843, %get3A_844, %get3A_845] {strides = array<i32>} : memref<5x40x128xf32, #tpu.memory_space<vmem>>, vector<16xf32>,
        %mul3A_847 = arith.mulf %get3A_846, %exp3A : vector<16xf32>
        %swap3A_848 = arith.constant 2 : i32
        %swap3A_849 = arith.index_cast %swap3A_848 : i32 to index
        %swap3A_850 = arith.index_cast %scan3A_824 : i32 to index
        %swap3A_851 = arith.constant 16 : index
        %swap3A_852 = tpu.vector_load %arg9[%swap3A_849, %swap3A_850, %swap3A_851] {strides = array<i32>} : memref<5x40x128xf32, #tpu.memory_space<vmem>>, vector<16xf32>,
        tpu.vector_store %arg9[%swap3A_849, %swap3A_850, %swap3A_851], %mul3A_847 {strides = array<i32>} : memref<5x40x128xf32, #tpu.memory_space<vmem>>, vector<16xf32>,
        %get3A_853 = arith.constant 2 : i32
        %get3A_854 = arith.index_cast %get3A_853 : i32 to index
        %get3A_855 = arith.index_cast %scan3A_824 : i32 to index
        %get3A_856 = arith.constant 32 : index
        %get3A_857 = tpu.vector_load %arg9[%get3A_854, %get3A_855, %get3A_856] {strides = array<i32>} : memref<5x40x128xf32, #tpu.memory_space<vmem>>, vector<16xf32>,
        %mul3A_858 = arith.mulf %get3A_857, %exp3A : vector<16xf32>
        %swap3A_859 = arith.constant 2 : i32
        %swap3A_860 = arith.index_cast %swap3A_859 : i32 to index
        %swap3A_861 = arith.index_cast %scan3A_824 : i32 to index
        %swap3A_862 = arith.constant 32 : index
        %swap3A_863 = tpu.vector_load %arg9[%swap3A_860, %swap3A_861, %swap3A_862] {strides = array<i32>} : memref<5x40x128xf32, #tpu.memory_space<vmem>>, vector<16xf32>,
        tpu.vector_store %arg9[%swap3A_860, %swap3A_861, %swap3A_862], %mul3A_858 {strides = array<i32>} : memref<5x40x128xf32, #tpu.memory_space<vmem>>, vector<16xf32>,
        %get3A_864 = arith.constant 2 : i32
        %get3A_865 = arith.index_cast %get3A_864 : i32 to index
        %get3A_866 = arith.index_cast %scan3A_824 : i32 to index
        %get3A_867 = arith.constant 48 : index
        %get3A_868 = tpu.vector_load %arg9[%get3A_865, %get3A_866, %get3A_867] {strides = array<i32>} : memref<5x40x128xf32, #tpu.memory_space<vmem>>, vector<16xf32>,
        %mul3A_869 = arith.mulf %get3A_868, %exp3A : vector<16xf32>
        %swap3A_870 = arith.constant 2 : i32
        %swap3A_871 = arith.index_cast %swap3A_870 : i32 to index
        %swap3A_872 = arith.index_cast %scan3A_824 : i32 to index
        %swap3A_873 = arith.constant 48 : index
        %swap3A_874 = tpu.vector_load %arg9[%swap3A_871, %swap3A_872, %swap3A_873] {strides = array<i32>} : memref<5x40x128xf32, #tpu.memory_space<vmem>>, vector<16xf32>,
        tpu.vector_store %arg9[%swap3A_871, %swap3A_872, %swap3A_873], %mul3A_869 {strides = array<i32>} : memref<5x40x128xf32, #tpu.memory_space<vmem>>, vector<16xf32>,
        %get3A_875 = arith.constant 2 : i32
        %get3A_876 = arith.index_cast %get3A_875 : i32 to index
        %get3A_877 = arith.index_cast %scan3A_824 : i32 to index
        %get3A_878 = arith.constant 64 : index
        %get3A_879 = tpu.vector_load %arg9[%get3A_876, %get3A_877, %get3A_878] {strides = array<i32>} : memref<5x40x128xf32, #tpu.memory_space<vmem>>, vector<16xf32>,
        %mul3A_880 = arith.mulf %get3A_879, %exp3A : vector<16xf32>
        %swap3A_881 = arith.constant 2 : i32
        %swap3A_882 = arith.index_cast %swap3A_881 : i32 to index
        %swap3A_883 = arith.index_cast %scan3A_824 : i32 to index
        %swap3A_884 = arith.constant 64 : index
        %swap3A_885 = tpu.vector_load %arg9[%swap3A_882, %swap3A_883, %swap3A_884] {strides = array<i32>} : memref<5x40x128xf32, #tpu.memory_space<vmem>>, vector<16xf32>,
        tpu.vector_store %arg9[%swap3A_882, %swap3A_883, %swap3A_884], %mul3A_880 {strides = array<i32>} : memref<5x40x128xf32, #tpu.memory_space<vmem>>, vector<16xf32>,
        %get3A_886 = arith.constant 2 : i32
        %get3A_887 = arith.index_cast %get3A_886 : i32 to index
        %get3A_888 = arith.index_cast %scan3A_824 : i32 to index
        %get3A_889 = arith.constant 80 : index
        %get3A_890 = tpu.vector_load %arg9[%get3A_887, %get3A_888, %get3A_889] {strides = array<i32>} : memref<5x40x128xf32, #tpu.memory_space<vmem>>, vector<16xf32>,
        %mul3A_891 = arith.mulf %get3A_890, %exp3A : vector<16xf32>
        %swap3A_892 = arith.constant 2 : i32
        %swap3A_893 = arith.index_cast %swap3A_892 : i32 to index
        %swap3A_894 = arith.index_cast %scan3A_824 : i32 to index
        %swap3A_895 = arith.constant 80 : index
        %swap3A_896 = tpu.vector_load %arg9[%swap3A_893, %swap3A_894, %swap3A_895] {strides = array<i32>} : memref<5x40x128xf32, #tpu.memory_space<vmem>>, vector<16xf32>,
        tpu.vector_store %arg9[%swap3A_893, %swap3A_894, %swap3A_895], %mul3A_891 {strides = array<i32>} : memref<5x40x128xf32, #tpu.memory_space<vmem>>, vector<16xf32>,
        %get3A_897 = arith.constant 2 : i32
        %get3A_898 = arith.index_cast %get3A_897 : i32 to index
        %get3A_899 = arith.index_cast %scan3A_824 : i32 to index
        %get3A_900 = arith.constant 96 : index
        %get3A_901 = tpu.vector_load %arg9[%get3A_898, %get3A_899, %get3A_900] {strides = array<i32>} : memref<5x40x128xf32, #tpu.memory_space<vmem>>, vector<16xf32>,
        %mul3A_902 = arith.mulf %get3A_901, %exp3A : vector<16xf32>
        %swap3A_903 = arith.constant 2 : i32
        %swap3A_904 = arith.index_cast %swap3A_903 : i32 to index
        %swap3A_905 = arith.index_cast %scan3A_824 : i32 to index
        %swap3A_906 = arith.constant 96 : index
        %swap3A_907 = tpu.vector_load %arg9[%swap3A_904, %swap3A_905, %swap3A_906] {strides = array<i32>} : memref<5x40x128xf32, #tpu.memory_space<vmem>>, vector<16xf32>,
        tpu.vector_store %arg9[%swap3A_904, %swap3A_905, %swap3A_906], %mul3A_902 {strides = array<i32>} : memref<5x40x128xf32, #tpu.memory_space<vmem>>, vector<16xf32>,
        %get3A_908 = arith.constant 2 : i32
        %get3A_909 = arith.index_cast %get3A_908 : i32 to index
        %get3A_910 = arith.index_cast %scan3A_824 : i32 to index
        %get3A_911 = arith.constant 112 : index
        %get3A_912 = tpu.vector_load %arg9[%get3A_909, %get3A_910, %get3A_911] {strides = array<i32>} : memref<5x40x128xf32, #tpu.memory_space<vmem>>, vector<16xf32>,
        %mul3A_913 = arith.mulf %get3A_912, %exp3A : vector<16xf32>
        %swap3A_914 = arith.constant 2 : i32
        %swap3A_915 = arith.index_cast %swap3A_914 : i32 to index
        %swap3A_916 = arith.index_cast %scan3A_824 : i32 to index
        %swap3A_917 = arith.constant 112 : index
        %swap3A_918 = tpu.vector_load %arg9[%swap3A_915, %swap3A_916, %swap3A_917] {strides = array<i32>} : memref<5x40x128xf32, #tpu.memory_space<vmem>>, vector<16xf32>,
        tpu.vector_store %arg9[%swap3A_915, %swap3A_916, %swap3A_917], %mul3A_913 {strides = array<i32>} : memref<5x40x128xf32, #tpu.memory_space<vmem>>, vector<16xf32>,
        %scan3A_919 = arith.constant 0 : i32
        %scan3A_920 = arith.constant 1 : i32
        %scan3A_921 = arith.addi %scan3A_824, %scan3A_920 : i32
        %broadcast_in_dim3A_922 = vector.broadcast %scan3A_921 : i32 to vector<16xi32>
        %gather3A_923 = tpu.vector_load_idx %arg8[%broadcast_in_dim3A_603, %broadcast_in_dim3A_922] : memref<5x40xf32, #tpu.memory_space<vmem>>[vector<16xi32>, vector<16xi32>], vector<16xf32>,
        %exp3A_924 = math.exp %gather3A_923 : vector<16xf32>
        %gather3A_925 = tpu.vector_load_idx %arg7[%broadcast_in_dim3A_603, %broadcast_in_dim3A_922] : memref<5x40xi32, #tpu.memory_space<vmem>>[vector<16xi32>, vector<16xi32>], vector<16xi32>,
        %shift_right_logical3A_926 = arith.constant 7 : i32
        %shift_right_logical3A_927 = vector.broadcast %shift_right_logical3A_926 : i32 to vector<16xi32>
        %shift_right_logical3A_928 = arith.shrui %gather3A_925, %shift_right_logical3A_927 : vector<16xi32>
        %and3A_929 = arith.constant 127 : i32
        %and3A_930 = vector.broadcast %and3A_929 : i32 to vector<16xi32>
        %and3A_931 = arith.andi %gather3A_925, %and3A_930 : vector<16xi32>
        tpu.vector_store_idx %arg10[%shift_right_logical3A_928, %and3A_931], %exp3A_924 masked %eq3A_307 {add = true} : memref<80x128xf32, #tpu.memory_space<vmem>>[vector<16xi32>, vector<16xi32>], vector<16xf32>, vector<16xi1>
        %get3A_932 = arith.constant 2 : i32
        %get3A_933 = arith.index_cast %get3A_932 : i32 to index
        %get3A_934 = arith.index_cast %scan3A_921 : i32 to index
        %get3A_935 = arith.constant 0 : index
        %get3A_936 = tpu.vector_load %arg9[%get3A_933, %get3A_934, %get3A_935] {strides = array<i32>} : memref<5x40x128xf32, #tpu.memory_space<vmem>>, vector<16xf32>,
        %mul3A_937 = arith.mulf %get3A_936, %exp3A_924 : vector<16xf32>
        %swap3A_938 = arith.constant 2 : i32
        %swap3A_939 = arith.index_cast %swap3A_938 : i32 to index
        %swap3A_940 = arith.index_cast %scan3A_921 : i32 to index
        %swap3A_941 = arith.constant 0 : index
        %swap3A_942 = tpu.vector_load %arg9[%swap3A_939, %swap3A_940, %swap3A_941] {strides = array<i32>} : memref<5x40x128xf32, #tpu.memory_space<vmem>>, vector<16xf32>,
        tpu.vector_store %arg9[%swap3A_939, %swap3A_940, %swap3A_941], %mul3A_937 {strides = array<i32>} : memref<5x40x128xf32, #tpu.memory_space<vmem>>, vector<16xf32>,
        %get3A_943 = arith.constant 2 : i32
        %get3A_944 = arith.index_cast %get3A_943 : i32 to index
        %get3A_945 = arith.index_cast %scan3A_921 : i32 to index
        %get3A_946 = arith.constant 16 : index
        %get3A_947 = tpu.vector_load %arg9[%get3A_944, %get3A_945, %get3A_946] {strides = array<i32>} : memref<5x40x128xf32, #tpu.memory_space<vmem>>, vector<16xf32>,
        %mul3A_948 = arith.mulf %get3A_947, %exp3A_924 : vector<16xf32>
        %swap3A_949 = arith.constant 2 : i32
        %swap3A_950 = arith.index_cast %swap3A_949 : i32 to index
        %swap3A_951 = arith.index_cast %scan3A_921 : i32 to index
        %swap3A_952 = arith.constant 16 : index
        %swap3A_953 = tpu.vector_load %arg9[%swap3A_950, %swap3A_951, %swap3A_952] {strides = array<i32>} : memref<5x40x128xf32, #tpu.memory_space<vmem>>, vector<16xf32>,
        tpu.vector_store %arg9[%swap3A_950, %swap3A_951, %swap3A_952], %mul3A_948 {strides = array<i32>} : memref<5x40x128xf32, #tpu.memory_space<vmem>>, vector<16xf32>,
        %get3A_954 = arith.constant 2 : i32
        %get3A_955 = arith.index_cast %get3A_954 : i32 to index
        %get3A_956 = arith.index_cast %scan3A_921 : i32 to index
        %get3A_957 = arith.constant 32 : index
        %get3A_958 = tpu.vector_load %arg9[%get3A_955, %get3A_956, %get3A_957] {strides = array<i32>} : memref<5x40x128xf32, #tpu.memory_space<vmem>>, vector<16xf32>,
        %mul3A_959 = arith.mulf %get3A_958, %exp3A_924 : vector<16xf32>
        %swap3A_960 = arith.constant 2 : i32
        %swap3A_961 = arith.index_cast %swap3A_960 : i32 to index
        %swap3A_962 = arith.index_cast %scan3A_921 : i32 to index
        %swap3A_963 = arith.constant 32 : index
        %swap3A_964 = tpu.vector_load %arg9[%swap3A_961, %swap3A_962, %swap3A_963] {strides = array<i32>} : memref<5x40x128xf32, #tpu.memory_space<vmem>>, vector<16xf32>,
        tpu.vector_store %arg9[%swap3A_961, %swap3A_962, %swap3A_963], %mul3A_959 {strides = array<i32>} : memref<5x40x128xf32, #tpu.memory_space<vmem>>, vector<16xf32>,
        %get3A_965 = arith.constant 2 : i32
        %get3A_966 = arith.index_cast %get3A_965 : i32 to index
        %get3A_967 = arith.index_cast %scan3A_921 : i32 to index
        %get3A_968 = arith.constant 48 : index
        %get3A_969 = tpu.vector_load %arg9[%get3A_966, %get3A_967, %get3A_968] {strides = array<i32>} : memref<5x40x128xf32, #tpu.memory_space<vmem>>, vector<16xf32>,
        %mul3A_970 = arith.mulf %get3A_969, %exp3A_924 : vector<16xf32>
        %swap3A_971 = arith.constant 2 : i32
        %swap3A_972 = arith.index_cast %swap3A_971 : i32 to index
        %swap3A_973 = arith.index_cast %scan3A_921 : i32 to index
        %swap3A_974 = arith.constant 48 : index
        %swap3A_975 = tpu.vector_load %arg9[%swap3A_972, %swap3A_973, %swap3A_974] {strides = array<i32>} : memref<5x40x128xf32, #tpu.memory_space<vmem>>, vector<16xf32>,
        tpu.vector_store %arg9[%swap3A_972, %swap3A_973, %swap3A_974], %mul3A_970 {strides = array<i32>} : memref<5x40x128xf32, #tpu.memory_space<vmem>>, vector<16xf32>,
        %get3A_976 = arith.constant 2 : i32
        %get3A_977 = arith.index_cast %get3A_976 : i32 to index
        %get3A_978 = arith.index_cast %scan3A_921 : i32 to index
        %get3A_979 = arith.constant 64 : index
        %get3A_980 = tpu.vector_load %arg9[%get3A_977, %get3A_978, %get3A_979] {strides = array<i32>} : memref<5x40x128xf32, #tpu.memory_space<vmem>>, vector<16xf32>,
        %mul3A_981 = arith.mulf %get3A_980, %exp3A_924 : vector<16xf32>
        %swap3A_982 = arith.constant 2 : i32
        %swap3A_983 = arith.index_cast %swap3A_982 : i32 to index
        %swap3A_984 = arith.index_cast %scan3A_921 : i32 to index
        %swap3A_985 = arith.constant 64 : index
        %swap3A_986 = tpu.vector_load %arg9[%swap3A_983, %swap3A_984, %swap3A_985] {strides = array<i32>} : memref<5x40x128xf32, #tpu.memory_space<vmem>>, vector<16xf32>,
        tpu.vector_store %arg9[%swap3A_983, %swap3A_984, %swap3A_985], %mul3A_981 {strides = array<i32>} : memref<5x40x128xf32, #tpu.memory_space<vmem>>, vector<16xf32>,
        %get3A_987 = arith.constant 2 : i32
        %get3A_988 = arith.index_cast %get3A_987 : i32 to index
        %get3A_989 = arith.index_cast %scan3A_921 : i32 to index
        %get3A_990 = arith.constant 80 : index
        %get3A_991 = tpu.vector_load %arg9[%get3A_988, %get3A_989, %get3A_990] {strides = array<i32>} : memref<5x40x128xf32, #tpu.memory_space<vmem>>, vector<16xf32>,
        %mul3A_992 = arith.mulf %get3A_991, %exp3A_924 : vector<16xf32>
        %swap3A_993 = arith.constant 2 : i32
        %swap3A_994 = arith.index_cast %swap3A_993 : i32 to index
        %swap3A_995 = arith.index_cast %scan3A_921 : i32 to index
        %swap3A_996 = arith.constant 80 : index
        %swap3A_997 = tpu.vector_load %arg9[%swap3A_994, %swap3A_995, %swap3A_996] {strides = array<i32>} : memref<5x40x128xf32, #tpu.memory_space<vmem>>, vector<16xf32>,
        tpu.vector_store %arg9[%swap3A_994, %swap3A_995, %swap3A_996], %mul3A_992 {strides = array<i32>} : memref<5x40x128xf32, #tpu.memory_space<vmem>>, vector<16xf32>,
        %get3A_998 = arith.constant 2 : i32
        %get3A_999 = arith.index_cast %get3A_998 : i32 to index
        %get3A_1000 = arith.index_cast %scan3A_921 : i32 to index
        %get3A_1001 = arith.constant 96 : index
        %get3A_1002 = tpu.vector_load %arg9[%get3A_999, %get3A_1000, %get3A_1001] {strides = array<i32>} : memref<5x40x128xf32, #tpu.memory_space<vmem>>, vector<16xf32>,
        %mul3A_1003 = arith.mulf %get3A_1002, %exp3A_924 : vector<16xf32>
        %swap3A_1004 = arith.constant 2 : i32
        %swap3A_1005 = arith.index_cast %swap3A_1004 : i32 to index
        %swap3A_1006 = arith.index_cast %scan3A_921 : i32 to index
        %swap3A_1007 = arith.constant 96 : index
        %swap3A_1008 = tpu.vector_load %arg9[%swap3A_1005, %swap3A_1006, %swap3A_1007] {strides = array<i32>} : memref<5x40x128xf32, #tpu.memory_space<vmem>>, vector<16xf32>,
        tpu.vector_store %arg9[%swap3A_1005, %swap3A_1006, %swap3A_1007], %mul3A_1003 {strides = array<i32>} : memref<5x40x128xf32, #tpu.memory_space<vmem>>, vector<16xf32>,
        %get3A_1009 = arith.constant 2 : i32
        %get3A_1010 = arith.index_cast %get3A_1009 : i32 to index
        %get3A_1011 = arith.index_cast %scan3A_921 : i32 to index
        %get3A_1012 = arith.constant 112 : index
        %get3A_1013 = tpu.vector_load %arg9[%get3A_1010, %get3A_1011, %get3A_1012] {strides = array<i32>} : memref<5x40x128xf32, #tpu.memory_space<vmem>>, vector<16xf32>,
        %mul3A_1014 = arith.mulf %get3A_1013, %exp3A_924 : vector<16xf32>
        %swap3A_1015 = arith.constant 2 : i32
        %swap3A_1016 = arith.index_cast %swap3A_1015 : i32 to index
        %swap3A_1017 = arith.index_cast %scan3A_921 : i32 to index
        %swap3A_1018 = arith.constant 112 : index
        %swap3A_1019 = tpu.vector_load %arg9[%swap3A_1016, %swap3A_1017, %swap3A_1018] {strides = array<i32>} : memref<5x40x128xf32, #tpu.memory_space<vmem>>, vector<16xf32>,
        tpu.vector_store %arg9[%swap3A_1016, %swap3A_1017, %swap3A_1018], %mul3A_1014 {strides = array<i32>} : memref<5x40x128xf32, #tpu.memory_space<vmem>>, vector<16xf32>,
        %scan3A_1020 = arith.constant 0 : i32
        %scan3A_1021 = arith.constant 2 : i32
        %scan3A_1022 = arith.addi %scan3A_824, %scan3A_1021 : i32
        %broadcast_in_dim3A_1023 = vector.broadcast %scan3A_1022 : i32 to vector<16xi32>
        %gather3A_1024 = tpu.vector_load_idx %arg8[%broadcast_in_dim3A_603, %broadcast_in_dim3A_1023] : memref<5x40xf32, #tpu.memory_space<vmem>>[vector<16xi32>, vector<16xi32>], vector<16xf32>,
        %exp3A_1025 = math.exp %gather3A_1024 : vector<16xf32>
        %gather3A_1026 = tpu.vector_load_idx %arg7[%broadcast_in_dim3A_603, %broadcast_in_dim3A_1023] : memref<5x40xi32, #tpu.memory_space<vmem>>[vector<16xi32>, vector<16xi32>], vector<16xi32>,
        %shift_right_logical3A_1027 = arith.constant 7 : i32
        %shift_right_logical3A_1028 = vector.broadcast %shift_right_logical3A_1027 : i32 to vector<16xi32>
        %shift_right_logical3A_1029 = arith.shrui %gather3A_1026, %shift_right_logical3A_1028 : vector<16xi32>
        %and3A_1030 = arith.constant 127 : i32
        %and3A_1031 = vector.broadcast %and3A_1030 : i32 to vector<16xi32>
        %and3A_1032 = arith.andi %gather3A_1026, %and3A_1031 : vector<16xi32>
        tpu.vector_store_idx %arg10[%shift_right_logical3A_1029, %and3A_1032], %exp3A_1025 masked %eq3A_307 {add = true} : memref<80x128xf32, #tpu.memory_space<vmem>>[vector<16xi32>, vector<16xi32>], vector<16xf32>, vector<16xi1>
        %get3A_1033 = arith.constant 2 : i32
        %get3A_1034 = arith.index_cast %get3A_1033 : i32 to index
        %get3A_1035 = arith.index_cast %scan3A_1022 : i32 to index
        %get3A_1036 = arith.constant 0 : index
        %get3A_1037 = tpu.vector_load %arg9[%get3A_1034, %get3A_1035, %get3A_1036] {strides = array<i32>} : memref<5x40x128xf32, #tpu.memory_space<vmem>>, vector<16xf32>,
        %mul3A_1038 = arith.mulf %get3A_1037, %exp3A_1025 : vector<16xf32>
        %swap3A_1039 = arith.constant 2 : i32
        %swap3A_1040 = arith.index_cast %swap3A_1039 : i32 to index
        %swap3A_1041 = arith.index_cast %scan3A_1022 : i32 to index
        %swap3A_1042 = arith.constant 0 : index
        %swap3A_1043 = tpu.vector_load %arg9[%swap3A_1040, %swap3A_1041, %swap3A_1042] {strides = array<i32>} : memref<5x40x128xf32, #tpu.memory_space<vmem>>, vector<16xf32>,
        tpu.vector_store %arg9[%swap3A_1040, %swap3A_1041, %swap3A_1042], %mul3A_1038 {strides = array<i32>} : memref<5x40x128xf32, #tpu.memory_space<vmem>>, vector<16xf32>,
        %get3A_1044 = arith.constant 2 : i32
        %get3A_1045 = arith.index_cast %get3A_1044 : i32 to index
        %get3A_1046 = arith.index_cast %scan3A_1022 : i32 to index
        %get3A_1047 = arith.constant 16 : index
        %get3A_1048 = tpu.vector_load %arg9[%get3A_1045, %get3A_1046, %get3A_1047] {strides = array<i32>} : memref<5x40x128xf32, #tpu.memory_space<vmem>>, vector<16xf32>,
        %mul3A_1049 = arith.mulf %get3A_1048, %exp3A_1025 : vector<16xf32>
        %swap3A_1050 = arith.constant 2 : i32
        %swap3A_1051 = arith.index_cast %swap3A_1050 : i32 to index
        %swap3A_1052 = arith.index_cast %scan3A_1022 : i32 to index
        %swap3A_1053 = arith.constant 16 : index
        %swap3A_1054 = tpu.vector_load %arg9[%swap3A_1051, %swap3A_1052, %swap3A_1053] {strides = array<i32>} : memref<5x40x128xf32, #tpu.memory_space<vmem>>, vector<16xf32>,
        tpu.vector_store %arg9[%swap3A_1051, %swap3A_1052, %swap3A_1053], %mul3A_1049 {strides = array<i32>} : memref<5x40x128xf32, #tpu.memory_space<vmem>>, vector<16xf32>,
        %get3A_1055 = arith.constant 2 : i32
        %get3A_1056 = arith.index_cast %get3A_1055 : i32 to index
        %get3A_1057 = arith.index_cast %scan3A_1022 : i32 to index
        %get3A_1058 = arith.constant 32 : index
        %get3A_1059 = tpu.vector_load %arg9[%get3A_1056, %get3A_1057, %get3A_1058] {strides = array<i32>} : memref<5x40x128xf32, #tpu.memory_space<vmem>>, vector<16xf32>,
        %mul3A_1060 = arith.mulf %get3A_1059, %exp3A_1025 : vector<16xf32>
        %swap3A_1061 = arith.constant 2 : i32
        %swap3A_1062 = arith.index_cast %swap3A_1061 : i32 to index
        %swap3A_1063 = arith.index_cast %scan3A_1022 : i32 to index
        %swap3A_1064 = arith.constant 32 : index
        %swap3A_1065 = tpu.vector_load %arg9[%swap3A_1062, %swap3A_1063, %swap3A_1064] {strides = array<i32>} : memref<5x40x128xf32, #tpu.memory_space<vmem>>, vector<16xf32>,
        tpu.vector_store %arg9[%swap3A_1062, %swap3A_1063, %swap3A_1064], %mul3A_1060 {strides = array<i32>} : memref<5x40x128xf32, #tpu.memory_space<vmem>>, vector<16xf32>,
        %get3A_1066 = arith.constant 2 : i32
        %get3A_1067 = arith.index_cast %get3A_1066 : i32 to index
        %get3A_1068 = arith.index_cast %scan3A_1022 : i32 to index
        %get3A_1069 = arith.constant 48 : index
        %get3A_1070 = tpu.vector_load %arg9[%get3A_1067, %get3A_1068, %get3A_1069] {strides = array<i32>} : memref<5x40x128xf32, #tpu.memory_space<vmem>>, vector<16xf32>,
        %mul3A_1071 = arith.mulf %get3A_1070, %exp3A_1025 : vector<16xf32>
        %swap3A_1072 = arith.constant 2 : i32
        %swap3A_1073 = arith.index_cast %swap3A_1072 : i32 to index
        %swap3A_1074 = arith.index_cast %scan3A_1022 : i32 to index
        %swap3A_1075 = arith.constant 48 : index
        %swap3A_1076 = tpu.vector_load %arg9[%swap3A_1073, %swap3A_1074, %swap3A_1075] {strides = array<i32>} : memref<5x40x128xf32, #tpu.memory_space<vmem>>, vector<16xf32>,
        tpu.vector_store %arg9[%swap3A_1073, %swap3A_1074, %swap3A_1075], %mul3A_1071 {strides = array<i32>} : memref<5x40x128xf32, #tpu.memory_space<vmem>>, vector<16xf32>,
        %get3A_1077 = arith.constant 2 : i32
        %get3A_1078 = arith.index_cast %get3A_1077 : i32 to index
        %get3A_1079 = arith.index_cast %scan3A_1022 : i32 to index
        %get3A_1080 = arith.constant 64 : index
        %get3A_1081 = tpu.vector_load %arg9[%get3A_1078, %get3A_1079, %get3A_1080] {strides = array<i32>} : memref<5x40x128xf32, #tpu.memory_space<vmem>>, vector<16xf32>,
        %mul3A_1082 = arith.mulf %get3A_1081, %exp3A_1025 : vector<16xf32>
        %swap3A_1083 = arith.constant 2 : i32
        %swap3A_1084 = arith.index_cast %swap3A_1083 : i32 to index
        %swap3A_1085 = arith.index_cast %scan3A_1022 : i32 to index
        %swap3A_1086 = arith.constant 64 : index
        %swap3A_1087 = tpu.vector_load %arg9[%swap3A_1084, %swap3A_1085, %swap3A_1086] {strides = array<i32>} : memref<5x40x128xf32, #tpu.memory_space<vmem>>, vector<16xf32>,
        tpu.vector_store %arg9[%swap3A_1084, %swap3A_1085, %swap3A_1086], %mul3A_1082 {strides = array<i32>} : memref<5x40x128xf32, #tpu.memory_space<vmem>>, vector<16xf32>,
        %get3A_1088 = arith.constant 2 : i32
        %get3A_1089 = arith.index_cast %get3A_1088 : i32 to index
        %get3A_1090 = arith.index_cast %scan3A_1022 : i32 to index
        %get3A_1091 = arith.constant 80 : index
        %get3A_1092 = tpu.vector_load %arg9[%get3A_1089, %get3A_1090, %get3A_1091] {strides = array<i32>} : memref<5x40x128xf32, #tpu.memory_space<vmem>>, vector<16xf32>,
        %mul3A_1093 = arith.mulf %get3A_1092, %exp3A_1025 : vector<16xf32>
        %swap3A_1094 = arith.constant 2 : i32
        %swap3A_1095 = arith.index_cast %swap3A_1094 : i32 to index
        %swap3A_1096 = arith.index_cast %scan3A_1022 : i32 to index
        %swap3A_1097 = arith.constant 80 : index
        %swap3A_1098 = tpu.vector_load %arg9[%swap3A_1095, %swap3A_1096, %swap3A_1097] {strides = array<i32>} : memref<5x40x128xf32, #tpu.memory_space<vmem>>, vector<16xf32>,
        tpu.vector_store %arg9[%swap3A_1095, %swap3A_1096, %swap3A_1097], %mul3A_1093 {strides = array<i32>} : memref<5x40x128xf32, #tpu.memory_space<vmem>>, vector<16xf32>,
        %get3A_1099 = arith.constant 2 : i32
        %get3A_1100 = arith.index_cast %get3A_1099 : i32 to index
        %get3A_1101 = arith.index_cast %scan3A_1022 : i32 to index
        %get3A_1102 = arith.constant 96 : index
        %get3A_1103 = tpu.vector_load %arg9[%get3A_1100, %get3A_1101, %get3A_1102] {strides = array<i32>} : memref<5x40x128xf32, #tpu.memory_space<vmem>>, vector<16xf32>,
        %mul3A_1104 = arith.mulf %get3A_1103, %exp3A_1025 : vector<16xf32>
        %swap3A_1105 = arith.constant 2 : i32
        %swap3A_1106 = arith.index_cast %swap3A_1105 : i32 to index
        %swap3A_1107 = arith.index_cast %scan3A_1022 : i32 to index
        %swap3A_1108 = arith.constant 96 : index
        %swap3A_1109 = tpu.vector_load %arg9[%swap3A_1106, %swap3A_1107, %swap3A_1108] {strides = array<i32>} : memref<5x40x128xf32, #tpu.memory_space<vmem>>, vector<16xf32>,
        tpu.vector_store %arg9[%swap3A_1106, %swap3A_1107, %swap3A_1108], %mul3A_1104 {strides = array<i32>} : memref<5x40x128xf32, #tpu.memory_space<vmem>>, vector<16xf32>,
        %get3A_1110 = arith.constant 2 : i32
        %get3A_1111 = arith.index_cast %get3A_1110 : i32 to index
        %get3A_1112 = arith.index_cast %scan3A_1022 : i32 to index
        %get3A_1113 = arith.constant 112 : index
        %get3A_1114 = tpu.vector_load %arg9[%get3A_1111, %get3A_1112, %get3A_1113] {strides = array<i32>} : memref<5x40x128xf32, #tpu.memory_space<vmem>>, vector<16xf32>,
        %mul3A_1115 = arith.mulf %get3A_1114, %exp3A_1025 : vector<16xf32>
        %swap3A_1116 = arith.constant 2 : i32
        %swap3A_1117 = arith.index_cast %swap3A_1116 : i32 to index
        %swap3A_1118 = arith.index_cast %scan3A_1022 : i32 to index
        %swap3A_1119 = arith.constant 112 : index
        %swap3A_1120 = tpu.vector_load %arg9[%swap3A_1117, %swap3A_1118, %swap3A_1119] {strides = array<i32>} : memref<5x40x128xf32, #tpu.memory_space<vmem>>, vector<16xf32>,
        tpu.vector_store %arg9[%swap3A_1117, %swap3A_1118, %swap3A_1119], %mul3A_1115 {strides = array<i32>} : memref<5x40x128xf32, #tpu.memory_space<vmem>>, vector<16xf32>,
        %scan3A_1121 = arith.constant 0 : i32
        %scan3A_1122 = arith.constant 3 : i32
        %scan3A_1123 = arith.addi %scan3A_824, %scan3A_1122 : i32
        %broadcast_in_dim3A_1124 = vector.broadcast %scan3A_1123 : i32 to vector<16xi32>
        %gather3A_1125 = tpu.vector_load_idx %arg8[%broadcast_in_dim3A_603, %broadcast_in_dim3A_1124] : memref<5x40xf32, #tpu.memory_space<vmem>>[vector<16xi32>, vector<16xi32>], vector<16xf32>,
        %exp3A_1126 = math.exp %gather3A_1125 : vector<16xf32>
        %gather3A_1127 = tpu.vector_load_idx %arg7[%broadcast_in_dim3A_603, %broadcast_in_dim3A_1124] : memref<5x40xi32, #tpu.memory_space<vmem>>[vector<16xi32>, vector<16xi32>], vector<16xi32>,
        %shift_right_logical3A_1128 = arith.constant 7 : i32
        %shift_right_logical3A_1129 = vector.broadcast %shift_right_logical3A_1128 : i32 to vector<16xi32>
        %shift_right_logical3A_1130 = arith.shrui %gather3A_1127, %shift_right_logical3A_1129 : vector<16xi32>
        %and3A_1131 = arith.constant 127 : i32
        %and3A_1132 = vector.broadcast %and3A_1131 : i32 to vector<16xi32>
        %and3A_1133 = arith.andi %gather3A_1127, %and3A_1132 : vector<16xi32>
        tpu.vector_store_idx %arg10[%shift_right_logical3A_1130, %and3A_1133], %exp3A_1126 masked %eq3A_307 {add = true} : memref<80x128xf32, #tpu.memory_space<vmem>>[vector<16xi32>, vector<16xi32>], vector<16xf32>, vector<16xi1>
        %get3A_1134 = arith.constant 2 : i32
        %get3A_1135 = arith.index_cast %get3A_1134 : i32 to index
        %get3A_1136 = arith.index_cast %scan3A_1123 : i32 to index
        %get3A_1137 = arith.constant 0 : index
        %get3A_1138 = tpu.vector_load %arg9[%get3A_1135, %get3A_1136, %get3A_1137] {strides = array<i32>} : memref<5x40x128xf32, #tpu.memory_space<vmem>>, vector<16xf32>,
        %mul3A_1139 = arith.mulf %get3A_1138, %exp3A_1126 : vector<16xf32>
        %swap3A_1140 = arith.constant 2 : i32
        %swap3A_1141 = arith.index_cast %swap3A_1140 : i32 to index
        %swap3A_1142 = arith.index_cast %scan3A_1123 : i32 to index
        %swap3A_1143 = arith.constant 0 : index
        %swap3A_1144 = tpu.vector_load %arg9[%swap3A_1141, %swap3A_1142, %swap3A_1143] {strides = array<i32>} : memref<5x40x128xf32, #tpu.memory_space<vmem>>, vector<16xf32>,
        tpu.vector_store %arg9[%swap3A_1141, %swap3A_1142, %swap3A_1143], %mul3A_1139 {strides = array<i32>} : memref<5x40x128xf32, #tpu.memory_space<vmem>>, vector<16xf32>,
        %get3A_1145 = arith.constant 2 : i32
        %get3A_1146 = arith.index_cast %get3A_1145 : i32 to index
        %get3A_1147 = arith.index_cast %scan3A_1123 : i32 to index
        %get3A_1148 = arith.constant 16 : index
        %get3A_1149 = tpu.vector_load %arg9[%get3A_1146, %get3A_1147, %get3A_1148] {strides = array<i32>} : memref<5x40x128xf32, #tpu.memory_space<vmem>>, vector<16xf32>,
        %mul3A_1150 = arith.mulf %get3A_1149, %exp3A_1126 : vector<16xf32>
        %swap3A_1151 = arith.constant 2 : i32
        %swap3A_1152 = arith.index_cast %swap3A_1151 : i32 to index
        %swap3A_1153 = arith.index_cast %scan3A_1123 : i32 to index
        %swap3A_1154 = arith.constant 16 : index
        %swap3A_1155 = tpu.vector_load %arg9[%swap3A_1152, %swap3A_1153, %swap3A_1154] {strides = array<i32>} : memref<5x40x128xf32, #tpu.memory_space<vmem>>, vector<16xf32>,
        tpu.vector_store %arg9[%swap3A_1152, %swap3A_1153, %swap3A_1154], %mul3A_1150 {strides = array<i32>} : memref<5x40x128xf32, #tpu.memory_space<vmem>>, vector<16xf32>,
        %get3A_1156 = arith.constant 2 : i32
        %get3A_1157 = arith.index_cast %get3A_1156 : i32 to index
        %get3A_1158 = arith.index_cast %scan3A_1123 : i32 to index
        %get3A_1159 = arith.constant 32 : index
        %get3A_1160 = tpu.vector_load %arg9[%get3A_1157, %get3A_1158, %get3A_1159] {strides = array<i32>} : memref<5x40x128xf32, #tpu.memory_space<vmem>>, vector<16xf32>,
        %mul3A_1161 = arith.mulf %get3A_1160, %exp3A_1126 : vector<16xf32>
        %swap3A_1162 = arith.constant 2 : i32
        %swap3A_1163 = arith.index_cast %swap3A_1162 : i32 to index
        %swap3A_1164 = arith.index_cast %scan3A_1123 : i32 to index
        %swap3A_1165 = arith.constant 32 : index
        %swap3A_1166 = tpu.vector_load %arg9[%swap3A_1163, %swap3A_1164, %swap3A_1165] {strides = array<i32>} : memref<5x40x128xf32, #tpu.memory_space<vmem>>, vector<16xf32>,
        tpu.vector_store %arg9[%swap3A_1163, %swap3A_1164, %swap3A_1165], %mul3A_1161 {strides = array<i32>} : memref<5x40x128xf32, #tpu.memory_space<vmem>>, vector<16xf32>,
        %get3A_1167 = arith.constant 2 : i32
        %get3A_1168 = arith.index_cast %get3A_1167 : i32 to index
        %get3A_1169 = arith.index_cast %scan3A_1123 : i32 to index
        %get3A_1170 = arith.constant 48 : index
        %get3A_1171 = tpu.vector_load %arg9[%get3A_1168, %get3A_1169, %get3A_1170] {strides = array<i32>} : memref<5x40x128xf32, #tpu.memory_space<vmem>>, vector<16xf32>,
        %mul3A_1172 = arith.mulf %get3A_1171, %exp3A_1126 : vector<16xf32>
        %swap3A_1173 = arith.constant 2 : i32
        %swap3A_1174 = arith.index_cast %swap3A_1173 : i32 to index
        %swap3A_1175 = arith.index_cast %scan3A_1123 : i32 to index
        %swap3A_1176 = arith.constant 48 : index
        %swap3A_1177 = tpu.vector_load %arg9[%swap3A_1174, %swap3A_1175, %swap3A_1176] {strides = array<i32>} : memref<5x40x128xf32, #tpu.memory_space<vmem>>, vector<16xf32>,
        tpu.vector_store %arg9[%swap3A_1174, %swap3A_1175, %swap3A_1176], %mul3A_1172 {strides = array<i32>} : memref<5x40x128xf32, #tpu.memory_space<vmem>>, vector<16xf32>,
        %get3A_1178 = arith.constant 2 : i32
        %get3A_1179 = arith.index_cast %get3A_1178 : i32 to index
        %get3A_1180 = arith.index_cast %scan3A_1123 : i32 to index
        %get3A_1181 = arith.constant 64 : index
        %get3A_1182 = tpu.vector_load %arg9[%get3A_1179, %get3A_1180, %get3A_1181] {strides = array<i32>} : memref<5x40x128xf32, #tpu.memory_space<vmem>>, vector<16xf32>,
        %mul3A_1183 = arith.mulf %get3A_1182, %exp3A_1126 : vector<16xf32>
        %swap3A_1184 = arith.constant 2 : i32
        %swap3A_1185 = arith.index_cast %swap3A_1184 : i32 to index
        %swap3A_1186 = arith.index_cast %scan3A_1123 : i32 to index
        %swap3A_1187 = arith.constant 64 : index
        %swap3A_1188 = tpu.vector_load %arg9[%swap3A_1185, %swap3A_1186, %swap3A_1187] {strides = array<i32>} : memref<5x40x128xf32, #tpu.memory_space<vmem>>, vector<16xf32>,
        tpu.vector_store %arg9[%swap3A_1185, %swap3A_1186, %swap3A_1187], %mul3A_1183 {strides = array<i32>} : memref<5x40x128xf32, #tpu.memory_space<vmem>>, vector<16xf32>,
        %get3A_1189 = arith.constant 2 : i32
        %get3A_1190 = arith.index_cast %get3A_1189 : i32 to index
        %get3A_1191 = arith.index_cast %scan3A_1123 : i32 to index
        %get3A_1192 = arith.constant 80 : index
        %get3A_1193 = tpu.vector_load %arg9[%get3A_1190, %get3A_1191, %get3A_1192] {strides = array<i32>} : memref<5x40x128xf32, #tpu.memory_space<vmem>>, vector<16xf32>,
        %mul3A_1194 = arith.mulf %get3A_1193, %exp3A_1126 : vector<16xf32>
        %swap3A_1195 = arith.constant 2 : i32
        %swap3A_1196 = arith.index_cast %swap3A_1195 : i32 to index
        %swap3A_1197 = arith.index_cast %scan3A_1123 : i32 to index
        %swap3A_1198 = arith.constant 80 : index
        %swap3A_1199 = tpu.vector_load %arg9[%swap3A_1196, %swap3A_1197, %swap3A_1198] {strides = array<i32>} : memref<5x40x128xf32, #tpu.memory_space<vmem>>, vector<16xf32>,
        tpu.vector_store %arg9[%swap3A_1196, %swap3A_1197, %swap3A_1198], %mul3A_1194 {strides = array<i32>} : memref<5x40x128xf32, #tpu.memory_space<vmem>>, vector<16xf32>,
        %get3A_1200 = arith.constant 2 : i32
        %get3A_1201 = arith.index_cast %get3A_1200 : i32 to index
        %get3A_1202 = arith.index_cast %scan3A_1123 : i32 to index
        %get3A_1203 = arith.constant 96 : index
        %get3A_1204 = tpu.vector_load %arg9[%get3A_1201, %get3A_1202, %get3A_1203] {strides = array<i32>} : memref<5x40x128xf32, #tpu.memory_space<vmem>>, vector<16xf32>,
        %mul3A_1205 = arith.mulf %get3A_1204, %exp3A_1126 : vector<16xf32>
        %swap3A_1206 = arith.constant 2 : i32
        %swap3A_1207 = arith.index_cast %swap3A_1206 : i32 to index
        %swap3A_1208 = arith.index_cast %scan3A_1123 : i32 to index
        %swap3A_1209 = arith.constant 96 : index
        %swap3A_1210 = tpu.vector_load %arg9[%swap3A_1207, %swap3A_1208, %swap3A_1209] {strides = array<i32>} : memref<5x40x128xf32, #tpu.memory_space<vmem>>, vector<16xf32>,
        tpu.vector_store %arg9[%swap3A_1207, %swap3A_1208, %swap3A_1209], %mul3A_1205 {strides = array<i32>} : memref<5x40x128xf32, #tpu.memory_space<vmem>>, vector<16xf32>,
        %get3A_1211 = arith.constant 2 : i32
        %get3A_1212 = arith.index_cast %get3A_1211 : i32 to index
        %get3A_1213 = arith.index_cast %scan3A_1123 : i32 to index
        %get3A_1214 = arith.constant 112 : index
        %get3A_1215 = tpu.vector_load %arg9[%get3A_1212, %get3A_1213, %get3A_1214] {strides = array<i32>} : memref<5x40x128xf32, #tpu.memory_space<vmem>>, vector<16xf32>,
        %mul3A_1216 = arith.mulf %get3A_1215, %exp3A_1126 : vector<16xf32>
        %swap3A_1217 = arith.constant 2 : i32
        %swap3A_1218 = arith.index_cast %swap3A_1217 : i32 to index
        %swap3A_1219 = arith.index_cast %scan3A_1123 : i32 to index
        %swap3A_1220 = arith.constant 112 : index
        %swap3A_1221 = tpu.vector_load %arg9[%swap3A_1218, %swap3A_1219, %swap3A_1220] {strides = array<i32>} : memref<5x40x128xf32, #tpu.memory_space<vmem>>, vector<16xf32>,
        tpu.vector_store %arg9[%swap3A_1218, %swap3A_1219, %swap3A_1220], %mul3A_1216 {strides = array<i32>} : memref<5x40x128xf32, #tpu.memory_space<vmem>>, vector<16xf32>,
        %scan3A_1222 = arith.constant 0 : i32
        scf.yield %scan3A_1222 : i32
      }
      %scan3A_610 = arith.constant 40 : i32
      %dma_start3A_611 = arith.constant 2 : i32
      %dma_start3A_612 = arith.constant 2 : i32
      %dma_start3A_613 = arith.constant 2 : i32
      %dma_start3A_614 = arith.constant 0 : i32
      %dma_start3A_615 = arith.constant 0 : i32
      %dma_start3A_616 = tpu.memref_slice %arg9[%dma_start3A_611, %dma_start3A_614, %dma_start3A_615] : memref<5x40x128xf32, #tpu.memory_space<vmem>> -> memref<1x40x128xf32, #tpu.memory_space<vmem>>
      %dma_start3A_617 = tpu.memref_squeeze %dma_start3A_616 : memref<1x40x128xf32, #tpu.memory_space<vmem>> -> memref<40x128xf32, #tpu.memory_space<vmem>>
      %dma_start3A_618 = arith.constant 0 : i32
      %dma_start3A_619 = tpu.memref_slice %arg7[%dma_start3A_612, %dma_start3A_618] : memref<5x40xi32, #tpu.memory_space<vmem>> -> memref<1x40xi32, #tpu.memory_space<vmem>>
      %dma_start3A_620 = tpu.memref_squeeze %dma_start3A_619 : memref<1x40xi32, #tpu.memory_space<vmem>> -> memref<40xi32, #tpu.memory_space<vmem>>
      %dma_start3A_621 = arith.constant 0 : i32
      %dma_start3A_622 = arith.constant 0 : i32
      %dma_start3A_623 = tpu.memref_slice %arg12[%dma_start3A_621, %dma_start3A_622] : memref<10000x128xf32, #tpu.memory_space<vmem_shared>> -> memref<10000x128xf32, #tpu.memory_space<vmem_shared>>
      %dma_start3A_624 = tpu.memref_slice %arg14[%dma_start3A_613] : memref<5x!tpu.dma_semaphore, #tpu.memory_space<semaphore_mem>> -> memref<1x!tpu.dma_semaphore, #tpu.memory_space<semaphore_mem>>
      %dma_start3A_625 = tpu.memref_squeeze %dma_start3A_624 : memref<1x!tpu.dma_semaphore, #tpu.memory_space<semaphore_mem>> -> memref<!tpu.dma_semaphore, #tpu.memory_space<semaphore_mem>>
      tpu.enqueue_indirect_dma source(%dma_start3A_617 : memref<40x128xf32, #tpu.memory_space<vmem>>) target(%dma_start3A_623 : memref<10000x128xf32, #tpu.memory_space<vmem_shared>>) offsets(%dma_start3A_620 : memref<40xi32, #tpu.memory_space<vmem>>) semaphore(%dma_start3A_625 : memref<!tpu.dma_semaphore, #tpu.memory_space<semaphore_mem>>) {add = true}
      %ge3A_626 = arith.constant 3 : i32
      %ge3A_627 = arith.cmpi sge, %add3A_550, %ge3A_626 : i32
      %convert_element_type3A_628 = arith.extui %ge3A_627 : i1 to i32
      %cond3A_629 = arith.constant 0 : i32
      %cond3A_630 = arith.cmpi ne, %convert_element_type3A_628, %cond3A_629 : i32
      scf.if %cond3A_630 {
        %dma_wait3A_824 = arith.constant 4 : i32
        %dma_wait3A_825 = arith.constant 4 : i32
        %dma_wait3A_826 = arith.constant 4 : i32
        %dma_wait3A_827 = arith.constant 0 : i32
        %dma_wait3A_828 = arith.constant 0 : i32
        %dma_wait3A_829 = tpu.memref_slice %arg9[%dma_wait3A_824, %dma_wait3A_827, %dma_wait3A_828] : memref<5x40x128xf32, #tpu.memory_space<vmem>> -> memref<1x40x128xf32, #tpu.memory_space<vmem>>
        %dma_wait3A_830 = tpu.memref_squeeze %dma_wait3A_829 : memref<1x40x128xf32, #tpu.memory_space<vmem>> -> memref<40x128xf32, #tpu.memory_space<vmem>>
        %dma_wait3A_831 = arith.constant 0 : i32
        %dma_wait3A_832 = tpu.memref_slice %arg7[%dma_wait3A_825, %dma_wait3A_831] : memref<5x40xi32, #tpu.memory_space<vmem>> -> memref<1x40xi32, #tpu.memory_space<vmem>>
        %dma_wait3A_833 = tpu.memref_squeeze %dma_wait3A_832 : memref<1x40xi32, #tpu.memory_space<vmem>> -> memref<40xi32, #tpu.memory_space<vmem>>
        %dma_wait3A_834 = arith.constant 0 : i32
        %dma_wait3A_835 = arith.constant 0 : i32
        %dma_wait3A_836 = tpu.memref_slice %arg12[%dma_wait3A_834, %dma_wait3A_835] : memref<10000x128xf32, #tpu.memory_space<vmem_shared>> -> memref<10000x128xf32, #tpu.memory_space<vmem_shared>>
        %dma_wait3A_837 = tpu.memref_slice %arg14[%dma_wait3A_826] : memref<5x!tpu.dma_semaphore, #tpu.memory_space<semaphore_mem>> -> memref<1x!tpu.dma_semaphore, #tpu.memory_space<semaphore_mem>>
        %dma_wait3A_838 = tpu.memref_squeeze %dma_wait3A_837 : memref<1x!tpu.dma_semaphore, #tpu.memory_space<semaphore_mem>> -> memref<!tpu.dma_semaphore, #tpu.memory_space<semaphore_mem>>
        tpu.wait_indirect_dma semaphore(%dma_wait3A_838 : memref<!tpu.dma_semaphore, #tpu.memory_space<semaphore_mem>>) src(%dma_wait3A_830 : memref<40x128xf32, #tpu.memory_space<vmem>>) dst(%dma_wait3A_836 : memref<10000x128xf32, #tpu.memory_space<vmem_shared>>)
      } else {
      }
      %ge3A_631 = arith.constant 3 : i32
      %ge3A_632 = arith.cmpi sge, %add3A_550, %ge3A_631 : i32
      %le3A_633 = arith.constant 247 : i32
      %le3A_634 = arith.cmpi sle, %add3A_550, %le3A_633 : i32
      %and3A_635 = arith.andi %ge3A_632, %le3A_634 : i1
      %convert_element_type3A_636 = arith.extui %and3A_635 : i1 to i32
      %cond3A_637 = arith.constant 0 : i32
      %cond3A_638 = arith.cmpi ne, %convert_element_type3A_636, %cond3A_637 : i32
      scf.if %cond3A_638 {
        %add3A_824 = arith.constant 2 : i32
        %add3A_825 = arith.addi %add3A_550, %add3A_824 : i32
        %mul3A_826 = arith.constant 40 : i32
        %mul3A_827 = arith.muli %add3A_825, %mul3A_826 : i32
        %add3A_828 = arith.addi %mul3A_2, %mul3A_827 : i32
        %dma_start3A_829 = arith.constant 4 : i32
        %dma_start3A_830 = arith.constant 4 : i32
        %dma_start3A_831 = arith.constant 0 : i32
        %dma_start3A_832 = arith.constant 0 : i32
        %dma_start3A_833 = tpu.memref_slice %arg9[%dma_start3A_829, %dma_start3A_831, %dma_start3A_832] : memref<5x40x128xf32, #tpu.memory_space<vmem>> -> memref<1x40x128xf32, #tpu.memory_space<vmem>>
        %dma_start3A_834 = tpu.memref_squeeze %dma_start3A_833 : memref<1x40x128xf32, #tpu.memory_space<vmem>> -> memref<40x128xf32, #tpu.memory_space<vmem>>
        %dma_start3A_835 = arith.constant 0 : i32
        %dma_start3A_836 = tpu.memref_slice %arg4[%add3A_828, %dma_start3A_835] : memref<320000x128xf32, #tpu.memory_space<hbm>> -> memref<40x128xf32, #tpu.memory_space<hbm>>
        %dma_start3A_837 = tpu.memref_slice %arg13[%dma_start3A_830] : memref<5x!tpu.dma_semaphore, #tpu.memory_space<semaphore_mem>> -> memref<1x!tpu.dma_semaphore, #tpu.memory_space<semaphore_mem>>
        %dma_start3A_838 = tpu.memref_squeeze %dma_start3A_837 : memref<1x!tpu.dma_semaphore, #tpu.memory_space<semaphore_mem>> -> memref<!tpu.dma_semaphore, #tpu.memory_space<semaphore_mem>>
        %dma_start3A_839 = arith.constant 0 : i32
        %dma_start3A_840 = arith.constant 0 : i32
        %dma_start3A_841 = tpu.memref_slice %arg9[%dma_start3A_829, %dma_start3A_839, %dma_start3A_840] : memref<5x40x128xf32, #tpu.memory_space<vmem>> -> memref<1x40x128xf32, #tpu.memory_space<vmem>>
        %dma_start3A_842 = tpu.memref_squeeze %dma_start3A_841 : memref<1x40x128xf32, #tpu.memory_space<vmem>> -> memref<40x128xf32, #tpu.memory_space<vmem>>
        %dma_start3A_843 = arith.constant 0 : i32
        %dma_start3A_844 = tpu.memref_slice %arg4[%add3A_828, %dma_start3A_843] : memref<320000x128xf32, #tpu.memory_space<hbm>> -> memref<40x128xf32, #tpu.memory_space<hbm>>
        tpu.enqueue_dma source(%dma_start3A_844 : memref<40x128xf32, #tpu.memory_space<hbm>>) target(%dma_start3A_842 : memref<40x128xf32, #tpu.memory_space<vmem>>) target_semaphore(%dma_start3A_838 : memref<!tpu.dma_semaphore, #tpu.memory_space<semaphore_mem>>)
        %dma_start3A_845 = arith.constant 4 : i32
        %dma_start3A_846 = arith.constant 4 : i32
        %dma_start3A_847 = arith.constant 0 : i32
        %dma_start3A_848 = tpu.memref_slice %arg7[%dma_start3A_845, %dma_start3A_847] : memref<5x40xi32, #tpu.memory_space<vmem>> -> memref<1x40xi32, #tpu.memory_space<vmem>>
        %dma_start3A_849 = tpu.memref_squeeze %dma_start3A_848 : memref<1x40xi32, #tpu.memory_space<vmem>> -> memref<40xi32, #tpu.memory_space<vmem>>
        %dma_start3A_850 = arith.constant 0 : i32
        %dma_start3A_851 = tpu.memref_slice %arg2[%add3A, %add3A_825, %dma_start3A_850] : memref<32x250x40xi32, #tpu.memory_space<hbm>> -> memref<1x1x40xi32, #tpu.memory_space<hbm>>
        %dma_start3A_852 = tpu.memref_squeeze %dma_start3A_851 : memref<1x1x40xi32, #tpu.memory_space<hbm>> -> memref<40xi32, #tpu.memory_space<hbm>>
        %dma_start3A_853 = tpu.memref_slice %arg13[%dma_start3A_846] : memref<5x!tpu.dma_semaphore, #tpu.memory_space<semaphore_mem>> -> memref<1x!tpu.dma_semaphore, #tpu.memory_space<semaphore_mem>>
        %dma_start3A_854 = tpu.memref_squeeze %dma_start3A_853 : memref<1x!tpu.dma_semaphore, #tpu.memory_space<semaphore_mem>> -> memref<!tpu.dma_semaphore, #tpu.memory_space<semaphore_mem>>
        %dma_start3A_855 = arith.constant 0 : i32
        %dma_start3A_856 = tpu.memref_slice %arg7[%dma_start3A_845, %dma_start3A_855] : memref<5x40xi32, #tpu.memory_space<vmem>> -> memref<1x40xi32, #tpu.memory_space<vmem>>
        %dma_start3A_857 = tpu.memref_squeeze %dma_start3A_856 : memref<1x40xi32, #tpu.memory_space<vmem>> -> memref<40xi32, #tpu.memory_space<vmem>>
        %dma_start3A_858 = arith.constant 0 : i32
        %dma_start3A_859 = tpu.memref_slice %arg2[%add3A, %add3A_825, %dma_start3A_858] : memref<32x250x40xi32, #tpu.memory_space<hbm>> -> memref<1x1x40xi32, #tpu.memory_space<hbm>>
        %dma_start3A_860 = tpu.memref_squeeze %dma_start3A_859 : memref<1x1x40xi32, #tpu.memory_space<hbm>> -> memref<40xi32, #tpu.memory_space<hbm>>
        tpu.enqueue_dma source(%dma_start3A_860 : memref<40xi32, #tpu.memory_space<hbm>>) target(%dma_start3A_857 : memref<40xi32, #tpu.memory_space<vmem>>) target_semaphore(%dma_start3A_854 : memref<!tpu.dma_semaphore, #tpu.memory_space<semaphore_mem>>)
        %dma_start3A_861 = arith.constant 4 : i32
        %dma_start3A_862 = arith.constant 4 : i32
        %dma_start3A_863 = arith.constant 0 : i32
        %dma_start3A_864 = tpu.memref_slice %arg8[%dma_start3A_861, %dma_start3A_863] : memref<5x40xf32, #tpu.memory_space<vmem>> -> memref<1x40xf32, #tpu.memory_space<vmem>>
        %dma_start3A_865 = tpu.memref_squeeze %dma_start3A_864 : memref<1x40xf32, #tpu.memory_space<vmem>> -> memref<40xf32, #tpu.memory_space<vmem>>
        %dma_start3A_866 = arith.constant 0 : i32
        %dma_start3A_867 = tpu.memref_slice %arg3[%add3A, %add3A_825, %dma_start3A_866] : memref<32x250x40xf32, #tpu.memory_space<hbm>> -> memref<1x1x40xf32, #tpu.memory_space<hbm>>
        %dma_start3A_868 = tpu.memref_squeeze %dma_start3A_867 : memref<1x1x40xf32, #tpu.memory_space<hbm>> -> memref<40xf32, #tpu.memory_space<hbm>>
        %dma_start3A_869 = tpu.memref_slice %arg13[%dma_start3A_862] : memref<5x!tpu.dma_semaphore, #tpu.memory_space<semaphore_mem>> -> memref<1x!tpu.dma_semaphore, #tpu.memory_space<semaphore_mem>>
        %dma_start3A_870 = tpu.memref_squeeze %dma_start3A_869 : memref<1x!tpu.dma_semaphore, #tpu.memory_space<semaphore_mem>> -> memref<!tpu.dma_semaphore, #tpu.memory_space<semaphore_mem>>
        %dma_start3A_871 = arith.constant 0 : i32
        %dma_start3A_872 = tpu.memref_slice %arg8[%dma_start3A_861, %dma_start3A_871] : memref<5x40xf32, #tpu.memory_space<vmem>> -> memref<1x40xf32, #tpu.memory_space<vmem>>
        %dma_start3A_873 = tpu.memref_squeeze %dma_start3A_872 : memref<1x40xf32, #tpu.memory_space<vmem>> -> memref<40xf32, #tpu.memory_space<vmem>>
        %dma_start3A_874 = arith.constant 0 : i32
        %dma_start3A_875 = tpu.memref_slice %arg3[%add3A, %add3A_825, %dma_start3A_874] : memref<32x250x40xf32, #tpu.memory_space<hbm>> -> memref<1x1x40xf32, #tpu.memory_space<hbm>>
        %dma_start3A_876 = tpu.memref_squeeze %dma_start3A_875 : memref<1x1x40xf32, #tpu.memory_space<hbm>> -> memref<40xf32, #tpu.memory_space<hbm>>
        tpu.enqueue_dma source(%dma_start3A_876 : memref<40xf32, #tpu.memory_space<hbm>>) target(%dma_start3A_873 : memref<40xf32, #tpu.memory_space<vmem>>) target_semaphore(%dma_start3A_870 : memref<!tpu.dma_semaphore, #tpu.memory_space<semaphore_mem>>)
      } else {
      }
      %mul3A_639 = arith.constant 5 : i32
      %mul3A_640 = arith.muli %scan3A_365, %mul3A_639 : i32
      %add3A_641 = arith.constant 3 : i32
      %add3A_642 = arith.addi %mul3A_640, %add3A_641 : i32
      %mul3A_643 = arith.constant 40 : i32
      %mul3A_644 = arith.muli %add3A_642, %mul3A_643 : i32
      %add3A_645 = arith.addi %mul3A_2, %mul3A_644 : i32
      %dma_wait3A_646 = arith.constant 3 : i32
      %dma_wait3A_647 = arith.constant 3 : i32
      %dma_wait3A_648 = arith.constant 0 : i32
      %dma_wait3A_649 = arith.constant 0 : i32
      %dma_wait3A_650 = tpu.memref_slice %arg9[%dma_wait3A_646, %dma_wait3A_648, %dma_wait3A_649] : memref<5x40x128xf32, #tpu.memory_space<vmem>> -> memref<1x40x128xf32, #tpu.memory_space<vmem>>
      %dma_wait3A_651 = tpu.memref_squeeze %dma_wait3A_650 : memref<1x40x128xf32, #tpu.memory_space<vmem>> -> memref<40x128xf32, #tpu.memory_space<vmem>>
      %dma_wait3A_652 = arith.constant 0 : i32
      %dma_wait3A_653 = tpu.memref_slice %arg4[%add3A_645, %dma_wait3A_652] : memref<320000x128xf32, #tpu.memory_space<hbm>> -> memref<40x128xf32, #tpu.memory_space<hbm>>
      %dma_wait3A_654 = tpu.memref_slice %arg13[%dma_wait3A_647] : memref<5x!tpu.dma_semaphore, #tpu.memory_space<semaphore_mem>> -> memref<1x!tpu.dma_semaphore, #tpu.memory_space<semaphore_mem>>
      %dma_wait3A_655 = tpu.memref_squeeze %dma_wait3A_654 : memref<1x!tpu.dma_semaphore, #tpu.memory_space<semaphore_mem>> -> memref<!tpu.dma_semaphore, #tpu.memory_space<semaphore_mem>>
      %dma_wait3A_656 = arith.constant 0 : i32
      %dma_wait3A_657 = arith.constant 0 : i32
      %dma_wait3A_658 = tpu.memref_slice %arg9[%dma_wait3A_646, %dma_wait3A_656, %dma_wait3A_657] : memref<5x40x128xf32, #tpu.memory_space<vmem>> -> memref<1x40x128xf32, #tpu.memory_space<vmem>>
      %dma_wait3A_659 = tpu.memref_squeeze %dma_wait3A_658 : memref<1x40x128xf32, #tpu.memory_space<vmem>> -> memref<40x128xf32, #tpu.memory_space<vmem>>
      %dma_wait3A_660 = arith.constant 0 : i32
      %dma_wait3A_661 = tpu.memref_slice %arg4[%add3A_645, %dma_wait3A_660] : memref<320000x128xf32, #tpu.memory_space<hbm>> -> memref<40x128xf32, #tpu.memory_space<hbm>>
      tpu.wait_dma2 semaphore(%dma_wait3A_655 : memref<!tpu.dma_semaphore, #tpu.memory_space<semaphore_mem>>) src(%dma_wait3A_661 : memref<40x128xf32, #tpu.memory_space<hbm>>) dst(%dma_wait3A_659 : memref<40x128xf32, #tpu.memory_space<vmem>>)
      %dma_wait3A_662 = arith.constant 3 : i32
      %dma_wait3A_663 = arith.constant 3 : i32
      %dma_wait3A_664 = arith.constant 0 : i32
      %dma_wait3A_665 = tpu.memref_slice %arg7[%dma_wait3A_662, %dma_wait3A_664] : memref<5x40xi32, #tpu.memory_space<vmem>> -> memref<1x40xi32, #tpu.memory_space<vmem>>
      %dma_wait3A_666 = tpu.memref_squeeze %dma_wait3A_665 : memref<1x40xi32, #tpu.memory_space<vmem>> -> memref<40xi32, #tpu.memory_space<vmem>>
      %dma_wait3A_667 = arith.constant 0 : i32
      %dma_wait3A_668 = tpu.memref_slice %arg2[%add3A, %add3A_642, %dma_wait3A_667] : memref<32x250x40xi32, #tpu.memory_space<hbm>> -> memref<1x1x40xi32, #tpu.memory_space<hbm>>
      %dma_wait3A_669 = tpu.memref_squeeze %dma_wait3A_668 : memref<1x1x40xi32, #tpu.memory_space<hbm>> -> memref<40xi32, #tpu.memory_space<hbm>>
      %dma_wait3A_670 = tpu.memref_slice %arg13[%dma_wait3A_663] : memref<5x!tpu.dma_semaphore, #tpu.memory_space<semaphore_mem>> -> memref<1x!tpu.dma_semaphore, #tpu.memory_space<semaphore_mem>>
      %dma_wait3A_671 = tpu.memref_squeeze %dma_wait3A_670 : memref<1x!tpu.dma_semaphore, #tpu.memory_space<semaphore_mem>> -> memref<!tpu.dma_semaphore, #tpu.memory_space<semaphore_mem>>
      %dma_wait3A_672 = arith.constant 0 : i32
      %dma_wait3A_673 = tpu.memref_slice %arg7[%dma_wait3A_662, %dma_wait3A_672] : memref<5x40xi32, #tpu.memory_space<vmem>> -> memref<1x40xi32, #tpu.memory_space<vmem>>
      %dma_wait3A_674 = tpu.memref_squeeze %dma_wait3A_673 : memref<1x40xi32, #tpu.memory_space<vmem>> -> memref<40xi32, #tpu.memory_space<vmem>>
      %dma_wait3A_675 = arith.constant 0 : i32
      %dma_wait3A_676 = tpu.memref_slice %arg2[%add3A, %add3A_642, %dma_wait3A_675] : memref<32x250x40xi32, #tpu.memory_space<hbm>> -> memref<1x1x40xi32, #tpu.memory_space<hbm>>
      %dma_wait3A_677 = tpu.memref_squeeze %dma_wait3A_676 : memref<1x1x40xi32, #tpu.memory_space<hbm>> -> memref<40xi32, #tpu.memory_space<hbm>>
      tpu.wait_dma2 semaphore(%dma_wait3A_671 : memref<!tpu.dma_semaphore, #tpu.memory_space<semaphore_mem>>) src(%dma_wait3A_677 : memref<40xi32, #tpu.memory_space<hbm>>) dst(%dma_wait3A_674 : memref<40xi32, #tpu.memory_space<vmem>>)
      %dma_wait3A_678 = arith.constant 3 : i32
      %dma_wait3A_679 = arith.constant 3 : i32
      %dma_wait3A_680 = arith.constant 0 : i32
      %dma_wait3A_681 = tpu.memref_slice %arg8[%dma_wait3A_678, %dma_wait3A_680] : memref<5x40xf32, #tpu.memory_space<vmem>> -> memref<1x40xf32, #tpu.memory_space<vmem>>
      %dma_wait3A_682 = tpu.memref_squeeze %dma_wait3A_681 : memref<1x40xf32, #tpu.memory_space<vmem>> -> memref<40xf32, #tpu.memory_space<vmem>>
      %dma_wait3A_683 = arith.constant 0 : i32
      %dma_wait3A_684 = tpu.memref_slice %arg3[%add3A, %add3A_642, %dma_wait3A_683] : memref<32x250x40xf32, #tpu.memory_space<hbm>> -> memref<1x1x40xf32, #tpu.memory_space<hbm>>
      %dma_wait3A_685 = tpu.memref_squeeze %dma_wait3A_684 : memref<1x1x40xf32, #tpu.memory_space<hbm>> -> memref<40xf32, #tpu.memory_space<hbm>>
      %dma_wait3A_686 = tpu.memref_slice %arg13[%dma_wait3A_679] : memref<5x!tpu.dma_semaphore, #tpu.memory_space<semaphore_mem>> -> memref<1x!tpu.dma_semaphore, #tpu.memory_space<semaphore_mem>>
      %dma_wait3A_687 = tpu.memref_squeeze %dma_wait3A_686 : memref<1x!tpu.dma_semaphore, #tpu.memory_space<semaphore_mem>> -> memref<!tpu.dma_semaphore, #tpu.memory_space<semaphore_mem>>
      %dma_wait3A_688 = arith.constant 0 : i32
      %dma_wait3A_689 = tpu.memref_slice %arg8[%dma_wait3A_678, %dma_wait3A_688] : memref<5x40xf32, #tpu.memory_space<vmem>> -> memref<1x40xf32, #tpu.memory_space<vmem>>
      %dma_wait3A_690 = tpu.memref_squeeze %dma_wait3A_689 : memref<1x40xf32, #tpu.memory_space<vmem>> -> memref<40xf32, #tpu.memory_space<vmem>>
      %dma_wait3A_691 = arith.constant 0 : i32
      %dma_wait3A_692 = tpu.memref_slice %arg3[%add3A, %add3A_642, %dma_wait3A_691] : memref<32x250x40xf32, #tpu.memory_space<hbm>> -> memref<1x1x40xf32, #tpu.memory_space<hbm>>
      %dma_wait3A_693 = tpu.memref_squeeze %dma_wait3A_692 : memref<1x1x40xf32, #tpu.memory_space<hbm>> -> memref<40xf32, #tpu.memory_space<hbm>>
      tpu.wait_dma2 semaphore(%dma_wait3A_687 : memref<!tpu.dma_semaphore, #tpu.memory_space<semaphore_mem>>) src(%dma_wait3A_693 : memref<40xf32, #tpu.memory_space<hbm>>) dst(%dma_wait3A_690 : memref<40xf32, #tpu.memory_space<vmem>>)
      %broadcast_in_dim3A_694 = arith.constant 3 : i32
      %broadcast_in_dim3A_695 = vector.broadcast %broadcast_in_dim3A_694 : i32 to vector<16xi32>
      %scan3A_696 = arith.constant 0 : i32
      %scan3A_697 = arith.constant 0 : i32
      %scan3A_698 = arith.constant 40 : i32
      %scan3A_699 = arith.addi %scan3A_697, %scan3A_698 : i32
      %scan3A_700 = arith.constant 4 : i32
      %scan3A_701 = scf.for %scan3A_824 = %scan3A_697 to %scan3A_699 step %scan3A_700 iter_args(%scan3A_825 = %scan3A_696) -> (i32)  : i32 {
        %broadcast_in_dim3A_826 = vector.broadcast %scan3A_824 : i32 to vector<16xi32>
        %gather3A = tpu.vector_load_idx %arg8[%broadcast_in_dim3A_695, %broadcast_in_dim3A_826] : memref<5x40xf32, #tpu.memory_space<vmem>>[vector<16xi32>, vector<16xi32>], vector<16xf32>,
        %exp3A = math.exp %gather3A : vector<16xf32>
        %gather3A_827 = tpu.vector_load_idx %arg7[%broadcast_in_dim3A_695, %broadcast_in_dim3A_826] : memref<5x40xi32, #tpu.memory_space<vmem>>[vector<16xi32>, vector<16xi32>], vector<16xi32>,
        %shift_right_logical3A = arith.constant 7 : i32
        %shift_right_logical3A_828 = vector.broadcast %shift_right_logical3A : i32 to vector<16xi32>
        %shift_right_logical3A_829 = arith.shrui %gather3A_827, %shift_right_logical3A_828 : vector<16xi32>
        %and3A_830 = arith.constant 127 : i32
        %and3A_831 = vector.broadcast %and3A_830 : i32 to vector<16xi32>
        %and3A_832 = arith.andi %gather3A_827, %and3A_831 : vector<16xi32>
        tpu.vector_store_idx %arg10[%shift_right_logical3A_829, %and3A_832], %exp3A masked %eq3A_307 {add = true} : memref<80x128xf32, #tpu.memory_space<vmem>>[vector<16xi32>, vector<16xi32>], vector<16xf32>, vector<16xi1>
        %get3A = arith.constant 3 : i32
        %get3A_833 = arith.index_cast %get3A : i32 to index
        %get3A_834 = arith.index_cast %scan3A_824 : i32 to index
        %get3A_835 = arith.constant 0 : index
        %get3A_836 = tpu.vector_load %arg9[%get3A_833, %get3A_834, %get3A_835] {strides = array<i32>} : memref<5x40x128xf32, #tpu.memory_space<vmem>>, vector<16xf32>,
        %mul3A_837 = arith.mulf %get3A_836, %exp3A : vector<16xf32>
        %swap3A = arith.constant 3 : i32
        %swap3A_838 = arith.index_cast %swap3A : i32 to index
        %swap3A_839 = arith.index_cast %scan3A_824 : i32 to index
        %swap3A_840 = arith.constant 0 : index
        %swap3A_841 = tpu.vector_load %arg9[%swap3A_838, %swap3A_839, %swap3A_840] {strides = array<i32>} : memref<5x40x128xf32, #tpu.memory_space<vmem>>, vector<16xf32>,
        tpu.vector_store %arg9[%swap3A_838, %swap3A_839, %swap3A_840], %mul3A_837 {strides = array<i32>} : memref<5x40x128xf32, #tpu.memory_space<vmem>>, vector<16xf32>,
        %get3A_842 = arith.constant 3 : i32
        %get3A_843 = arith.index_cast %get3A_842 : i32 to index
        %get3A_844 = arith.index_cast %scan3A_824 : i32 to index
        %get3A_845 = arith.constant 16 : index
        %get3A_846 = tpu.vector_load %arg9[%get3A_843, %get3A_844, %get3A_845] {strides = array<i32>} : memref<5x40x128xf32, #tpu.memory_space<vmem>>, vector<16xf32>,
        %mul3A_847 = arith.mulf %get3A_846, %exp3A : vector<16xf32>
        %swap3A_848 = arith.constant 3 : i32
        %swap3A_849 = arith.index_cast %swap3A_848 : i32 to index
        %swap3A_850 = arith.index_cast %scan3A_824 : i32 to index
        %swap3A_851 = arith.constant 16 : index
        %swap3A_852 = tpu.vector_load %arg9[%swap3A_849, %swap3A_850, %swap3A_851] {strides = array<i32>} : memref<5x40x128xf32, #tpu.memory_space<vmem>>, vector<16xf32>,
        tpu.vector_store %arg9[%swap3A_849, %swap3A_850, %swap3A_851], %mul3A_847 {strides = array<i32>} : memref<5x40x128xf32, #tpu.memory_space<vmem>>, vector<16xf32>,
        %get3A_853 = arith.constant 3 : i32
        %get3A_854 = arith.index_cast %get3A_853 : i32 to index
        %get3A_855 = arith.index_cast %scan3A_824 : i32 to index
        %get3A_856 = arith.constant 32 : index
        %get3A_857 = tpu.vector_load %arg9[%get3A_854, %get3A_855, %get3A_856] {strides = array<i32>} : memref<5x40x128xf32, #tpu.memory_space<vmem>>, vector<16xf32>,
        %mul3A_858 = arith.mulf %get3A_857, %exp3A : vector<16xf32>
        %swap3A_859 = arith.constant 3 : i32
        %swap3A_860 = arith.index_cast %swap3A_859 : i32 to index
        %swap3A_861 = arith.index_cast %scan3A_824 : i32 to index
        %swap3A_862 = arith.constant 32 : index
        %swap3A_863 = tpu.vector_load %arg9[%swap3A_860, %swap3A_861, %swap3A_862] {strides = array<i32>} : memref<5x40x128xf32, #tpu.memory_space<vmem>>, vector<16xf32>,
        tpu.vector_store %arg9[%swap3A_860, %swap3A_861, %swap3A_862], %mul3A_858 {strides = array<i32>} : memref<5x40x128xf32, #tpu.memory_space<vmem>>, vector<16xf32>,
        %get3A_864 = arith.constant 3 : i32
        %get3A_865 = arith.index_cast %get3A_864 : i32 to index
        %get3A_866 = arith.index_cast %scan3A_824 : i32 to index
        %get3A_867 = arith.constant 48 : index
        %get3A_868 = tpu.vector_load %arg9[%get3A_865, %get3A_866, %get3A_867] {strides = array<i32>} : memref<5x40x128xf32, #tpu.memory_space<vmem>>, vector<16xf32>,
        %mul3A_869 = arith.mulf %get3A_868, %exp3A : vector<16xf32>
        %swap3A_870 = arith.constant 3 : i32
        %swap3A_871 = arith.index_cast %swap3A_870 : i32 to index
        %swap3A_872 = arith.index_cast %scan3A_824 : i32 to index
        %swap3A_873 = arith.constant 48 : index
        %swap3A_874 = tpu.vector_load %arg9[%swap3A_871, %swap3A_872, %swap3A_873] {strides = array<i32>} : memref<5x40x128xf32, #tpu.memory_space<vmem>>, vector<16xf32>,
        tpu.vector_store %arg9[%swap3A_871, %swap3A_872, %swap3A_873], %mul3A_869 {strides = array<i32>} : memref<5x40x128xf32, #tpu.memory_space<vmem>>, vector<16xf32>,
        %get3A_875 = arith.constant 3 : i32
        %get3A_876 = arith.index_cast %get3A_875 : i32 to index
        %get3A_877 = arith.index_cast %scan3A_824 : i32 to index
        %get3A_878 = arith.constant 64 : index
        %get3A_879 = tpu.vector_load %arg9[%get3A_876, %get3A_877, %get3A_878] {strides = array<i32>} : memref<5x40x128xf32, #tpu.memory_space<vmem>>, vector<16xf32>,
        %mul3A_880 = arith.mulf %get3A_879, %exp3A : vector<16xf32>
        %swap3A_881 = arith.constant 3 : i32
        %swap3A_882 = arith.index_cast %swap3A_881 : i32 to index
        %swap3A_883 = arith.index_cast %scan3A_824 : i32 to index
        %swap3A_884 = arith.constant 64 : index
        %swap3A_885 = tpu.vector_load %arg9[%swap3A_882, %swap3A_883, %swap3A_884] {strides = array<i32>} : memref<5x40x128xf32, #tpu.memory_space<vmem>>, vector<16xf32>,
        tpu.vector_store %arg9[%swap3A_882, %swap3A_883, %swap3A_884], %mul3A_880 {strides = array<i32>} : memref<5x40x128xf32, #tpu.memory_space<vmem>>, vector<16xf32>,
        %get3A_886 = arith.constant 3 : i32
        %get3A_887 = arith.index_cast %get3A_886 : i32 to index
        %get3A_888 = arith.index_cast %scan3A_824 : i32 to index
        %get3A_889 = arith.constant 80 : index
        %get3A_890 = tpu.vector_load %arg9[%get3A_887, %get3A_888, %get3A_889] {strides = array<i32>} : memref<5x40x128xf32, #tpu.memory_space<vmem>>, vector<16xf32>,
        %mul3A_891 = arith.mulf %get3A_890, %exp3A : vector<16xf32>
        %swap3A_892 = arith.constant 3 : i32
        %swap3A_893 = arith.index_cast %swap3A_892 : i32 to index
        %swap3A_894 = arith.index_cast %scan3A_824 : i32 to index
        %swap3A_895 = arith.constant 80 : index
        %swap3A_896 = tpu.vector_load %arg9[%swap3A_893, %swap3A_894, %swap3A_895] {strides = array<i32>} : memref<5x40x128xf32, #tpu.memory_space<vmem>>, vector<16xf32>,
        tpu.vector_store %arg9[%swap3A_893, %swap3A_894, %swap3A_895], %mul3A_891 {strides = array<i32>} : memref<5x40x128xf32, #tpu.memory_space<vmem>>, vector<16xf32>,
        %get3A_897 = arith.constant 3 : i32
        %get3A_898 = arith.index_cast %get3A_897 : i32 to index
        %get3A_899 = arith.index_cast %scan3A_824 : i32 to index
        %get3A_900 = arith.constant 96 : index
        %get3A_901 = tpu.vector_load %arg9[%get3A_898, %get3A_899, %get3A_900] {strides = array<i32>} : memref<5x40x128xf32, #tpu.memory_space<vmem>>, vector<16xf32>,
        %mul3A_902 = arith.mulf %get3A_901, %exp3A : vector<16xf32>
        %swap3A_903 = arith.constant 3 : i32
        %swap3A_904 = arith.index_cast %swap3A_903 : i32 to index
        %swap3A_905 = arith.index_cast %scan3A_824 : i32 to index
        %swap3A_906 = arith.constant 96 : index
        %swap3A_907 = tpu.vector_load %arg9[%swap3A_904, %swap3A_905, %swap3A_906] {strides = array<i32>} : memref<5x40x128xf32, #tpu.memory_space<vmem>>, vector<16xf32>,
        tpu.vector_store %arg9[%swap3A_904, %swap3A_905, %swap3A_906], %mul3A_902 {strides = array<i32>} : memref<5x40x128xf32, #tpu.memory_space<vmem>>, vector<16xf32>,
        %get3A_908 = arith.constant 3 : i32
        %get3A_909 = arith.index_cast %get3A_908 : i32 to index
        %get3A_910 = arith.index_cast %scan3A_824 : i32 to index
        %get3A_911 = arith.constant 112 : index
        %get3A_912 = tpu.vector_load %arg9[%get3A_909, %get3A_910, %get3A_911] {strides = array<i32>} : memref<5x40x128xf32, #tpu.memory_space<vmem>>, vector<16xf32>,
        %mul3A_913 = arith.mulf %get3A_912, %exp3A : vector<16xf32>
        %swap3A_914 = arith.constant 3 : i32
        %swap3A_915 = arith.index_cast %swap3A_914 : i32 to index
        %swap3A_916 = arith.index_cast %scan3A_824 : i32 to index
        %swap3A_917 = arith.constant 112 : index
        %swap3A_918 = tpu.vector_load %arg9[%swap3A_915, %swap3A_916, %swap3A_917] {strides = array<i32>} : memref<5x40x128xf32, #tpu.memory_space<vmem>>, vector<16xf32>,
        tpu.vector_store %arg9[%swap3A_915, %swap3A_916, %swap3A_917], %mul3A_913 {strides = array<i32>} : memref<5x40x128xf32, #tpu.memory_space<vmem>>, vector<16xf32>,
        %scan3A_919 = arith.constant 0 : i32
        %scan3A_920 = arith.constant 1 : i32
        %scan3A_921 = arith.addi %scan3A_824, %scan3A_920 : i32
        %broadcast_in_dim3A_922 = vector.broadcast %scan3A_921 : i32 to vector<16xi32>
        %gather3A_923 = tpu.vector_load_idx %arg8[%broadcast_in_dim3A_695, %broadcast_in_dim3A_922] : memref<5x40xf32, #tpu.memory_space<vmem>>[vector<16xi32>, vector<16xi32>], vector<16xf32>,
        %exp3A_924 = math.exp %gather3A_923 : vector<16xf32>
        %gather3A_925 = tpu.vector_load_idx %arg7[%broadcast_in_dim3A_695, %broadcast_in_dim3A_922] : memref<5x40xi32, #tpu.memory_space<vmem>>[vector<16xi32>, vector<16xi32>], vector<16xi32>,
        %shift_right_logical3A_926 = arith.constant 7 : i32
        %shift_right_logical3A_927 = vector.broadcast %shift_right_logical3A_926 : i32 to vector<16xi32>
        %shift_right_logical3A_928 = arith.shrui %gather3A_925, %shift_right_logical3A_927 : vector<16xi32>
        %and3A_929 = arith.constant 127 : i32
        %and3A_930 = vector.broadcast %and3A_929 : i32 to vector<16xi32>
        %and3A_931 = arith.andi %gather3A_925, %and3A_930 : vector<16xi32>
        tpu.vector_store_idx %arg10[%shift_right_logical3A_928, %and3A_931], %exp3A_924 masked %eq3A_307 {add = true} : memref<80x128xf32, #tpu.memory_space<vmem>>[vector<16xi32>, vector<16xi32>], vector<16xf32>, vector<16xi1>
        %get3A_932 = arith.constant 3 : i32
        %get3A_933 = arith.index_cast %get3A_932 : i32 to index
        %get3A_934 = arith.index_cast %scan3A_921 : i32 to index
        %get3A_935 = arith.constant 0 : index
        %get3A_936 = tpu.vector_load %arg9[%get3A_933, %get3A_934, %get3A_935] {strides = array<i32>} : memref<5x40x128xf32, #tpu.memory_space<vmem>>, vector<16xf32>,
        %mul3A_937 = arith.mulf %get3A_936, %exp3A_924 : vector<16xf32>
        %swap3A_938 = arith.constant 3 : i32
        %swap3A_939 = arith.index_cast %swap3A_938 : i32 to index
        %swap3A_940 = arith.index_cast %scan3A_921 : i32 to index
        %swap3A_941 = arith.constant 0 : index
        %swap3A_942 = tpu.vector_load %arg9[%swap3A_939, %swap3A_940, %swap3A_941] {strides = array<i32>} : memref<5x40x128xf32, #tpu.memory_space<vmem>>, vector<16xf32>,
        tpu.vector_store %arg9[%swap3A_939, %swap3A_940, %swap3A_941], %mul3A_937 {strides = array<i32>} : memref<5x40x128xf32, #tpu.memory_space<vmem>>, vector<16xf32>,
        %get3A_943 = arith.constant 3 : i32
        %get3A_944 = arith.index_cast %get3A_943 : i32 to index
        %get3A_945 = arith.index_cast %scan3A_921 : i32 to index
        %get3A_946 = arith.constant 16 : index
        %get3A_947 = tpu.vector_load %arg9[%get3A_944, %get3A_945, %get3A_946] {strides = array<i32>} : memref<5x40x128xf32, #tpu.memory_space<vmem>>, vector<16xf32>,
        %mul3A_948 = arith.mulf %get3A_947, %exp3A_924 : vector<16xf32>
        %swap3A_949 = arith.constant 3 : i32
        %swap3A_950 = arith.index_cast %swap3A_949 : i32 to index
        %swap3A_951 = arith.index_cast %scan3A_921 : i32 to index
        %swap3A_952 = arith.constant 16 : index
        %swap3A_953 = tpu.vector_load %arg9[%swap3A_950, %swap3A_951, %swap3A_952] {strides = array<i32>} : memref<5x40x128xf32, #tpu.memory_space<vmem>>, vector<16xf32>,
        tpu.vector_store %arg9[%swap3A_950, %swap3A_951, %swap3A_952], %mul3A_948 {strides = array<i32>} : memref<5x40x128xf32, #tpu.memory_space<vmem>>, vector<16xf32>,
        %get3A_954 = arith.constant 3 : i32
        %get3A_955 = arith.index_cast %get3A_954 : i32 to index
        %get3A_956 = arith.index_cast %scan3A_921 : i32 to index
        %get3A_957 = arith.constant 32 : index
        %get3A_958 = tpu.vector_load %arg9[%get3A_955, %get3A_956, %get3A_957] {strides = array<i32>} : memref<5x40x128xf32, #tpu.memory_space<vmem>>, vector<16xf32>,
        %mul3A_959 = arith.mulf %get3A_958, %exp3A_924 : vector<16xf32>
        %swap3A_960 = arith.constant 3 : i32
        %swap3A_961 = arith.index_cast %swap3A_960 : i32 to index
        %swap3A_962 = arith.index_cast %scan3A_921 : i32 to index
        %swap3A_963 = arith.constant 32 : index
        %swap3A_964 = tpu.vector_load %arg9[%swap3A_961, %swap3A_962, %swap3A_963] {strides = array<i32>} : memref<5x40x128xf32, #tpu.memory_space<vmem>>, vector<16xf32>,
        tpu.vector_store %arg9[%swap3A_961, %swap3A_962, %swap3A_963], %mul3A_959 {strides = array<i32>} : memref<5x40x128xf32, #tpu.memory_space<vmem>>, vector<16xf32>,
        %get3A_965 = arith.constant 3 : i32
        %get3A_966 = arith.index_cast %get3A_965 : i32 to index
        %get3A_967 = arith.index_cast %scan3A_921 : i32 to index
        %get3A_968 = arith.constant 48 : index
        %get3A_969 = tpu.vector_load %arg9[%get3A_966, %get3A_967, %get3A_968] {strides = array<i32>} : memref<5x40x128xf32, #tpu.memory_space<vmem>>, vector<16xf32>,
        %mul3A_970 = arith.mulf %get3A_969, %exp3A_924 : vector<16xf32>
        %swap3A_971 = arith.constant 3 : i32
        %swap3A_972 = arith.index_cast %swap3A_971 : i32 to index
        %swap3A_973 = arith.index_cast %scan3A_921 : i32 to index
        %swap3A_974 = arith.constant 48 : index
        %swap3A_975 = tpu.vector_load %arg9[%swap3A_972, %swap3A_973, %swap3A_974] {strides = array<i32>} : memref<5x40x128xf32, #tpu.memory_space<vmem>>, vector<16xf32>,
        tpu.vector_store %arg9[%swap3A_972, %swap3A_973, %swap3A_974], %mul3A_970 {strides = array<i32>} : memref<5x40x128xf32, #tpu.memory_space<vmem>>, vector<16xf32>,
        %get3A_976 = arith.constant 3 : i32
        %get3A_977 = arith.index_cast %get3A_976 : i32 to index
        %get3A_978 = arith.index_cast %scan3A_921 : i32 to index
        %get3A_979 = arith.constant 64 : index
        %get3A_980 = tpu.vector_load %arg9[%get3A_977, %get3A_978, %get3A_979] {strides = array<i32>} : memref<5x40x128xf32, #tpu.memory_space<vmem>>, vector<16xf32>,
        %mul3A_981 = arith.mulf %get3A_980, %exp3A_924 : vector<16xf32>
        %swap3A_982 = arith.constant 3 : i32
        %swap3A_983 = arith.index_cast %swap3A_982 : i32 to index
        %swap3A_984 = arith.index_cast %scan3A_921 : i32 to index
        %swap3A_985 = arith.constant 64 : index
        %swap3A_986 = tpu.vector_load %arg9[%swap3A_983, %swap3A_984, %swap3A_985] {strides = array<i32>} : memref<5x40x128xf32, #tpu.memory_space<vmem>>, vector<16xf32>,
        tpu.vector_store %arg9[%swap3A_983, %swap3A_984, %swap3A_985], %mul3A_981 {strides = array<i32>} : memref<5x40x128xf32, #tpu.memory_space<vmem>>, vector<16xf32>,
        %get3A_987 = arith.constant 3 : i32
        %get3A_988 = arith.index_cast %get3A_987 : i32 to index
        %get3A_989 = arith.index_cast %scan3A_921 : i32 to index
        %get3A_990 = arith.constant 80 : index
        %get3A_991 = tpu.vector_load %arg9[%get3A_988, %get3A_989, %get3A_990] {strides = array<i32>} : memref<5x40x128xf32, #tpu.memory_space<vmem>>, vector<16xf32>,
        %mul3A_992 = arith.mulf %get3A_991, %exp3A_924 : vector<16xf32>
        %swap3A_993 = arith.constant 3 : i32
        %swap3A_994 = arith.index_cast %swap3A_993 : i32 to index
        %swap3A_995 = arith.index_cast %scan3A_921 : i32 to index
        %swap3A_996 = arith.constant 80 : index
        %swap3A_997 = tpu.vector_load %arg9[%swap3A_994, %swap3A_995, %swap3A_996] {strides = array<i32>} : memref<5x40x128xf32, #tpu.memory_space<vmem>>, vector<16xf32>,
        tpu.vector_store %arg9[%swap3A_994, %swap3A_995, %swap3A_996], %mul3A_992 {strides = array<i32>} : memref<5x40x128xf32, #tpu.memory_space<vmem>>, vector<16xf32>,
        %get3A_998 = arith.constant 3 : i32
        %get3A_999 = arith.index_cast %get3A_998 : i32 to index
        %get3A_1000 = arith.index_cast %scan3A_921 : i32 to index
        %get3A_1001 = arith.constant 96 : index
        %get3A_1002 = tpu.vector_load %arg9[%get3A_999, %get3A_1000, %get3A_1001] {strides = array<i32>} : memref<5x40x128xf32, #tpu.memory_space<vmem>>, vector<16xf32>,
        %mul3A_1003 = arith.mulf %get3A_1002, %exp3A_924 : vector<16xf32>
        %swap3A_1004 = arith.constant 3 : i32
        %swap3A_1005 = arith.index_cast %swap3A_1004 : i32 to index
        %swap3A_1006 = arith.index_cast %scan3A_921 : i32 to index
        %swap3A_1007 = arith.constant 96 : index
        %swap3A_1008 = tpu.vector_load %arg9[%swap3A_1005, %swap3A_1006, %swap3A_1007] {strides = array<i32>} : memref<5x40x128xf32, #tpu.memory_space<vmem>>, vector<16xf32>,
        tpu.vector_store %arg9[%swap3A_1005, %swap3A_1006, %swap3A_1007], %mul3A_1003 {strides = array<i32>} : memref<5x40x128xf32, #tpu.memory_space<vmem>>, vector<16xf32>,
        %get3A_1009 = arith.constant 3 : i32
        %get3A_1010 = arith.index_cast %get3A_1009 : i32 to index
        %get3A_1011 = arith.index_cast %scan3A_921 : i32 to index
        %get3A_1012 = arith.constant 112 : index
        %get3A_1013 = tpu.vector_load %arg9[%get3A_1010, %get3A_1011, %get3A_1012] {strides = array<i32>} : memref<5x40x128xf32, #tpu.memory_space<vmem>>, vector<16xf32>,
        %mul3A_1014 = arith.mulf %get3A_1013, %exp3A_924 : vector<16xf32>
        %swap3A_1015 = arith.constant 3 : i32
        %swap3A_1016 = arith.index_cast %swap3A_1015 : i32 to index
        %swap3A_1017 = arith.index_cast %scan3A_921 : i32 to index
        %swap3A_1018 = arith.constant 112 : index
        %swap3A_1019 = tpu.vector_load %arg9[%swap3A_1016, %swap3A_1017, %swap3A_1018] {strides = array<i32>} : memref<5x40x128xf32, #tpu.memory_space<vmem>>, vector<16xf32>,
        tpu.vector_store %arg9[%swap3A_1016, %swap3A_1017, %swap3A_1018], %mul3A_1014 {strides = array<i32>} : memref<5x40x128xf32, #tpu.memory_space<vmem>>, vector<16xf32>,
        %scan3A_1020 = arith.constant 0 : i32
        %scan3A_1021 = arith.constant 2 : i32
        %scan3A_1022 = arith.addi %scan3A_824, %scan3A_1021 : i32
        %broadcast_in_dim3A_1023 = vector.broadcast %scan3A_1022 : i32 to vector<16xi32>
        %gather3A_1024 = tpu.vector_load_idx %arg8[%broadcast_in_dim3A_695, %broadcast_in_dim3A_1023] : memref<5x40xf32, #tpu.memory_space<vmem>>[vector<16xi32>, vector<16xi32>], vector<16xf32>,
        %exp3A_1025 = math.exp %gather3A_1024 : vector<16xf32>
        %gather3A_1026 = tpu.vector_load_idx %arg7[%broadcast_in_dim3A_695, %broadcast_in_dim3A_1023] : memref<5x40xi32, #tpu.memory_space<vmem>>[vector<16xi32>, vector<16xi32>], vector<16xi32>,
        %shift_right_logical3A_1027 = arith.constant 7 : i32
        %shift_right_logical3A_1028 = vector.broadcast %shift_right_logical3A_1027 : i32 to vector<16xi32>
        %shift_right_logical3A_1029 = arith.shrui %gather3A_1026, %shift_right_logical3A_1028 : vector<16xi32>
        %and3A_1030 = arith.constant 127 : i32
        %and3A_1031 = vector.broadcast %and3A_1030 : i32 to vector<16xi32>
        %and3A_1032 = arith.andi %gather3A_1026, %and3A_1031 : vector<16xi32>
        tpu.vector_store_idx %arg10[%shift_right_logical3A_1029, %and3A_1032], %exp3A_1025 masked %eq3A_307 {add = true} : memref<80x128xf32, #tpu.memory_space<vmem>>[vector<16xi32>, vector<16xi32>], vector<16xf32>, vector<16xi1>
        %get3A_1033 = arith.constant 3 : i32
        %get3A_1034 = arith.index_cast %get3A_1033 : i32 to index
        %get3A_1035 = arith.index_cast %scan3A_1022 : i32 to index
        %get3A_1036 = arith.constant 0 : index
        %get3A_1037 = tpu.vector_load %arg9[%get3A_1034, %get3A_1035, %get3A_1036] {strides = array<i32>} : memref<5x40x128xf32, #tpu.memory_space<vmem>>, vector<16xf32>,
        %mul3A_1038 = arith.mulf %get3A_1037, %exp3A_1025 : vector<16xf32>
        %swap3A_1039 = arith.constant 3 : i32
        %swap3A_1040 = arith.index_cast %swap3A_1039 : i32 to index
        %swap3A_1041 = arith.index_cast %scan3A_1022 : i32 to index
        %swap3A_1042 = arith.constant 0 : index
        %swap3A_1043 = tpu.vector_load %arg9[%swap3A_1040, %swap3A_1041, %swap3A_1042] {strides = array<i32>} : memref<5x40x128xf32, #tpu.memory_space<vmem>>, vector<16xf32>,
        tpu.vector_store %arg9[%swap3A_1040, %swap3A_1041, %swap3A_1042], %mul3A_1038 {strides = array<i32>} : memref<5x40x128xf32, #tpu.memory_space<vmem>>, vector<16xf32>,
        %get3A_1044 = arith.constant 3 : i32
        %get3A_1045 = arith.index_cast %get3A_1044 : i32 to index
        %get3A_1046 = arith.index_cast %scan3A_1022 : i32 to index
        %get3A_1047 = arith.constant 16 : index
        %get3A_1048 = tpu.vector_load %arg9[%get3A_1045, %get3A_1046, %get3A_1047] {strides = array<i32>} : memref<5x40x128xf32, #tpu.memory_space<vmem>>, vector<16xf32>,
        %mul3A_1049 = arith.mulf %get3A_1048, %exp3A_1025 : vector<16xf32>
        %swap3A_1050 = arith.constant 3 : i32
        %swap3A_1051 = arith.index_cast %swap3A_1050 : i32 to index
        %swap3A_1052 = arith.index_cast %scan3A_1022 : i32 to index
        %swap3A_1053 = arith.constant 16 : index
        %swap3A_1054 = tpu.vector_load %arg9[%swap3A_1051, %swap3A_1052, %swap3A_1053] {strides = array<i32>} : memref<5x40x128xf32, #tpu.memory_space<vmem>>, vector<16xf32>,
        tpu.vector_store %arg9[%swap3A_1051, %swap3A_1052, %swap3A_1053], %mul3A_1049 {strides = array<i32>} : memref<5x40x128xf32, #tpu.memory_space<vmem>>, vector<16xf32>,
        %get3A_1055 = arith.constant 3 : i32
        %get3A_1056 = arith.index_cast %get3A_1055 : i32 to index
        %get3A_1057 = arith.index_cast %scan3A_1022 : i32 to index
        %get3A_1058 = arith.constant 32 : index
        %get3A_1059 = tpu.vector_load %arg9[%get3A_1056, %get3A_1057, %get3A_1058] {strides = array<i32>} : memref<5x40x128xf32, #tpu.memory_space<vmem>>, vector<16xf32>,
        %mul3A_1060 = arith.mulf %get3A_1059, %exp3A_1025 : vector<16xf32>
        %swap3A_1061 = arith.constant 3 : i32
        %swap3A_1062 = arith.index_cast %swap3A_1061 : i32 to index
        %swap3A_1063 = arith.index_cast %scan3A_1022 : i32 to index
        %swap3A_1064 = arith.constant 32 : index
        %swap3A_1065 = tpu.vector_load %arg9[%swap3A_1062, %swap3A_1063, %swap3A_1064] {strides = array<i32>} : memref<5x40x128xf32, #tpu.memory_space<vmem>>, vector<16xf32>,
        tpu.vector_store %arg9[%swap3A_1062, %swap3A_1063, %swap3A_1064], %mul3A_1060 {strides = array<i32>} : memref<5x40x128xf32, #tpu.memory_space<vmem>>, vector<16xf32>,
        %get3A_1066 = arith.constant 3 : i32
        %get3A_1067 = arith.index_cast %get3A_1066 : i32 to index
        %get3A_1068 = arith.index_cast %scan3A_1022 : i32 to index
        %get3A_1069 = arith.constant 48 : index
        %get3A_1070 = tpu.vector_load %arg9[%get3A_1067, %get3A_1068, %get3A_1069] {strides = array<i32>} : memref<5x40x128xf32, #tpu.memory_space<vmem>>, vector<16xf32>,
        %mul3A_1071 = arith.mulf %get3A_1070, %exp3A_1025 : vector<16xf32>
        %swap3A_1072 = arith.constant 3 : i32
        %swap3A_1073 = arith.index_cast %swap3A_1072 : i32 to index
        %swap3A_1074 = arith.index_cast %scan3A_1022 : i32 to index
        %swap3A_1075 = arith.constant 48 : index
        %swap3A_1076 = tpu.vector_load %arg9[%swap3A_1073, %swap3A_1074, %swap3A_1075] {strides = array<i32>} : memref<5x40x128xf32, #tpu.memory_space<vmem>>, vector<16xf32>,
        tpu.vector_store %arg9[%swap3A_1073, %swap3A_1074, %swap3A_1075], %mul3A_1071 {strides = array<i32>} : memref<5x40x128xf32, #tpu.memory_space<vmem>>, vector<16xf32>,
        %get3A_1077 = arith.constant 3 : i32
        %get3A_1078 = arith.index_cast %get3A_1077 : i32 to index
        %get3A_1079 = arith.index_cast %scan3A_1022 : i32 to index
        %get3A_1080 = arith.constant 64 : index
        %get3A_1081 = tpu.vector_load %arg9[%get3A_1078, %get3A_1079, %get3A_1080] {strides = array<i32>} : memref<5x40x128xf32, #tpu.memory_space<vmem>>, vector<16xf32>,
        %mul3A_1082 = arith.mulf %get3A_1081, %exp3A_1025 : vector<16xf32>
        %swap3A_1083 = arith.constant 3 : i32
        %swap3A_1084 = arith.index_cast %swap3A_1083 : i32 to index
        %swap3A_1085 = arith.index_cast %scan3A_1022 : i32 to index
        %swap3A_1086 = arith.constant 64 : index
        %swap3A_1087 = tpu.vector_load %arg9[%swap3A_1084, %swap3A_1085, %swap3A_1086] {strides = array<i32>} : memref<5x40x128xf32, #tpu.memory_space<vmem>>, vector<16xf32>,
        tpu.vector_store %arg9[%swap3A_1084, %swap3A_1085, %swap3A_1086], %mul3A_1082 {strides = array<i32>} : memref<5x40x128xf32, #tpu.memory_space<vmem>>, vector<16xf32>,
        %get3A_1088 = arith.constant 3 : i32
        %get3A_1089 = arith.index_cast %get3A_1088 : i32 to index
        %get3A_1090 = arith.index_cast %scan3A_1022 : i32 to index
        %get3A_1091 = arith.constant 80 : index
        %get3A_1092 = tpu.vector_load %arg9[%get3A_1089, %get3A_1090, %get3A_1091] {strides = array<i32>} : memref<5x40x128xf32, #tpu.memory_space<vmem>>, vector<16xf32>,
        %mul3A_1093 = arith.mulf %get3A_1092, %exp3A_1025 : vector<16xf32>
        %swap3A_1094 = arith.constant 3 : i32
        %swap3A_1095 = arith.index_cast %swap3A_1094 : i32 to index
        %swap3A_1096 = arith.index_cast %scan3A_1022 : i32 to index
        %swap3A_1097 = arith.constant 80 : index
        %swap3A_1098 = tpu.vector_load %arg9[%swap3A_1095, %swap3A_1096, %swap3A_1097] {strides = array<i32>} : memref<5x40x128xf32, #tpu.memory_space<vmem>>, vector<16xf32>,
        tpu.vector_store %arg9[%swap3A_1095, %swap3A_1096, %swap3A_1097], %mul3A_1093 {strides = array<i32>} : memref<5x40x128xf32, #tpu.memory_space<vmem>>, vector<16xf32>,
        %get3A_1099 = arith.constant 3 : i32
        %get3A_1100 = arith.index_cast %get3A_1099 : i32 to index
        %get3A_1101 = arith.index_cast %scan3A_1022 : i32 to index
        %get3A_1102 = arith.constant 96 : index
        %get3A_1103 = tpu.vector_load %arg9[%get3A_1100, %get3A_1101, %get3A_1102] {strides = array<i32>} : memref<5x40x128xf32, #tpu.memory_space<vmem>>, vector<16xf32>,
        %mul3A_1104 = arith.mulf %get3A_1103, %exp3A_1025 : vector<16xf32>
        %swap3A_1105 = arith.constant 3 : i32
        %swap3A_1106 = arith.index_cast %swap3A_1105 : i32 to index
        %swap3A_1107 = arith.index_cast %scan3A_1022 : i32 to index
        %swap3A_1108 = arith.constant 96 : index
        %swap3A_1109 = tpu.vector_load %arg9[%swap3A_1106, %swap3A_1107, %swap3A_1108] {strides = array<i32>} : memref<5x40x128xf32, #tpu.memory_space<vmem>>, vector<16xf32>,
        tpu.vector_store %arg9[%swap3A_1106, %swap3A_1107, %swap3A_1108], %mul3A_1104 {strides = array<i32>} : memref<5x40x128xf32, #tpu.memory_space<vmem>>, vector<16xf32>,
        %get3A_1110 = arith.constant 3 : i32
        %get3A_1111 = arith.index_cast %get3A_1110 : i32 to index
        %get3A_1112 = arith.index_cast %scan3A_1022 : i32 to index
        %get3A_1113 = arith.constant 112 : index
        %get3A_1114 = tpu.vector_load %arg9[%get3A_1111, %get3A_1112, %get3A_1113] {strides = array<i32>} : memref<5x40x128xf32, #tpu.memory_space<vmem>>, vector<16xf32>,
        %mul3A_1115 = arith.mulf %get3A_1114, %exp3A_1025 : vector<16xf32>
        %swap3A_1116 = arith.constant 3 : i32
        %swap3A_1117 = arith.index_cast %swap3A_1116 : i32 to index
        %swap3A_1118 = arith.index_cast %scan3A_1022 : i32 to index
        %swap3A_1119 = arith.constant 112 : index
        %swap3A_1120 = tpu.vector_load %arg9[%swap3A_1117, %swap3A_1118, %swap3A_1119] {strides = array<i32>} : memref<5x40x128xf32, #tpu.memory_space<vmem>>, vector<16xf32>,
        tpu.vector_store %arg9[%swap3A_1117, %swap3A_1118, %swap3A_1119], %mul3A_1115 {strides = array<i32>} : memref<5x40x128xf32, #tpu.memory_space<vmem>>, vector<16xf32>,
        %scan3A_1121 = arith.constant 0 : i32
        %scan3A_1122 = arith.constant 3 : i32
        %scan3A_1123 = arith.addi %scan3A_824, %scan3A_1122 : i32
        %broadcast_in_dim3A_1124 = vector.broadcast %scan3A_1123 : i32 to vector<16xi32>
        %gather3A_1125 = tpu.vector_load_idx %arg8[%broadcast_in_dim3A_695, %broadcast_in_dim3A_1124] : memref<5x40xf32, #tpu.memory_space<vmem>>[vector<16xi32>, vector<16xi32>], vector<16xf32>,
        %exp3A_1126 = math.exp %gather3A_1125 : vector<16xf32>
        %gather3A_1127 = tpu.vector_load_idx %arg7[%broadcast_in_dim3A_695, %broadcast_in_dim3A_1124] : memref<5x40xi32, #tpu.memory_space<vmem>>[vector<16xi32>, vector<16xi32>], vector<16xi32>,
        %shift_right_logical3A_1128 = arith.constant 7 : i32
        %shift_right_logical3A_1129 = vector.broadcast %shift_right_logical3A_1128 : i32 to vector<16xi32>
        %shift_right_logical3A_1130 = arith.shrui %gather3A_1127, %shift_right_logical3A_1129 : vector<16xi32>
        %and3A_1131 = arith.constant 127 : i32
        %and3A_1132 = vector.broadcast %and3A_1131 : i32 to vector<16xi32>
        %and3A_1133 = arith.andi %gather3A_1127, %and3A_1132 : vector<16xi32>
        tpu.vector_store_idx %arg10[%shift_right_logical3A_1130, %and3A_1133], %exp3A_1126 masked %eq3A_307 {add = true} : memref<80x128xf32, #tpu.memory_space<vmem>>[vector<16xi32>, vector<16xi32>], vector<16xf32>, vector<16xi1>
        %get3A_1134 = arith.constant 3 : i32
        %get3A_1135 = arith.index_cast %get3A_1134 : i32 to index
        %get3A_1136 = arith.index_cast %scan3A_1123 : i32 to index
        %get3A_1137 = arith.constant 0 : index
        %get3A_1138 = tpu.vector_load %arg9[%get3A_1135, %get3A_1136, %get3A_1137] {strides = array<i32>} : memref<5x40x128xf32, #tpu.memory_space<vmem>>, vector<16xf32>,
        %mul3A_1139 = arith.mulf %get3A_1138, %exp3A_1126 : vector<16xf32>
        %swap3A_1140 = arith.constant 3 : i32
        %swap3A_1141 = arith.index_cast %swap3A_1140 : i32 to index
        %swap3A_1142 = arith.index_cast %scan3A_1123 : i32 to index
        %swap3A_1143 = arith.constant 0 : index
        %swap3A_1144 = tpu.vector_load %arg9[%swap3A_1141, %swap3A_1142, %swap3A_1143] {strides = array<i32>} : memref<5x40x128xf32, #tpu.memory_space<vmem>>, vector<16xf32>,
        tpu.vector_store %arg9[%swap3A_1141, %swap3A_1142, %swap3A_1143], %mul3A_1139 {strides = array<i32>} : memref<5x40x128xf32, #tpu.memory_space<vmem>>, vector<16xf32>,
        %get3A_1145 = arith.constant 3 : i32
        %get3A_1146 = arith.index_cast %get3A_1145 : i32 to index
        %get3A_1147 = arith.index_cast %scan3A_1123 : i32 to index
        %get3A_1148 = arith.constant 16 : index
        %get3A_1149 = tpu.vector_load %arg9[%get3A_1146, %get3A_1147, %get3A_1148] {strides = array<i32>} : memref<5x40x128xf32, #tpu.memory_space<vmem>>, vector<16xf32>,
        %mul3A_1150 = arith.mulf %get3A_1149, %exp3A_1126 : vector<16xf32>
        %swap3A_1151 = arith.constant 3 : i32
        %swap3A_1152 = arith.index_cast %swap3A_1151 : i32 to index
        %swap3A_1153 = arith.index_cast %scan3A_1123 : i32 to index
        %swap3A_1154 = arith.constant 16 : index
        %swap3A_1155 = tpu.vector_load %arg9[%swap3A_1152, %swap3A_1153, %swap3A_1154] {strides = array<i32>} : memref<5x40x128xf32, #tpu.memory_space<vmem>>, vector<16xf32>,
        tpu.vector_store %arg9[%swap3A_1152, %swap3A_1153, %swap3A_1154], %mul3A_1150 {strides = array<i32>} : memref<5x40x128xf32, #tpu.memory_space<vmem>>, vector<16xf32>,
        %get3A_1156 = arith.constant 3 : i32
        %get3A_1157 = arith.index_cast %get3A_1156 : i32 to index
        %get3A_1158 = arith.index_cast %scan3A_1123 : i32 to index
        %get3A_1159 = arith.constant 32 : index
        %get3A_1160 = tpu.vector_load %arg9[%get3A_1157, %get3A_1158, %get3A_1159] {strides = array<i32>} : memref<5x40x128xf32, #tpu.memory_space<vmem>>, vector<16xf32>,
        %mul3A_1161 = arith.mulf %get3A_1160, %exp3A_1126 : vector<16xf32>
        %swap3A_1162 = arith.constant 3 : i32
        %swap3A_1163 = arith.index_cast %swap3A_1162 : i32 to index
        %swap3A_1164 = arith.index_cast %scan3A_1123 : i32 to index
        %swap3A_1165 = arith.constant 32 : index
        %swap3A_1166 = tpu.vector_load %arg9[%swap3A_1163, %swap3A_1164, %swap3A_1165] {strides = array<i32>} : memref<5x40x128xf32, #tpu.memory_space<vmem>>, vector<16xf32>,
        tpu.vector_store %arg9[%swap3A_1163, %swap3A_1164, %swap3A_1165], %mul3A_1161 {strides = array<i32>} : memref<5x40x128xf32, #tpu.memory_space<vmem>>, vector<16xf32>,
        %get3A_1167 = arith.constant 3 : i32
        %get3A_1168 = arith.index_cast %get3A_1167 : i32 to index
        %get3A_1169 = arith.index_cast %scan3A_1123 : i32 to index
        %get3A_1170 = arith.constant 48 : index
        %get3A_1171 = tpu.vector_load %arg9[%get3A_1168, %get3A_1169, %get3A_1170] {strides = array<i32>} : memref<5x40x128xf32, #tpu.memory_space<vmem>>, vector<16xf32>,
        %mul3A_1172 = arith.mulf %get3A_1171, %exp3A_1126 : vector<16xf32>
        %swap3A_1173 = arith.constant 3 : i32
        %swap3A_1174 = arith.index_cast %swap3A_1173 : i32 to index
        %swap3A_1175 = arith.index_cast %scan3A_1123 : i32 to index
        %swap3A_1176 = arith.constant 48 : index
        %swap3A_1177 = tpu.vector_load %arg9[%swap3A_1174, %swap3A_1175, %swap3A_1176] {strides = array<i32>} : memref<5x40x128xf32, #tpu.memory_space<vmem>>, vector<16xf32>,
        tpu.vector_store %arg9[%swap3A_1174, %swap3A_1175, %swap3A_1176], %mul3A_1172 {strides = array<i32>} : memref<5x40x128xf32, #tpu.memory_space<vmem>>, vector<16xf32>,
        %get3A_1178 = arith.constant 3 : i32
        %get3A_1179 = arith.index_cast %get3A_1178 : i32 to index
        %get3A_1180 = arith.index_cast %scan3A_1123 : i32 to index
        %get3A_1181 = arith.constant 64 : index
        %get3A_1182 = tpu.vector_load %arg9[%get3A_1179, %get3A_1180, %get3A_1181] {strides = array<i32>} : memref<5x40x128xf32, #tpu.memory_space<vmem>>, vector<16xf32>,
        %mul3A_1183 = arith.mulf %get3A_1182, %exp3A_1126 : vector<16xf32>
        %swap3A_1184 = arith.constant 3 : i32
        %swap3A_1185 = arith.index_cast %swap3A_1184 : i32 to index
        %swap3A_1186 = arith.index_cast %scan3A_1123 : i32 to index
        %swap3A_1187 = arith.constant 64 : index
        %swap3A_1188 = tpu.vector_load %arg9[%swap3A_1185, %swap3A_1186, %swap3A_1187] {strides = array<i32>} : memref<5x40x128xf32, #tpu.memory_space<vmem>>, vector<16xf32>,
        tpu.vector_store %arg9[%swap3A_1185, %swap3A_1186, %swap3A_1187], %mul3A_1183 {strides = array<i32>} : memref<5x40x128xf32, #tpu.memory_space<vmem>>, vector<16xf32>,
        %get3A_1189 = arith.constant 3 : i32
        %get3A_1190 = arith.index_cast %get3A_1189 : i32 to index
        %get3A_1191 = arith.index_cast %scan3A_1123 : i32 to index
        %get3A_1192 = arith.constant 80 : index
        %get3A_1193 = tpu.vector_load %arg9[%get3A_1190, %get3A_1191, %get3A_1192] {strides = array<i32>} : memref<5x40x128xf32, #tpu.memory_space<vmem>>, vector<16xf32>,
        %mul3A_1194 = arith.mulf %get3A_1193, %exp3A_1126 : vector<16xf32>
        %swap3A_1195 = arith.constant 3 : i32
        %swap3A_1196 = arith.index_cast %swap3A_1195 : i32 to index
        %swap3A_1197 = arith.index_cast %scan3A_1123 : i32 to index
        %swap3A_1198 = arith.constant 80 : index
        %swap3A_1199 = tpu.vector_load %arg9[%swap3A_1196, %swap3A_1197, %swap3A_1198] {strides = array<i32>} : memref<5x40x128xf32, #tpu.memory_space<vmem>>, vector<16xf32>,
        tpu.vector_store %arg9[%swap3A_1196, %swap3A_1197, %swap3A_1198], %mul3A_1194 {strides = array<i32>} : memref<5x40x128xf32, #tpu.memory_space<vmem>>, vector<16xf32>,
        %get3A_1200 = arith.constant 3 : i32
        %get3A_1201 = arith.index_cast %get3A_1200 : i32 to index
        %get3A_1202 = arith.index_cast %scan3A_1123 : i32 to index
        %get3A_1203 = arith.constant 96 : index
        %get3A_1204 = tpu.vector_load %arg9[%get3A_1201, %get3A_1202, %get3A_1203] {strides = array<i32>} : memref<5x40x128xf32, #tpu.memory_space<vmem>>, vector<16xf32>,
        %mul3A_1205 = arith.mulf %get3A_1204, %exp3A_1126 : vector<16xf32>
        %swap3A_1206 = arith.constant 3 : i32
        %swap3A_1207 = arith.index_cast %swap3A_1206 : i32 to index
        %swap3A_1208 = arith.index_cast %scan3A_1123 : i32 to index
        %swap3A_1209 = arith.constant 96 : index
        %swap3A_1210 = tpu.vector_load %arg9[%swap3A_1207, %swap3A_1208, %swap3A_1209] {strides = array<i32>} : memref<5x40x128xf32, #tpu.memory_space<vmem>>, vector<16xf32>,
        tpu.vector_store %arg9[%swap3A_1207, %swap3A_1208, %swap3A_1209], %mul3A_1205 {strides = array<i32>} : memref<5x40x128xf32, #tpu.memory_space<vmem>>, vector<16xf32>,
        %get3A_1211 = arith.constant 3 : i32
        %get3A_1212 = arith.index_cast %get3A_1211 : i32 to index
        %get3A_1213 = arith.index_cast %scan3A_1123 : i32 to index
        %get3A_1214 = arith.constant 112 : index
        %get3A_1215 = tpu.vector_load %arg9[%get3A_1212, %get3A_1213, %get3A_1214] {strides = array<i32>} : memref<5x40x128xf32, #tpu.memory_space<vmem>>, vector<16xf32>,
        %mul3A_1216 = arith.mulf %get3A_1215, %exp3A_1126 : vector<16xf32>
        %swap3A_1217 = arith.constant 3 : i32
        %swap3A_1218 = arith.index_cast %swap3A_1217 : i32 to index
        %swap3A_1219 = arith.index_cast %scan3A_1123 : i32 to index
        %swap3A_1220 = arith.constant 112 : index
        %swap3A_1221 = tpu.vector_load %arg9[%swap3A_1218, %swap3A_1219, %swap3A_1220] {strides = array<i32>} : memref<5x40x128xf32, #tpu.memory_space<vmem>>, vector<16xf32>,
        tpu.vector_store %arg9[%swap3A_1218, %swap3A_1219, %swap3A_1220], %mul3A_1216 {strides = array<i32>} : memref<5x40x128xf32, #tpu.memory_space<vmem>>, vector<16xf32>,
        %scan3A_1222 = arith.constant 0 : i32
        scf.yield %scan3A_1222 : i32
      }
      %scan3A_702 = arith.constant 40 : i32
      %dma_start3A_703 = arith.constant 3 : i32
      %dma_start3A_704 = arith.constant 3 : i32
      %dma_start3A_705 = arith.constant 3 : i32
      %dma_start3A_706 = arith.constant 0 : i32
      %dma_start3A_707 = arith.constant 0 : i32
      %dma_start3A_708 = tpu.memref_slice %arg9[%dma_start3A_703, %dma_start3A_706, %dma_start3A_707] : memref<5x40x128xf32, #tpu.memory_space<vmem>> -> memref<1x40x128xf32, #tpu.memory_space<vmem>>
      %dma_start3A_709 = tpu.memref_squeeze %dma_start3A_708 : memref<1x40x128xf32, #tpu.memory_space<vmem>> -> memref<40x128xf32, #tpu.memory_space<vmem>>
      %dma_start3A_710 = arith.constant 0 : i32
      %dma_start3A_711 = tpu.memref_slice %arg7[%dma_start3A_704, %dma_start3A_710] : memref<5x40xi32, #tpu.memory_space<vmem>> -> memref<1x40xi32, #tpu.memory_space<vmem>>
      %dma_start3A_712 = tpu.memref_squeeze %dma_start3A_711 : memref<1x40xi32, #tpu.memory_space<vmem>> -> memref<40xi32, #tpu.memory_space<vmem>>
      %dma_start3A_713 = arith.constant 0 : i32
      %dma_start3A_714 = arith.constant 0 : i32
      %dma_start3A_715 = tpu.memref_slice %arg12[%dma_start3A_713, %dma_start3A_714] : memref<10000x128xf32, #tpu.memory_space<vmem_shared>> -> memref<10000x128xf32, #tpu.memory_space<vmem_shared>>
      %dma_start3A_716 = tpu.memref_slice %arg14[%dma_start3A_705] : memref<5x!tpu.dma_semaphore, #tpu.memory_space<semaphore_mem>> -> memref<1x!tpu.dma_semaphore, #tpu.memory_space<semaphore_mem>>
      %dma_start3A_717 = tpu.memref_squeeze %dma_start3A_716 : memref<1x!tpu.dma_semaphore, #tpu.memory_space<semaphore_mem>> -> memref<!tpu.dma_semaphore, #tpu.memory_space<semaphore_mem>>
      tpu.enqueue_indirect_dma source(%dma_start3A_709 : memref<40x128xf32, #tpu.memory_space<vmem>>) target(%dma_start3A_715 : memref<10000x128xf32, #tpu.memory_space<vmem_shared>>) offsets(%dma_start3A_712 : memref<40xi32, #tpu.memory_space<vmem>>) semaphore(%dma_start3A_717 : memref<!tpu.dma_semaphore, #tpu.memory_space<semaphore_mem>>) {add = true}
      %ge3A_718 = arith.constant 3 : i32
      %ge3A_719 = arith.cmpi sge, %add3A_642, %ge3A_718 : i32
      %convert_element_type3A_720 = arith.extui %ge3A_719 : i1 to i32
      %cond3A_721 = arith.constant 0 : i32
      %cond3A_722 = arith.cmpi ne, %convert_element_type3A_720, %cond3A_721 : i32
      scf.if %cond3A_722 {
        %dma_wait3A_824 = arith.constant 0 : i32
        %dma_wait3A_825 = arith.constant 0 : i32
        %dma_wait3A_826 = arith.constant 0 : i32
        %dma_wait3A_827 = arith.constant 0 : i32
        %dma_wait3A_828 = arith.constant 0 : i32
        %dma_wait3A_829 = tpu.memref_slice %arg9[%dma_wait3A_824, %dma_wait3A_827, %dma_wait3A_828] : memref<5x40x128xf32, #tpu.memory_space<vmem>> -> memref<1x40x128xf32, #tpu.memory_space<vmem>>
        %dma_wait3A_830 = tpu.memref_squeeze %dma_wait3A_829 : memref<1x40x128xf32, #tpu.memory_space<vmem>> -> memref<40x128xf32, #tpu.memory_space<vmem>>
        %dma_wait3A_831 = arith.constant 0 : i32
        %dma_wait3A_832 = tpu.memref_slice %arg7[%dma_wait3A_825, %dma_wait3A_831] : memref<5x40xi32, #tpu.memory_space<vmem>> -> memref<1x40xi32, #tpu.memory_space<vmem>>
        %dma_wait3A_833 = tpu.memref_squeeze %dma_wait3A_832 : memref<1x40xi32, #tpu.memory_space<vmem>> -> memref<40xi32, #tpu.memory_space<vmem>>
        %dma_wait3A_834 = arith.constant 0 : i32
        %dma_wait3A_835 = arith.constant 0 : i32
        %dma_wait3A_836 = tpu.memref_slice %arg12[%dma_wait3A_834, %dma_wait3A_835] : memref<10000x128xf32, #tpu.memory_space<vmem_shared>> -> memref<10000x128xf32, #tpu.memory_space<vmem_shared>>
        %dma_wait3A_837 = tpu.memref_slice %arg14[%dma_wait3A_826] : memref<5x!tpu.dma_semaphore, #tpu.memory_space<semaphore_mem>> -> memref<1x!tpu.dma_semaphore, #tpu.memory_space<semaphore_mem>>
        %dma_wait3A_838 = tpu.memref_squeeze %dma_wait3A_837 : memref<1x!tpu.dma_semaphore, #tpu.memory_space<semaphore_mem>> -> memref<!tpu.dma_semaphore, #tpu.memory_space<semaphore_mem>>
        tpu.wait_indirect_dma semaphore(%dma_wait3A_838 : memref<!tpu.dma_semaphore, #tpu.memory_space<semaphore_mem>>) src(%dma_wait3A_830 : memref<40x128xf32, #tpu.memory_space<vmem>>) dst(%dma_wait3A_836 : memref<10000x128xf32, #tpu.memory_space<vmem_shared>>)
      } else {
      }
      %ge3A_723 = arith.constant 3 : i32
      %ge3A_724 = arith.cmpi sge, %add3A_642, %ge3A_723 : i32
      %le3A_725 = arith.constant 247 : i32
      %le3A_726 = arith.cmpi sle, %add3A_642, %le3A_725 : i32
      %and3A_727 = arith.andi %ge3A_724, %le3A_726 : i1
      %convert_element_type3A_728 = arith.extui %and3A_727 : i1 to i32
      %cond3A_729 = arith.constant 0 : i32
      %cond3A_730 = arith.cmpi ne, %convert_element_type3A_728, %cond3A_729 : i32
      scf.if %cond3A_730 {
        %add3A_824 = arith.constant 2 : i32
        %add3A_825 = arith.addi %add3A_642, %add3A_824 : i32
        %mul3A_826 = arith.constant 40 : i32
        %mul3A_827 = arith.muli %add3A_825, %mul3A_826 : i32
        %add3A_828 = arith.addi %mul3A_2, %mul3A_827 : i32
        %dma_start3A_829 = arith.constant 0 : i32
        %dma_start3A_830 = arith.constant 0 : i32
        %dma_start3A_831 = arith.constant 0 : i32
        %dma_start3A_832 = arith.constant 0 : i32
        %dma_start3A_833 = tpu.memref_slice %arg9[%dma_start3A_829, %dma_start3A_831, %dma_start3A_832] : memref<5x40x128xf32, #tpu.memory_space<vmem>> -> memref<1x40x128xf32, #tpu.memory_space<vmem>>
        %dma_start3A_834 = tpu.memref_squeeze %dma_start3A_833 : memref<1x40x128xf32, #tpu.memory_space<vmem>> -> memref<40x128xf32, #tpu.memory_space<vmem>>
        %dma_start3A_835 = arith.constant 0 : i32
        %dma_start3A_836 = tpu.memref_slice %arg4[%add3A_828, %dma_start3A_835] : memref<320000x128xf32, #tpu.memory_space<hbm>> -> memref<40x128xf32, #tpu.memory_space<hbm>>
        %dma_start3A_837 = tpu.memref_slice %arg13[%dma_start3A_830] : memref<5x!tpu.dma_semaphore, #tpu.memory_space<semaphore_mem>> -> memref<1x!tpu.dma_semaphore, #tpu.memory_space<semaphore_mem>>
        %dma_start3A_838 = tpu.memref_squeeze %dma_start3A_837 : memref<1x!tpu.dma_semaphore, #tpu.memory_space<semaphore_mem>> -> memref<!tpu.dma_semaphore, #tpu.memory_space<semaphore_mem>>
        %dma_start3A_839 = arith.constant 0 : i32
        %dma_start3A_840 = arith.constant 0 : i32
        %dma_start3A_841 = tpu.memref_slice %arg9[%dma_start3A_829, %dma_start3A_839, %dma_start3A_840] : memref<5x40x128xf32, #tpu.memory_space<vmem>> -> memref<1x40x128xf32, #tpu.memory_space<vmem>>
        %dma_start3A_842 = tpu.memref_squeeze %dma_start3A_841 : memref<1x40x128xf32, #tpu.memory_space<vmem>> -> memref<40x128xf32, #tpu.memory_space<vmem>>
        %dma_start3A_843 = arith.constant 0 : i32
        %dma_start3A_844 = tpu.memref_slice %arg4[%add3A_828, %dma_start3A_843] : memref<320000x128xf32, #tpu.memory_space<hbm>> -> memref<40x128xf32, #tpu.memory_space<hbm>>
        tpu.enqueue_dma source(%dma_start3A_844 : memref<40x128xf32, #tpu.memory_space<hbm>>) target(%dma_start3A_842 : memref<40x128xf32, #tpu.memory_space<vmem>>) target_semaphore(%dma_start3A_838 : memref<!tpu.dma_semaphore, #tpu.memory_space<semaphore_mem>>)
        %dma_start3A_845 = arith.constant 0 : i32
        %dma_start3A_846 = arith.constant 0 : i32
        %dma_start3A_847 = arith.constant 0 : i32
        %dma_start3A_848 = tpu.memref_slice %arg7[%dma_start3A_845, %dma_start3A_847] : memref<5x40xi32, #tpu.memory_space<vmem>> -> memref<1x40xi32, #tpu.memory_space<vmem>>
        %dma_start3A_849 = tpu.memref_squeeze %dma_start3A_848 : memref<1x40xi32, #tpu.memory_space<vmem>> -> memref<40xi32, #tpu.memory_space<vmem>>
        %dma_start3A_850 = arith.constant 0 : i32
        %dma_start3A_851 = tpu.memref_slice %arg2[%add3A, %add3A_825, %dma_start3A_850] : memref<32x250x40xi32, #tpu.memory_space<hbm>> -> memref<1x1x40xi32, #tpu.memory_space<hbm>>
        %dma_start3A_852 = tpu.memref_squeeze %dma_start3A_851 : memref<1x1x40xi32, #tpu.memory_space<hbm>> -> memref<40xi32, #tpu.memory_space<hbm>>
        %dma_start3A_853 = tpu.memref_slice %arg13[%dma_start3A_846] : memref<5x!tpu.dma_semaphore, #tpu.memory_space<semaphore_mem>> -> memref<1x!tpu.dma_semaphore, #tpu.memory_space<semaphore_mem>>
        %dma_start3A_854 = tpu.memref_squeeze %dma_start3A_853 : memref<1x!tpu.dma_semaphore, #tpu.memory_space<semaphore_mem>> -> memref<!tpu.dma_semaphore, #tpu.memory_space<semaphore_mem>>
        %dma_start3A_855 = arith.constant 0 : i32
        %dma_start3A_856 = tpu.memref_slice %arg7[%dma_start3A_845, %dma_start3A_855] : memref<5x40xi32, #tpu.memory_space<vmem>> -> memref<1x40xi32, #tpu.memory_space<vmem>>
        %dma_start3A_857 = tpu.memref_squeeze %dma_start3A_856 : memref<1x40xi32, #tpu.memory_space<vmem>> -> memref<40xi32, #tpu.memory_space<vmem>>
        %dma_start3A_858 = arith.constant 0 : i32
        %dma_start3A_859 = tpu.memref_slice %arg2[%add3A, %add3A_825, %dma_start3A_858] : memref<32x250x40xi32, #tpu.memory_space<hbm>> -> memref<1x1x40xi32, #tpu.memory_space<hbm>>
        %dma_start3A_860 = tpu.memref_squeeze %dma_start3A_859 : memref<1x1x40xi32, #tpu.memory_space<hbm>> -> memref<40xi32, #tpu.memory_space<hbm>>
        tpu.enqueue_dma source(%dma_start3A_860 : memref<40xi32, #tpu.memory_space<hbm>>) target(%dma_start3A_857 : memref<40xi32, #tpu.memory_space<vmem>>) target_semaphore(%dma_start3A_854 : memref<!tpu.dma_semaphore, #tpu.memory_space<semaphore_mem>>)
        %dma_start3A_861 = arith.constant 0 : i32
        %dma_start3A_862 = arith.constant 0 : i32
        %dma_start3A_863 = arith.constant 0 : i32
        %dma_start3A_864 = tpu.memref_slice %arg8[%dma_start3A_861, %dma_start3A_863] : memref<5x40xf32, #tpu.memory_space<vmem>> -> memref<1x40xf32, #tpu.memory_space<vmem>>
        %dma_start3A_865 = tpu.memref_squeeze %dma_start3A_864 : memref<1x40xf32, #tpu.memory_space<vmem>> -> memref<40xf32, #tpu.memory_space<vmem>>
        %dma_start3A_866 = arith.constant 0 : i32
        %dma_start3A_867 = tpu.memref_slice %arg3[%add3A, %add3A_825, %dma_start3A_866] : memref<32x250x40xf32, #tpu.memory_space<hbm>> -> memref<1x1x40xf32, #tpu.memory_space<hbm>>
        %dma_start3A_868 = tpu.memref_squeeze %dma_start3A_867 : memref<1x1x40xf32, #tpu.memory_space<hbm>> -> memref<40xf32, #tpu.memory_space<hbm>>
        %dma_start3A_869 = tpu.memref_slice %arg13[%dma_start3A_862] : memref<5x!tpu.dma_semaphore, #tpu.memory_space<semaphore_mem>> -> memref<1x!tpu.dma_semaphore, #tpu.memory_space<semaphore_mem>>
        %dma_start3A_870 = tpu.memref_squeeze %dma_start3A_869 : memref<1x!tpu.dma_semaphore, #tpu.memory_space<semaphore_mem>> -> memref<!tpu.dma_semaphore, #tpu.memory_space<semaphore_mem>>
        %dma_start3A_871 = arith.constant 0 : i32
        %dma_start3A_872 = tpu.memref_slice %arg8[%dma_start3A_861, %dma_start3A_871] : memref<5x40xf32, #tpu.memory_space<vmem>> -> memref<1x40xf32, #tpu.memory_space<vmem>>
        %dma_start3A_873 = tpu.memref_squeeze %dma_start3A_872 : memref<1x40xf32, #tpu.memory_space<vmem>> -> memref<40xf32, #tpu.memory_space<vmem>>
        %dma_start3A_874 = arith.constant 0 : i32
        %dma_start3A_875 = tpu.memref_slice %arg3[%add3A, %add3A_825, %dma_start3A_874] : memref<32x250x40xf32, #tpu.memory_space<hbm>> -> memref<1x1x40xf32, #tpu.memory_space<hbm>>
        %dma_start3A_876 = tpu.memref_squeeze %dma_start3A_875 : memref<1x1x40xf32, #tpu.memory_space<hbm>> -> memref<40xf32, #tpu.memory_space<hbm>>
        tpu.enqueue_dma source(%dma_start3A_876 : memref<40xf32, #tpu.memory_space<hbm>>) target(%dma_start3A_873 : memref<40xf32, #tpu.memory_space<vmem>>) target_semaphore(%dma_start3A_870 : memref<!tpu.dma_semaphore, #tpu.memory_space<semaphore_mem>>)
      } else {
      }
      %mul3A_731 = arith.constant 5 : i32
      %mul3A_732 = arith.muli %scan3A_365, %mul3A_731 : i32
      %add3A_733 = arith.constant 4 : i32
      %add3A_734 = arith.addi %mul3A_732, %add3A_733 : i32
      %mul3A_735 = arith.constant 40 : i32
      %mul3A_736 = arith.muli %add3A_734, %mul3A_735 : i32
      %add3A_737 = arith.addi %mul3A_2, %mul3A_736 : i32
      %dma_wait3A_738 = arith.constant 4 : i32
      %dma_wait3A_739 = arith.constant 4 : i32
      %dma_wait3A_740 = arith.constant 0 : i32
      %dma_wait3A_741 = arith.constant 0 : i32
      %dma_wait3A_742 = tpu.memref_slice %arg9[%dma_wait3A_738, %dma_wait3A_740, %dma_wait3A_741] : memref<5x40x128xf32, #tpu.memory_space<vmem>> -> memref<1x40x128xf32, #tpu.memory_space<vmem>>
      %dma_wait3A_743 = tpu.memref_squeeze %dma_wait3A_742 : memref<1x40x128xf32, #tpu.memory_space<vmem>> -> memref<40x128xf32, #tpu.memory_space<vmem>>
      %dma_wait3A_744 = arith.constant 0 : i32
      %dma_wait3A_745 = tpu.memref_slice %arg4[%add3A_737, %dma_wait3A_744] : memref<320000x128xf32, #tpu.memory_space<hbm>> -> memref<40x128xf32, #tpu.memory_space<hbm>>
      %dma_wait3A_746 = tpu.memref_slice %arg13[%dma_wait3A_739] : memref<5x!tpu.dma_semaphore, #tpu.memory_space<semaphore_mem>> -> memref<1x!tpu.dma_semaphore, #tpu.memory_space<semaphore_mem>>
      %dma_wait3A_747 = tpu.memref_squeeze %dma_wait3A_746 : memref<1x!tpu.dma_semaphore, #tpu.memory_space<semaphore_mem>> -> memref<!tpu.dma_semaphore, #tpu.memory_space<semaphore_mem>>
      %dma_wait3A_748 = arith.constant 0 : i32
      %dma_wait3A_749 = arith.constant 0 : i32
      %dma_wait3A_750 = tpu.memref_slice %arg9[%dma_wait3A_738, %dma_wait3A_748, %dma_wait3A_749] : memref<5x40x128xf32, #tpu.memory_space<vmem>> -> memref<1x40x128xf32, #tpu.memory_space<vmem>>
      %dma_wait3A_751 = tpu.memref_squeeze %dma_wait3A_750 : memref<1x40x128xf32, #tpu.memory_space<vmem>> -> memref<40x128xf32, #tpu.memory_space<vmem>>
      %dma_wait3A_752 = arith.constant 0 : i32
      %dma_wait3A_753 = tpu.memref_slice %arg4[%add3A_737, %dma_wait3A_752] : memref<320000x128xf32, #tpu.memory_space<hbm>> -> memref<40x128xf32, #tpu.memory_space<hbm>>
      tpu.wait_dma2 semaphore(%dma_wait3A_747 : memref<!tpu.dma_semaphore, #tpu.memory_space<semaphore_mem>>) src(%dma_wait3A_753 : memref<40x128xf32, #tpu.memory_space<hbm>>) dst(%dma_wait3A_751 : memref<40x128xf32, #tpu.memory_space<vmem>>)
      %dma_wait3A_754 = arith.constant 4 : i32
      %dma_wait3A_755 = arith.constant 4 : i32
      %dma_wait3A_756 = arith.constant 0 : i32
      %dma_wait3A_757 = tpu.memref_slice %arg7[%dma_wait3A_754, %dma_wait3A_756] : memref<5x40xi32, #tpu.memory_space<vmem>> -> memref<1x40xi32, #tpu.memory_space<vmem>>
      %dma_wait3A_758 = tpu.memref_squeeze %dma_wait3A_757 : memref<1x40xi32, #tpu.memory_space<vmem>> -> memref<40xi32, #tpu.memory_space<vmem>>
      %dma_wait3A_759 = arith.constant 0 : i32
      %dma_wait3A_760 = tpu.memref_slice %arg2[%add3A, %add3A_734, %dma_wait3A_759] : memref<32x250x40xi32, #tpu.memory_space<hbm>> -> memref<1x1x40xi32, #tpu.memory_space<hbm>>
      %dma_wait3A_761 = tpu.memref_squeeze %dma_wait3A_760 : memref<1x1x40xi32, #tpu.memory_space<hbm>> -> memref<40xi32, #tpu.memory_space<hbm>>
      %dma_wait3A_762 = tpu.memref_slice %arg13[%dma_wait3A_755] : memref<5x!tpu.dma_semaphore, #tpu.memory_space<semaphore_mem>> -> memref<1x!tpu.dma_semaphore, #tpu.memory_space<semaphore_mem>>
      %dma_wait3A_763 = tpu.memref_squeeze %dma_wait3A_762 : memref<1x!tpu.dma_semaphore, #tpu.memory_space<semaphore_mem>> -> memref<!tpu.dma_semaphore, #tpu.memory_space<semaphore_mem>>
      %dma_wait3A_764 = arith.constant 0 : i32
      %dma_wait3A_765 = tpu.memref_slice %arg7[%dma_wait3A_754, %dma_wait3A_764] : memref<5x40xi32, #tpu.memory_space<vmem>> -> memref<1x40xi32, #tpu.memory_space<vmem>>
      %dma_wait3A_766 = tpu.memref_squeeze %dma_wait3A_765 : memref<1x40xi32, #tpu.memory_space<vmem>> -> memref<40xi32, #tpu.memory_space<vmem>>
      %dma_wait3A_767 = arith.constant 0 : i32
      %dma_wait3A_768 = tpu.memref_slice %arg2[%add3A, %add3A_734, %dma_wait3A_767] : memref<32x250x40xi32, #tpu.memory_space<hbm>> -> memref<1x1x40xi32, #tpu.memory_space<hbm>>
      %dma_wait3A_769 = tpu.memref_squeeze %dma_wait3A_768 : memref<1x1x40xi32, #tpu.memory_space<hbm>> -> memref<40xi32, #tpu.memory_space<hbm>>
      tpu.wait_dma2 semaphore(%dma_wait3A_763 : memref<!tpu.dma_semaphore, #tpu.memory_space<semaphore_mem>>) src(%dma_wait3A_769 : memref<40xi32, #tpu.memory_space<hbm>>) dst(%dma_wait3A_766 : memref<40xi32, #tpu.memory_space<vmem>>)
      %dma_wait3A_770 = arith.constant 4 : i32
      %dma_wait3A_771 = arith.constant 4 : i32
      %dma_wait3A_772 = arith.constant 0 : i32
      %dma_wait3A_773 = tpu.memref_slice %arg8[%dma_wait3A_770, %dma_wait3A_772] : memref<5x40xf32, #tpu.memory_space<vmem>> -> memref<1x40xf32, #tpu.memory_space<vmem>>
      %dma_wait3A_774 = tpu.memref_squeeze %dma_wait3A_773 : memref<1x40xf32, #tpu.memory_space<vmem>> -> memref<40xf32, #tpu.memory_space<vmem>>
      %dma_wait3A_775 = arith.constant 0 : i32
      %dma_wait3A_776 = tpu.memref_slice %arg3[%add3A, %add3A_734, %dma_wait3A_775] : memref<32x250x40xf32, #tpu.memory_space<hbm>> -> memref<1x1x40xf32, #tpu.memory_space<hbm>>
      %dma_wait3A_777 = tpu.memref_squeeze %dma_wait3A_776 : memref<1x1x40xf32, #tpu.memory_space<hbm>> -> memref<40xf32, #tpu.memory_space<hbm>>
      %dma_wait3A_778 = tpu.memref_slice %arg13[%dma_wait3A_771] : memref<5x!tpu.dma_semaphore, #tpu.memory_space<semaphore_mem>> -> memref<1x!tpu.dma_semaphore, #tpu.memory_space<semaphore_mem>>
      %dma_wait3A_779 = tpu.memref_squeeze %dma_wait3A_778 : memref<1x!tpu.dma_semaphore, #tpu.memory_space<semaphore_mem>> -> memref<!tpu.dma_semaphore, #tpu.memory_space<semaphore_mem>>
      %dma_wait3A_780 = arith.constant 0 : i32
      %dma_wait3A_781 = tpu.memref_slice %arg8[%dma_wait3A_770, %dma_wait3A_780] : memref<5x40xf32, #tpu.memory_space<vmem>> -> memref<1x40xf32, #tpu.memory_space<vmem>>
      %dma_wait3A_782 = tpu.memref_squeeze %dma_wait3A_781 : memref<1x40xf32, #tpu.memory_space<vmem>> -> memref<40xf32, #tpu.memory_space<vmem>>
      %dma_wait3A_783 = arith.constant 0 : i32
      %dma_wait3A_784 = tpu.memref_slice %arg3[%add3A, %add3A_734, %dma_wait3A_783] : memref<32x250x40xf32, #tpu.memory_space<hbm>> -> memref<1x1x40xf32, #tpu.memory_space<hbm>>
      %dma_wait3A_785 = tpu.memref_squeeze %dma_wait3A_784 : memref<1x1x40xf32, #tpu.memory_space<hbm>> -> memref<40xf32, #tpu.memory_space<hbm>>
      tpu.wait_dma2 semaphore(%dma_wait3A_779 : memref<!tpu.dma_semaphore, #tpu.memory_space<semaphore_mem>>) src(%dma_wait3A_785 : memref<40xf32, #tpu.memory_space<hbm>>) dst(%dma_wait3A_782 : memref<40xf32, #tpu.memory_space<vmem>>)
      %broadcast_in_dim3A_786 = arith.constant 4 : i32
      %broadcast_in_dim3A_787 = vector.broadcast %broadcast_in_dim3A_786 : i32 to vector<16xi32>
      %scan3A_788 = arith.constant 0 : i32
      %scan3A_789 = arith.constant 0 : i32
      %scan3A_790 = arith.constant 40 : i32
      %scan3A_791 = arith.addi %scan3A_789, %scan3A_790 : i32
      %scan3A_792 = arith.constant 4 : i32
      %scan3A_793 = scf.for %scan3A_824 = %scan3A_789 to %scan3A_791 step %scan3A_792 iter_args(%scan3A_825 = %scan3A_788) -> (i32)  : i32 {
        %broadcast_in_dim3A_826 = vector.broadcast %scan3A_824 : i32 to vector<16xi32>
        %gather3A = tpu.vector_load_idx %arg8[%broadcast_in_dim3A_787, %broadcast_in_dim3A_826] : memref<5x40xf32, #tpu.memory_space<vmem>>[vector<16xi32>, vector<16xi32>], vector<16xf32>,
        %exp3A = math.exp %gather3A : vector<16xf32>
        %gather3A_827 = tpu.vector_load_idx %arg7[%broadcast_in_dim3A_787, %broadcast_in_dim3A_826] : memref<5x40xi32, #tpu.memory_space<vmem>>[vector<16xi32>, vector<16xi32>], vector<16xi32>,
        %shift_right_logical3A = arith.constant 7 : i32
        %shift_right_logical3A_828 = vector.broadcast %shift_right_logical3A : i32 to vector<16xi32>
        %shift_right_logical3A_829 = arith.shrui %gather3A_827, %shift_right_logical3A_828 : vector<16xi32>
        %and3A_830 = arith.constant 127 : i32
        %and3A_831 = vector.broadcast %and3A_830 : i32 to vector<16xi32>
        %and3A_832 = arith.andi %gather3A_827, %and3A_831 : vector<16xi32>
        tpu.vector_store_idx %arg10[%shift_right_logical3A_829, %and3A_832], %exp3A masked %eq3A_307 {add = true} : memref<80x128xf32, #tpu.memory_space<vmem>>[vector<16xi32>, vector<16xi32>], vector<16xf32>, vector<16xi1>
        %get3A = arith.constant 4 : i32
        %get3A_833 = arith.index_cast %get3A : i32 to index
        %get3A_834 = arith.index_cast %scan3A_824 : i32 to index
        %get3A_835 = arith.constant 0 : index
        %get3A_836 = tpu.vector_load %arg9[%get3A_833, %get3A_834, %get3A_835] {strides = array<i32>} : memref<5x40x128xf32, #tpu.memory_space<vmem>>, vector<16xf32>,
        %mul3A_837 = arith.mulf %get3A_836, %exp3A : vector<16xf32>
        %swap3A = arith.constant 4 : i32
        %swap3A_838 = arith.index_cast %swap3A : i32 to index
        %swap3A_839 = arith.index_cast %scan3A_824 : i32 to index
        %swap3A_840 = arith.constant 0 : index
        %swap3A_841 = tpu.vector_load %arg9[%swap3A_838, %swap3A_839, %swap3A_840] {strides = array<i32>} : memref<5x40x128xf32, #tpu.memory_space<vmem>>, vector<16xf32>,
        tpu.vector_store %arg9[%swap3A_838, %swap3A_839, %swap3A_840], %mul3A_837 {strides = array<i32>} : memref<5x40x128xf32, #tpu.memory_space<vmem>>, vector<16xf32>,
        %get3A_842 = arith.constant 4 : i32
        %get3A_843 = arith.index_cast %get3A_842 : i32 to index
        %get3A_844 = arith.index_cast %scan3A_824 : i32 to index
        %get3A_845 = arith.constant 16 : index
        %get3A_846 = tpu.vector_load %arg9[%get3A_843, %get3A_844, %get3A_845] {strides = array<i32>} : memref<5x40x128xf32, #tpu.memory_space<vmem>>, vector<16xf32>,
        %mul3A_847 = arith.mulf %get3A_846, %exp3A : vector<16xf32>
        %swap3A_848 = arith.constant 4 : i32
        %swap3A_849 = arith.index_cast %swap3A_848 : i32 to index
        %swap3A_850 = arith.index_cast %scan3A_824 : i32 to index
        %swap3A_851 = arith.constant 16 : index
        %swap3A_852 = tpu.vector_load %arg9[%swap3A_849, %swap3A_850, %swap3A_851] {strides = array<i32>} : memref<5x40x128xf32, #tpu.memory_space<vmem>>, vector<16xf32>,
        tpu.vector_store %arg9[%swap3A_849, %swap3A_850, %swap3A_851], %mul3A_847 {strides = array<i32>} : memref<5x40x128xf32, #tpu.memory_space<vmem>>, vector<16xf32>,
        %get3A_853 = arith.constant 4 : i32
        %get3A_854 = arith.index_cast %get3A_853 : i32 to index
        %get3A_855 = arith.index_cast %scan3A_824 : i32 to index
        %get3A_856 = arith.constant 32 : index
        %get3A_857 = tpu.vector_load %arg9[%get3A_854, %get3A_855, %get3A_856] {strides = array<i32>} : memref<5x40x128xf32, #tpu.memory_space<vmem>>, vector<16xf32>,
        %mul3A_858 = arith.mulf %get3A_857, %exp3A : vector<16xf32>
        %swap3A_859 = arith.constant 4 : i32
        %swap3A_860 = arith.index_cast %swap3A_859 : i32 to index
        %swap3A_861 = arith.index_cast %scan3A_824 : i32 to index
        %swap3A_862 = arith.constant 32 : index
        %swap3A_863 = tpu.vector_load %arg9[%swap3A_860, %swap3A_861, %swap3A_862] {strides = array<i32>} : memref<5x40x128xf32, #tpu.memory_space<vmem>>, vector<16xf32>,
        tpu.vector_store %arg9[%swap3A_860, %swap3A_861, %swap3A_862], %mul3A_858 {strides = array<i32>} : memref<5x40x128xf32, #tpu.memory_space<vmem>>, vector<16xf32>,
        %get3A_864 = arith.constant 4 : i32
        %get3A_865 = arith.index_cast %get3A_864 : i32 to index
        %get3A_866 = arith.index_cast %scan3A_824 : i32 to index
        %get3A_867 = arith.constant 48 : index
        %get3A_868 = tpu.vector_load %arg9[%get3A_865, %get3A_866, %get3A_867] {strides = array<i32>} : memref<5x40x128xf32, #tpu.memory_space<vmem>>, vector<16xf32>,
        %mul3A_869 = arith.mulf %get3A_868, %exp3A : vector<16xf32>
        %swap3A_870 = arith.constant 4 : i32
        %swap3A_871 = arith.index_cast %swap3A_870 : i32 to index
        %swap3A_872 = arith.index_cast %scan3A_824 : i32 to index
        %swap3A_873 = arith.constant 48 : index
        %swap3A_874 = tpu.vector_load %arg9[%swap3A_871, %swap3A_872, %swap3A_873] {strides = array<i32>} : memref<5x40x128xf32, #tpu.memory_space<vmem>>, vector<16xf32>,
        tpu.vector_store %arg9[%swap3A_871, %swap3A_872, %swap3A_873], %mul3A_869 {strides = array<i32>} : memref<5x40x128xf32, #tpu.memory_space<vmem>>, vector<16xf32>,
        %get3A_875 = arith.constant 4 : i32
        %get3A_876 = arith.index_cast %get3A_875 : i32 to index
        %get3A_877 = arith.index_cast %scan3A_824 : i32 to index
        %get3A_878 = arith.constant 64 : index
        %get3A_879 = tpu.vector_load %arg9[%get3A_876, %get3A_877, %get3A_878] {strides = array<i32>} : memref<5x40x128xf32, #tpu.memory_space<vmem>>, vector<16xf32>,
        %mul3A_880 = arith.mulf %get3A_879, %exp3A : vector<16xf32>
        %swap3A_881 = arith.constant 4 : i32
        %swap3A_882 = arith.index_cast %swap3A_881 : i32 to index
        %swap3A_883 = arith.index_cast %scan3A_824 : i32 to index
        %swap3A_884 = arith.constant 64 : index
        %swap3A_885 = tpu.vector_load %arg9[%swap3A_882, %swap3A_883, %swap3A_884] {strides = array<i32>} : memref<5x40x128xf32, #tpu.memory_space<vmem>>, vector<16xf32>,
        tpu.vector_store %arg9[%swap3A_882, %swap3A_883, %swap3A_884], %mul3A_880 {strides = array<i32>} : memref<5x40x128xf32, #tpu.memory_space<vmem>>, vector<16xf32>,
        %get3A_886 = arith.constant 4 : i32
        %get3A_887 = arith.index_cast %get3A_886 : i32 to index
        %get3A_888 = arith.index_cast %scan3A_824 : i32 to index
        %get3A_889 = arith.constant 80 : index
        %get3A_890 = tpu.vector_load %arg9[%get3A_887, %get3A_888, %get3A_889] {strides = array<i32>} : memref<5x40x128xf32, #tpu.memory_space<vmem>>, vector<16xf32>,
        %mul3A_891 = arith.mulf %get3A_890, %exp3A : vector<16xf32>
        %swap3A_892 = arith.constant 4 : i32
        %swap3A_893 = arith.index_cast %swap3A_892 : i32 to index
        %swap3A_894 = arith.index_cast %scan3A_824 : i32 to index
        %swap3A_895 = arith.constant 80 : index
        %swap3A_896 = tpu.vector_load %arg9[%swap3A_893, %swap3A_894, %swap3A_895] {strides = array<i32>} : memref<5x40x128xf32, #tpu.memory_space<vmem>>, vector<16xf32>,
        tpu.vector_store %arg9[%swap3A_893, %swap3A_894, %swap3A_895], %mul3A_891 {strides = array<i32>} : memref<5x40x128xf32, #tpu.memory_space<vmem>>, vector<16xf32>,
        %get3A_897 = arith.constant 4 : i32
        %get3A_898 = arith.index_cast %get3A_897 : i32 to index
        %get3A_899 = arith.index_cast %scan3A_824 : i32 to index
        %get3A_900 = arith.constant 96 : index
        %get3A_901 = tpu.vector_load %arg9[%get3A_898, %get3A_899, %get3A_900] {strides = array<i32>} : memref<5x40x128xf32, #tpu.memory_space<vmem>>, vector<16xf32>,
        %mul3A_902 = arith.mulf %get3A_901, %exp3A : vector<16xf32>
        %swap3A_903 = arith.constant 4 : i32
        %swap3A_904 = arith.index_cast %swap3A_903 : i32 to index
        %swap3A_905 = arith.index_cast %scan3A_824 : i32 to index
        %swap3A_906 = arith.constant 96 : index
        %swap3A_907 = tpu.vector_load %arg9[%swap3A_904, %swap3A_905, %swap3A_906] {strides = array<i32>} : memref<5x40x128xf32, #tpu.memory_space<vmem>>, vector<16xf32>,
        tpu.vector_store %arg9[%swap3A_904, %swap3A_905, %swap3A_906], %mul3A_902 {strides = array<i32>} : memref<5x40x128xf32, #tpu.memory_space<vmem>>, vector<16xf32>,
        %get3A_908 = arith.constant 4 : i32
        %get3A_909 = arith.index_cast %get3A_908 : i32 to index
        %get3A_910 = arith.index_cast %scan3A_824 : i32 to index
        %get3A_911 = arith.constant 112 : index
        %get3A_912 = tpu.vector_load %arg9[%get3A_909, %get3A_910, %get3A_911] {strides = array<i32>} : memref<5x40x128xf32, #tpu.memory_space<vmem>>, vector<16xf32>,
        %mul3A_913 = arith.mulf %get3A_912, %exp3A : vector<16xf32>
        %swap3A_914 = arith.constant 4 : i32
        %swap3A_915 = arith.index_cast %swap3A_914 : i32 to index
        %swap3A_916 = arith.index_cast %scan3A_824 : i32 to index
        %swap3A_917 = arith.constant 112 : index
        %swap3A_918 = tpu.vector_load %arg9[%swap3A_915, %swap3A_916, %swap3A_917] {strides = array<i32>} : memref<5x40x128xf32, #tpu.memory_space<vmem>>, vector<16xf32>,
        tpu.vector_store %arg9[%swap3A_915, %swap3A_916, %swap3A_917], %mul3A_913 {strides = array<i32>} : memref<5x40x128xf32, #tpu.memory_space<vmem>>, vector<16xf32>,
        %scan3A_919 = arith.constant 0 : i32
        %scan3A_920 = arith.constant 1 : i32
        %scan3A_921 = arith.addi %scan3A_824, %scan3A_920 : i32
        %broadcast_in_dim3A_922 = vector.broadcast %scan3A_921 : i32 to vector<16xi32>
        %gather3A_923 = tpu.vector_load_idx %arg8[%broadcast_in_dim3A_787, %broadcast_in_dim3A_922] : memref<5x40xf32, #tpu.memory_space<vmem>>[vector<16xi32>, vector<16xi32>], vector<16xf32>,
        %exp3A_924 = math.exp %gather3A_923 : vector<16xf32>
        %gather3A_925 = tpu.vector_load_idx %arg7[%broadcast_in_dim3A_787, %broadcast_in_dim3A_922] : memref<5x40xi32, #tpu.memory_space<vmem>>[vector<16xi32>, vector<16xi32>], vector<16xi32>,
        %shift_right_logical3A_926 = arith.constant 7 : i32
        %shift_right_logical3A_927 = vector.broadcast %shift_right_logical3A_926 : i32 to vector<16xi32>
        %shift_right_logical3A_928 = arith.shrui %gather3A_925, %shift_right_logical3A_927 : vector<16xi32>
        %and3A_929 = arith.constant 127 : i32
        %and3A_930 = vector.broadcast %and3A_929 : i32 to vector<16xi32>
        %and3A_931 = arith.andi %gather3A_925, %and3A_930 : vector<16xi32>
        tpu.vector_store_idx %arg10[%shift_right_logical3A_928, %and3A_931], %exp3A_924 masked %eq3A_307 {add = true} : memref<80x128xf32, #tpu.memory_space<vmem>>[vector<16xi32>, vector<16xi32>], vector<16xf32>, vector<16xi1>
        %get3A_932 = arith.constant 4 : i32
        %get3A_933 = arith.index_cast %get3A_932 : i32 to index
        %get3A_934 = arith.index_cast %scan3A_921 : i32 to index
        %get3A_935 = arith.constant 0 : index
        %get3A_936 = tpu.vector_load %arg9[%get3A_933, %get3A_934, %get3A_935] {strides = array<i32>} : memref<5x40x128xf32, #tpu.memory_space<vmem>>, vector<16xf32>,
        %mul3A_937 = arith.mulf %get3A_936, %exp3A_924 : vector<16xf32>
        %swap3A_938 = arith.constant 4 : i32
        %swap3A_939 = arith.index_cast %swap3A_938 : i32 to index
        %swap3A_940 = arith.index_cast %scan3A_921 : i32 to index
        %swap3A_941 = arith.constant 0 : index
        %swap3A_942 = tpu.vector_load %arg9[%swap3A_939, %swap3A_940, %swap3A_941] {strides = array<i32>} : memref<5x40x128xf32, #tpu.memory_space<vmem>>, vector<16xf32>,
        tpu.vector_store %arg9[%swap3A_939, %swap3A_940, %swap3A_941], %mul3A_937 {strides = array<i32>} : memref<5x40x128xf32, #tpu.memory_space<vmem>>, vector<16xf32>,
        %get3A_943 = arith.constant 4 : i32
        %get3A_944 = arith.index_cast %get3A_943 : i32 to index
        %get3A_945 = arith.index_cast %scan3A_921 : i32 to index
        %get3A_946 = arith.constant 16 : index
        %get3A_947 = tpu.vector_load %arg9[%get3A_944, %get3A_945, %get3A_946] {strides = array<i32>} : memref<5x40x128xf32, #tpu.memory_space<vmem>>, vector<16xf32>,
        %mul3A_948 = arith.mulf %get3A_947, %exp3A_924 : vector<16xf32>
        %swap3A_949 = arith.constant 4 : i32
        %swap3A_950 = arith.index_cast %swap3A_949 : i32 to index
        %swap3A_951 = arith.index_cast %scan3A_921 : i32 to index
        %swap3A_952 = arith.constant 16 : index
        %swap3A_953 = tpu.vector_load %arg9[%swap3A_950, %swap3A_951, %swap3A_952] {strides = array<i32>} : memref<5x40x128xf32, #tpu.memory_space<vmem>>, vector<16xf32>,
        tpu.vector_store %arg9[%swap3A_950, %swap3A_951, %swap3A_952], %mul3A_948 {strides = array<i32>} : memref<5x40x128xf32, #tpu.memory_space<vmem>>, vector<16xf32>,
        %get3A_954 = arith.constant 4 : i32
        %get3A_955 = arith.index_cast %get3A_954 : i32 to index
        %get3A_956 = arith.index_cast %scan3A_921 : i32 to index
        %get3A_957 = arith.constant 32 : index
        %get3A_958 = tpu.vector_load %arg9[%get3A_955, %get3A_956, %get3A_957] {strides = array<i32>} : memref<5x40x128xf32, #tpu.memory_space<vmem>>, vector<16xf32>,
        %mul3A_959 = arith.mulf %get3A_958, %exp3A_924 : vector<16xf32>
        %swap3A_960 = arith.constant 4 : i32
        %swap3A_961 = arith.index_cast %swap3A_960 : i32 to index
        %swap3A_962 = arith.index_cast %scan3A_921 : i32 to index
        %swap3A_963 = arith.constant 32 : index
        %swap3A_964 = tpu.vector_load %arg9[%swap3A_961, %swap3A_962, %swap3A_963] {strides = array<i32>} : memref<5x40x128xf32, #tpu.memory_space<vmem>>, vector<16xf32>,
        tpu.vector_store %arg9[%swap3A_961, %swap3A_962, %swap3A_963], %mul3A_959 {strides = array<i32>} : memref<5x40x128xf32, #tpu.memory_space<vmem>>, vector<16xf32>,
        %get3A_965 = arith.constant 4 : i32
        %get3A_966 = arith.index_cast %get3A_965 : i32 to index
        %get3A_967 = arith.index_cast %scan3A_921 : i32 to index
        %get3A_968 = arith.constant 48 : index
        %get3A_969 = tpu.vector_load %arg9[%get3A_966, %get3A_967, %get3A_968] {strides = array<i32>} : memref<5x40x128xf32, #tpu.memory_space<vmem>>, vector<16xf32>,
        %mul3A_970 = arith.mulf %get3A_969, %exp3A_924 : vector<16xf32>
        %swap3A_971 = arith.constant 4 : i32
        %swap3A_972 = arith.index_cast %swap3A_971 : i32 to index
        %swap3A_973 = arith.index_cast %scan3A_921 : i32 to index
        %swap3A_974 = arith.constant 48 : index
        %swap3A_975 = tpu.vector_load %arg9[%swap3A_972, %swap3A_973, %swap3A_974] {strides = array<i32>} : memref<5x40x128xf32, #tpu.memory_space<vmem>>, vector<16xf32>,
        tpu.vector_store %arg9[%swap3A_972, %swap3A_973, %swap3A_974], %mul3A_970 {strides = array<i32>} : memref<5x40x128xf32, #tpu.memory_space<vmem>>, vector<16xf32>,
        %get3A_976 = arith.constant 4 : i32
        %get3A_977 = arith.index_cast %get3A_976 : i32 to index
        %get3A_978 = arith.index_cast %scan3A_921 : i32 to index
        %get3A_979 = arith.constant 64 : index
        %get3A_980 = tpu.vector_load %arg9[%get3A_977, %get3A_978, %get3A_979] {strides = array<i32>} : memref<5x40x128xf32, #tpu.memory_space<vmem>>, vector<16xf32>,
        %mul3A_981 = arith.mulf %get3A_980, %exp3A_924 : vector<16xf32>
        %swap3A_982 = arith.constant 4 : i32
        %swap3A_983 = arith.index_cast %swap3A_982 : i32 to index
        %swap3A_984 = arith.index_cast %scan3A_921 : i32 to index
        %swap3A_985 = arith.constant 64 : index
        %swap3A_986 = tpu.vector_load %arg9[%swap3A_983, %swap3A_984, %swap3A_985] {strides = array<i32>} : memref<5x40x128xf32, #tpu.memory_space<vmem>>, vector<16xf32>,
        tpu.vector_store %arg9[%swap3A_983, %swap3A_984, %swap3A_985], %mul3A_981 {strides = array<i32>} : memref<5x40x128xf32, #tpu.memory_space<vmem>>, vector<16xf32>,
        %get3A_987 = arith.constant 4 : i32
        %get3A_988 = arith.index_cast %get3A_987 : i32 to index
        %get3A_989 = arith.index_cast %scan3A_921 : i32 to index
        %get3A_990 = arith.constant 80 : index
        %get3A_991 = tpu.vector_load %arg9[%get3A_988, %get3A_989, %get3A_990] {strides = array<i32>} : memref<5x40x128xf32, #tpu.memory_space<vmem>>, vector<16xf32>,
        %mul3A_992 = arith.mulf %get3A_991, %exp3A_924 : vector<16xf32>
        %swap3A_993 = arith.constant 4 : i32
        %swap3A_994 = arith.index_cast %swap3A_993 : i32 to index
        %swap3A_995 = arith.index_cast %scan3A_921 : i32 to index
        %swap3A_996 = arith.constant 80 : index
        %swap3A_997 = tpu.vector_load %arg9[%swap3A_994, %swap3A_995, %swap3A_996] {strides = array<i32>} : memref<5x40x128xf32, #tpu.memory_space<vmem>>, vector<16xf32>,
        tpu.vector_store %arg9[%swap3A_994, %swap3A_995, %swap3A_996], %mul3A_992 {strides = array<i32>} : memref<5x40x128xf32, #tpu.memory_space<vmem>>, vector<16xf32>,
        %get3A_998 = arith.constant 4 : i32
        %get3A_999 = arith.index_cast %get3A_998 : i32 to index
        %get3A_1000 = arith.index_cast %scan3A_921 : i32 to index
        %get3A_1001 = arith.constant 96 : index
        %get3A_1002 = tpu.vector_load %arg9[%get3A_999, %get3A_1000, %get3A_1001] {strides = array<i32>} : memref<5x40x128xf32, #tpu.memory_space<vmem>>, vector<16xf32>,
        %mul3A_1003 = arith.mulf %get3A_1002, %exp3A_924 : vector<16xf32>
        %swap3A_1004 = arith.constant 4 : i32
        %swap3A_1005 = arith.index_cast %swap3A_1004 : i32 to index
        %swap3A_1006 = arith.index_cast %scan3A_921 : i32 to index
        %swap3A_1007 = arith.constant 96 : index
        %swap3A_1008 = tpu.vector_load %arg9[%swap3A_1005, %swap3A_1006, %swap3A_1007] {strides = array<i32>} : memref<5x40x128xf32, #tpu.memory_space<vmem>>, vector<16xf32>,
        tpu.vector_store %arg9[%swap3A_1005, %swap3A_1006, %swap3A_1007], %mul3A_1003 {strides = array<i32>} : memref<5x40x128xf32, #tpu.memory_space<vmem>>, vector<16xf32>,
        %get3A_1009 = arith.constant 4 : i32
        %get3A_1010 = arith.index_cast %get3A_1009 : i32 to index
        %get3A_1011 = arith.index_cast %scan3A_921 : i32 to index
        %get3A_1012 = arith.constant 112 : index
        %get3A_1013 = tpu.vector_load %arg9[%get3A_1010, %get3A_1011, %get3A_1012] {strides = array<i32>} : memref<5x40x128xf32, #tpu.memory_space<vmem>>, vector<16xf32>,
        %mul3A_1014 = arith.mulf %get3A_1013, %exp3A_924 : vector<16xf32>
        %swap3A_1015 = arith.constant 4 : i32
        %swap3A_1016 = arith.index_cast %swap3A_1015 : i32 to index
        %swap3A_1017 = arith.index_cast %scan3A_921 : i32 to index
        %swap3A_1018 = arith.constant 112 : index
        %swap3A_1019 = tpu.vector_load %arg9[%swap3A_1016, %swap3A_1017, %swap3A_1018] {strides = array<i32>} : memref<5x40x128xf32, #tpu.memory_space<vmem>>, vector<16xf32>,
        tpu.vector_store %arg9[%swap3A_1016, %swap3A_1017, %swap3A_1018], %mul3A_1014 {strides = array<i32>} : memref<5x40x128xf32, #tpu.memory_space<vmem>>, vector<16xf32>,
        %scan3A_1020 = arith.constant 0 : i32
        %scan3A_1021 = arith.constant 2 : i32
        %scan3A_1022 = arith.addi %scan3A_824, %scan3A_1021 : i32
        %broadcast_in_dim3A_1023 = vector.broadcast %scan3A_1022 : i32 to vector<16xi32>
        %gather3A_1024 = tpu.vector_load_idx %arg8[%broadcast_in_dim3A_787, %broadcast_in_dim3A_1023] : memref<5x40xf32, #tpu.memory_space<vmem>>[vector<16xi32>, vector<16xi32>], vector<16xf32>,
        %exp3A_1025 = math.exp %gather3A_1024 : vector<16xf32>
        %gather3A_1026 = tpu.vector_load_idx %arg7[%broadcast_in_dim3A_787, %broadcast_in_dim3A_1023] : memref<5x40xi32, #tpu.memory_space<vmem>>[vector<16xi32>, vector<16xi32>], vector<16xi32>,
        %shift_right_logical3A_1027 = arith.constant 7 : i32
        %shift_right_logical3A_1028 = vector.broadcast %shift_right_logical3A_1027 : i32 to vector<16xi32>
        %shift_right_logical3A_1029 = arith.shrui %gather3A_1026, %shift_right_logical3A_1028 : vector<16xi32>
        %and3A_1030 = arith.constant 127 : i32
        %and3A_1031 = vector.broadcast %and3A_1030 : i32 to vector<16xi32>
        %and3A_1032 = arith.andi %gather3A_1026, %and3A_1031 : vector<16xi32>
        tpu.vector_store_idx %arg10[%shift_right_logical3A_1029, %and3A_1032], %exp3A_1025 masked %eq3A_307 {add = true} : memref<80x128xf32, #tpu.memory_space<vmem>>[vector<16xi32>, vector<16xi32>], vector<16xf32>, vector<16xi1>
        %get3A_1033 = arith.constant 4 : i32
        %get3A_1034 = arith.index_cast %get3A_1033 : i32 to index
        %get3A_1035 = arith.index_cast %scan3A_1022 : i32 to index
        %get3A_1036 = arith.constant 0 : index
        %get3A_1037 = tpu.vector_load %arg9[%get3A_1034, %get3A_1035, %get3A_1036] {strides = array<i32>} : memref<5x40x128xf32, #tpu.memory_space<vmem>>, vector<16xf32>,
        %mul3A_1038 = arith.mulf %get3A_1037, %exp3A_1025 : vector<16xf32>
        %swap3A_1039 = arith.constant 4 : i32
        %swap3A_1040 = arith.index_cast %swap3A_1039 : i32 to index
        %swap3A_1041 = arith.index_cast %scan3A_1022 : i32 to index
        %swap3A_1042 = arith.constant 0 : index
        %swap3A_1043 = tpu.vector_load %arg9[%swap3A_1040, %swap3A_1041, %swap3A_1042] {strides = array<i32>} : memref<5x40x128xf32, #tpu.memory_space<vmem>>, vector<16xf32>,
        tpu.vector_store %arg9[%swap3A_1040, %swap3A_1041, %swap3A_1042], %mul3A_1038 {strides = array<i32>} : memref<5x40x128xf32, #tpu.memory_space<vmem>>, vector<16xf32>,
        %get3A_1044 = arith.constant 4 : i32
        %get3A_1045 = arith.index_cast %get3A_1044 : i32 to index
        %get3A_1046 = arith.index_cast %scan3A_1022 : i32 to index
        %get3A_1047 = arith.constant 16 : index
        %get3A_1048 = tpu.vector_load %arg9[%get3A_1045, %get3A_1046, %get3A_1047] {strides = array<i32>} : memref<5x40x128xf32, #tpu.memory_space<vmem>>, vector<16xf32>,
        %mul3A_1049 = arith.mulf %get3A_1048, %exp3A_1025 : vector<16xf32>
        %swap3A_1050 = arith.constant 4 : i32
        %swap3A_1051 = arith.index_cast %swap3A_1050 : i32 to index
        %swap3A_1052 = arith.index_cast %scan3A_1022 : i32 to index
        %swap3A_1053 = arith.constant 16 : index
        %swap3A_1054 = tpu.vector_load %arg9[%swap3A_1051, %swap3A_1052, %swap3A_1053] {strides = array<i32>} : memref<5x40x128xf32, #tpu.memory_space<vmem>>, vector<16xf32>,
        tpu.vector_store %arg9[%swap3A_1051, %swap3A_1052, %swap3A_1053], %mul3A_1049 {strides = array<i32>} : memref<5x40x128xf32, #tpu.memory_space<vmem>>, vector<16xf32>,
        %get3A_1055 = arith.constant 4 : i32
        %get3A_1056 = arith.index_cast %get3A_1055 : i32 to index
        %get3A_1057 = arith.index_cast %scan3A_1022 : i32 to index
        %get3A_1058 = arith.constant 32 : index
        %get3A_1059 = tpu.vector_load %arg9[%get3A_1056, %get3A_1057, %get3A_1058] {strides = array<i32>} : memref<5x40x128xf32, #tpu.memory_space<vmem>>, vector<16xf32>,
        %mul3A_1060 = arith.mulf %get3A_1059, %exp3A_1025 : vector<16xf32>
        %swap3A_1061 = arith.constant 4 : i32
        %swap3A_1062 = arith.index_cast %swap3A_1061 : i32 to index
        %swap3A_1063 = arith.index_cast %scan3A_1022 : i32 to index
        %swap3A_1064 = arith.constant 32 : index
        %swap3A_1065 = tpu.vector_load %arg9[%swap3A_1062, %swap3A_1063, %swap3A_1064] {strides = array<i32>} : memref<5x40x128xf32, #tpu.memory_space<vmem>>, vector<16xf32>,
        tpu.vector_store %arg9[%swap3A_1062, %swap3A_1063, %swap3A_1064], %mul3A_1060 {strides = array<i32>} : memref<5x40x128xf32, #tpu.memory_space<vmem>>, vector<16xf32>,
        %get3A_1066 = arith.constant 4 : i32
        %get3A_1067 = arith.index_cast %get3A_1066 : i32 to index
        %get3A_1068 = arith.index_cast %scan3A_1022 : i32 to index
        %get3A_1069 = arith.constant 48 : index
        %get3A_1070 = tpu.vector_load %arg9[%get3A_1067, %get3A_1068, %get3A_1069] {strides = array<i32>} : memref<5x40x128xf32, #tpu.memory_space<vmem>>, vector<16xf32>,
        %mul3A_1071 = arith.mulf %get3A_1070, %exp3A_1025 : vector<16xf32>
        %swap3A_1072 = arith.constant 4 : i32
        %swap3A_1073 = arith.index_cast %swap3A_1072 : i32 to index
        %swap3A_1074 = arith.index_cast %scan3A_1022 : i32 to index
        %swap3A_1075 = arith.constant 48 : index
        %swap3A_1076 = tpu.vector_load %arg9[%swap3A_1073, %swap3A_1074, %swap3A_1075] {strides = array<i32>} : memref<5x40x128xf32, #tpu.memory_space<vmem>>, vector<16xf32>,
        tpu.vector_store %arg9[%swap3A_1073, %swap3A_1074, %swap3A_1075], %mul3A_1071 {strides = array<i32>} : memref<5x40x128xf32, #tpu.memory_space<vmem>>, vector<16xf32>,
        %get3A_1077 = arith.constant 4 : i32
        %get3A_1078 = arith.index_cast %get3A_1077 : i32 to index
        %get3A_1079 = arith.index_cast %scan3A_1022 : i32 to index
        %get3A_1080 = arith.constant 64 : index
        %get3A_1081 = tpu.vector_load %arg9[%get3A_1078, %get3A_1079, %get3A_1080] {strides = array<i32>} : memref<5x40x128xf32, #tpu.memory_space<vmem>>, vector<16xf32>,
        %mul3A_1082 = arith.mulf %get3A_1081, %exp3A_1025 : vector<16xf32>
        %swap3A_1083 = arith.constant 4 : i32
        %swap3A_1084 = arith.index_cast %swap3A_1083 : i32 to index
        %swap3A_1085 = arith.index_cast %scan3A_1022 : i32 to index
        %swap3A_1086 = arith.constant 64 : index
        %swap3A_1087 = tpu.vector_load %arg9[%swap3A_1084, %swap3A_1085, %swap3A_1086] {strides = array<i32>} : memref<5x40x128xf32, #tpu.memory_space<vmem>>, vector<16xf32>,
        tpu.vector_store %arg9[%swap3A_1084, %swap3A_1085, %swap3A_1086], %mul3A_1082 {strides = array<i32>} : memref<5x40x128xf32, #tpu.memory_space<vmem>>, vector<16xf32>,
        %get3A_1088 = arith.constant 4 : i32
        %get3A_1089 = arith.index_cast %get3A_1088 : i32 to index
        %get3A_1090 = arith.index_cast %scan3A_1022 : i32 to index
        %get3A_1091 = arith.constant 80 : index
        %get3A_1092 = tpu.vector_load %arg9[%get3A_1089, %get3A_1090, %get3A_1091] {strides = array<i32>} : memref<5x40x128xf32, #tpu.memory_space<vmem>>, vector<16xf32>,
        %mul3A_1093 = arith.mulf %get3A_1092, %exp3A_1025 : vector<16xf32>
        %swap3A_1094 = arith.constant 4 : i32
        %swap3A_1095 = arith.index_cast %swap3A_1094 : i32 to index
        %swap3A_1096 = arith.index_cast %scan3A_1022 : i32 to index
        %swap3A_1097 = arith.constant 80 : index
        %swap3A_1098 = tpu.vector_load %arg9[%swap3A_1095, %swap3A_1096, %swap3A_1097] {strides = array<i32>} : memref<5x40x128xf32, #tpu.memory_space<vmem>>, vector<16xf32>,
        tpu.vector_store %arg9[%swap3A_1095, %swap3A_1096, %swap3A_1097], %mul3A_1093 {strides = array<i32>} : memref<5x40x128xf32, #tpu.memory_space<vmem>>, vector<16xf32>,
        %get3A_1099 = arith.constant 4 : i32
        %get3A_1100 = arith.index_cast %get3A_1099 : i32 to index
        %get3A_1101 = arith.index_cast %scan3A_1022 : i32 to index
        %get3A_1102 = arith.constant 96 : index
        %get3A_1103 = tpu.vector_load %arg9[%get3A_1100, %get3A_1101, %get3A_1102] {strides = array<i32>} : memref<5x40x128xf32, #tpu.memory_space<vmem>>, vector<16xf32>,
        %mul3A_1104 = arith.mulf %get3A_1103, %exp3A_1025 : vector<16xf32>
        %swap3A_1105 = arith.constant 4 : i32
        %swap3A_1106 = arith.index_cast %swap3A_1105 : i32 to index
        %swap3A_1107 = arith.index_cast %scan3A_1022 : i32 to index
        %swap3A_1108 = arith.constant 96 : index
        %swap3A_1109 = tpu.vector_load %arg9[%swap3A_1106, %swap3A_1107, %swap3A_1108] {strides = array<i32>} : memref<5x40x128xf32, #tpu.memory_space<vmem>>, vector<16xf32>,
        tpu.vector_store %arg9[%swap3A_1106, %swap3A_1107, %swap3A_1108], %mul3A_1104 {strides = array<i32>} : memref<5x40x128xf32, #tpu.memory_space<vmem>>, vector<16xf32>,
        %get3A_1110 = arith.constant 4 : i32
        %get3A_1111 = arith.index_cast %get3A_1110 : i32 to index
        %get3A_1112 = arith.index_cast %scan3A_1022 : i32 to index
        %get3A_1113 = arith.constant 112 : index
        %get3A_1114 = tpu.vector_load %arg9[%get3A_1111, %get3A_1112, %get3A_1113] {strides = array<i32>} : memref<5x40x128xf32, #tpu.memory_space<vmem>>, vector<16xf32>,
        %mul3A_1115 = arith.mulf %get3A_1114, %exp3A_1025 : vector<16xf32>
        %swap3A_1116 = arith.constant 4 : i32
        %swap3A_1117 = arith.index_cast %swap3A_1116 : i32 to index
        %swap3A_1118 = arith.index_cast %scan3A_1022 : i32 to index
        %swap3A_1119 = arith.constant 112 : index
        %swap3A_1120 = tpu.vector_load %arg9[%swap3A_1117, %swap3A_1118, %swap3A_1119] {strides = array<i32>} : memref<5x40x128xf32, #tpu.memory_space<vmem>>, vector<16xf32>,
        tpu.vector_store %arg9[%swap3A_1117, %swap3A_1118, %swap3A_1119], %mul3A_1115 {strides = array<i32>} : memref<5x40x128xf32, #tpu.memory_space<vmem>>, vector<16xf32>,
        %scan3A_1121 = arith.constant 0 : i32
        %scan3A_1122 = arith.constant 3 : i32
        %scan3A_1123 = arith.addi %scan3A_824, %scan3A_1122 : i32
        %broadcast_in_dim3A_1124 = vector.broadcast %scan3A_1123 : i32 to vector<16xi32>
        %gather3A_1125 = tpu.vector_load_idx %arg8[%broadcast_in_dim3A_787, %broadcast_in_dim3A_1124] : memref<5x40xf32, #tpu.memory_space<vmem>>[vector<16xi32>, vector<16xi32>], vector<16xf32>,
        %exp3A_1126 = math.exp %gather3A_1125 : vector<16xf32>
        %gather3A_1127 = tpu.vector_load_idx %arg7[%broadcast_in_dim3A_787, %broadcast_in_dim3A_1124] : memref<5x40xi32, #tpu.memory_space<vmem>>[vector<16xi32>, vector<16xi32>], vector<16xi32>,
        %shift_right_logical3A_1128 = arith.constant 7 : i32
        %shift_right_logical3A_1129 = vector.broadcast %shift_right_logical3A_1128 : i32 to vector<16xi32>
        %shift_right_logical3A_1130 = arith.shrui %gather3A_1127, %shift_right_logical3A_1129 : vector<16xi32>
        %and3A_1131 = arith.constant 127 : i32
        %and3A_1132 = vector.broadcast %and3A_1131 : i32 to vector<16xi32>
        %and3A_1133 = arith.andi %gather3A_1127, %and3A_1132 : vector<16xi32>
        tpu.vector_store_idx %arg10[%shift_right_logical3A_1130, %and3A_1133], %exp3A_1126 masked %eq3A_307 {add = true} : memref<80x128xf32, #tpu.memory_space<vmem>>[vector<16xi32>, vector<16xi32>], vector<16xf32>, vector<16xi1>
        %get3A_1134 = arith.constant 4 : i32
        %get3A_1135 = arith.index_cast %get3A_1134 : i32 to index
        %get3A_1136 = arith.index_cast %scan3A_1123 : i32 to index
        %get3A_1137 = arith.constant 0 : index
        %get3A_1138 = tpu.vector_load %arg9[%get3A_1135, %get3A_1136, %get3A_1137] {strides = array<i32>} : memref<5x40x128xf32, #tpu.memory_space<vmem>>, vector<16xf32>,
        %mul3A_1139 = arith.mulf %get3A_1138, %exp3A_1126 : vector<16xf32>
        %swap3A_1140 = arith.constant 4 : i32
        %swap3A_1141 = arith.index_cast %swap3A_1140 : i32 to index
        %swap3A_1142 = arith.index_cast %scan3A_1123 : i32 to index
        %swap3A_1143 = arith.constant 0 : index
        %swap3A_1144 = tpu.vector_load %arg9[%swap3A_1141, %swap3A_1142, %swap3A_1143] {strides = array<i32>} : memref<5x40x128xf32, #tpu.memory_space<vmem>>, vector<16xf32>,
        tpu.vector_store %arg9[%swap3A_1141, %swap3A_1142, %swap3A_1143], %mul3A_1139 {strides = array<i32>} : memref<5x40x128xf32, #tpu.memory_space<vmem>>, vector<16xf32>,
        %get3A_1145 = arith.constant 4 : i32
        %get3A_1146 = arith.index_cast %get3A_1145 : i32 to index
        %get3A_1147 = arith.index_cast %scan3A_1123 : i32 to index
        %get3A_1148 = arith.constant 16 : index
        %get3A_1149 = tpu.vector_load %arg9[%get3A_1146, %get3A_1147, %get3A_1148] {strides = array<i32>} : memref<5x40x128xf32, #tpu.memory_space<vmem>>, vector<16xf32>,
        %mul3A_1150 = arith.mulf %get3A_1149, %exp3A_1126 : vector<16xf32>
        %swap3A_1151 = arith.constant 4 : i32
        %swap3A_1152 = arith.index_cast %swap3A_1151 : i32 to index
        %swap3A_1153 = arith.index_cast %scan3A_1123 : i32 to index
        %swap3A_1154 = arith.constant 16 : index
        %swap3A_1155 = tpu.vector_load %arg9[%swap3A_1152, %swap3A_1153, %swap3A_1154] {strides = array<i32>} : memref<5x40x128xf32, #tpu.memory_space<vmem>>, vector<16xf32>,
        tpu.vector_store %arg9[%swap3A_1152, %swap3A_1153, %swap3A_1154], %mul3A_1150 {strides = array<i32>} : memref<5x40x128xf32, #tpu.memory_space<vmem>>, vector<16xf32>,
        %get3A_1156 = arith.constant 4 : i32
        %get3A_1157 = arith.index_cast %get3A_1156 : i32 to index
        %get3A_1158 = arith.index_cast %scan3A_1123 : i32 to index
        %get3A_1159 = arith.constant 32 : index
        %get3A_1160 = tpu.vector_load %arg9[%get3A_1157, %get3A_1158, %get3A_1159] {strides = array<i32>} : memref<5x40x128xf32, #tpu.memory_space<vmem>>, vector<16xf32>,
        %mul3A_1161 = arith.mulf %get3A_1160, %exp3A_1126 : vector<16xf32>
        %swap3A_1162 = arith.constant 4 : i32
        %swap3A_1163 = arith.index_cast %swap3A_1162 : i32 to index
        %swap3A_1164 = arith.index_cast %scan3A_1123 : i32 to index
        %swap3A_1165 = arith.constant 32 : index
        %swap3A_1166 = tpu.vector_load %arg9[%swap3A_1163, %swap3A_1164, %swap3A_1165] {strides = array<i32>} : memref<5x40x128xf32, #tpu.memory_space<vmem>>, vector<16xf32>,
        tpu.vector_store %arg9[%swap3A_1163, %swap3A_1164, %swap3A_1165], %mul3A_1161 {strides = array<i32>} : memref<5x40x128xf32, #tpu.memory_space<vmem>>, vector<16xf32>,
        %get3A_1167 = arith.constant 4 : i32
        %get3A_1168 = arith.index_cast %get3A_1167 : i32 to index
        %get3A_1169 = arith.index_cast %scan3A_1123 : i32 to index
        %get3A_1170 = arith.constant 48 : index
        %get3A_1171 = tpu.vector_load %arg9[%get3A_1168, %get3A_1169, %get3A_1170] {strides = array<i32>} : memref<5x40x128xf32, #tpu.memory_space<vmem>>, vector<16xf32>,
        %mul3A_1172 = arith.mulf %get3A_1171, %exp3A_1126 : vector<16xf32>
        %swap3A_1173 = arith.constant 4 : i32
        %swap3A_1174 = arith.index_cast %swap3A_1173 : i32 to index
        %swap3A_1175 = arith.index_cast %scan3A_1123 : i32 to index
        %swap3A_1176 = arith.constant 48 : index
        %swap3A_1177 = tpu.vector_load %arg9[%swap3A_1174, %swap3A_1175, %swap3A_1176] {strides = array<i32>} : memref<5x40x128xf32, #tpu.memory_space<vmem>>, vector<16xf32>,
        tpu.vector_store %arg9[%swap3A_1174, %swap3A_1175, %swap3A_1176], %mul3A_1172 {strides = array<i32>} : memref<5x40x128xf32, #tpu.memory_space<vmem>>, vector<16xf32>,
        %get3A_1178 = arith.constant 4 : i32
        %get3A_1179 = arith.index_cast %get3A_1178 : i32 to index
        %get3A_1180 = arith.index_cast %scan3A_1123 : i32 to index
        %get3A_1181 = arith.constant 64 : index
        %get3A_1182 = tpu.vector_load %arg9[%get3A_1179, %get3A_1180, %get3A_1181] {strides = array<i32>} : memref<5x40x128xf32, #tpu.memory_space<vmem>>, vector<16xf32>,
        %mul3A_1183 = arith.mulf %get3A_1182, %exp3A_1126 : vector<16xf32>
        %swap3A_1184 = arith.constant 4 : i32
        %swap3A_1185 = arith.index_cast %swap3A_1184 : i32 to index
        %swap3A_1186 = arith.index_cast %scan3A_1123 : i32 to index
        %swap3A_1187 = arith.constant 64 : index
        %swap3A_1188 = tpu.vector_load %arg9[%swap3A_1185, %swap3A_1186, %swap3A_1187] {strides = array<i32>} : memref<5x40x128xf32, #tpu.memory_space<vmem>>, vector<16xf32>,
        tpu.vector_store %arg9[%swap3A_1185, %swap3A_1186, %swap3A_1187], %mul3A_1183 {strides = array<i32>} : memref<5x40x128xf32, #tpu.memory_space<vmem>>, vector<16xf32>,
        %get3A_1189 = arith.constant 4 : i32
        %get3A_1190 = arith.index_cast %get3A_1189 : i32 to index
        %get3A_1191 = arith.index_cast %scan3A_1123 : i32 to index
        %get3A_1192 = arith.constant 80 : index
        %get3A_1193 = tpu.vector_load %arg9[%get3A_1190, %get3A_1191, %get3A_1192] {strides = array<i32>} : memref<5x40x128xf32, #tpu.memory_space<vmem>>, vector<16xf32>,
        %mul3A_1194 = arith.mulf %get3A_1193, %exp3A_1126 : vector<16xf32>
        %swap3A_1195 = arith.constant 4 : i32
        %swap3A_1196 = arith.index_cast %swap3A_1195 : i32 to index
        %swap3A_1197 = arith.index_cast %scan3A_1123 : i32 to index
        %swap3A_1198 = arith.constant 80 : index
        %swap3A_1199 = tpu.vector_load %arg9[%swap3A_1196, %swap3A_1197, %swap3A_1198] {strides = array<i32>} : memref<5x40x128xf32, #tpu.memory_space<vmem>>, vector<16xf32>,
        tpu.vector_store %arg9[%swap3A_1196, %swap3A_1197, %swap3A_1198], %mul3A_1194 {strides = array<i32>} : memref<5x40x128xf32, #tpu.memory_space<vmem>>, vector<16xf32>,
        %get3A_1200 = arith.constant 4 : i32
        %get3A_1201 = arith.index_cast %get3A_1200 : i32 to index
        %get3A_1202 = arith.index_cast %scan3A_1123 : i32 to index
        %get3A_1203 = arith.constant 96 : index
        %get3A_1204 = tpu.vector_load %arg9[%get3A_1201, %get3A_1202, %get3A_1203] {strides = array<i32>} : memref<5x40x128xf32, #tpu.memory_space<vmem>>, vector<16xf32>,
        %mul3A_1205 = arith.mulf %get3A_1204, %exp3A_1126 : vector<16xf32>
        %swap3A_1206 = arith.constant 4 : i32
        %swap3A_1207 = arith.index_cast %swap3A_1206 : i32 to index
        %swap3A_1208 = arith.index_cast %scan3A_1123 : i32 to index
        %swap3A_1209 = arith.constant 96 : index
        %swap3A_1210 = tpu.vector_load %arg9[%swap3A_1207, %swap3A_1208, %swap3A_1209] {strides = array<i32>} : memref<5x40x128xf32, #tpu.memory_space<vmem>>, vector<16xf32>,
        tpu.vector_store %arg9[%swap3A_1207, %swap3A_1208, %swap3A_1209], %mul3A_1205 {strides = array<i32>} : memref<5x40x128xf32, #tpu.memory_space<vmem>>, vector<16xf32>,
        %get3A_1211 = arith.constant 4 : i32
        %get3A_1212 = arith.index_cast %get3A_1211 : i32 to index
        %get3A_1213 = arith.index_cast %scan3A_1123 : i32 to index
        %get3A_1214 = arith.constant 112 : index
        %get3A_1215 = tpu.vector_load %arg9[%get3A_1212, %get3A_1213, %get3A_1214] {strides = array<i32>} : memref<5x40x128xf32, #tpu.memory_space<vmem>>, vector<16xf32>,
        %mul3A_1216 = arith.mulf %get3A_1215, %exp3A_1126 : vector<16xf32>
        %swap3A_1217 = arith.constant 4 : i32
        %swap3A_1218 = arith.index_cast %swap3A_1217 : i32 to index
        %swap3A_1219 = arith.index_cast %scan3A_1123 : i32 to index
        %swap3A_1220 = arith.constant 112 : index
        %swap3A_1221 = tpu.vector_load %arg9[%swap3A_1218, %swap3A_1219, %swap3A_1220] {strides = array<i32>} : memref<5x40x128xf32, #tpu.memory_space<vmem>>, vector<16xf32>,
        tpu.vector_store %arg9[%swap3A_1218, %swap3A_1219, %swap3A_1220], %mul3A_1216 {strides = array<i32>} : memref<5x40x128xf32, #tpu.memory_space<vmem>>, vector<16xf32>,
        %scan3A_1222 = arith.constant 0 : i32
        scf.yield %scan3A_1222 : i32
      }
      %scan3A_794 = arith.constant 40 : i32
      %dma_start3A_795 = arith.constant 4 : i32
      %dma_start3A_796 = arith.constant 4 : i32
      %dma_start3A_797 = arith.constant 4 : i32
      %dma_start3A_798 = arith.constant 0 : i32
      %dma_start3A_799 = arith.constant 0 : i32
      %dma_start3A_800 = tpu.memref_slice %arg9[%dma_start3A_795, %dma_start3A_798, %dma_start3A_799] : memref<5x40x128xf32, #tpu.memory_space<vmem>> -> memref<1x40x128xf32, #tpu.memory_space<vmem>>
      %dma_start3A_801 = tpu.memref_squeeze %dma_start3A_800 : memref<1x40x128xf32, #tpu.memory_space<vmem>> -> memref<40x128xf32, #tpu.memory_space<vmem>>
      %dma_start3A_802 = arith.constant 0 : i32
      %dma_start3A_803 = tpu.memref_slice %arg7[%dma_start3A_796, %dma_start3A_802] : memref<5x40xi32, #tpu.memory_space<vmem>> -> memref<1x40xi32, #tpu.memory_space<vmem>>
      %dma_start3A_804 = tpu.memref_squeeze %dma_start3A_803 : memref<1x40xi32, #tpu.memory_space<vmem>> -> memref<40xi32, #tpu.memory_space<vmem>>
      %dma_start3A_805 = arith.constant 0 : i32
      %dma_start3A_806 = arith.constant 0 : i32
      %dma_start3A_807 = tpu.memref_slice %arg12[%dma_start3A_805, %dma_start3A_806] : memref<10000x128xf32, #tpu.memory_space<vmem_shared>> -> memref<10000x128xf32, #tpu.memory_space<vmem_shared>>
      %dma_start3A_808 = tpu.memref_slice %arg14[%dma_start3A_797] : memref<5x!tpu.dma_semaphore, #tpu.memory_space<semaphore_mem>> -> memref<1x!tpu.dma_semaphore, #tpu.memory_space<semaphore_mem>>
      %dma_start3A_809 = tpu.memref_squeeze %dma_start3A_808 : memref<1x!tpu.dma_semaphore, #tpu.memory_space<semaphore_mem>> -> memref<!tpu.dma_semaphore, #tpu.memory_space<semaphore_mem>>
      tpu.enqueue_indirect_dma source(%dma_start3A_801 : memref<40x128xf32, #tpu.memory_space<vmem>>) target(%dma_start3A_807 : memref<10000x128xf32, #tpu.memory_space<vmem_shared>>) offsets(%dma_start3A_804 : memref<40xi32, #tpu.memory_space<vmem>>) semaphore(%dma_start3A_809 : memref<!tpu.dma_semaphore, #tpu.memory_space<semaphore_mem>>) {add = true}
      %ge3A_810 = arith.constant 3 : i32
      %ge3A_811 = arith.cmpi sge, %add3A_734, %ge3A_810 : i32
      %convert_element_type3A_812 = arith.extui %ge3A_811 : i1 to i32
      %cond3A_813 = arith.constant 0 : i32
      %cond3A_814 = arith.cmpi ne, %convert_element_type3A_812, %cond3A_813 : i32
      scf.if %cond3A_814 {
        %dma_wait3A_824 = arith.constant 1 : i32
        %dma_wait3A_825 = arith.constant 1 : i32
        %dma_wait3A_826 = arith.constant 1 : i32
        %dma_wait3A_827 = arith.constant 0 : i32
        %dma_wait3A_828 = arith.constant 0 : i32
        %dma_wait3A_829 = tpu.memref_slice %arg9[%dma_wait3A_824, %dma_wait3A_827, %dma_wait3A_828] : memref<5x40x128xf32, #tpu.memory_space<vmem>> -> memref<1x40x128xf32, #tpu.memory_space<vmem>>
        %dma_wait3A_830 = tpu.memref_squeeze %dma_wait3A_829 : memref<1x40x128xf32, #tpu.memory_space<vmem>> -> memref<40x128xf32, #tpu.memory_space<vmem>>
        %dma_wait3A_831 = arith.constant 0 : i32
        %dma_wait3A_832 = tpu.memref_slice %arg7[%dma_wait3A_825, %dma_wait3A_831] : memref<5x40xi32, #tpu.memory_space<vmem>> -> memref<1x40xi32, #tpu.memory_space<vmem>>
        %dma_wait3A_833 = tpu.memref_squeeze %dma_wait3A_832 : memref<1x40xi32, #tpu.memory_space<vmem>> -> memref<40xi32, #tpu.memory_space<vmem>>
        %dma_wait3A_834 = arith.constant 0 : i32
        %dma_wait3A_835 = arith.constant 0 : i32
        %dma_wait3A_836 = tpu.memref_slice %arg12[%dma_wait3A_834, %dma_wait3A_835] : memref<10000x128xf32, #tpu.memory_space<vmem_shared>> -> memref<10000x128xf32, #tpu.memory_space<vmem_shared>>
        %dma_wait3A_837 = tpu.memref_slice %arg14[%dma_wait3A_826] : memref<5x!tpu.dma_semaphore, #tpu.memory_space<semaphore_mem>> -> memref<1x!tpu.dma_semaphore, #tpu.memory_space<semaphore_mem>>
        %dma_wait3A_838 = tpu.memref_squeeze %dma_wait3A_837 : memref<1x!tpu.dma_semaphore, #tpu.memory_space<semaphore_mem>> -> memref<!tpu.dma_semaphore, #tpu.memory_space<semaphore_mem>>
        tpu.wait_indirect_dma semaphore(%dma_wait3A_838 : memref<!tpu.dma_semaphore, #tpu.memory_space<semaphore_mem>>) src(%dma_wait3A_830 : memref<40x128xf32, #tpu.memory_space<vmem>>) dst(%dma_wait3A_836 : memref<10000x128xf32, #tpu.memory_space<vmem_shared>>)
      } else {
      }
      %ge3A_815 = arith.constant 3 : i32
      %ge3A_816 = arith.cmpi sge, %add3A_734, %ge3A_815 : i32
      %le3A_817 = arith.constant 247 : i32
      %le3A_818 = arith.cmpi sle, %add3A_734, %le3A_817 : i32
      %and3A_819 = arith.andi %ge3A_816, %le3A_818 : i1
      %convert_element_type3A_820 = arith.extui %and3A_819 : i1 to i32
      %cond3A_821 = arith.constant 0 : i32
      %cond3A_822 = arith.cmpi ne, %convert_element_type3A_820, %cond3A_821 : i32
      scf.if %cond3A_822 {
        %add3A_824 = arith.constant 2 : i32
        %add3A_825 = arith.addi %add3A_734, %add3A_824 : i32
        %mul3A_826 = arith.constant 40 : i32
        %mul3A_827 = arith.muli %add3A_825, %mul3A_826 : i32
        %add3A_828 = arith.addi %mul3A_2, %mul3A_827 : i32
        %dma_start3A_829 = arith.constant 1 : i32
        %dma_start3A_830 = arith.constant 1 : i32
        %dma_start3A_831 = arith.constant 0 : i32
        %dma_start3A_832 = arith.constant 0 : i32
        %dma_start3A_833 = tpu.memref_slice %arg9[%dma_start3A_829, %dma_start3A_831, %dma_start3A_832] : memref<5x40x128xf32, #tpu.memory_space<vmem>> -> memref<1x40x128xf32, #tpu.memory_space<vmem>>
        %dma_start3A_834 = tpu.memref_squeeze %dma_start3A_833 : memref<1x40x128xf32, #tpu.memory_space<vmem>> -> memref<40x128xf32, #tpu.memory_space<vmem>>
        %dma_start3A_835 = arith.constant 0 : i32
        %dma_start3A_836 = tpu.memref_slice %arg4[%add3A_828, %dma_start3A_835] : memref<320000x128xf32, #tpu.memory_space<hbm>> -> memref<40x128xf32, #tpu.memory_space<hbm>>
        %dma_start3A_837 = tpu.memref_slice %arg13[%dma_start3A_830] : memref<5x!tpu.dma_semaphore, #tpu.memory_space<semaphore_mem>> -> memref<1x!tpu.dma_semaphore, #tpu.memory_space<semaphore_mem>>
        %dma_start3A_838 = tpu.memref_squeeze %dma_start3A_837 : memref<1x!tpu.dma_semaphore, #tpu.memory_space<semaphore_mem>> -> memref<!tpu.dma_semaphore, #tpu.memory_space<semaphore_mem>>
        %dma_start3A_839 = arith.constant 0 : i32
        %dma_start3A_840 = arith.constant 0 : i32
        %dma_start3A_841 = tpu.memref_slice %arg9[%dma_start3A_829, %dma_start3A_839, %dma_start3A_840] : memref<5x40x128xf32, #tpu.memory_space<vmem>> -> memref<1x40x128xf32, #tpu.memory_space<vmem>>
        %dma_start3A_842 = tpu.memref_squeeze %dma_start3A_841 : memref<1x40x128xf32, #tpu.memory_space<vmem>> -> memref<40x128xf32, #tpu.memory_space<vmem>>
        %dma_start3A_843 = arith.constant 0 : i32
        %dma_start3A_844 = tpu.memref_slice %arg4[%add3A_828, %dma_start3A_843] : memref<320000x128xf32, #tpu.memory_space<hbm>> -> memref<40x128xf32, #tpu.memory_space<hbm>>
        tpu.enqueue_dma source(%dma_start3A_844 : memref<40x128xf32, #tpu.memory_space<hbm>>) target(%dma_start3A_842 : memref<40x128xf32, #tpu.memory_space<vmem>>) target_semaphore(%dma_start3A_838 : memref<!tpu.dma_semaphore, #tpu.memory_space<semaphore_mem>>)
        %dma_start3A_845 = arith.constant 1 : i32
        %dma_start3A_846 = arith.constant 1 : i32
        %dma_start3A_847 = arith.constant 0 : i32
        %dma_start3A_848 = tpu.memref_slice %arg7[%dma_start3A_845, %dma_start3A_847] : memref<5x40xi32, #tpu.memory_space<vmem>> -> memref<1x40xi32, #tpu.memory_space<vmem>>
        %dma_start3A_849 = tpu.memref_squeeze %dma_start3A_848 : memref<1x40xi32, #tpu.memory_space<vmem>> -> memref<40xi32, #tpu.memory_space<vmem>>
        %dma_start3A_850 = arith.constant 0 : i32
        %dma_start3A_851 = tpu.memref_slice %arg2[%add3A, %add3A_825, %dma_start3A_850] : memref<32x250x40xi32, #tpu.memory_space<hbm>> -> memref<1x1x40xi32, #tpu.memory_space<hbm>>
        %dma_start3A_852 = tpu.memref_squeeze %dma_start3A_851 : memref<1x1x40xi32, #tpu.memory_space<hbm>> -> memref<40xi32, #tpu.memory_space<hbm>>
        %dma_start3A_853 = tpu.memref_slice %arg13[%dma_start3A_846] : memref<5x!tpu.dma_semaphore, #tpu.memory_space<semaphore_mem>> -> memref<1x!tpu.dma_semaphore, #tpu.memory_space<semaphore_mem>>
        %dma_start3A_854 = tpu.memref_squeeze %dma_start3A_853 : memref<1x!tpu.dma_semaphore, #tpu.memory_space<semaphore_mem>> -> memref<!tpu.dma_semaphore, #tpu.memory_space<semaphore_mem>>
        %dma_start3A_855 = arith.constant 0 : i32
        %dma_start3A_856 = tpu.memref_slice %arg7[%dma_start3A_845, %dma_start3A_855] : memref<5x40xi32, #tpu.memory_space<vmem>> -> memref<1x40xi32, #tpu.memory_space<vmem>>
        %dma_start3A_857 = tpu.memref_squeeze %dma_start3A_856 : memref<1x40xi32, #tpu.memory_space<vmem>> -> memref<40xi32, #tpu.memory_space<vmem>>
        %dma_start3A_858 = arith.constant 0 : i32
        %dma_start3A_859 = tpu.memref_slice %arg2[%add3A, %add3A_825, %dma_start3A_858] : memref<32x250x40xi32, #tpu.memory_space<hbm>> -> memref<1x1x40xi32, #tpu.memory_space<hbm>>
        %dma_start3A_860 = tpu.memref_squeeze %dma_start3A_859 : memref<1x1x40xi32, #tpu.memory_space<hbm>> -> memref<40xi32, #tpu.memory_space<hbm>>
        tpu.enqueue_dma source(%dma_start3A_860 : memref<40xi32, #tpu.memory_space<hbm>>) target(%dma_start3A_857 : memref<40xi32, #tpu.memory_space<vmem>>) target_semaphore(%dma_start3A_854 : memref<!tpu.dma_semaphore, #tpu.memory_space<semaphore_mem>>)
        %dma_start3A_861 = arith.constant 1 : i32
        %dma_start3A_862 = arith.constant 1 : i32
        %dma_start3A_863 = arith.constant 0 : i32
        %dma_start3A_864 = tpu.memref_slice %arg8[%dma_start3A_861, %dma_start3A_863] : memref<5x40xf32, #tpu.memory_space<vmem>> -> memref<1x40xf32, #tpu.memory_space<vmem>>
        %dma_start3A_865 = tpu.memref_squeeze %dma_start3A_864 : memref<1x40xf32, #tpu.memory_space<vmem>> -> memref<40xf32, #tpu.memory_space<vmem>>
        %dma_start3A_866 = arith.constant 0 : i32
        %dma_start3A_867 = tpu.memref_slice %arg3[%add3A, %add3A_825, %dma_start3A_866] : memref<32x250x40xf32, #tpu.memory_space<hbm>> -> memref<1x1x40xf32, #tpu.memory_space<hbm>>
        %dma_start3A_868 = tpu.memref_squeeze %dma_start3A_867 : memref<1x1x40xf32, #tpu.memory_space<hbm>> -> memref<40xf32, #tpu.memory_space<hbm>>
        %dma_start3A_869 = tpu.memref_slice %arg13[%dma_start3A_862] : memref<5x!tpu.dma_semaphore, #tpu.memory_space<semaphore_mem>> -> memref<1x!tpu.dma_semaphore, #tpu.memory_space<semaphore_mem>>
        %dma_start3A_870 = tpu.memref_squeeze %dma_start3A_869 : memref<1x!tpu.dma_semaphore, #tpu.memory_space<semaphore_mem>> -> memref<!tpu.dma_semaphore, #tpu.memory_space<semaphore_mem>>
        %dma_start3A_871 = arith.constant 0 : i32
        %dma_start3A_872 = tpu.memref_slice %arg8[%dma_start3A_861, %dma_start3A_871] : memref<5x40xf32, #tpu.memory_space<vmem>> -> memref<1x40xf32, #tpu.memory_space<vmem>>
        %dma_start3A_873 = tpu.memref_squeeze %dma_start3A_872 : memref<1x40xf32, #tpu.memory_space<vmem>> -> memref<40xf32, #tpu.memory_space<vmem>>
        %dma_start3A_874 = arith.constant 0 : i32
        %dma_start3A_875 = tpu.memref_slice %arg3[%add3A, %add3A_825, %dma_start3A_874] : memref<32x250x40xf32, #tpu.memory_space<hbm>> -> memref<1x1x40xf32, #tpu.memory_space<hbm>>
        %dma_start3A_876 = tpu.memref_squeeze %dma_start3A_875 : memref<1x1x40xf32, #tpu.memory_space<hbm>> -> memref<40xf32, #tpu.memory_space<hbm>>
        tpu.enqueue_dma source(%dma_start3A_876 : memref<40xf32, #tpu.memory_space<hbm>>) target(%dma_start3A_873 : memref<40xf32, #tpu.memory_space<vmem>>) target_semaphore(%dma_start3A_870 : memref<!tpu.dma_semaphore, #tpu.memory_space<semaphore_mem>>)
      } else {
      }
      %scan3A_823 = arith.constant 0 : i32
      scf.yield %scan3A_823 : i32
    }
    %scan3A_314 = arith.constant 50 : i32
    %dma_wait3A = arith.constant 2 : i32
    %dma_wait3A_315 = arith.constant 2 : i32
    %dma_wait3A_316 = arith.constant 2 : i32
    %dma_wait3A_317 = arith.constant 0 : i32
    %dma_wait3A_318 = arith.constant 0 : i32
    %dma_wait3A_319 = tpu.memref_slice %arg9[%dma_wait3A, %dma_wait3A_317, %dma_wait3A_318] : memref<5x40x128xf32, #tpu.memory_space<vmem>> -> memref<1x40x128xf32, #tpu.memory_space<vmem>>
    %dma_wait3A_320 = tpu.memref_squeeze %dma_wait3A_319 : memref<1x40x128xf32, #tpu.memory_space<vmem>> -> memref<40x128xf32, #tpu.memory_space<vmem>>
    %dma_wait3A_321 = arith.constant 0 : i32
    %dma_wait3A_322 = tpu.memref_slice %arg7[%dma_wait3A_315, %dma_wait3A_321] : memref<5x40xi32, #tpu.memory_space<vmem>> -> memref<1x40xi32, #tpu.memory_space<vmem>>
    %dma_wait3A_323 = tpu.memref_squeeze %dma_wait3A_322 : memref<1x40xi32, #tpu.memory_space<vmem>> -> memref<40xi32, #tpu.memory_space<vmem>>
    %dma_wait3A_324 = arith.constant 0 : i32
    %dma_wait3A_325 = arith.constant 0 : i32
    %dma_wait3A_326 = tpu.memref_slice %arg12[%dma_wait3A_324, %dma_wait3A_325] : memref<10000x128xf32, #tpu.memory_space<vmem_shared>> -> memref<10000x128xf32, #tpu.memory_space<vmem_shared>>
    %dma_wait3A_327 = tpu.memref_slice %arg14[%dma_wait3A_316] : memref<5x!tpu.dma_semaphore, #tpu.memory_space<semaphore_mem>> -> memref<1x!tpu.dma_semaphore, #tpu.memory_space<semaphore_mem>>
    %dma_wait3A_328 = tpu.memref_squeeze %dma_wait3A_327 : memref<1x!tpu.dma_semaphore, #tpu.memory_space<semaphore_mem>> -> memref<!tpu.dma_semaphore, #tpu.memory_space<semaphore_mem>>
    tpu.wait_indirect_dma semaphore(%dma_wait3A_328 : memref<!tpu.dma_semaphore, #tpu.memory_space<semaphore_mem>>) src(%dma_wait3A_320 : memref<40x128xf32, #tpu.memory_space<vmem>>) dst(%dma_wait3A_326 : memref<10000x128xf32, #tpu.memory_space<vmem_shared>>)
    %dma_wait3A_329 = arith.constant 3 : i32
    %dma_wait3A_330 = arith.constant 3 : i32
    %dma_wait3A_331 = arith.constant 3 : i32
    %dma_wait3A_332 = arith.constant 0 : i32
    %dma_wait3A_333 = arith.constant 0 : i32
    %dma_wait3A_334 = tpu.memref_slice %arg9[%dma_wait3A_329, %dma_wait3A_332, %dma_wait3A_333] : memref<5x40x128xf32, #tpu.memory_space<vmem>> -> memref<1x40x128xf32, #tpu.memory_space<vmem>>
    %dma_wait3A_335 = tpu.memref_squeeze %dma_wait3A_334 : memref<1x40x128xf32, #tpu.memory_space<vmem>> -> memref<40x128xf32, #tpu.memory_space<vmem>>
    %dma_wait3A_336 = arith.constant 0 : i32
    %dma_wait3A_337 = tpu.memref_slice %arg7[%dma_wait3A_330, %dma_wait3A_336] : memref<5x40xi32, #tpu.memory_space<vmem>> -> memref<1x40xi32, #tpu.memory_space<vmem>>
    %dma_wait3A_338 = tpu.memref_squeeze %dma_wait3A_337 : memref<1x40xi32, #tpu.memory_space<vmem>> -> memref<40xi32, #tpu.memory_space<vmem>>
    %dma_wait3A_339 = arith.constant 0 : i32
    %dma_wait3A_340 = arith.constant 0 : i32
    %dma_wait3A_341 = tpu.memref_slice %arg12[%dma_wait3A_339, %dma_wait3A_340] : memref<10000x128xf32, #tpu.memory_space<vmem_shared>> -> memref<10000x128xf32, #tpu.memory_space<vmem_shared>>
    %dma_wait3A_342 = tpu.memref_slice %arg14[%dma_wait3A_331] : memref<5x!tpu.dma_semaphore, #tpu.memory_space<semaphore_mem>> -> memref<1x!tpu.dma_semaphore, #tpu.memory_space<semaphore_mem>>
    %dma_wait3A_343 = tpu.memref_squeeze %dma_wait3A_342 : memref<1x!tpu.dma_semaphore, #tpu.memory_space<semaphore_mem>> -> memref<!tpu.dma_semaphore, #tpu.memory_space<semaphore_mem>>
    tpu.wait_indirect_dma semaphore(%dma_wait3A_343 : memref<!tpu.dma_semaphore, #tpu.memory_space<semaphore_mem>>) src(%dma_wait3A_335 : memref<40x128xf32, #tpu.memory_space<vmem>>) dst(%dma_wait3A_341 : memref<10000x128xf32, #tpu.memory_space<vmem_shared>>)
    %dma_wait3A_344 = arith.constant 4 : i32
    %dma_wait3A_345 = arith.constant 4 : i32
    %dma_wait3A_346 = arith.constant 4 : i32
    %dma_wait3A_347 = arith.constant 0 : i32
    %dma_wait3A_348 = arith.constant 0 : i32
    %dma_wait3A_349 = tpu.memref_slice %arg9[%dma_wait3A_344, %dma_wait3A_347, %dma_wait3A_348] : memref<5x40x128xf32, #tpu.memory_space<vmem>> -> memref<1x40x128xf32, #tpu.memory_space<vmem>>
    %dma_wait3A_350 = tpu.memref_squeeze %dma_wait3A_349 : memref<1x40x128xf32, #tpu.memory_space<vmem>> -> memref<40x128xf32, #tpu.memory_space<vmem>>
    %dma_wait3A_351 = arith.constant 0 : i32
    %dma_wait3A_352 = tpu.memref_slice %arg7[%dma_wait3A_345, %dma_wait3A_351] : memref<5x40xi32, #tpu.memory_space<vmem>> -> memref<1x40xi32, #tpu.memory_space<vmem>>
    %dma_wait3A_353 = tpu.memref_squeeze %dma_wait3A_352 : memref<1x40xi32, #tpu.memory_space<vmem>> -> memref<40xi32, #tpu.memory_space<vmem>>
    %dma_wait3A_354 = arith.constant 0 : i32
    %dma_wait3A_355 = arith.constant 0 : i32
    %dma_wait3A_356 = tpu.memref_slice %arg12[%dma_wait3A_354, %dma_wait3A_355] : memref<10000x128xf32, #tpu.memory_space<vmem_shared>> -> memref<10000x128xf32, #tpu.memory_space<vmem_shared>>
    %dma_wait3A_357 = tpu.memref_slice %arg14[%dma_wait3A_346] : memref<5x!tpu.dma_semaphore, #tpu.memory_space<semaphore_mem>> -> memref<1x!tpu.dma_semaphore, #tpu.memory_space<semaphore_mem>>
    %dma_wait3A_358 = tpu.memref_squeeze %dma_wait3A_357 : memref<1x!tpu.dma_semaphore, #tpu.memory_space<semaphore_mem>> -> memref<!tpu.dma_semaphore, #tpu.memory_space<semaphore_mem>>
    tpu.wait_indirect_dma semaphore(%dma_wait3A_358 : memref<!tpu.dma_semaphore, #tpu.memory_space<semaphore_mem>>) src(%dma_wait3A_350 : memref<40x128xf32, #tpu.memory_space<vmem>>) dst(%dma_wait3A_356 : memref<10000x128xf32, #tpu.memory_space<vmem_shared>>)
    "tpu.region"() ({
      %run_scoped3A = tpu.sem_alloc : memref<!tpu.dma_semaphore, #tpu.memory_space<semaphore_mem>>
      %dma_start3A_365 = arith.constant 0 : i32
      %dma_start3A_366 = arith.constant 0 : i32
      %dma_start3A_367 = tpu.memref_slice %arg6[%add3A, %dma_start3A_365, %dma_start3A_366] : memref<32x80x128xf32, #tpu.memory_space<hbm>> -> memref<1x80x128xf32, #tpu.memory_space<hbm>>
      %dma_start3A_368 = tpu.memref_squeeze %dma_start3A_367 : memref<1x80x128xf32, #tpu.memory_space<hbm>> -> memref<80x128xf32, #tpu.memory_space<hbm>>
      %dma_start3A_369 = arith.constant 0 : i32
      %dma_start3A_370 = arith.constant 0 : i32
      %dma_start3A_371 = tpu.memref_slice %arg6[%add3A, %dma_start3A_369, %dma_start3A_370] : memref<32x80x128xf32, #tpu.memory_space<hbm>> -> memref<1x80x128xf32, #tpu.memory_space<hbm>>
      %dma_start3A_372 = tpu.memref_squeeze %dma_start3A_371 : memref<1x80x128xf32, #tpu.memory_space<hbm>> -> memref<80x128xf32, #tpu.memory_space<hbm>>
      tpu.enqueue_dma source(%arg10 : memref<80x128xf32, #tpu.memory_space<vmem>>) target(%dma_start3A_372 : memref<80x128xf32, #tpu.memory_space<hbm>>) target_semaphore(%run_scoped3A : memref<!tpu.dma_semaphore, #tpu.memory_space<semaphore_mem>>)
      %dma_wait3A_373 = arith.constant 0 : i32
      %dma_wait3A_374 = arith.constant 0 : i32
      %dma_wait3A_375 = tpu.memref_slice %arg6[%add3A, %dma_wait3A_373, %dma_wait3A_374] : memref<32x80x128xf32, #tpu.memory_space<hbm>> -> memref<1x80x128xf32, #tpu.memory_space<hbm>>
      %dma_wait3A_376 = tpu.memref_squeeze %dma_wait3A_375 : memref<1x80x128xf32, #tpu.memory_space<hbm>> -> memref<80x128xf32, #tpu.memory_space<hbm>>
      %dma_wait3A_377 = arith.constant 0 : i32
      %dma_wait3A_378 = arith.constant 0 : i32
      %dma_wait3A_379 = tpu.memref_slice %arg6[%add3A, %dma_wait3A_377, %dma_wait3A_378] : memref<32x80x128xf32, #tpu.memory_space<hbm>> -> memref<1x80x128xf32, #tpu.memory_space<hbm>>
      %dma_wait3A_380 = tpu.memref_squeeze %dma_wait3A_379 : memref<1x80x128xf32, #tpu.memory_space<hbm>> -> memref<80x128xf32, #tpu.memory_space<hbm>>
      tpu.wait_dma2 semaphore(%run_scoped3A : memref<!tpu.dma_semaphore, #tpu.memory_space<semaphore_mem>>) src(%arg10 : memref<80x128xf32, #tpu.memory_space<vmem>>) dst(%dma_wait3A_380 : memref<80x128xf32, #tpu.memory_space<hbm>>)
      tpu.yield
    }) : () -> ()
    %barrier3A_359 = arith.constant 0 : index
    tpu.barrier barrier_id(%barrier3A_359)
    "tpu.region"() ({
      %run_scoped3A = tpu.sem_alloc : memref<!tpu.dma_semaphore, #tpu.memory_space<semaphore_mem>>
      %dma_start3A_365 = arith.constant 0 : i32
      %dma_start3A_366 = tpu.memref_slice %arg5[%arg0, %mul3A_276, %dma_start3A_365] : memref<2x10000x128xf32, #tpu.memory_space<hbm>> -> memref<1x624x128xf32, #tpu.memory_space<hbm>>
      %dma_start3A_367 = tpu.memref_squeeze %dma_start3A_366 : memref<1x624x128xf32, #tpu.memory_space<hbm>> -> memref<624x128xf32, #tpu.memory_space<hbm>>
      %dma_start3A_368 = arith.constant 0 : i32
      %dma_start3A_369 = tpu.memref_slice %arg12[%mul3A_276, %dma_start3A_368] : memref<10000x128xf32, #tpu.memory_space<vmem_shared>> -> memref<624x128xf32, #tpu.memory_space<vmem_shared>>
      tpu.enqueue_dma source(%dma_start3A_369 : memref<624x128xf32, #tpu.memory_space<vmem_shared>>) target(%dma_start3A_367 : memref<624x128xf32, #tpu.memory_space<hbm>>) target_semaphore(%run_scoped3A : memref<!tpu.dma_semaphore, #tpu.memory_space<semaphore_mem>>)
      %dma_wait3A_370 = arith.constant 0 : i32
      %dma_wait3A_371 = tpu.memref_slice %arg5[%arg0, %mul3A_276, %dma_wait3A_370] : memref<2x10000x128xf32, #tpu.memory_space<hbm>> -> memref<1x624x128xf32, #tpu.memory_space<hbm>>
      %dma_wait3A_372 = tpu.memref_squeeze %dma_wait3A_371 : memref<1x624x128xf32, #tpu.memory_space<hbm>> -> memref<624x128xf32, #tpu.memory_space<hbm>>
      %dma_wait3A_373 = arith.constant 0 : i32
      %dma_wait3A_374 = tpu.memref_slice %arg12[%mul3A_276, %dma_wait3A_373] : memref<10000x128xf32, #tpu.memory_space<vmem_shared>> -> memref<624x128xf32, #tpu.memory_space<vmem_shared>>
      tpu.wait_dma2 semaphore(%run_scoped3A : memref<!tpu.dma_semaphore, #tpu.memory_space<semaphore_mem>>) src(%dma_wait3A_374 : memref<624x128xf32, #tpu.memory_space<vmem_shared>>) dst(%dma_wait3A_372 : memref<624x128xf32, #tpu.memory_space<hbm>>)
      tpu.yield
    }) : () -> ()
    %eq3A_360 = arith.constant 15 : i32
    %eq3A_361 = arith.cmpi eq, %arg1, %eq3A_360 : i32
    %convert_element_type3A_362 = arith.extui %eq3A_361 : i1 to i32
    %cond3A_363 = arith.constant 0 : i32
    %cond3A_364 = arith.cmpi ne, %convert_element_type3A_362, %cond3A_363 : i32
    scf.if %cond3A_364 {
      "tpu.region"() ({
        %run_scoped3A = tpu.sem_alloc : memref<!tpu.dma_semaphore, #tpu.memory_space<semaphore_mem>>
        %dma_start3A_365 = arith.constant 9984 : i32
        %dma_start3A_366 = arith.constant 0 : i32
        %dma_start3A_367 = tpu.memref_slice %arg5[%arg0, %dma_start3A_365, %dma_start3A_366] : memref<2x10000x128xf32, #tpu.memory_space<hbm>> -> memref<1x16x128xf32, #tpu.memory_space<hbm>>
        %dma_start3A_368 = tpu.memref_squeeze %dma_start3A_367 : memref<1x16x128xf32, #tpu.memory_space<hbm>> -> memref<16x128xf32, #tpu.memory_space<hbm>>
        %dma_start3A_369 = arith.constant 9984 : i32
        %dma_start3A_370 = arith.constant 0 : i32
        %dma_start3A_371 = tpu.memref_slice %arg12[%dma_start3A_369, %dma_start3A_370] : memref<10000x128xf32, #tpu.memory_space<vmem_shared>> -> memref<16x128xf32, #tpu.memory_space<vmem_shared>>
        tpu.enqueue_dma source(%dma_start3A_371 : memref<16x128xf32, #tpu.memory_space<vmem_shared>>) target(%dma_start3A_368 : memref<16x128xf32, #tpu.memory_space<hbm>>) target_semaphore(%run_scoped3A : memref<!tpu.dma_semaphore, #tpu.memory_space<semaphore_mem>>)
        %dma_wait3A_372 = arith.constant 9984 : i32
        %dma_wait3A_373 = arith.constant 0 : i32
        %dma_wait3A_374 = tpu.memref_slice %arg5[%arg0, %dma_wait3A_372, %dma_wait3A_373] : memref<2x10000x128xf32, #tpu.memory_space<hbm>> -> memref<1x16x128xf32, #tpu.memory_space<hbm>>
        %dma_wait3A_375 = tpu.memref_squeeze %dma_wait3A_374 : memref<1x16x128xf32, #tpu.memory_space<hbm>> -> memref<16x128xf32, #tpu.memory_space<hbm>>
        %dma_wait3A_376 = arith.constant 9984 : i32
        %dma_wait3A_377 = arith.constant 0 : i32
        %dma_wait3A_378 = tpu.memref_slice %arg12[%dma_wait3A_376, %dma_wait3A_377] : memref<10000x128xf32, #tpu.memory_space<vmem_shared>> -> memref<16x128xf32, #tpu.memory_space<vmem_shared>>
        tpu.wait_dma2 semaphore(%run_scoped3A : memref<!tpu.dma_semaphore, #tpu.memory_space<semaphore_mem>>) src(%dma_wait3A_378 : memref<16x128xf32, #tpu.memory_space<vmem_shared>>) dst(%dma_wait3A_375 : memref<16x128xf32, #tpu.memory_space<hbm>>)
        tpu.yield
      }) : () -> ()
    } else {
    }
    return
  }
}

</mosaic_0001>

<sc_bundles>
// kernel: _sc_accum.3.cloned.1.call-start
scs
__scs_entry_jumppad:
0x0: {  	(pc) =	sbr.rel $0x88, $3  }
0x1: {  	(tag) =	ssettag $0x0;
	lr =	simm.s32 $0x1  }
0x2: {  	[smem:$0x3F9E] =	sst lr;
	_ =	strace $0xD0000000  }
0x3: {  	_ = 	snop  }
0x4: {  	_ = 	snop  }
0x5: {  	_ = 	snop  }
0x6: {  	_ = 	snop  }
0x7: {  	_ = 	snop  }
__scs_overlays_trampoline_lowered:
0x8: {  	[smem:$0x3FAD] =	sst s0  }
0x9: {  	[smem:$0x3FAE] =	sst s1  }
0xa: {  	[smem:$0x3FAF] =	sst s2  }
0xb: {  	[smem:$0x3FB0] =	sst s3  }
0xc: {  	[smem:$0x3FB1] =	sst s4  }
0xd: {  	[smem:$0x3FB2] =	sst s5  }
0xe: {  	[smem:$0x3FB3] =	sst s6  }
0xf: {  	[smem:$0x3FB4] =	sst s7  }
0x10: {  	[smem:$0x3FB5] =	sst s8  }
0x11: {  	[smem:$0x3FB6] =	sst s9;
	s0 =	simm.s32 @!p0 $0x0  }
0x12: {  	s1 =	sld [smem:$0x3F9C];
	s0 =	simm.s32 @p0 $0x1  }
0x13: {  	[smem:$0x3FB7] =	sst s0;
	s0 =	simm.s32 @!p1 $0x0  }
0x14: {  	s2 =	sld [smem:$0x3F9B];
	s0 =	simm.s32 @p1 $0x1  }
0x15: {  	[smem:$0x3FB8] =	sst s0;
	s0 =	simm.s32 @!p2 $0x0  }
0x16: {  	s3 =	sld [smem:$0x3FDB];
	s0 =	simm.s32 @p2 $0x1  }
0x17: {  	s4 =	simm.s32 $0x1BF5;
	[smem:$0x3FBA] =	sst s0  }
0x18: {  	s0 =	sld [smem:$0x3F9D];
	_ =	swait.ge [sflag:s4], $0x0  }
0x19: {  	s7 =	sld [smem:$0x3F9E]  }
0x1a: {  	s8 =	sadd.s32 $0xFFFFE003, lr  }
0x1b: {  	s9 =	sadd.s32 $0xFFFFFEF7, lr;
	s5 =	simm.s32 $0xFFFFFFFF;
	p2 =	slt.u32 s8, $0xFFFFF086  }
0x1c: {  	p1 =	slt.u32 s9, $0xF7A;
	s5 =	simm.s32 @!p2 $0x0  }
0x1d: {  	s5 =	simm.s32 @p1 $0x1;
	p0 =	seq.s32 s7, s2  }
0x1e: {  	s7 =	smul.u32 @!p0 $0xF7A, s2;
	p2 =	seq.s32 @!p0 s5, $0x0  }
0x1f: {  	s9 =	smul.u32 $0xF7A, s1;
	s8 =	simm.s32 @!p0 $0x1BF5;
	p2 =	por !p2, p0  }
0x20: {  	[sflag:s8] =	ssyncset.s32 @!p0 $0xFFFFF086;
	s6 =	sadd.s32 @!p0 s3, s7;
	s7 =	simm.s32 @!p0 $0x108  }
0x21: {  	s3 =	sadd.s32 s3, s9;
	s6 =	sadd.s32 @!p0 $0x88, s6;
	s7 =	simm.s32 @p2 $0x1082  }
0x22: {  	[simem:s7], [sflag:s8] =	dma.local @!p0 [hbm:s6], $0xF7A  }
0x23: {  	s9 =	sor.u32 $0xD0000000, s2;
	s6 =	simm.s32 $0x108;
	_ =	swait.ge @!p0 [sflag:s8], $0x0  }
0x24: {  	s3 =	sadd.s32 $0x88, s3;
	s6 =	simm.s32 @!p1 $0x1082;
	[sflag:s4] =	ssyncset.s32 $0xFFFFF086  }
0x25: {  	[simem:s6], [sflag:s4] =	dma.local [hbm:s3], $0xF7A  }
0x26: {  	[smem:$0x3F9E] =	sst s1;
	(tag) =	ssettag s2;
	_ =	strace s9  }
0x27: {  	s1 =	sld [smem:$0x3FAE]  }
0x28: {  	s2 =	sld [smem:$0x3FAF]  }
0x29: {  	s4 =	sld [smem:$0x3FB1]  }
0x2a: {  	p0 =	seq.s32 s5, $0x0;
	s5 =	sld [smem:$0x3FB2]  }
0x2b: {  	s6 =	sld [smem:$0x3FB3]  }
0x2c: {  	s7 =	sld [smem:$0x3FB4]  }
0x2d: {  	s3 =	simm.s32 $0x108;
	s8 =	sld [smem:$0x3FB5]  }
0x2e: {  	s3 =	simm.s32 @!p0 $0x1082;
	s9 =	sld [smem:$0x3FB6]  }
0x2f: {  	lr =	sadd.s32 s0, s3;
	s0 =	sld [smem:$0x3FAD]  }
0x30: {  	s3 =	sld [smem:$0x3FB0]  }
0x31: {  	[smem:$0x3FB9] =	sst s10  }
0x32: {  	s10 =	sld [smem:$0x3FB7];
	_ =	sdelay $0x3  }
0x33: {  	p0 =	seq.s32 s10, $0x1;
	s10 =	sld [smem:$0x3FB9];
	_ =	sdelay $0x3  }
0x34: {  	[smem:$0x3FB9] =	sst s10  }
0x35: {  	s10 =	sld [smem:$0x3FB8];
	_ =	sdelay $0x3  }
0x36: {  	p1 =	seq.s32 s10, $0x1;
	s10 =	sld [smem:$0x3FB9];
	_ =	sdelay $0x3  }
0x37: {  	[smem:$0x3FB9] =	sst s10  }
0x38: {  	s10 =	sld [smem:$0x3FBA]  }
0x39: {  	_ = 	snop;
	(pc) =	sbr.ind lr, $3  }
0x3a: {  	_ = 	snop  }
0x3b: {  	_ = 	snop  }
0x3c: {  	p2 =	seq.s32 s10, $0x1;
	s10 =	sld [smem:$0x3FB9]  }
0x3d: {  	_ =	shalt  }
0x3e: {  	_ =	shalt  }
0x3f: {  	_ =	shalt  }
0x40: {  	_ =	shalt  }
0x41: {  	_ =	shalt  }
0x42: {  	_ =	shalt  }
0x43: {  	_ =	shalt  }
0x44: {  	_ =	shalt  }
0x45: {  	_ =	shalt  }
0x46: {  	_ =	shalt  }
0x47: {  	_ =	shalt  }
0x48: {  	_ =	shalt  }
0x49: {  	_ =	shalt  }
0x4a: {  	_ =	shalt  }
0x4b: {  	_ =	shalt  }
0x4c: {  	_ =	shalt  }
0x4d: {  	_ =	shalt  }
0x4e: {  	_ =	shalt  }
0x4f: {  	_ =	shalt  }
0x50: {  	_ =	shalt  }
0x51: {  	_ =	shalt  }
0x52: {  	_ =	shalt  }
0x53: {  	_ =	shalt  }
0x54: {  	_ =	shalt  }
0x55: {  	_ =	shalt  }
0x56: {  	_ =	shalt  }
0x57: {  	_ =	shalt  }
0x58: {  	_ =	shalt  }
0x59: {  	_ =	shalt  }
0x5a: {  	_ =	shalt  }
0x5b: {  	_ =	shalt  }
0x5c: {  	_ =	shalt  }
0x5d: {  	_ =	shalt  }
0x5e: {  	_ =	shalt  }
0x5f: {  	_ =	shalt  }
0x60: {  	_ =	shalt  }
0x61: {  	_ =	shalt  }
0x62: {  	_ =	shalt  }
0x63: {  	_ =	shalt  }
0x64: {  	_ =	shalt  }
0x65: {  	_ =	shalt  }
0x66: {  	_ =	shalt  }
0x67: {  	_ =	shalt  }
0x68: {  	_ =	shalt  }
0x69: {  	_ =	shalt  }
0x6a: {  	_ =	shalt  }
0x6b: {  	_ =	shalt  }
0x6c: {  	_ =	shalt  }
0x6d: {  	_ =	shalt  }
0x6e: {  	_ =	shalt  }
0x6f: {  	_ =	shalt  }
0x70: {  	_ =	shalt  }
0x71: {  	_ =	shalt  }
0x72: {  	_ =	shalt  }
0x73: {  	_ =	shalt  }
0x74: {  	_ =	shalt  }
0x75: {  	_ =	shalt  }
0x76: {  	_ =	shalt  }
0x77: {  	_ =	shalt  }
0x78: {  	_ =	shalt  }
0x79: {  	_ =	shalt  }
0x7a: {  	_ =	shalt  }
0x7b: {  	_ =	shalt  }
0x7c: {  	_ =	shalt  }
0x7d: {  	_ =	shalt  }
0x7e: {  	_ =	shalt  }
0x7f: {  	_ =	shalt  }
0x80: {  	_ =	shalt  }
0x81: {  	_ =	shalt  }
0x82: {  	_ =	shalt  }
0x83: {  	_ =	shalt  }
0x84: {  	_ =	shalt  }
0x85: {  	_ =	shalt  }
0x86: {  	_ =	shalt  }
0x87: {  	_ =	shalt  }
.Lfunc_end0:
.L_simem_size_0:
called_computation_lowered:
.L_overlay_start_0:
0x88: {  	s2 =	sld [smem:$0x3FD9]  }
0x89: {  	s3 =	sld [smem:$0x3FFE];
	_ =	sdelay $0x1  }
0x8a: {  	s1 =	srdreg.scid  }
0x8b: {  	s0 =	sand.u32 $0x1, s1  }
0x8c: {  	s14 =	sshll.u32 s0, $0xA;
	s2 =	sadd.s32 s3, s2  }
0x8d: {  	s2 =	sadd.s32 s2, s14  }
0x8e: {  	[smem:$0x3FC5] =	sst s2  }
0x8f: {  	_ = 	snop  }
0x90: {  	s2 =	sld [smem:$0x3FD0];
	_ =	sdelay $0x2  }
0x91: {  	s4 =	simm.s32 $0xA;
	s5 =	simm.s32 $0x10;
	s15 =	sld [smem:$0x3FC7]  }
0x92: {  	[smem:s5], [sflag:s4] =	dma.local [hbm:s2], $0x1  }
0x93: {  	_ =	swait.eq [sflag:s4], $0x1  }
0x94: {  	[sflag:s4] =	ssyncset.done $0x0  }
0x95: {  	s16 =	sld [smem:$0x10];
	[sflag:s4] =	ssyncadd.s32 $0xFFFFFFFF  }
0x96: {  	s17 =	sld [smem:$0x11];
	(tm) =	ssettm $0x1  }
0x97: {  	s18 =	sld [smem:$0x3FFB];
	_ =	sdelay $0x3  }
0x98: {  	_ =	strace s18  }
0x99: {  	s5 =	sld [smem:$0x3FFC];
	_ =	sdelay $0x3  }
0x9a: {  	_ =	strace s5  }
0x9b: {  	s5 =	sld [smem:$0x3FFD];
	_ =	sdelay $0x3  }
0x9c: {  	_ =	strace s5  }
0x9d: {  	_ =	strace $0x8FFFFFFF  }
0x9e: {  	s19 =	sld [smem:$0x3FDB];
	_ =	sdelay $0x1  }
0x9f: {  	s6 =	simm.s32 $_scs_section_size  }
0xa0: {  	s7 =	simm.s32 $_size__tile_overlayer_lowered;
	s8 =	simm.s32 $_tile_overlayer_lowered  }
0xa1: {  	s22 =	simm.s32 $0x1BFF;
	s21 =	sshll.u32 s8, $0x1;
	s5 =	sadd.s32 s6, s19  }
0xa2: {  	s9 =	simm.s32 $0x0;
	s20 =	sshll.u32 s7, $0x1;
	s7 =	sadd.s32 s21, s5  }
0xa3: {  	[timem:s9], [sflag:s22] =	dma.local [hbm:s7], s20  }
0xa4: {  	_ =	swait.ge [sflag:s22], s20  }
0xa5: {  	s6 =	ssub.s32 $0x0, s20;
	[sflag:s22] =	ssyncset.done $0x0  }
0xa6: {  	[sflag:s22] =	ssyncadd.s32 s6;
	_ =	sdelay $0x1  }
0xa7: {  	s23 =	simm.s32 $0x1B8B  }
0xa8: {  	_ =	swait.ge [sflag:s23], $0x1  }
0xa9: {  	[sflag:s23] =	ssyncset.done $0x0  }
0xaa: {  	s25 =	simm.s32 $0x1B8E;
	s24 =	sld [smem:$0x3FFE];
	[sflag:s23] =	ssyncadd.s32 $0xFFFFFFFF  }
0xab: {  	s26 =	simm.s32 $execute0_lowered;
	[smem:$0x3FD2] =	sst s25  }
0xac: {  	s7 =	sshll.u32 s26, $0x1;
	_ =	strace $0x80000046;
	[dreg:$0x1] =	wrdreg $0xFFFFFFFF  }
0xad: {  	s28 =	simm.s32 $_size_execute0_lowered;
	s5 =	sadd.s32 s5, s7;
	[dreg:$0x0] =	wrdreg $0x0  }
0xae: {  	s7 =	sshll.u32 s28, $0x1;
	[dreg:$0x2] =	wrdreg s5  }
0xaf: {  	[dreg:$0x3] =	wrdreg s7  }
0xb0: {  	[dreg:$0x4] =	wrdreg $0xC0  }
0xb1: {  	_ =	task [dreg:s9], $0x5FFFF  }
0xb2: {  	[dreg:$0x1] =	wrdreg $0xFFFFFFFF  }
0xb3: {  	[dreg:$0x0] =	wrdreg $0x60  }
0xb4: {  	[dreg:$0x2] =	wrdreg s24  }
0xb5: {  	[dreg:$0x3] =	wrdreg s15  }
0xb6: {  	[dreg:$0x4] =	wrdreg s16  }
0xb7: {  	[dreg:$0x5] =	wrdreg s17  }
0xb8: {  	[dreg:$0x6] =	wrdreg $0xAC000  }
0xb9: {  	[dreg:$0x7] =	wrdreg $0x9  }
0xba: {  	_ =	task.clear_ibuf [dreg:s9], $0x8FFFF;
	_ =	strace $0x90000046  }
0xbb: {  	s29 =	simm.s32 $0x9;
	_ =	strace $0x80000048  }
0xbc: {  	_ =	swait.ge [sflag:s29], $0x1  }
0xbd: {  	[sflag:s29] =	ssyncadd.s32 $0xFFFFFFFF  }
0xbe: {  	_ =	strace $0x90000048  }
0xbf: {  	_ =	sfence  }
0xc0: {  	s30 =	sld [smem:$0x0];
	_ =	sdelay $0x2  }
0xc1: {  	s31 =	sshll.u32 s1, $0xD;
	s1 =	sshrl.u32 s1, $0x2  }
0xc2: {  	s3 =	sand.u32 $0x4000, s31;
	s1 =	sadd.s32 s1, s30  }
0xc3: {  	s0 =	sor.u32 s3, s0;
	s1 =	sshll.u32 s1, $0x11  }
0xc4: {  	s0 =	sor.u32 s1, s0  }
0xc5: {  	s0 =	sadd.s32 $0x8F2B, s0  }
0xc6: {  	[sflag:s0] =	ssyncadd.remote.s32 $0x1  }
0xc7: {  	_ =	sfence.sel $0xFFFF  }
0xc8: {  	[dreg:$0x0] =	wrdreg $0xFFFFFFFF;
	(pc) =	sbr.abs _section_cstart, $3  }
0xc9: {  	[dreg:$0x1] =	wrdreg $0xFFFFFFFF  }
0xca: {  	_ =	task.clear_ibuf [dreg:s9], $0x2FFFF;
	_ =	strace $0x9FFFFFFF  }
0xcb: {  	(tm) =	ssettm $0x7FFFFFFF  }
tec
execute0_lowered:
.L_overlay_start_1:
0x0: {  	(tag) =	ssettag $0x1  }
0x1: {  	s1 =	rddreg [dreg:$0x0]  }
0x2: {  	s0 =	rddreg [dreg:$0x1];
	s3 =	srdreg.scid  }
0x3: {  	s2 =	rddreg [dreg:$0x2];
	s10 =	sand.u32 $0x1, s3  }
0x4: {  	s8 =	rddreg [dreg:$0x3];
	s16 =	stileid.u32;
	s5 =	sshll.u32 s10, $0x4  }
0x5: {  	s4 =	simm.s32 $0x0;
	s3 =	rddreg [dreg:$0x4];
	s11 =	sor.u32 s16, s5  }
0x6: {  	[smem:$0x7FF] =	sst s4;
	s7 =	ssub.s32 $0x2, s10;
	s9 =	smul.u32 $0x27100, s11  }
0x7: {  	s6 =	sadd.s32 $0x20800, s1;
	s12 =	sshrl.u32 s7, $0x1;
	s13 =	smul.u32 $0x138800, s11  }
0x8: {  	_ =	strace $0x80000047;
	s5 =	sadd.s32 $0x800, s1;
	s1 =	ssub.s32 s7, s12  }
0x9: {  	s1 =	smax.u32 s1, $0x1;
	s9 =	sadd.s32 s0, s9;
	s17 =	sshrl.u32 s13, $0x3  }
0xa: {  	s13 =	sshll.u32 s11, $0xC;
	[dreg:$0x19] =	wrdreg s1;
	s12 =	sadd.s32 s0, s17  }
0xb: {  	[dreg:$0x6] =	wrdreg s9;
	s18 =	sor.u32 $0x10, s13;
	s14 =	sadd.s32 $0x280, s12  }
0xc: {  	s15 =	sadd.s32 s5, s18;
	[dreg:$0x7] =	wrdreg s14  }
0xd: {  	s20 =	sor.u32 $0x20, s13;
	s19 =	sadd.s32 $0x500, s12;
	[dreg:$0x8] =	wrdreg s15  }
0xe: {  	s17 =	sadd.s32 s5, s20;
	[dreg:$0xa] =	wrdreg s19  }
0xf: {  	s23 =	sor.u32 $0x30, s13;
	s22 =	sadd.s32 $0x780, s12;
	[dreg:$0xb] =	wrdreg s17  }
0x10: {  	s21 =	smul.u32 $0x13800, s16;
	s25 =	sadd.s32 s5, s23;
	[dreg:$0xd] =	wrdreg s22  }
0x11: {  	s7 =	smul.u32 $0x2710, s11;
	s28 =	sadd.s32 s6, s23;
	[dreg:$0xf] =	wrdreg s25  }
0x12: {  	s9 =	sshll.u32 s11, $0xF;
	s31 =	sadd.s32 $0xA00, s12;
	[dreg:$0x11] =	wrdreg s28  }
0x13: {  	s11 =	smul.u32 $0x500, s11;
	s12 =	sadd.s32 s6, s13;
	[dreg:$0x12] =	wrdreg s31  }
0x14: {  	s10 =	smul.u32 $0x138800, s10;
	s14 =	sadd.s32 s6, s18;
	[dreg:$0x14] =	wrdreg s12  }
0x15: {  	s26 =	smul.u32 $0x4E000, s16;
	s8 =	sadd.s32 s8, s11;
	[dreg:$0x9] =	wrdreg s14  }
0x16: {  	s24 =	sadd.s32 s21, s10;
	s11 =	sadd.s32 s5, s13;
	[dreg:$0xe] =	wrdreg s8  }
0x17: {  	s14 =	sadd.s32 s6, s20;
	s8 =	sshrl.u32 s24, $0x3;
	[dreg:$0x13] =	wrdreg s11  }
0x18: {  	[dreg:$0xc] =	wrdreg s14;
	s8 =	sadd.s32 s2, s8;
	s14 =	sor.u32 $0x40, s13  }
0x19: {  	s10 =	sshrl.u32 s10, $0x3;
	[dreg:$0x10] =	wrdreg s8;
	s15 =	sadd.s32 s5, s14  }
0x1a: {  	s2 =	sadd.s32 s2, s10;
	s10 =	sadd.s32 s6, s14;
	[dreg:$0x15] =	wrdreg s15  }
0x1b: {  	s8 =	sshrl.u32 s26, $0x2;
	s2 =	sadd.s32 $0x27000, s2;
	[dreg:$0x16] =	wrdreg s10  }
0x1c: {  	s29 =	simm.s32 $0x5800;
	s23 =	sadd.s32 s8, s3;
	[dreg:$0x18] =	wrdreg s2  }
0x1d: {  	p0 =	sne.s32 s16, $0xF;
	s16 =	sadd.s32 $0x1800, s23;
	[dreg:$0x17] =	wrdreg s23  }
0x1e: {  	s30 =	simm.s32 $0x200;
	s17 =	sadd.s32 $0x3000, s23;
	[dreg:$0x1a] =	wrdreg s16  }
0x1f: {  	s1 =	simm.s32 $0xB;
	s18 =	sadd.s32 $0x4800, s23;
	[dreg:$0x1b] =	wrdreg s17  }
0x20: {  	s12 =	simm.s32 $0x3;
	s19 =	sadd.s32 $0x6000, s23;
	[dreg:$0x1c] =	wrdreg s18  }
0x21: {  	s11 =	simm.s32 $0x2;
	s20 =	sadd.s32 $0x7800, s23;
	[dreg:$0x1d] =	wrdreg s19  }
0x22: {  	s13 =	simm.s32 $0x4;
	s21 =	sadd.s32 $0x9000, s23;
	[dreg:$0x1e] =	wrdreg s20  }
0x23: {  	s14 =	simm.s32 $0x6;
	s22 =	sadd.s32 $0xA800, s23;
	[dreg:$0x1f] =	wrdreg s21  }
0x24: {  	s2 =	simm.s32 $0x1;
	s24 =	sadd.s32 $0xC000, s23;
	[smem:$0x7F7] =	sst s22  }
0x25: {  	s8 =	simm.s32 $0x6C00;
	s25 =	sadd.s32 $0xD800, s23;
	[smem:$0x7F8] =	sst s24  }
0x26: {  	s10 =	simm.s32 $0x28;
	s26 =	sadd.s32 $0xF000, s23;
	[smem:$0x7F9] =	sst s25  }
.Ltmp0:
0x27: {  	s28 =	sadd.s32 $0x10800, s23;
	[smem:$0x7FA] =	sst s26;
	(pc) =	sbr.rel .LBB2_1-.Ltmp0, $4  }
0x28: {  	s15 =	simm.s32 $0x5;
	s31 =	sadd.s32 $0x12000, s23;
	[smem:$0x7FB] =	sst s28  }
0x29: {  	[smem:$0x7FC] =	sst s31;
	s24 =	sadd.s32 $0x138000, s3;
	s19 =	simm.s32 $0x400  }
0x2a: {  	s20 =	simm.s32 $0x1C00;
	s21 =	simm.s32 $0x80;
	s16 =	simm.s32 $0x7  }
0x2b: {  	v0 =	vimm.f32 $0.0e+00;
	s22 =	simm.s32 $0x0;
	s26 =	simm.s32 $0x0;
	[smem:$0x7FD] =	sst s24  }
.LBB2_18:
0x2c: {  	s17 =	simm.s32 $0x8  }
0x2d: {  	_ =	swait.ge [sflag:s17], $0x1400  }
0x2e: {  	[sflag:s17] =	ssyncset.done $0x0  }
0x2f: {  	s22 =	simm.s32 $0x9;
	[sflag:s17] =	ssyncadd.s32 $0xFFFFEC00  }
0x30: {  	_ =	swait.ge [sflag:s22], $0x1400  }
0x31: {  	[sflag:s22] =	ssyncset.done $0x0  }
0x32: {  	s23 =	simm.s32 $0xA;
	[sflag:s22] =	ssyncadd.s32 $0xFFFFEC00  }
0x33: {  	_ =	swait.ge [sflag:s23], $0x1400  }
0x34: {  	[sflag:s23] =	ssyncset.done $0x0  }
0x35: {  	s24 =	rddreg [dreg:$0xe];
	[sflag:s23] =	ssyncadd.s32 $0xFFFFEC00  }
0x36: {  	[hbm4b:s24+s4] =	stream.linear.scatter [tilespmem:s8], [sflag:$0xB], $0x2800, $0x38;
	[tilespmem:$0x1E480] =	vst v63  }
0x37: {  	_ =	swait.ge [sflag:s1], $0x2800  }
0x38: {  	[sflag:s1] =	ssyncset.done $0x0  }
0x39: {  	[sflag:s1] =	ssyncadd.s32 $0xFFFFD800  }
0x3a: {  	s25 =	stileid.u32;
	[bflag:$0x0] =	sbarrier.arrive $0xFFFF  }
0x3b: {  	s17 =	sshll.u32 s25, $0x6;
	s23 =	rddreg [dreg:$0x17]  }
0x3c: {  	s17 =	sor.u32 $0x1C0B, s17;
	s22 =	rddreg [dreg:$0x10];
	s18 =	sshrl.u32 s23, $0x3  }
0x3d: {  	[hbm:s22], [sflag:s17] =	dma.local [spmem:s18], $0x2700  }
0x3e: {  	_ =	swait.ge [sflag:s1], $0x2700  }
0x3f: {  	s24 =	sld [smem:$0x7FD];
	_ =	sdelay $0x1  }
0x40: {  	[sflag:s1] =	ssyncset.done $0x0  }
0x41: {  	s22 =	rddreg [dreg:$0x18];
	[sflag:s1] =	ssyncadd.s32 $0xFFFFD900;
	s18 =	sshrl.u32 @!p0 s24, $0x3  }
0x42: {  	[hbm:s22], [sflag:s17] =	dma.local @!p0 [spmem:s18], $0x100  }
0x43: {  	s17 =	simm.s32 @!p0 $0xB  }
0x44: {  	_ =	swait.ge @!p0 [sflag:s17], $0x100  }
0x45: {  	s28 =	sld [smem:$0x7F6];
	_ =	sdelay $0x2  }
0x46: {  	s31 =	rddreg [dreg:$0x19];
	s22 =	sadd.s32 $0x1, s28  }
0x47: {  	p1 =	sne.s32 s22, s31  }
.Ltmp1:
0x48: {  	_ = 	snop;
	(pc) =	sbr.rel @!p1 .LBB2_19-.Ltmp1, $3  }
0x49: {  	_ =	sdelay $0x1  }
0x4a: {  	[sflag:s17] =	ssyncset.done @!p0 $0x0  }
0x4b: {  	[sflag:s17] =	ssyncadd.s32 @!p0 $0xFFFFFF00  }
.LBB2_1:
0x4c: {  	s17 =	rddreg [dreg:$0x6];
	s18 =	simm.s32 $0x800  }
0x4d: {  	[tilespmem:s18], [sflag:$0x1] =	stream.linear.gather [hbm4b:s17+s4], $0x1400, $0x38;
	[tilespmem:$0x1E480] =	vst v63  }
0x4e: {  	s28 =	rddreg [dreg:$0x13]  }
0x4f: {  	[tilespmem:s4], [sflag:$0x1] =	stream.linear.gather [hbm4b:s28+s4], $0x80, $0x38;
	[tilespmem:$0x1E480] =	vst v63  }
0x50: {  	s31 =	rddreg [dreg:$0x14]  }
0x51: {  	[tilespmem:s19], [sflag:$0x1] =	stream.linear.gather [hbm4b:s31+s4], $0x80, $0x38;
	[tilespmem:$0x1E480] =	vst v63  }
0x52: {  	s18 =	rddreg [dreg:$0x7]  }
0x53: {  	[tilespmem:s20], [sflag:$0x2] =	stream.linear.gather [hbm4b:s18+s4], $0x1400, $0x38;
	[tilespmem:$0x1E480] =	vst v63  }
0x54: {  	s25 =	rddreg [dreg:$0x8]  }
0x55: {  	[tilespmem:s21], [sflag:$0x2] =	stream.linear.gather [hbm4b:s25+s4], $0x80, $0x38;
	[tilespmem:$0x1E480] =	vst v63  }
0x56: {  	s28 =	rddreg [dreg:$0x9];
	s31 =	simm.s32 $0x480  }
0x57: {  	[tilespmem:s31], [sflag:$0x2] =	stream.linear.gather [hbm4b:s28+s4], $0x80, $0x38;
	[tilespmem:$0x1E480] =	vst v63  }
0x58: {  	s18 =	rddreg [dreg:$0xa];
	s25 =	simm.s32 $0x3000  }
0x59: {  	[tilespmem:s25], [sflag:$0x3] =	stream.linear.gather [hbm4b:s18+s4], $0x1400, $0x38;
	[tilespmem:$0x1E480] =	vst v63  }
0x5a: {  	s28 =	rddreg [dreg:$0xb];
	s31 =	simm.s32 $0x100  }
0x5b: {  	[tilespmem:s31], [sflag:$0x3] =	stream.linear.gather [hbm4b:s28+s4], $0x80, $0x38;
	[tilespmem:$0x1E480] =	vst v63  }
0x5c: {  	s18 =	rddreg [dreg:$0xc];
	s25 =	simm.s32 $0x500  }
0x5d: {  	[tilespmem:s25], [sflag:$0x3] =	stream.linear.gather [hbm4b:s18+s4], $0x80, $0x38;
	[tilespmem:$0x1E480] =	vst v63  }
0x5e: {  	s28 =	rddreg [dreg:$0xd];
	s31 =	simm.s32 $0x4400  }
0x5f: {  	[tilespmem:s31], [sflag:$0x4] =	stream.linear.gather [hbm4b:s28+s4], $0x1400, $0x38;
	[tilespmem:$0x1E480] =	vst v63  }
0x60: {  	s18 =	rddreg [dreg:$0xf];
	s25 =	simm.s32 $0x180  }
0x61: {  	[tilespmem:s25], [sflag:$0x4] =	stream.linear.gather [hbm4b:s18+s4], $0x80, $0x38;
	[tilespmem:$0x1E480] =	vst v63  }
0x62: {  	s28 =	rddreg [dreg:$0x11];
	s31 =	simm.s32 $0x580  }
0x63: {  	[tilespmem:s31], [sflag:$0x4] =	stream.linear.gather [hbm4b:s28+s4], $0x80, $0x38;
	[tilespmem:$0x1E480] =	vst v63  }
0x64: {  	s18 =	rddreg [dreg:$0x12]  }
0x65: {  	[tilespmem:s29], [sflag:$0x5] =	stream.linear.gather [hbm4b:s18+s4], $0x1400, $0x38;
	[tilespmem:$0x1E480] =	vst v63  }
0x66: {  	s17 =	simm.s32 $0x0;
	s25 =	rddreg [dreg:$0x15]  }
0x67: {  	[tilespmem:s30], [sflag:$0x5] =	stream.linear.gather [hbm4b:s25+s4], $0x80, $0x38;
	[tilespmem:$0x1E480] =	vst v63  }
0x68: {  	s28 =	rddreg [dreg:$0x16];
	s31 =	simm.s32 $0x600;
	s18 =	simm.s32 $0x200  }
0x69: {  	[tilespmem:s31], [sflag:$0x5] =	stream.linear.gather [hbm4b:s28+s4], $0x80, $0x38;
	[tilespmem:$0x1E480] =	vst v63  }
.LBB2_2:
0x6a: {  	p1 =	sne.s32 s18, $0x5E00;
	[tilespmem:s17+$0x9470] =	vst v0  }
0x6b: {  	[tilespmem:s17+$0x9400] =	vst v0  }
0x6c: {  	[tilespmem:s17+$0x9410] =	vst v0  }
.Ltmp2:
0x6d: {  	[tilespmem:s17+$0x9420] =	vst v0;
	(pc) =	sbr.rel @p1 .LBB2_2-.Ltmp2, $4  }
0x6e: {  	[tilespmem:s17+$0x9430] =	vst v0  }
0x6f: {  	[tilespmem:s17+$0x9440] =	vst v0  }
0x70: {  	[tilespmem:s17+$0x9450] =	vst v0  }
0x71: {  	[tilespmem:s17+$0x9460] =	vst v0;
	s17 =	sshra.s32 s18, $0x2;
	s18 =	sadd.s32 $0x200, s18  }
0x72: {  	[tilespmem:s17+$0x9470] =	vst v0  }
0x73: {  	[tilespmem:s17+$0x9400] =	vst v0  }
0x74: {  	[tilespmem:s17+$0x9410] =	vst v0  }
0x75: {  	[tilespmem:s17+$0x9420] =	vst v0  }
0x76: {  	[tilespmem:s17+$0x9430] =	vst v0  }
0x77: {  	[tilespmem:s17+$0x9440] =	vst v0  }
0x78: {  	[tilespmem:s17+$0x9450] =	vst v0  }
0x79: {  	[smem:$0x7F6] =	sst s22;
	[tilespmem:s17+$0x9460] =	vst v0;
	s17 =	simm.s32 $0x0;
	s18 =	simm.s32 $0x200  }
.LBB2_4:
0x7a: {  	p1 =	sne.s32 s18, $0x9E00;
	[tilespmem:s17+$0x6C70] =	vst v0  }
0x7b: {  	[tilespmem:s17+$0x6C00] =	vst v0  }
0x7c: {  	[tilespmem:s17+$0x6C10] =	vst v0  }
.Ltmp3:
0x7d: {  	[tilespmem:s17+$0x6C20] =	vst v0;
	(pc) =	sbr.rel @p1 .LBB2_4-.Ltmp3, $4  }
0x7e: {  	[tilespmem:s17+$0x6C30] =	vst v0  }
0x7f: {  	[tilespmem:s17+$0x6C40] =	vst v0  }
0x80: {  	[tilespmem:s17+$0x6C50] =	vst v0  }
0x81: {  	[tilespmem:s17+$0x6C60] =	vst v0;
	s17 =	sshra.s32 s18, $0x2;
	s18 =	sadd.s32 $0x200, s18  }
0x82: {  	[tilespmem:s17+$0x6C70] =	vst v0  }
0x83: {  	[tilespmem:s17+$0x6C00] =	vst v0  }
0x84: {  	[tilespmem:s17+$0x6C10] =	vst v0  }
0x85: {  	[tilespmem:s17+$0x6C20] =	vst v0  }
0x86: {  	[tilespmem:s17+$0x6C30] =	vst v0  }
0x87: {  	[tilespmem:s17+$0x6C40] =	vst v0  }
0x88: {  	[tilespmem:s17+$0x6C50] =	vst v0  }
0x89: {  	[tilespmem:s17+$0x6C60] =	vst v0;
	s18 =	simm.s32 $0x9400  }
0x8a: {  	[spmem:s23] =	stream.linear.scatter [tilespmem:s18], [sflag:$0xB], $0x1800, $0x38;
	[tilespmem:$0x1E480] =	vst v63  }
0x8b: {  	_ =	swait.ge [sflag:s1], $0x1800  }
0x8c: {  	[sflag:s1] =	ssyncset.done $0x0  }
0x8d: {  	s22 =	rddreg [dreg:$0x1a];
	[sflag:s1] =	ssyncadd.s32 $0xFFFFE800  }
0x8e: {  	[spmem:s22] =	stream.linear.scatter [tilespmem:s18], [sflag:$0xB], $0x1800, $0x38;
	[tilespmem:$0x1E480] =	vst v63  }
0x8f: {  	_ =	swait.ge [sflag:s1], $0x1800  }
0x90: {  	[sflag:s1] =	ssyncset.done $0x0  }
0x91: {  	s23 =	rddreg [dreg:$0x1b];
	[sflag:s1] =	ssyncadd.s32 $0xFFFFE800  }
0x92: {  	[spmem:s23] =	stream.linear.scatter [tilespmem:s18], [sflag:$0xB], $0x1800, $0x38;
	[tilespmem:$0x1E480] =	vst v63  }
0x93: {  	_ =	swait.ge [sflag:s1], $0x1800  }
0x94: {  	[sflag:s1] =	ssyncset.done $0x0  }
0x95: {  	s25 =	rddreg [dreg:$0x1c];
	[sflag:s1] =	ssyncadd.s32 $0xFFFFE800  }
0x96: {  	[spmem:s25] =	stream.linear.scatter [tilespmem:s18], [sflag:$0xB], $0x1800, $0x38;
	[tilespmem:$0x1E480] =	vst v63  }
0x97: {  	_ =	swait.ge [sflag:s1], $0x1800  }
0x98: {  	[sflag:s1] =	ssyncset.done $0x0  }
0x99: {  	s28 =	rddreg [dreg:$0x1d];
	[sflag:s1] =	ssyncadd.s32 $0xFFFFE800  }
0x9a: {  	[spmem:s28] =	stream.linear.scatter [tilespmem:s18], [sflag:$0xB], $0x1800, $0x38;
	[tilespmem:$0x1E480] =	vst v63  }
0x9b: {  	_ =	swait.ge [sflag:s1], $0x1800  }
0x9c: {  	[sflag:s1] =	ssyncset.done $0x0  }
0x9d: {  	s22 =	rddreg [dreg:$0x1e];
	[sflag:s1] =	ssyncadd.s32 $0xFFFFE800  }
0x9e: {  	[spmem:s22] =	stream.linear.scatter [tilespmem:s18], [sflag:$0xB], $0x1800, $0x38;
	[tilespmem:$0x1E480] =	vst v63  }
0x9f: {  	_ =	swait.ge [sflag:s1], $0x1800  }
0xa0: {  	[sflag:s1] =	ssyncset.done $0x0  }
0xa1: {  	s23 =	rddreg [dreg:$0x1f];
	[sflag:s1] =	ssyncadd.s32 $0xFFFFE800  }
0xa2: {  	[spmem:s23] =	stream.linear.scatter [tilespmem:s18], [sflag:$0xB], $0x1800, $0x38;
	[tilespmem:$0x1E480] =	vst v63  }
0xa3: {  	_ =	swait.ge [sflag:s1], $0x1800  }
0xa4: {  	s25 =	sld [smem:$0x7F7]  }
0xa5: {  	[sflag:s1] =	ssyncset.done $0x0  }
0xa6: {  	[sflag:s1] =	ssyncadd.s32 $0xFFFFE800  }
0xa7: {  	[spmem:s25] =	stream.linear.scatter [tilespmem:s18], [sflag:$0xB], $0x1800, $0x38;
	[tilespmem:$0x1E480] =	vst v63  }
0xa8: {  	_ =	swait.ge [sflag:s1], $0x1800  }
0xa9: {  	s28 =	sld [smem:$0x7F8]  }
0xaa: {  	[sflag:s1] =	ssyncset.done $0x0  }
0xab: {  	[sflag:s1] =	ssyncadd.s32 $0xFFFFE800  }
0xac: {  	[spmem:s28] =	stream.linear.scatter [tilespmem:s18], [sflag:$0xB], $0x1800, $0x38;
	[tilespmem:$0x1E480] =	vst v63  }
0xad: {  	_ =	swait.ge [sflag:s1], $0x1800  }
0xae: {  	s22 =	sld [smem:$0x7F9]  }
0xaf: {  	[sflag:s1] =	ssyncset.done $0x0  }
0xb0: {  	[sflag:s1] =	ssyncadd.s32 $0xFFFFE800  }
0xb1: {  	[spmem:s22] =	stream.linear.scatter [tilespmem:s18], [sflag:$0xB], $0x1800, $0x38;
	[tilespmem:$0x1E480] =	vst v63  }
0xb2: {  	_ =	swait.ge [sflag:s1], $0x1800  }
0xb3: {  	s23 =	sld [smem:$0x7FA]  }
0xb4: {  	[sflag:s1] =	ssyncset.done $0x0  }
0xb5: {  	[sflag:s1] =	ssyncadd.s32 $0xFFFFE800  }
0xb6: {  	[spmem:s23] =	stream.linear.scatter [tilespmem:s18], [sflag:$0xB], $0x1800, $0x38;
	[tilespmem:$0x1E480] =	vst v63  }
0xb7: {  	_ =	swait.ge [sflag:s1], $0x1800  }
0xb8: {  	s25 =	sld [smem:$0x7FB]  }
0xb9: {  	[sflag:s1] =	ssyncset.done $0x0  }
0xba: {  	[sflag:s1] =	ssyncadd.s32 $0xFFFFE800  }
0xbb: {  	[spmem:s25] =	stream.linear.scatter [tilespmem:s18], [sflag:$0xB], $0x1800, $0x38;
	[tilespmem:$0x1E480] =	vst v63  }
0xbc: {  	_ =	swait.ge [sflag:s1], $0x1800  }
0xbd: {  	s28 =	sld [smem:$0x7FC]  }
0xbe: {  	[sflag:s1] =	ssyncset.done $0x0  }
0xbf: {  	[sflag:s1] =	ssyncadd.s32 $0xFFFFE800  }
0xc0: {  	[spmem:s28] =	stream.linear.scatter [tilespmem:s18], [sflag:$0xB], $0x1800, $0x38;
	[tilespmem:$0x1E480] =	vst v63  }
0xc1: {  	_ =	swait.ge [sflag:s1], $0x1800  }
0xc2: {  	[sflag:s1] =	ssyncset.done $0x0  }
0xc3: {  	s17 =	simm.s32 @!p0 $0x9400;
	[sflag:s1] =	ssyncadd.s32 $0xFFFFE800  }
0xc4: {  	[spmem:s24] =	stream.linear.scatter @!p0 [tilespmem:s17], [sflag:$0xB], $0x800, $0x38;
	[tilespmem:$0x1E480] =	vst v63  }
0xc5: {  	s17 =	simm.s32 @!p0 $0xB  }
0xc6: {  	_ =	swait.ge @!p0 [sflag:s17], $0x800  }
0xc7: {  	[sflag:s17] =	ssyncset.done @!p0 $0x0  }
0xc8: {  	[sflag:s17] =	ssyncadd.s32 @!p0 $0xFFFFF800  }
0xc9: {  	s31 =	simm.s32 $0x0;
	[bflag:$0x0] =	sbarrier.arrive $0xFFFF  }
.LBB2_6:
0xca: {  	_ =	swait.ge [sflag:s2], $0x1400  }
0xcb: {  	v1 =	vmov s26;
	[sflag:s2] =	ssyncset.done $0x0  }
0xcc: {  	v1 =	vand.u32 $0xFFFFFFFC, v1;
	[sflag:s2] =	ssyncadd.s32 $0xFFFFEC00  }
0xcd: {  	v1 =	vbroadcast v1, $0x0;
	_ =	swait.ge [sflag:s2], $0x80  }
0xce: {  	[sflag:s2] =	ssyncset.done $0x0  }
0xcf: {  	[sflag:s2] =	ssyncadd.s32 $0xFFFFFF80  }
0xd0: {  	_ =	swait.ge [sflag:s2], $0x80  }
0xd1: {  	[sflag:s2] =	ssyncset.done $0x0  }
0xd2: {  	[sflag:s2] =	ssyncadd.s32 $0xFFFFFF80  }
0xd3: {  	v2 =	vld.idx.msk [tilespmem:v1+s19+$0x0], $0xffff;
	_ =	sdelay $0x4  }
0xd4: {  	v2 =	vmul.f32 $1.442695020e+00, v2;
	_ =	sdelay $0x1  }
0xd5: {  	(erf) = vpow2.f32 v2;
	_ =	sdelay $0x1  }
0xd6: {  	v1 =	vld.idx.msk [tilespmem:v1+s4+$0x0], $0xffff;
	_ =	sdelay $0x6  }
0xd7: {  	v2 =	vpop (erf)  }
0xd8: {  	s17 =	simm.s32 $0x900;
	[tilespmem:v1+s8+$0x0] =	vst.idx.add.f32.msk $0x1, v2  }
0xd9: {  	v1 =	vld [tilespmem:s17+$0xFFFFFF70]  }
0xda: {  	v3 =	vld [tilespmem:s17+$0xFFFFFF50]  }
0xdb: {  	v4 =	vld [tilespmem:s17+$0xFFFFFF40]  }
0xdc: {  	v5 =	vld [tilespmem:s17+$0xFFFFFF30]  }
0xdd: {  	v6 =	vld [tilespmem:s17+$0xFFFFFF20]  }
0xde: {  	v7 =	vld [tilespmem:s17+$0xFFFFFF10];
	v1 =	vmul.f32 v1, v2  }
0xdf: {  	s18 =	simm.s32 $0x1;
	v8 =	vld [tilespmem:s17+$0xFFFFFF00];
	v3 =	vmul.f32 v3, v2  }
0xe0: {  	v9 =	vld [tilespmem:s17+$0xFFFFFF60];
	v4 =	vmul.f32 v4, v2;
	[tilespmem:s17+$0xFFFFFF70] =	vst v1;
	v1 =	vmov s18  }
0xe1: {  	v5 =	vmul.f32 v5, v2;
	[tilespmem:s17+$0xFFFFFF50] =	vst v3;
	v1 =	vand.u32 $0xFFFFFFFD, v1  }
0xe2: {  	v3 =	vmul.f32 v6, v2;
	[tilespmem:s17+$0xFFFFFF40] =	vst v4;
	v1 =	vbroadcast v1, $0x0  }
0xe3: {  	v4 =	vmul.f32 v7, v2;
	[tilespmem:s17+$0xFFFFFF30] =	vst v5  }
0xe4: {  	v5 =	vmul.f32 v8, v2;
	[tilespmem:s17+$0xFFFFFF20] =	vst v3  }
0xe5: {  	v2 =	vmul.f32 v9, v2;
	[tilespmem:s17+$0xFFFFFF10] =	vst v4  }
0xe6: {  	[tilespmem:s17+$0xFFFFFF00] =	vst v5  }
0xe7: {  	[tilespmem:s17+$0xFFFFFF60] =	vst v2  }
0xe8: {  	v2 =	vld.idx.msk [tilespmem:v1+s19+$0x0], $0xffff;
	_ =	sdelay $0x4  }
0xe9: {  	v2 =	vmul.f32 $1.442695020e+00, v2;
	_ =	sdelay $0x1  }
0xea: {  	(erf) = vpow2.f32 v2;
	_ =	sdelay $0x1  }
0xeb: {  	v1 =	vld.idx.msk [tilespmem:v1+s4+$0x0], $0xffff;
	_ =	sdelay $0x6  }
0xec: {  	v2 =	vpop (erf)  }
0xed: {  	[tilespmem:v1+s8+$0x0] =	vst.idx.add.f32.msk $0x1, v2  }
0xee: {  	v1 =	vld [tilespmem:s17+$0xFFFFFFE0]  }
0xef: {  	v3 =	vld [tilespmem:s17+$0xFFFFFFF0]  }
0xf0: {  	v4 =	vld [tilespmem:s17+$0xFFFFFFD0]  }
0xf1: {  	v5 =	vld [tilespmem:s17+$0xFFFFFFC0]  }
0xf2: {  	v6 =	vld [tilespmem:s17+$0xFFFFFFA0]  }
0xf3: {  	v7 =	vld [tilespmem:s17+$0xFFFFFF90];
	v1 =	vmul.f32 v1, v2  }
0xf4: {  	s28 =	simm.s32 $0x2;
	v60 =	vld [tilespmem:s17+$0xFFFFFF80];
	v3 =	vmul.f32 v3, v2  }
0xf5: {  	v61 =	vld [tilespmem:s17+$0xFFFFFFB0];
	v4 =	vmul.f32 v4, v2;
	[tilespmem:s17+$0xFFFFFFE0] =	vst v1;
	v1 =	vmov s28  }
0xf6: {  	v5 =	vmul.f32 v5, v2;
	[tilespmem:s17+$0xFFFFFFF0] =	vst v3;
	v1 =	vand.u32 $0xFFFFFFFE, v1  }
0xf7: {  	v3 =	vmul.f32 v6, v2;
	[tilespmem:s17+$0xFFFFFFD0] =	vst v4;
	v1 =	vbroadcast v1, $0x0  }
0xf8: {  	v4 =	vmul.f32 v7, v2;
	[tilespmem:s17+$0xFFFFFFC0] =	vst v5  }
0xf9: {  	v5 =	vmul.f32 v60, v2;
	[tilespmem:s17+$0xFFFFFFA0] =	vst v3  }
0xfa: {  	v2 =	vmul.f32 v61, v2;
	[tilespmem:s17+$0xFFFFFF90] =	vst v4  }
0xfb: {  	[tilespmem:s17+$0xFFFFFF80] =	vst v5  }
0xfc: {  	[tilespmem:s17+$0xFFFFFFB0] =	vst v2  }
0xfd: {  	v2 =	vld.idx.msk [tilespmem:v1+s19+$0x0], $0xffff;
	_ =	sdelay $0x4  }
0xfe: {  	v2 =	vmul.f32 $1.442695020e+00, v2;
	_ =	sdelay $0x1  }
0xff: {  	(erf) = vpow2.f32 v2;
	_ =	sdelay $0x1  }
0x100: {  	v1 =	vld.idx.msk [tilespmem:v1+s4+$0x0], $0xffff;
	_ =	sdelay $0x6  }
0x101: {  	v3 =	vpop (erf)  }
0x102: {  	[tilespmem:v1+s8+$0x0] =	vst.idx.add.f32.msk $0x1, v3  }
0x103: {  	v1 =	vld [tilespmem:s17+$0x50]  }
0x104: {  	v2 =	vld [tilespmem:s17+$0x20]  }
0x105: {  	v4 =	vld [tilespmem:s17+$0x30]  }
0x106: {  	v5 =	vld [tilespmem:s17+$0x0]  }
0x107: {  	v6 =	vld [tilespmem:s17+$0x10]  }
0x108: {  	v7 =	vld [tilespmem:s17+$0x60]  }
0x109: {  	v62 =	vld [tilespmem:s17+$0x70];
	v1 =	vmul.f32 v1, v3  }
0x10a: {  	v63 =	vld [tilespmem:s17+$0x40];
	v2 =	vmul.f32 v2, v3  }
0x10b: {  	[tilespmem:s17+$0x50] =	vst v1;
	v1 =	vmul.f32 v4, v3  }
0x10c: {  	v4 =	vmul.f32 v6, v3;
	[tilespmem:s17+$0x20] =	vst v2  }
0x10d: {  	v6 =	vmul.f32 v7, v3;
	[tilespmem:s17+$0x30] =	vst v1  }
0x10e: {  	s22 =	simm.s32 $0x3;
	v1 =	vmul.f32 v5, v3;
	[tilespmem:s17+$0x10] =	vst v4  }
0x10f: {  	s18 =	simm.s32 $0x4;
	v2 =	vmov s22;
	s22 =	simm.s32 $0x900;
	v4 =	vmul.f32 v62, v3;
	v3 =	vmul.f32 v63, v3;
	[tilespmem:s17+$0x60] =	vst v6  }
.LBB2_7:
0x110: {  	p1 =	slt.u32 s18, $0x24  }
0x111: {  	[tilespmem:s17+$0x70] =	vst v4;
	s22 =	sadd.s32 $0x200, s22;
	s23 =	smov.u32 s18;
	s18 =	sadd.s32 $0x4, s18  }
0x112: {  	[tilespmem:s17+$0x40] =	vst v3  }
0x113: {  	[tilespmem:s17+$0x0] =	vst v1  }
0x114: {  	v1 =	vld.idx.msk [tilespmem:v2+s19+$0x0], $0xffff  }
0x115: {  	v2 =	vld.idx.msk [tilespmem:v2+s4+$0x0], $0xffff;
	_ =	sdelay $0x4  }
0x116: {  	v1 =	vmul.f32 $1.442695020e+00, v1;
	_ =	sdelay $0x1  }
0x117: {  	(erf) = vpow2.f32 v1;
	_ =	sdelay $0x8  }
0x118: {  	v1 =	vpop (erf)  }
0x119: {  	[tilespmem:v2+s8+$0x0] =	vst.idx.add.f32.msk $0x1, v1  }
0x11a: {  	v2 =	vld [tilespmem:s17+$0x80]  }
0x11b: {  	v3 =	vmov s23;
	v4 =	vld [tilespmem:s17+$0x90]  }
0x11c: {  	v3 =	vand.u32 $0xFFFFFFFC, v3;
	v5 =	vld [tilespmem:s17+$0xA0]  }
0x11d: {  	v3 =	vbroadcast v3, $0x0;
	v6 =	vld [tilespmem:s17+$0xB0]  }
0x11e: {  	v7 =	vld [tilespmem:s17+$0xC0]  }
0x11f: {  	v2 =	vmul.f32 v2, v1;
	v8 =	vld [tilespmem:s17+$0xD0]  }
0x120: {  	v4 =	vmul.f32 v4, v1;
	v9 =	vld [tilespmem:s17+$0xE0]  }
0x121: {  	[tilespmem:s17+$0x80] =	vst v2;
	v2 =	vmul.f32 v5, v1;
	v5 =	vld [tilespmem:s17+$0xF0]  }
0x122: {  	[tilespmem:s17+$0x90] =	vst v4;
	v4 =	vmul.f32 v6, v1  }
0x123: {  	[tilespmem:s17+$0xA0] =	vst v2;
	v2 =	vmul.f32 v7, v1  }
0x124: {  	[tilespmem:s17+$0xB0] =	vst v4;
	v4 =	vmul.f32 v8, v1  }
0x125: {  	[tilespmem:s17+$0xC0] =	vst v2;
	v2 =	vmul.f32 v9, v1  }
0x126: {  	[tilespmem:s17+$0xD0] =	vst v4;
	v1 =	vmul.f32 v5, v1  }
0x127: {  	[tilespmem:s17+$0xE0] =	vst v2  }
0x128: {  	[tilespmem:s17+$0xF0] =	vst v1;
	s17 =	smov.u32 s22;
	_ =	sdelay $0x1  }
0x129: {  	v1 =	vld.idx.msk [tilespmem:v3+s19+$0x0], $0xffff;
	_ =	sdelay $0x2  }
0x12a: {  	v2 =	vld.idx.msk [tilespmem:v3+s4+$0x0], $0xffff;
	_ =	sdelay $0x2  }
0x12b: {  	v1 =	vmul.f32 $1.442695020e+00, v1;
	_ =	sdelay $0x1  }
0x12c: {  	(erf) = vpow2.f32 v1;
	_ =	sdelay $0x8  }
0x12d: {  	v1 =	vpop (erf)  }
0x12e: {  	[tilespmem:v2+s8+$0x0] =	vst.idx.add.f32.msk $0x1, v1  }
0x12f: {  	v2 =	vld [tilespmem:s22+$0xFFFFFF70]  }
0x130: {  	v3 =	vld [tilespmem:s22+$0xFFFFFF50]  }
0x131: {  	v4 =	vld [tilespmem:s22+$0xFFFFFF40]  }
0x132: {  	v5 =	vld [tilespmem:s22+$0xFFFFFF30]  }
0x133: {  	v6 =	vld [tilespmem:s22+$0xFFFFFF20]  }
0x134: {  	v7 =	vld [tilespmem:s22+$0xFFFFFF10];
	v2 =	vmul.f32 v2, v1  }
0x135: {  	s24 =	sadd.s32 $0x1, s23;
	v8 =	vld [tilespmem:s22+$0xFFFFFF00];
	v3 =	vmul.f32 v3, v1  }
0x136: {  	v4 =	vmul.f32 v4, v1;
	v9 =	vld [tilespmem:s22+$0xFFFFFF60];
	[tilespmem:s22+$0xFFFFFF70] =	vst v2;
	v2 =	vmov s24  }
0x137: {  	v5 =	vmul.f32 v5, v1;
	[tilespmem:s22+$0xFFFFFF50] =	vst v3;
	v2 =	vand.u32 $0xFFFFFFFD, v2  }
0x138: {  	v3 =	vmul.f32 v6, v1;
	[tilespmem:s22+$0xFFFFFF40] =	vst v4;
	v2 =	vbroadcast v2, $0x0  }
0x139: {  	v4 =	vmul.f32 v7, v1;
	[tilespmem:s22+$0xFFFFFF30] =	vst v5  }
0x13a: {  	v5 =	vmul.f32 v8, v1;
	[tilespmem:s22+$0xFFFFFF20] =	vst v3  }
0x13b: {  	[tilespmem:s22+$0xFFFFFF10] =	vst v4;
	v1 =	vmul.f32 v9, v1  }
0x13c: {  	[tilespmem:s22+$0xFFFFFF00] =	vst v5  }
0x13d: {  	[tilespmem:s22+$0xFFFFFF60] =	vst v1  }
0x13e: {  	v1 =	vld.idx.msk [tilespmem:v2+s19+$0x0], $0xffff  }
0x13f: {  	v2 =	vld.idx.msk [tilespmem:v2+s4+$0x0], $0xffff;
	_ =	sdelay $0x4  }
0x140: {  	v1 =	vmul.f32 $1.442695020e+00, v1;
	_ =	sdelay $0x1  }
0x141: {  	(erf) = vpow2.f32 v1;
	_ =	sdelay $0x8  }
0x142: {  	v1 =	vpop (erf)  }
0x143: {  	[tilespmem:v2+s8+$0x0] =	vst.idx.add.f32.msk $0x1, v1  }
0x144: {  	v2 =	vld [tilespmem:s22+$0xFFFFFFE0]  }
0x145: {  	v3 =	vld [tilespmem:s22+$0xFFFFFFF0]  }
0x146: {  	v4 =	vld [tilespmem:s22+$0xFFFFFFD0]  }
0x147: {  	v5 =	vld [tilespmem:s22+$0xFFFFFFC0]  }
0x148: {  	v6 =	vld [tilespmem:s22+$0xFFFFFFA0]  }
0x149: {  	v7 =	vld [tilespmem:s22+$0xFFFFFF90];
	v2 =	vmul.f32 v2, v1  }
0x14a: {  	s24 =	sadd.s32 $0x2, s23;
	v8 =	vld [tilespmem:s22+$0xFFFFFF80];
	v3 =	vmul.f32 v3, v1  }
0x14b: {  	v9 =	vld [tilespmem:s22+$0xFFFFFFB0];
	v4 =	vmul.f32 v4, v1;
	[tilespmem:s22+$0xFFFFFFE0] =	vst v2;
	v2 =	vmov s24  }
0x14c: {  	v5 =	vmul.f32 v5, v1;
	[tilespmem:s22+$0xFFFFFFF0] =	vst v3;
	v2 =	vand.u32 $0xFFFFFFFE, v2  }
0x14d: {  	v3 =	vmul.f32 v6, v1;
	[tilespmem:s22+$0xFFFFFFD0] =	vst v4;
	v2 =	vbroadcast v2, $0x0  }
0x14e: {  	v4 =	vmul.f32 v7, v1;
	[tilespmem:s22+$0xFFFFFFC0] =	vst v5  }
0x14f: {  	v5 =	vmul.f32 v8, v1;
	[tilespmem:s22+$0xFFFFFFA0] =	vst v3  }
0x150: {  	[tilespmem:s22+$0xFFFFFF90] =	vst v4;
	v1 =	vmul.f32 v9, v1  }
0x151: {  	[tilespmem:s22+$0xFFFFFF80] =	vst v5  }
0x152: {  	[tilespmem:s22+$0xFFFFFFB0] =	vst v1  }
0x153: {  	v1 =	vld.idx.msk [tilespmem:v2+s19+$0x0], $0xffff  }
0x154: {  	v2 =	vld.idx.msk [tilespmem:v2+s4+$0x0], $0xffff;
	_ =	sdelay $0x4  }
0x155: {  	v1 =	vmul.f32 $1.442695020e+00, v1;
	_ =	sdelay $0x1  }
0x156: {  	(erf) = vpow2.f32 v1;
	_ =	sdelay $0x8  }
0x157: {  	v3 =	vpop (erf)  }
0x158: {  	[tilespmem:v2+s8+$0x0] =	vst.idx.add.f32.msk $0x1, v3  }
0x159: {  	v1 =	vld [tilespmem:s22+$0x50]  }
0x15a: {  	v2 =	vld [tilespmem:s22+$0x20]  }
0x15b: {  	v4 =	vld [tilespmem:s22+$0x30]  }
0x15c: {  	v5 =	vld [tilespmem:s22+$0x0]  }
0x15d: {  	v6 =	vld [tilespmem:s22+$0x10]  }
0x15e: {  	v1 =	vmul.f32 v1, v3;
	v7 =	vld [tilespmem:s22+$0x60]  }
0x15f: {  	v8 =	vld [tilespmem:s22+$0x70]  }
0x160: {  	v2 =	vmul.f32 v2, v3;
	v9 =	vld [tilespmem:s22+$0x40];
	[tilespmem:s22+$0x50] =	vst v1  }
.Ltmp4:
0x161: {  	v4 =	vmul.f32 v4, v3;
	v1 =	vmul.f32 v5, v3;
	(pc) =	sbr.rel @p1 .LBB2_7-.Ltmp4, $4  }
0x162: {  	v5 =	vmul.f32 v6, v3;
	[tilespmem:s22+$0x20] =	vst v2  }
0x163: {  	s23 =	sadd.s32 $0x3, s23;
	[tilespmem:s22+$0x30] =	vst v4;
	v6 =	vmul.f32 v7, v3  }
0x164: {  	v2 =	vmov s23;
	[tilespmem:s22+$0x10] =	vst v5;
	v4 =	vmul.f32 v8, v3  }
0x165: {  	v3 =	vmul.f32 v9, v3;
	[tilespmem:s22+$0x60] =	vst v6  }
0x166: {  	_ = 	snop  }
0x167: {  	[tilespmem:s17+$0x70] =	vst v4  }
0x168: {  	[tilespmem:s17+$0x0] =	vst v1  }
0x169: {  	[tilespmem:s17+$0x40] =	vst v3  }
0x16a: {  	v1 =	vld.idx.msk [tilespmem:v2+s19+$0x0], $0xffff;
	_ =	sdelay $0x4  }
0x16b: {  	v1 =	vmul.f32 $1.442695020e+00, v1;
	_ =	sdelay $0x1  }
0x16c: {  	(erf) = vpow2.f32 v1;
	_ =	sdelay $0x1  }
0x16d: {  	v1 =	vld.idx.msk [tilespmem:v2+s4+$0x0], $0xffff;
	_ =	sdelay $0x6  }
0x16e: {  	v2 =	vpop (erf)  }
0x16f: {  	[tilespmem:v1+s8+$0x0] =	vst.idx.add.f32.msk $0x1, v2  }
0x170: {  	v1 =	vld [tilespmem:s17+$0x80]  }
0x171: {  	v3 =	vld [tilespmem:s17+$0x90]  }
0x172: {  	v4 =	vld [tilespmem:s17+$0xA0]  }
0x173: {  	v5 =	vld [tilespmem:s17+$0xB0]  }
0x174: {  	v6 =	vld [tilespmem:s17+$0xC0]  }
0x175: {  	v7 =	vld [tilespmem:s17+$0xD0];
	v1 =	vmul.f32 v1, v2  }
0x176: {  	v8 =	vld [tilespmem:s17+$0xE0];
	v3 =	vmul.f32 v3, v2  }
0x177: {  	[tilespmem:s17+$0x80] =	vst v1;
	v1 =	vmul.f32 v4, v2;
	v4 =	vld [tilespmem:s17+$0xF0]  }
0x178: {  	[tilespmem:s17+$0x90] =	vst v3;
	v3 =	vmul.f32 v5, v2  }
0x179: {  	[tilespmem:s17+$0xA0] =	vst v1;
	v1 =	vmul.f32 v6, v2  }
0x17a: {  	[tilespmem:s17+$0xB0] =	vst v3;
	v3 =	vmul.f32 v7, v2  }
0x17b: {  	[tilespmem:s17+$0xC0] =	vst v1;
	v1 =	vmul.f32 v8, v2  }
0x17c: {  	[tilespmem:s17+$0xD0] =	vst v3;
	v2 =	vmul.f32 v4, v2  }
0x17d: {  	[tilespmem:s17+$0xE0] =	vst v1  }
0x17e: {  	s18 =	simm.s32 $0x800;
	p1 =	seq.s32 s31, $0x0;
	[tilespmem:s17+$0xF0] =	vst v2;
	s17 =	smul.u32 $0x5, s31  }
0x17f: {  	[spmem:s3] =	stream.indirect.scatter.add.f32 [tilespmem:s18], [sflag:$0x6], $0x80, s4, s10, $0xb8;
	[tilespmem:$0x1E480] =	vst v63  }
0x180: {  	s18 =	sadd.s32 @!p1 $0x2, s17  }
0x181: {  	s22 =	simm.s32 @!p1 $0x8;
	s23 =	smul.u32 @!p1 $0x28, s18  }
0x182: {  	_ =	swait.ge @!p1 [sflag:s22], $0x1400  }
0x183: {  	[sflag:s22] =	ssyncset.done @!p1 $0x0;
	s23 =	sadd.s32 @!p1 s7, s23  }
0x184: {  	s24 =	simm.s32 @!p1 $0x3000;
	[sflag:s22] =	ssyncadd.s32 @!p1 $0xFFFFEC00;
	s22 =	sshll.u32 @!p1 s23, $0x4  }
0x185: {  	s18 =	sshll.u32 @!p1 s18, $0x7;
	s23 =	simm.s32 @!p1 $0x0;
	s22 =	sadd.s32 @!p1 s0, s22  }
0x186: {  	[tilespmem:s24], [sflag:$0x3] =	stream.linear.gather @!p1 [hbm4b:s22+s23], $0x1400, $0x38;
	[tilespmem:$0x1E480] =	vst v63  }
0x187: {  	s22 =	sand.u32 @!p1 $0xFC00, s18  }
0x188: {  	s18 =	sand.u32 @!p1 $0x380, s18;
	s22 =	sadd.s32 @!p1 s9, s22  }
0x189: {  	s18 =	sor.u32 @!p1 s18, s22  }
0x18a: {  	s18 =	sshrl.u32 @!p1 s18, $0x3  }
0x18b: {  	s24 =	simm.s32 @!p1 $0x100;
	s22 =	sadd.s32 @!p1 s5, s18  }
0x18c: {  	[tilespmem:s24], [sflag:$0x3] =	stream.linear.gather @!p1 [hbm4b:s22+s23], $0x80, $0x38;
	[tilespmem:$0x1E480] =	vst v63  }
0x18d: {  	s18 =	sadd.s32 @!p1 s6, s18;
	s22 =	simm.s32 @!p1 $0x500  }
0x18e: {  	[tilespmem:s22], [sflag:$0x3] =	stream.linear.gather @!p1 [hbm4b:s18+s23], $0x80, $0x38;
	[tilespmem:$0x1E480] =	vst v63  }
0x18f: {  	s18 =	simm.s32 $0x0  }
0x190: {  	_ =	swait.ge [sflag:s11], $0x1400;
	v1 =	vmov s18  }
0x191: {  	[sflag:s11] =	ssyncset.done $0x0;
	v1 =	vand.u32 $0x7C, v1  }
0x192: {  	[sflag:s11] =	ssyncadd.s32 $0xFFFFEC00;
	v1 =	vor.u32 $0x80, v1  }
0x193: {  	_ =	swait.ge [sflag:s11], $0x80;
	v1 =	vbroadcast v1, $0x0  }
0x194: {  	[sflag:s11] =	ssyncset.done $0x0  }
0x195: {  	[sflag:s11] =	ssyncadd.s32 $0xFFFFFF80  }
0x196: {  	_ =	swait.ge [sflag:s11], $0x80  }
0x197: {  	[sflag:s11] =	ssyncset.done $0x0  }
0x198: {  	[sflag:s11] =	ssyncadd.s32 $0xFFFFFF80  }
0x199: {  	v2 =	vld.idx.msk [tilespmem:v1+s19+$0x0], $0xffff;
	_ =	sdelay $0x4  }
0x19a: {  	v2 =	vmul.f32 $1.442695020e+00, v2;
	_ =	sdelay $0x1  }
0x19b: {  	(erf) = vpow2.f32 v2;
	_ =	sdelay $0x1  }
0x19c: {  	v1 =	vld.idx.msk [tilespmem:v1+s4+$0x0], $0xffff;
	_ =	sdelay $0x6  }
0x19d: {  	v2 =	vpop (erf)  }
0x19e: {  	s22 =	simm.s32 $0x1DF0;
	[tilespmem:v1+s8+$0x0] =	vst.idx.add.f32.msk $0x1, v2  }
0x19f: {  	v1 =	vld [tilespmem:s22+$0xFFFFFE80]  }
0x1a0: {  	v3 =	vld [tilespmem:s22+$0xFFFFFE60]  }
0x1a1: {  	v4 =	vld [tilespmem:s22+$0xFFFFFE50]  }
0x1a2: {  	v5 =	vld [tilespmem:s22+$0xFFFFFE40]  }
0x1a3: {  	v6 =	vld [tilespmem:s22+$0xFFFFFE30]  }
0x1a4: {  	s25 =	simm.s32 $0x1;
	v7 =	vld [tilespmem:s22+$0xFFFFFE20];
	v1 =	vmul.f32 v1, v2  }
0x1a5: {  	v9 =	vmov s25;
	v60 =	vld [tilespmem:s22+$0xFFFFFE10];
	v3 =	vmul.f32 v3, v2  }
0x1a6: {  	v10 =	vld [tilespmem:s22+$0xFFFFFE70];
	v4 =	vmul.f32 v4, v2;
	[tilespmem:s22+$0xFFFFFE80] =	vst v1;
	v1 =	vand.u32 $0x7D, v9  }
0x1a7: {  	v5 =	vmul.f32 v5, v2;
	[tilespmem:s22+$0xFFFFFE60] =	vst v3;
	v1 =	vor.u32 $0x80, v1  }
0x1a8: {  	v3 =	vmul.f32 v6, v2;
	[tilespmem:s22+$0xFFFFFE50] =	vst v4;
	v1 =	vbroadcast v1, $0x0  }
0x1a9: {  	v4 =	vmul.f32 v7, v2;
	[tilespmem:s22+$0xFFFFFE40] =	vst v5  }
0x1aa: {  	v5 =	vmul.f32 v60, v2;
	[tilespmem:s22+$0xFFFFFE30] =	vst v3  }
0x1ab: {  	v2 =	vmul.f32 v10, v2;
	[tilespmem:s22+$0xFFFFFE20] =	vst v4  }
0x1ac: {  	[tilespmem:s22+$0xFFFFFE10] =	vst v5  }
0x1ad: {  	[tilespmem:s22+$0xFFFFFE70] =	vst v2  }
0x1ae: {  	v2 =	vld.idx.msk [tilespmem:v1+s19+$0x0], $0xffff;
	_ =	sdelay $0x4  }
0x1af: {  	v2 =	vmul.f32 $1.442695020e+00, v2;
	_ =	sdelay $0x1  }
0x1b0: {  	(erf) = vpow2.f32 v2;
	_ =	sdelay $0x1  }
0x1b1: {  	v1 =	vld.idx.msk [tilespmem:v1+s4+$0x0], $0xffff;
	_ =	sdelay $0x6  }
0x1b2: {  	v2 =	vpop (erf)  }
0x1b3: {  	[tilespmem:v1+s8+$0x0] =	vst.idx.add.f32.msk $0x1, v2  }
0x1b4: {  	v1 =	vld [tilespmem:s22+$0xFFFFFF00]  }
0x1b5: {  	v3 =	vld [tilespmem:s22+$0xFFFFFE90]  }
0x1b6: {  	v4 =	vld [tilespmem:s22+$0xFFFFFED0]  }
0x1b7: {  	v5 =	vld [tilespmem:s22+$0xFFFFFEB0]  }
0x1b8: {  	v6 =	vld [tilespmem:s22+$0xFFFFFEC0]  }
0x1b9: {  	s28 =	simm.s32 $0x2;
	v7 =	vld [tilespmem:s22+$0xFFFFFEE0];
	v1 =	vmul.f32 v1, v2  }
0x1ba: {  	v62 =	vmov s28;
	v61 =	vld [tilespmem:s22+$0xFFFFFEF0];
	v3 =	vmul.f32 v3, v2  }
0x1bb: {  	v63 =	vld [tilespmem:s22+$0xFFFFFEA0];
	[tilespmem:s22+$0xFFFFFF00] =	vst v1;
	v1 =	vmul.f32 v4, v2;
	v4 =	vand.u32 $0x7E, v62  }
0x1bc: {  	[tilespmem:s22+$0xFFFFFE90] =	vst v3;
	v3 =	vmul.f32 v5, v2;
	v4 =	vor.u32 $0x80, v4  }
0x1bd: {  	v5 =	vmul.f32 v6, v2;
	[tilespmem:s22+$0xFFFFFED0] =	vst v1;
	v1 =	vbroadcast v4, $0x0  }
0x1be: {  	[tilespmem:s22+$0xFFFFFEB0] =	vst v3;
	v3 =	vmul.f32 v7, v2  }
0x1bf: {  	[tilespmem:s22+$0xFFFFFEC0] =	vst v5;
	v4 =	vmul.f32 v61, v2  }
0x1c0: {  	v2 =	vmul.f32 v63, v2;
	[tilespmem:s22+$0xFFFFFEE0] =	vst v3  }
0x1c1: {  	[tilespmem:s22+$0xFFFFFEF0] =	vst v4  }
0x1c2: {  	[tilespmem:s22+$0xFFFFFEA0] =	vst v2  }
0x1c3: {  	v2 =	vld.idx.msk [tilespmem:v1+s19+$0x0], $0xffff;
	_ =	sdelay $0x4  }
0x1c4: {  	v2 =	vmul.f32 $1.442695020e+00, v2;
	_ =	sdelay $0x1  }
0x1c5: {  	(erf) = vpow2.f32 v2;
	_ =	sdelay $0x1  }
0x1c6: {  	v2 =	vld.idx.msk [tilespmem:v1+s4+$0x0], $0xffff;
	_ =	sdelay $0x6  }
0x1c7: {  	v1 =	vpop (erf)  }
0x1c8: {  	[tilespmem:v2+s8+$0x0] =	vst.idx.add.f32.msk $0x1, v1  }
0x1c9: {  	v2 =	vld [tilespmem:s22+$0xFFFFFF60]  }
0x1ca: {  	v4 =	vld [tilespmem:s22+$0xFFFFFF80]  }
0x1cb: {  	s24 =	simm.s32 $0x1DF0;
	s23 =	simm.s32 $0x4;
	v3 =	vld [tilespmem:s22+$0xFFFFFF50]  }
.LBB2_9:
0x1cc: {  	p2 =	slt.u32 s23, $0x24  }
0x1cd: {  	v5 =	vld [tilespmem:s22+$0xFFFFFF30];
	s24 =	sadd.s32 $0x200, s24;
	s25 =	smov.u32 s23;
	s23 =	sadd.s32 $0x4, s23  }
0x1ce: {  	v6 =	vld [tilespmem:s22+$0xFFFFFF70]  }
0x1cf: {  	v7 =	vld [tilespmem:s22+$0xFFFFFF20]  }
0x1d0: {  	s28 =	sadd.s32 $0x3, s18;
	s18 =	smov.u32 s25;
	v8 =	vld [tilespmem:s22+$0xFFFFFF10];
	v4 =	vmul.f32 v4, v1  }
0x1d1: {  	v10 =	vmov s28;
	v9 =	vld [tilespmem:s22+$0xFFFFFF40];
	v3 =	vmul.f32 v3, v1  }
0x1d2: {  	v2 =	vmul.f32 v2, v1;
	v5 =	vmul.f32 v5, v1;
	[tilespmem:s22+$0xFFFFFF80] =	vst v4;
	v4 =	vand.u32 $0x7F, v10  }
0x1d3: {  	[tilespmem:s22+$0xFFFFFF50] =	vst v3;
	v3 =	vmul.f32 v6, v1;
	v4 =	vor.u32 $0x80, v4  }
0x1d4: {  	v6 =	vmul.f32 v7, v1;
	[tilespmem:s22+$0xFFFFFF60] =	vst v2;
	v2 =	vbroadcast v4, $0x0  }
0x1d5: {  	v4 =	vmul.f32 v8, v1;
	[tilespmem:s22+$0xFFFFFF70] =	vst v3  }
0x1d6: {  	[tilespmem:s22+$0xFFFFFF30] =	vst v5;
	v1 =	vmul.f32 v9, v1  }
0x1d7: {  	[tilespmem:s22+$0xFFFFFF10] =	vst v4  }
0x1d8: {  	[tilespmem:s22+$0xFFFFFF40] =	vst v1  }
0x1d9: {  	[tilespmem:s22+$0xFFFFFF20] =	vst v6  }
0x1da: {  	v1 =	vld.idx.msk [tilespmem:v2+s19+$0x0], $0xffff  }
0x1db: {  	v2 =	vld.idx.msk [tilespmem:v2+s4+$0x0], $0xffff;
	_ =	sdelay $0x4  }
0x1dc: {  	v1 =	vmul.f32 $1.442695020e+00, v1;
	_ =	sdelay $0x1  }
0x1dd: {  	(erf) = vpow2.f32 v1  }
0x1de: {  	v1 =	vmov s18  }
0x1df: {  	v1 =	vand.u32 $0x7C, v1  }
0x1e0: {  	v1 =	vor.u32 $0x80, v1  }
0x1e1: {  	v1 =	vbroadcast v1, $0x0;
	_ =	sdelay $0x4  }
0x1e2: {  	v3 =	vpop (erf)  }
0x1e3: {  	[tilespmem:v2+s8+$0x0] =	vst.idx.add.f32.msk $0x1, v3  }
0x1e4: {  	v2 =	vld [tilespmem:s22+$0xFFFFFF90]  }
0x1e5: {  	v4 =	vld [tilespmem:s22+$0xFFFFFFA0]  }
0x1e6: {  	v5 =	vld [tilespmem:s22+$0xFFFFFFB0]  }
0x1e7: {  	v6 =	vld [tilespmem:s22+$0xFFFFFFC0]  }
0x1e8: {  	v7 =	vld [tilespmem:s22+$0xFFFFFFD0]  }
0x1e9: {  	v2 =	vmul.f32 v2, v3;
	v8 =	vld [tilespmem:s22+$0xFFFFFFE0]  }
0x1ea: {  	v4 =	vmul.f32 v4, v3;
	v9 =	vld [tilespmem:s22+$0xFFFFFFF0]  }
0x1eb: {  	[tilespmem:s22+$0xFFFFFF90] =	vst v2;
	v2 =	vmul.f32 v5, v3;
	v5 =	vld [tilespmem:s22+$0x0]  }
0x1ec: {  	[tilespmem:s22+$0xFFFFFFA0] =	vst v4;
	v4 =	vmul.f32 v6, v3  }
0x1ed: {  	[tilespmem:s22+$0xFFFFFFB0] =	vst v2;
	v2 =	vmul.f32 v7, v3  }
0x1ee: {  	[tilespmem:s22+$0xFFFFFFC0] =	vst v4;
	v4 =	vmul.f32 v8, v3  }
0x1ef: {  	[tilespmem:s22+$0xFFFFFFD0] =	vst v2;
	v2 =	vmul.f32 v9, v3  }
0x1f0: {  	[tilespmem:s22+$0xFFFFFFE0] =	vst v4;
	v3 =	vmul.f32 v5, v3  }
0x1f1: {  	[tilespmem:s22+$0xFFFFFFF0] =	vst v2  }
0x1f2: {  	[tilespmem:s22+$0x0] =	vst v3;
	s22 =	smov.u32 s24  }
0x1f3: {  	v2 =	vld.idx.msk [tilespmem:v1+s19+$0x0], $0xffff;
	_ =	sdelay $0x3  }
0x1f4: {  	v1 =	vld.idx.msk [tilespmem:v1+s4+$0x0], $0xffff;
	_ =	sdelay $0x1  }
0x1f5: {  	v2 =	vmul.f32 $1.442695020e+00, v2;
	_ =	sdelay $0x1  }
0x1f6: {  	(erf) = vpow2.f32 v2;
	_ =	sdelay $0x8  }
0x1f7: {  	v2 =	vpop (erf)  }
0x1f8: {  	[tilespmem:v1+s8+$0x0] =	vst.idx.add.f32.msk $0x1, v2  }
0x1f9: {  	v1 =	vld [tilespmem:s24+$0xFFFFFE80]  }
0x1fa: {  	v3 =	vld [tilespmem:s24+$0xFFFFFE60]  }
0x1fb: {  	v4 =	vld [tilespmem:s24+$0xFFFFFE50]  }
0x1fc: {  	v5 =	vld [tilespmem:s24+$0xFFFFFE40]  }
0x1fd: {  	v6 =	vld [tilespmem:s24+$0xFFFFFE30]  }
0x1fe: {  	s25 =	sadd.s32 $0x1, s18;
	v7 =	vld [tilespmem:s24+$0xFFFFFE20];
	v1 =	vmul.f32 v1, v2  }
0x1ff: {  	v9 =	vmov s25;
	v8 =	vld [tilespmem:s24+$0xFFFFFE10];
	v3 =	vmul.f32 v3, v2  }
0x200: {  	v4 =	vmul.f32 v4, v2;
	v10 =	vld [tilespmem:s24+$0xFFFFFE70];
	[tilespmem:s24+$0xFFFFFE80] =	vst v1;
	v1 =	vand.u32 $0x7D, v9  }
0x201: {  	v5 =	vmul.f32 v5, v2;
	[tilespmem:s24+$0xFFFFFE60] =	vst v3;
	v1 =	vor.u32 $0x80, v1  }
0x202: {  	v3 =	vmul.f32 v6, v2;
	[tilespmem:s24+$0xFFFFFE50] =	vst v4;
	v1 =	vbroadcast v1, $0x0  }
0x203: {  	v4 =	vmul.f32 v7, v2;
	[tilespmem:s24+$0xFFFFFE40] =	vst v5  }
0x204: {  	v5 =	vmul.f32 v8, v2;
	[tilespmem:s24+$0xFFFFFE30] =	vst v3  }
0x205: {  	[tilespmem:s24+$0xFFFFFE20] =	vst v4;
	v2 =	vmul.f32 v10, v2  }
0x206: {  	[tilespmem:s24+$0xFFFFFE10] =	vst v5  }
0x207: {  	[tilespmem:s24+$0xFFFFFE70] =	vst v2  }
0x208: {  	v2 =	vld.idx.msk [tilespmem:v1+s19+$0x0], $0xffff  }
0x209: {  	v1 =	vld.idx.msk [tilespmem:v1+s4+$0x0], $0xffff;
	_ =	sdelay $0x4  }
0x20a: {  	v2 =	vmul.f32 $1.442695020e+00, v2;
	_ =	sdelay $0x1  }
0x20b: {  	(erf) = vpow2.f32 v2;
	_ =	sdelay $0x8  }
0x20c: {  	v2 =	vpop (erf)  }
0x20d: {  	[tilespmem:v1+s8+$0x0] =	vst.idx.add.f32.msk $0x1, v2  }
0x20e: {  	v1 =	vld [tilespmem:s24+$0xFFFFFF00]  }
0x20f: {  	v3 =	vld [tilespmem:s24+$0xFFFFFEA0]  }
0x210: {  	v4 =	vld [tilespmem:s24+$0xFFFFFE90]  }
0x211: {  	v5 =	vld [tilespmem:s24+$0xFFFFFED0]  }
0x212: {  	v6 =	vld [tilespmem:s24+$0xFFFFFEB0]  }
0x213: {  	v7 =	vld [tilespmem:s24+$0xFFFFFEC0];
	v1 =	vmul.f32 v1, v2  }
0x214: {  	s25 =	sadd.s32 $0x2, s18;
	v8 =	vld [tilespmem:s24+$0xFFFFFEE0]  }
0x215: {  	v3 =	vmul.f32 v3, v2;
	v4 =	vmul.f32 v4, v2;
	v9 =	vld [tilespmem:s24+$0xFFFFFEF0];
	[tilespmem:s24+$0xFFFFFF00] =	vst v1;
	v1 =	vmov s25  }
0x216: {  	v5 =	vmul.f32 v5, v2;
	v1 =	vand.u32 $0x7E, v1  }
0x217: {  	[tilespmem:s24+$0xFFFFFE90] =	vst v4;
	v4 =	vmul.f32 v6, v2;
	v1 =	vor.u32 $0x80, v1  }
0x218: {  	v6 =	vmul.f32 v7, v2;
	[tilespmem:s24+$0xFFFFFED0] =	vst v5;
	v1 =	vbroadcast v1, $0x0  }
0x219: {  	[tilespmem:s24+$0xFFFFFEB0] =	vst v4;
	v4 =	vmul.f32 v8, v2  }
0x21a: {  	[tilespmem:s24+$0xFFFFFEC0] =	vst v6;
	v2 =	vmul.f32 v9, v2  }
0x21b: {  	[tilespmem:s24+$0xFFFFFEE0] =	vst v4  }
0x21c: {  	[tilespmem:s24+$0xFFFFFEF0] =	vst v2  }
0x21d: {  	[tilespmem:s24+$0xFFFFFEA0] =	vst v3  }
0x21e: {  	v2 =	vld.idx.msk [tilespmem:v1+s19+$0x0], $0xffff;
	_ =	sdelay $0x5  }
0x21f: {  	v2 =	vmul.f32 $1.442695020e+00, v2;
	_ =	sdelay $0x1  }
0x220: {  	(erf) = vpow2.f32 v2;
	_ =	sdelay $0x1  }
0x221: {  	v2 =	vld.idx.msk [tilespmem:v1+s4+$0x0], $0xffff;
	_ =	sdelay $0x6  }
.Ltmp5:
0x222: {  	v1 =	vpop (erf);
	(pc) =	sbr.rel @p2 .LBB2_9-.Ltmp5, $4  }
0x223: {  	[tilespmem:v2+s8+$0x0] =	vst.idx.add.f32.msk $0x1, v1  }
0x224: {  	v2 =	vld [tilespmem:s24+$0xFFFFFF60]  }
0x225: {  	v4 =	vld [tilespmem:s24+$0xFFFFFF80]  }
0x226: {  	v3 =	vld [tilespmem:s24+$0xFFFFFF50]  }
0x227: {  	_ = 	snop  }
0x228: {  	v5 =	vld [tilespmem:s22+$0xFFFFFF70]  }
0x229: {  	v6 =	vld [tilespmem:s22+$0xFFFFFF30]  }
0x22a: {  	v7 =	vld [tilespmem:s22+$0xFFFFFF10];
	s18 =	sadd.s32 $0x3, s18;
	v4 =	vmul.f32 v4, v1  }
0x22b: {  	v8 =	vld [tilespmem:s22+$0xFFFFFF40];
	v9 =	vmov s18;
	v3 =	vmul.f32 v3, v1  }
0x22c: {  	v10 =	vld [tilespmem:s22+$0xFFFFFF20];
	v2 =	vmul.f32 v2, v1;
	[tilespmem:s22+$0xFFFFFF80] =	vst v4;
	v4 =	vand.u32 $0x7F, v9  }
0x22d: {  	[tilespmem:s22+$0xFFFFFF50] =	vst v3;
	v3 =	vmul.f32 v5, v1;
	v4 =	vor.u32 $0x80, v4  }
0x22e: {  	[tilespmem:s22+$0xFFFFFF60] =	vst v2;
	v5 =	vmul.f32 v6, v1;
	v2 =	vbroadcast v4, $0x0  }
0x22f: {  	v4 =	vmul.f32 v7, v1;
	[tilespmem:s22+$0xFFFFFF70] =	vst v3  }
0x230: {  	[tilespmem:s22+$0xFFFFFF30] =	vst v5;
	v3 =	vmul.f32 v8, v1  }
0x231: {  	v1 =	vmul.f32 v10, v1;
	[tilespmem:s22+$0xFFFFFF10] =	vst v4  }
0x232: {  	[tilespmem:s22+$0xFFFFFF40] =	vst v3  }
0x233: {  	[tilespmem:s22+$0xFFFFFF20] =	vst v1  }
0x234: {  	v1 =	vld.idx.msk [tilespmem:v2+s19+$0x0], $0xffff;
	_ =	sdelay $0x4  }
0x235: {  	v1 =	vmul.f32 $1.442695020e+00, v1;
	_ =	sdelay $0x1  }
0x236: {  	(erf) = vpow2.f32 v1;
	_ =	sdelay $0x1  }
0x237: {  	v1 =	vld.idx.msk [tilespmem:v2+s4+$0x0], $0xffff;
	_ =	sdelay $0x6  }
0x238: {  	v2 =	vpop (erf)  }
0x239: {  	[tilespmem:v1+s8+$0x0] =	vst.idx.add.f32.msk $0x1, v2  }
0x23a: {  	v1 =	vld [tilespmem:s22+$0xFFFFFF90]  }
0x23b: {  	v3 =	vld [tilespmem:s22+$0xFFFFFFA0]  }
0x23c: {  	v4 =	vld [tilespmem:s22+$0xFFFFFFB0]  }
0x23d: {  	v5 =	vld [tilespmem:s22+$0xFFFFFFC0]  }
0x23e: {  	v6 =	vld [tilespmem:s22+$0xFFFFFFD0]  }
0x23f: {  	v7 =	vld [tilespmem:s22+$0xFFFFFFE0];
	v1 =	vmul.f32 v1, v2  }
0x240: {  	v57 =	vld [tilespmem:s22+$0xFFFFFFF0];
	v3 =	vmul.f32 v3, v2  }
0x241: {  	[tilespmem:s22+$0xFFFFFF90] =	vst v1;
	v1 =	vmul.f32 v4, v2;
	v4 =	vld [tilespmem:s22+$0x0]  }
0x242: {  	[tilespmem:s22+$0xFFFFFFA0] =	vst v3;
	v3 =	vmul.f32 v5, v2  }
0x243: {  	[tilespmem:s22+$0xFFFFFFB0] =	vst v1;
	v1 =	vmul.f32 v6, v2  }
0x244: {  	[tilespmem:s22+$0xFFFFFFC0] =	vst v3;
	v3 =	vmul.f32 v7, v2  }
0x245: {  	[tilespmem:s22+$0xFFFFFFD0] =	vst v1;
	v1 =	vmul.f32 v57, v2  }
0x246: {  	[tilespmem:s22+$0xFFFFFFE0] =	vst v3;
	v2 =	vmul.f32 v4, v2  }
0x247: {  	s18 =	sadd.s32 @!p1 $0x3, s17;
	[tilespmem:s22+$0xFFFFFFF0] =	vst v1  }
0x248: {  	s23 =	smul.u32 @!p1 $0x28, s18;
	[tilespmem:s22+$0x0] =	vst v2;
	s22 =	simm.s32 @!p1 $0x9  }
0x249: {  	[spmem:s3] =	stream.indirect.scatter.add.f32 [tilespmem:s20], [sflag:$0x7], $0x80, s21, s10, $0xb8;
	[tilespmem:$0x1E480] =	vst v63  }
0x24a: {  	_ =	swait.ge @!p1 [sflag:s22], $0x1400  }
0x24b: {  	s23 =	sadd.s32 @!p1 s7, s23;
	[sflag:s22] =	ssyncset.done @!p1 $0x0  }
0x24c: {  	s24 =	simm.s32 @!p1 $0x4400;
	[sflag:s22] =	ssyncadd.s32 @!p1 $0xFFFFEC00;
	s22 =	sshll.u32 @!p1 s23, $0x4  }
0x24d: {  	s18 =	sshll.u32 @!p1 s18, $0x7;
	s23 =	simm.s32 @!p1 $0x0;
	s22 =	sadd.s32 @!p1 s0, s22  }
0x24e: {  	[tilespmem:s24], [sflag:$0x4] =	stream.linear.gather @!p1 [hbm4b:s22+s23], $0x1400, $0x38;
	[tilespmem:$0x1E480] =	vst v63  }
0x24f: {  	s22 =	sand.u32 @!p1 $0xFC00, s18  }
0x250: {  	s18 =	sand.u32 @!p1 $0x380, s18;
	s22 =	sadd.s32 @!p1 s9, s22  }
0x251: {  	s18 =	sor.u32 @!p1 s18, s22  }
0x252: {  	s18 =	sshrl.u32 @!p1 s18, $0x3  }
0x253: {  	s24 =	simm.s32 @!p1 $0x180;
	s22 =	sadd.s32 @!p1 s5, s18  }
0x254: {  	[tilespmem:s24], [sflag:$0x4] =	stream.linear.gather @!p1 [hbm4b:s22+s23], $0x80, $0x38;
	[tilespmem:$0x1E480] =	vst v63  }
0x255: {  	s18 =	sadd.s32 @!p1 s6, s18;
	s22 =	simm.s32 @!p1 $0x580  }
0x256: {  	[tilespmem:s22], [sflag:$0x4] =	stream.linear.gather @!p1 [hbm4b:s18+s23], $0x80, $0x38;
	[tilespmem:$0x1E480] =	vst v63  }
0x257: {  	s18 =	simm.s32 $0x0  }
0x258: {  	_ =	swait.ge [sflag:s12], $0x1400;
	v1 =	vmov s18  }
0x259: {  	[sflag:s12] =	ssyncset.done $0x0;
	v1 =	vand.u32 $0x7C, v1  }
0x25a: {  	[sflag:s12] =	ssyncadd.s32 $0xFFFFEC00;
	v1 =	vor.u32 $0x100, v1  }
0x25b: {  	_ =	swait.ge [sflag:s12], $0x80;
	v1 =	vbroadcast v1, $0x0  }
0x25c: {  	[sflag:s12] =	ssyncset.done $0x0  }
0x25d: {  	[sflag:s12] =	ssyncadd.s32 $0xFFFFFF80  }
0x25e: {  	_ =	swait.ge [sflag:s12], $0x80  }
0x25f: {  	[sflag:s12] =	ssyncset.done $0x0  }
0x260: {  	[sflag:s12] =	ssyncadd.s32 $0xFFFFFF80  }
0x261: {  	v2 =	vld.idx.msk [tilespmem:v1+s19+$0x0], $0xffff;
	_ =	sdelay $0x4  }
0x262: {  	v2 =	vmul.f32 $1.442695020e+00, v2;
	_ =	sdelay $0x1  }
0x263: {  	(erf) = vpow2.f32 v2;
	_ =	sdelay $0x1  }
0x264: {  	v1 =	vld.idx.msk [tilespmem:v1+s4+$0x0], $0xffff;
	_ =	sdelay $0x6  }
0x265: {  	v2 =	vpop (erf)  }
0x266: {  	s22 =	simm.s32 $0x31F0;
	[tilespmem:v1+s8+$0x0] =	vst.idx.add.f32.msk $0x1, v2  }
0x267: {  	v1 =	vld [tilespmem:s22+$0xFFFFFE80]  }
0x268: {  	v3 =	vld [tilespmem:s22+$0xFFFFFE60]  }
0x269: {  	v4 =	vld [tilespmem:s22+$0xFFFFFE50]  }
0x26a: {  	v5 =	vld [tilespmem:s22+$0xFFFFFE40]  }
0x26b: {  	v6 =	vld [tilespmem:s22+$0xFFFFFE30]  }
0x26c: {  	s25 =	simm.s32 $0x1;
	v7 =	vld [tilespmem:s22+$0xFFFFFE20];
	v1 =	vmul.f32 v1, v2  }
0x26d: {  	v59 =	vmov s25;
	v58 =	vld [tilespmem:s22+$0xFFFFFE10];
	v3 =	vmul.f32 v3, v2  }
0x26e: {  	v60 =	vld [tilespmem:s22+$0xFFFFFE70];
	v4 =	vmul.f32 v4, v2;
	[tilespmem:s22+$0xFFFFFE80] =	vst v1;
	v1 =	vand.u32 $0x7D, v59  }
0x26f: {  	v5 =	vmul.f32 v5, v2;
	[tilespmem:s22+$0xFFFFFE60] =	vst v3;
	v1 =	vor.u32 $0x100, v1  }
0x270: {  	v3 =	vmul.f32 v6, v2;
	[tilespmem:s22+$0xFFFFFE50] =	vst v4;
	v1 =	vbroadcast v1, $0x0  }
0x271: {  	v4 =	vmul.f32 v7, v2;
	[tilespmem:s22+$0xFFFFFE40] =	vst v5  }
0x272: {  	v5 =	vmul.f32 v58, v2;
	[tilespmem:s22+$0xFFFFFE30] =	vst v3  }
0x273: {  	v2 =	vmul.f32 v60, v2;
	[tilespmem:s22+$0xFFFFFE20] =	vst v4  }
0x274: {  	[tilespmem:s22+$0xFFFFFE10] =	vst v5  }
0x275: {  	[tilespmem:s22+$0xFFFFFE70] =	vst v2  }
0x276: {  	v2 =	vld.idx.msk [tilespmem:v1+s19+$0x0], $0xffff;
	_ =	sdelay $0x4  }
0x277: {  	v2 =	vmul.f32 $1.442695020e+00, v2;
	_ =	sdelay $0x1  }
0x278: {  	(erf) = vpow2.f32 v2;
	_ =	sdelay $0x1  }
0x279: {  	v1 =	vld.idx.msk [tilespmem:v1+s4+$0x0], $0xffff;
	_ =	sdelay $0x6  }
0x27a: {  	v2 =	vpop (erf)  }
0x27b: {  	[tilespmem:v1+s8+$0x0] =	vst.idx.add.f32.msk $0x1, v2  }
0x27c: {  	v1 =	vld [tilespmem:s22+$0xFFFFFF00]  }
0x27d: {  	v3 =	vld [tilespmem:s22+$0xFFFFFE90]  }
0x27e: {  	v4 =	vld [tilespmem:s22+$0xFFFFFED0]  }
0x27f: {  	v5 =	vld [tilespmem:s22+$0xFFFFFEB0]  }
0x280: {  	v6 =	vld [tilespmem:s22+$0xFFFFFEC0]  }
0x281: {  	s28 =	simm.s32 $0x2;
	v7 =	vld [tilespmem:s22+$0xFFFFFEE0];
	v1 =	vmul.f32 v1, v2  }
0x282: {  	v62 =	vmov s28;
	v61 =	vld [tilespmem:s22+$0xFFFFFEF0];
	v3 =	vmul.f32 v3, v2  }
0x283: {  	v63 =	vld [tilespmem:s22+$0xFFFFFEA0];
	[tilespmem:s22+$0xFFFFFF00] =	vst v1;
	v1 =	vmul.f32 v4, v2;
	v4 =	vand.u32 $0x7E, v62  }
0x284: {  	[tilespmem:s22+$0xFFFFFE90] =	vst v3;
	v3 =	vmul.f32 v5, v2;
	v4 =	vor.u32 $0x100, v4  }
0x285: {  	v5 =	vmul.f32 v6, v2;
	[tilespmem:s22+$0xFFFFFED0] =	vst v1;
	v1 =	vbroadcast v4, $0x0  }
0x286: {  	[tilespmem:s22+$0xFFFFFEB0] =	vst v3;
	v3 =	vmul.f32 v7, v2  }
0x287: {  	[tilespmem:s22+$0xFFFFFEC0] =	vst v5;
	v4 =	vmul.f32 v61, v2  }
0x288: {  	v2 =	vmul.f32 v63, v2;
	[tilespmem:s22+$0xFFFFFEE0] =	vst v3  }
0x289: {  	[tilespmem:s22+$0xFFFFFEF0] =	vst v4  }
0x28a: {  	[tilespmem:s22+$0xFFFFFEA0] =	vst v2  }
0x28b: {  	v2 =	vld.idx.msk [tilespmem:v1+s19+$0x0], $0xffff;
	_ =	sdelay $0x4  }
0x28c: {  	v2 =	vmul.f32 $1.442695020e+00, v2;
	_ =	sdelay $0x1  }
0x28d: {  	(erf) = vpow2.f32 v2;
	_ =	sdelay $0x1  }
0x28e: {  	v2 =	vld.idx.msk [tilespmem:v1+s4+$0x0], $0xffff;
	_ =	sdelay $0x6  }
0x28f: {  	v1 =	vpop (erf)  }
0x290: {  	[tilespmem:v2+s8+$0x0] =	vst.idx.add.f32.msk $0x1, v1  }
0x291: {  	v2 =	vld [tilespmem:s22+$0xFFFFFF60]  }
0x292: {  	v4 =	vld [tilespmem:s22+$0xFFFFFF80]  }
0x293: {  	s24 =	simm.s32 $0x31F0;
	s23 =	simm.s32 $0x4;
	v3 =	vld [tilespmem:s22+$0xFFFFFF50]  }
.LBB2_11:
0x294: {  	p2 =	slt.u32 s23, $0x24  }
0x295: {  	v5 =	vld [tilespmem:s22+$0xFFFFFF30];
	s24 =	sadd.s32 $0x200, s24;
	s25 =	smov.u32 s23;
	s23 =	sadd.s32 $0x4, s23  }
0x296: {  	v6 =	vld [tilespmem:s22+$0xFFFFFF70]  }
0x297: {  	v7 =	vld [tilespmem:s22+$0xFFFFFF20]  }
0x298: {  	s28 =	sadd.s32 $0x3, s18;
	s18 =	smov.u32 s25;
	v8 =	vld [tilespmem:s22+$0xFFFFFF10];
	v4 =	vmul.f32 v4, v1  }
0x299: {  	v10 =	vmov s28;
	v9 =	vld [tilespmem:s22+$0xFFFFFF40];
	v3 =	vmul.f32 v3, v1  }
0x29a: {  	v2 =	vmul.f32 v2, v1;
	v5 =	vmul.f32 v5, v1;
	[tilespmem:s22+$0xFFFFFF80] =	vst v4;
	v4 =	vand.u32 $0x7F, v10  }
0x29b: {  	[tilespmem:s22+$0xFFFFFF50] =	vst v3;
	v3 =	vmul.f32 v6, v1;
	v4 =	vor.u32 $0x100, v4  }
0x29c: {  	v6 =	vmul.f32 v7, v1;
	[tilespmem:s22+$0xFFFFFF60] =	vst v2;
	v2 =	vbroadcast v4, $0x0  }
0x29d: {  	v4 =	vmul.f32 v8, v1;
	[tilespmem:s22+$0xFFFFFF70] =	vst v3  }
0x29e: {  	[tilespmem:s22+$0xFFFFFF30] =	vst v5;
	v1 =	vmul.f32 v9, v1  }
0x29f: {  	[tilespmem:s22+$0xFFFFFF10] =	vst v4  }
0x2a0: {  	[tilespmem:s22+$0xFFFFFF40] =	vst v1  }
0x2a1: {  	[tilespmem:s22+$0xFFFFFF20] =	vst v6  }
0x2a2: {  	v1 =	vld.idx.msk [tilespmem:v2+s19+$0x0], $0xffff  }
0x2a3: {  	v2 =	vld.idx.msk [tilespmem:v2+s4+$0x0], $0xffff;
	_ =	sdelay $0x4  }
0x2a4: {  	v1 =	vmul.f32 $1.442695020e+00, v1;
	_ =	sdelay $0x1  }
0x2a5: {  	(erf) = vpow2.f32 v1  }
0x2a6: {  	v1 =	vmov s18  }
0x2a7: {  	v1 =	vand.u32 $0x7C, v1  }
0x2a8: {  	v1 =	vor.u32 $0x100, v1  }
0x2a9: {  	v1 =	vbroadcast v1, $0x0;
	_ =	sdelay $0x4  }
0x2aa: {  	v3 =	vpop (erf)  }
0x2ab: {  	[tilespmem:v2+s8+$0x0] =	vst.idx.add.f32.msk $0x1, v3  }
0x2ac: {  	v2 =	vld [tilespmem:s22+$0xFFFFFF90]  }
0x2ad: {  	v4 =	vld [tilespmem:s22+$0xFFFFFFA0]  }
0x2ae: {  	v5 =	vld [tilespmem:s22+$0xFFFFFFB0]  }
0x2af: {  	v6 =	vld [tilespmem:s22+$0xFFFFFFC0]  }
0x2b0: {  	v7 =	vld [tilespmem:s22+$0xFFFFFFD0]  }
0x2b1: {  	v2 =	vmul.f32 v2, v3;
	v8 =	vld [tilespmem:s22+$0xFFFFFFE0]  }
0x2b2: {  	v4 =	vmul.f32 v4, v3;
	v9 =	vld [tilespmem:s22+$0xFFFFFFF0]  }
0x2b3: {  	[tilespmem:s22+$0xFFFFFF90] =	vst v2;
	v2 =	vmul.f32 v5, v3;
	v5 =	vld [tilespmem:s22+$0x0]  }
0x2b4: {  	[tilespmem:s22+$0xFFFFFFA0] =	vst v4;
	v4 =	vmul.f32 v6, v3  }
0x2b5: {  	[tilespmem:s22+$0xFFFFFFB0] =	vst v2;
	v2 =	vmul.f32 v7, v3  }
0x2b6: {  	[tilespmem:s22+$0xFFFFFFC0] =	vst v4;
	v4 =	vmul.f32 v8, v3  }
0x2b7: {  	[tilespmem:s22+$0xFFFFFFD0] =	vst v2;
	v2 =	vmul.f32 v9, v3  }
0x2b8: {  	[tilespmem:s22+$0xFFFFFFE0] =	vst v4;
	v3 =	vmul.f32 v5, v3  }
0x2b9: {  	[tilespmem:s22+$0xFFFFFFF0] =	vst v2  }
0x2ba: {  	[tilespmem:s22+$0x0] =	vst v3;
	s22 =	smov.u32 s24  }
0x2bb: {  	v2 =	vld.idx.msk [tilespmem:v1+s19+$0x0], $0xffff;
	_ =	sdelay $0x3  }
0x2bc: {  	v1 =	vld.idx.msk [tilespmem:v1+s4+$0x0], $0xffff;
	_ =	sdelay $0x1  }
0x2bd: {  	v2 =	vmul.f32 $1.442695020e+00, v2;
	_ =	sdelay $0x1  }
0x2be: {  	(erf) = vpow2.f32 v2;
	_ =	sdelay $0x8  }
0x2bf: {  	v2 =	vpop (erf)  }
0x2c0: {  	[tilespmem:v1+s8+$0x0] =	vst.idx.add.f32.msk $0x1, v2  }
0x2c1: {  	v1 =	vld [tilespmem:s24+$0xFFFFFE80]  }
0x2c2: {  	v3 =	vld [tilespmem:s24+$0xFFFFFE60]  }
0x2c3: {  	v4 =	vld [tilespmem:s24+$0xFFFFFE50]  }
0x2c4: {  	v5 =	vld [tilespmem:s24+$0xFFFFFE40]  }
0x2c5: {  	v6 =	vld [tilespmem:s24+$0xFFFFFE30]  }
0x2c6: {  	s25 =	sadd.s32 $0x1, s18;
	v7 =	vld [tilespmem:s24+$0xFFFFFE20];
	v1 =	vmul.f32 v1, v2  }
0x2c7: {  	v9 =	vmov s25;
	v8 =	vld [tilespmem:s24+$0xFFFFFE10];
	v3 =	vmul.f32 v3, v2  }
0x2c8: {  	v4 =	vmul.f32 v4, v2;
	v10 =	vld [tilespmem:s24+$0xFFFFFE70];
	[tilespmem:s24+$0xFFFFFE80] =	vst v1;
	v1 =	vand.u32 $0x7D, v9  }
0x2c9: {  	v5 =	vmul.f32 v5, v2;
	[tilespmem:s24+$0xFFFFFE60] =	vst v3;
	v1 =	vor.u32 $0x100, v1  }
0x2ca: {  	v3 =	vmul.f32 v6, v2;
	[tilespmem:s24+$0xFFFFFE50] =	vst v4;
	v1 =	vbroadcast v1, $0x0  }
0x2cb: {  	v4 =	vmul.f32 v7, v2;
	[tilespmem:s24+$0xFFFFFE40] =	vst v5  }
0x2cc: {  	v5 =	vmul.f32 v8, v2;
	[tilespmem:s24+$0xFFFFFE30] =	vst v3  }
0x2cd: {  	[tilespmem:s24+$0xFFFFFE20] =	vst v4;
	v2 =	vmul.f32 v10, v2  }
0x2ce: {  	[tilespmem:s24+$0xFFFFFE10] =	vst v5  }
0x2cf: {  	[tilespmem:s24+$0xFFFFFE70] =	vst v2  }
0x2d0: {  	v2 =	vld.idx.msk [tilespmem:v1+s19+$0x0], $0xffff  }
0x2d1: {  	v1 =	vld.idx.msk [tilespmem:v1+s4+$0x0], $0xffff;
	_ =	sdelay $0x4  }
0x2d2: {  	v2 =	vmul.f32 $1.442695020e+00, v2;
	_ =	sdelay $0x1  }
0x2d3: {  	(erf) = vpow2.f32 v2;
	_ =	sdelay $0x8  }
0x2d4: {  	v2 =	vpop (erf)  }
0x2d5: {  	[tilespmem:v1+s8+$0x0] =	vst.idx.add.f32.msk $0x1, v2  }
0x2d6: {  	v1 =	vld [tilespmem:s24+$0xFFFFFF00]  }
0x2d7: {  	v3 =	vld [tilespmem:s24+$0xFFFFFEA0]  }
0x2d8: {  	v4 =	vld [tilespmem:s24+$0xFFFFFE90]  }
0x2d9: {  	v5 =	vld [tilespmem:s24+$0xFFFFFED0]  }
0x2da: {  	v6 =	vld [tilespmem:s24+$0xFFFFFEB0]  }
0x2db: {  	v7 =	vld [tilespmem:s24+$0xFFFFFEC0];
	v1 =	vmul.f32 v1, v2  }
0x2dc: {  	s25 =	sadd.s32 $0x2, s18;
	v8 =	vld [tilespmem:s24+$0xFFFFFEE0]  }
0x2dd: {  	v3 =	vmul.f32 v3, v2;
	v4 =	vmul.f32 v4, v2;
	v9 =	vld [tilespmem:s24+$0xFFFFFEF0];
	[tilespmem:s24+$0xFFFFFF00] =	vst v1;
	v1 =	vmov s25  }
0x2de: {  	v5 =	vmul.f32 v5, v2;
	v1 =	vand.u32 $0x7E, v1  }
0x2df: {  	[tilespmem:s24+$0xFFFFFE90] =	vst v4;
	v4 =	vmul.f32 v6, v2;
	v1 =	vor.u32 $0x100, v1  }
0x2e0: {  	v6 =	vmul.f32 v7, v2;
	[tilespmem:s24+$0xFFFFFED0] =	vst v5;
	v1 =	vbroadcast v1, $0x0  }
0x2e1: {  	[tilespmem:s24+$0xFFFFFEB0] =	vst v4;
	v4 =	vmul.f32 v8, v2  }
0x2e2: {  	[tilespmem:s24+$0xFFFFFEC0] =	vst v6;
	v2 =	vmul.f32 v9, v2  }
0x2e3: {  	[tilespmem:s24+$0xFFFFFEE0] =	vst v4  }
0x2e4: {  	[tilespmem:s24+$0xFFFFFEF0] =	vst v2  }
0x2e5: {  	[tilespmem:s24+$0xFFFFFEA0] =	vst v3  }
0x2e6: {  	v2 =	vld.idx.msk [tilespmem:v1+s19+$0x0], $0xffff;
	_ =	sdelay $0x5  }
0x2e7: {  	v2 =	vmul.f32 $1.442695020e+00, v2;
	_ =	sdelay $0x1  }
0x2e8: {  	(erf) = vpow2.f32 v2;
	_ =	sdelay $0x1  }
0x2e9: {  	v2 =	vld.idx.msk [tilespmem:v1+s4+$0x0], $0xffff;
	_ =	sdelay $0x6  }
.Ltmp6:
0x2ea: {  	v1 =	vpop (erf);
	(pc) =	sbr.rel @p2 .LBB2_11-.Ltmp6, $4  }
0x2eb: {  	[tilespmem:v2+s8+$0x0] =	vst.idx.add.f32.msk $0x1, v1  }
0x2ec: {  	v2 =	vld [tilespmem:s24+$0xFFFFFF60]  }
0x2ed: {  	v4 =	vld [tilespmem:s24+$0xFFFFFF80]  }
0x2ee: {  	v3 =	vld [tilespmem:s24+$0xFFFFFF50]  }
0x2ef: {  	_ = 	snop  }
0x2f0: {  	v5 =	vld [tilespmem:s22+$0xFFFFFF70]  }
0x2f1: {  	v6 =	vld [tilespmem:s22+$0xFFFFFF30]  }
0x2f2: {  	v7 =	vld [tilespmem:s22+$0xFFFFFF10];
	s18 =	sadd.s32 $0x3, s18;
	v4 =	vmul.f32 v4, v1  }
0x2f3: {  	v8 =	vld [tilespmem:s22+$0xFFFFFF40];
	v9 =	vmov s18;
	v3 =	vmul.f32 v3, v1  }
0x2f4: {  	v10 =	vld [tilespmem:s22+$0xFFFFFF20];
	v2 =	vmul.f32 v2, v1;
	[tilespmem:s22+$0xFFFFFF80] =	vst v4;
	v4 =	vand.u32 $0x7F, v9  }
0x2f5: {  	[tilespmem:s22+$0xFFFFFF50] =	vst v3;
	v3 =	vmul.f32 v5, v1;
	v4 =	vor.u32 $0x100, v4  }
0x2f6: {  	[tilespmem:s22+$0xFFFFFF60] =	vst v2;
	v5 =	vmul.f32 v6, v1;
	v2 =	vbroadcast v4, $0x0  }
0x2f7: {  	v4 =	vmul.f32 v7, v1;
	[tilespmem:s22+$0xFFFFFF70] =	vst v3  }
0x2f8: {  	[tilespmem:s22+$0xFFFFFF30] =	vst v5;
	v3 =	vmul.f32 v8, v1  }
0x2f9: {  	v1 =	vmul.f32 v10, v1;
	[tilespmem:s22+$0xFFFFFF10] =	vst v4  }
0x2fa: {  	[tilespmem:s22+$0xFFFFFF40] =	vst v3  }
0x2fb: {  	[tilespmem:s22+$0xFFFFFF20] =	vst v1  }
0x2fc: {  	v1 =	vld.idx.msk [tilespmem:v2+s19+$0x0], $0xffff;
	_ =	sdelay $0x4  }
0x2fd: {  	v1 =	vmul.f32 $1.442695020e+00, v1;
	_ =	sdelay $0x1  }
0x2fe: {  	(erf) = vpow2.f32 v1;
	_ =	sdelay $0x1  }
0x2ff: {  	v1 =	vld.idx.msk [tilespmem:v2+s4+$0x0], $0xffff;
	_ =	sdelay $0x6  }
0x300: {  	v2 =	vpop (erf)  }
0x301: {  	[tilespmem:v1+s8+$0x0] =	vst.idx.add.f32.msk $0x1, v2  }
0x302: {  	v1 =	vld [tilespmem:s22+$0xFFFFFF90]  }
0x303: {  	v3 =	vld [tilespmem:s22+$0xFFFFFFA0]  }
0x304: {  	v4 =	vld [tilespmem:s22+$0xFFFFFFB0]  }
0x305: {  	v5 =	vld [tilespmem:s22+$0xFFFFFFC0]  }
0x306: {  	v6 =	vld [tilespmem:s22+$0xFFFFFFD0]  }
0x307: {  	v7 =	vld [tilespmem:s22+$0xFFFFFFE0];
	v1 =	vmul.f32 v1, v2  }
0x308: {  	v57 =	vld [tilespmem:s22+$0xFFFFFFF0];
	v3 =	vmul.f32 v3, v2  }
0x309: {  	[tilespmem:s22+$0xFFFFFF90] =	vst v1;
	v1 =	vmul.f32 v4, v2;
	v4 =	vld [tilespmem:s22+$0x0]  }
0x30a: {  	[tilespmem:s22+$0xFFFFFFA0] =	vst v3;
	v3 =	vmul.f32 v5, v2  }
0x30b: {  	[tilespmem:s22+$0xFFFFFFB0] =	vst v1;
	v1 =	vmul.f32 v6, v2  }
0x30c: {  	[tilespmem:s22+$0xFFFFFFC0] =	vst v3;
	v3 =	vmul.f32 v7, v2  }
0x30d: {  	[tilespmem:s22+$0xFFFFFFD0] =	vst v1;
	v1 =	vmul.f32 v57, v2  }
0x30e: {  	[tilespmem:s22+$0xFFFFFFE0] =	vst v3;
	v2 =	vmul.f32 v4, v2  }
0x30f: {  	[tilespmem:s22+$0xFFFFFFF0] =	vst v1  }
0x310: {  	s23 =	simm.s32 $0x3000;
	s24 =	simm.s32 $0x100;
	s18 =	sadd.s32 @!p1 $0x4, s17;
	[tilespmem:s22+$0x0] =	vst v2  }
0x311: {  	[spmem:s3] =	stream.indirect.scatter.add.f32 [tilespmem:s23], [sflag:$0x8], $0x80, s24, s10, $0xb8;
	[tilespmem:$0x1E480] =	vst v63  }
0x312: {  	s22 =	simm.s32 @!p1 $0xA;
	s23 =	smul.u32 @!p1 $0x28, s18  }
0x313: {  	_ =	swait.ge @!p1 [sflag:s22], $0x1400  }
0x314: {  	[sflag:s22] =	ssyncset.done @!p1 $0x0;
	s23 =	sadd.s32 @!p1 s7, s23  }
0x315: {  	s24 =	simm.s32 @!p1 $0x5800;
	[sflag:s22] =	ssyncadd.s32 @!p1 $0xFFFFEC00;
	s22 =	sshll.u32 @!p1 s23, $0x4  }
0x316: {  	s18 =	sshll.u32 @!p1 s18, $0x7;
	s23 =	simm.s32 @!p1 $0x0;
	s22 =	sadd.s32 @!p1 s0, s22  }
0x317: {  	[tilespmem:s24], [sflag:$0x5] =	stream.linear.gather @!p1 [hbm4b:s22+s23], $0x1400, $0x38;
	[tilespmem:$0x1E480] =	vst v63  }
0x318: {  	s22 =	sand.u32 @!p1 $0xFC00, s18  }
0x319: {  	s18 =	sand.u32 @!p1 $0x380, s18;
	s22 =	sadd.s32 @!p1 s9, s22  }
0x31a: {  	s18 =	sor.u32 @!p1 s18, s22  }
0x31b: {  	s18 =	sshrl.u32 @!p1 s18, $0x3  }
0x31c: {  	s24 =	simm.s32 @!p1 $0x200;
	s22 =	sadd.s32 @!p1 s5, s18  }
0x31d: {  	[tilespmem:s24], [sflag:$0x5] =	stream.linear.gather @!p1 [hbm4b:s22+s23], $0x80, $0x38;
	[tilespmem:$0x1E480] =	vst v63  }
0x31e: {  	s18 =	sadd.s32 @!p1 s6, s18;
	s22 =	simm.s32 @!p1 $0x600  }
0x31f: {  	[tilespmem:s22], [sflag:$0x5] =	stream.linear.gather @!p1 [hbm4b:s18+s23], $0x80, $0x38;
	[tilespmem:$0x1E480] =	vst v63  }
0x320: {  	s18 =	simm.s32 $0x0  }
0x321: {  	_ =	swait.ge [sflag:s13], $0x1400;
	v1 =	vmov s18  }
0x322: {  	[sflag:s13] =	ssyncset.done $0x0;
	v1 =	vand.u32 $0x7C, v1  }
0x323: {  	[sflag:s13] =	ssyncadd.s32 $0xFFFFEC00;
	v1 =	vor.u32 $0x180, v1  }
0x324: {  	_ =	swait.ge [sflag:s13], $0x80;
	v1 =	vbroadcast v1, $0x0  }
0x325: {  	[sflag:s13] =	ssyncset.done $0x0  }
0x326: {  	[sflag:s13] =	ssyncadd.s32 $0xFFFFFF80  }
0x327: {  	_ =	swait.ge [sflag:s13], $0x80  }
0x328: {  	[sflag:s13] =	ssyncset.done $0x0  }
0x329: {  	[sflag:s13] =	ssyncadd.s32 $0xFFFFFF80  }
0x32a: {  	v2 =	vld.idx.msk [tilespmem:v1+s19+$0x0], $0xffff;
	_ =	sdelay $0x4  }
0x32b: {  	v2 =	vmul.f32 $1.442695020e+00, v2;
	_ =	sdelay $0x1  }
0x32c: {  	(erf) = vpow2.f32 v2;
	_ =	sdelay $0x1  }
0x32d: {  	v1 =	vld.idx.msk [tilespmem:v1+s4+$0x0], $0xffff;
	_ =	sdelay $0x6  }
0x32e: {  	v2 =	vpop (erf)  }
0x32f: {  	s22 =	simm.s32 $0x45F0;
	[tilespmem:v1+s8+$0x0] =	vst.idx.add.f32.msk $0x1, v2  }
0x330: {  	v1 =	vld [tilespmem:s22+$0xFFFFFE80]  }
0x331: {  	v3 =	vld [tilespmem:s22+$0xFFFFFE60]  }
0x332: {  	v4 =	vld [tilespmem:s22+$0xFFFFFE50]  }
0x333: {  	v5 =	vld [tilespmem:s22+$0xFFFFFE40]  }
0x334: {  	v6 =	vld [tilespmem:s22+$0xFFFFFE30]  }
0x335: {  	s25 =	simm.s32 $0x1;
	v7 =	vld [tilespmem:s22+$0xFFFFFE20];
	v1 =	vmul.f32 v1, v2  }
0x336: {  	v59 =	vmov s25;
	v58 =	vld [tilespmem:s22+$0xFFFFFE10];
	v3 =	vmul.f32 v3, v2  }
0x337: {  	v60 =	vld [tilespmem:s22+$0xFFFFFE70];
	v4 =	vmul.f32 v4, v2;
	[tilespmem:s22+$0xFFFFFE80] =	vst v1;
	v1 =	vand.u32 $0x7D, v59  }
0x338: {  	v5 =	vmul.f32 v5, v2;
	[tilespmem:s22+$0xFFFFFE60] =	vst v3;
	v1 =	vor.u32 $0x180, v1  }
0x339: {  	v3 =	vmul.f32 v6, v2;
	[tilespmem:s22+$0xFFFFFE50] =	vst v4;
	v1 =	vbroadcast v1, $0x0  }
0x33a: {  	v4 =	vmul.f32 v7, v2;
	[tilespmem:s22+$0xFFFFFE40] =	vst v5  }
0x33b: {  	v5 =	vmul.f32 v58, v2;
	[tilespmem:s22+$0xFFFFFE30] =	vst v3  }
0x33c: {  	v2 =	vmul.f32 v60, v2;
	[tilespmem:s22+$0xFFFFFE20] =	vst v4  }
0x33d: {  	[tilespmem:s22+$0xFFFFFE10] =	vst v5  }
0x33e: {  	[tilespmem:s22+$0xFFFFFE70] =	vst v2  }
0x33f: {  	v2 =	vld.idx.msk [tilespmem:v1+s19+$0x0], $0xffff;
	_ =	sdelay $0x4  }
0x340: {  	v2 =	vmul.f32 $1.442695020e+00, v2;
	_ =	sdelay $0x1  }
0x341: {  	(erf) = vpow2.f32 v2;
	_ =	sdelay $0x1  }
0x342: {  	v1 =	vld.idx.msk [tilespmem:v1+s4+$0x0], $0xffff;
	_ =	sdelay $0x6  }
0x343: {  	v2 =	vpop (erf)  }
0x344: {  	[tilespmem:v1+s8+$0x0] =	vst.idx.add.f32.msk $0x1, v2  }
0x345: {  	v1 =	vld [tilespmem:s22+$0xFFFFFF00]  }
0x346: {  	v3 =	vld [tilespmem:s22+$0xFFFFFE90]  }
0x347: {  	v4 =	vld [tilespmem:s22+$0xFFFFFED0]  }
0x348: {  	v5 =	vld [tilespmem:s22+$0xFFFFFEB0]  }
0x349: {  	v6 =	vld [tilespmem:s22+$0xFFFFFEC0]  }
0x34a: {  	s28 =	simm.s32 $0x2;
	v7 =	vld [tilespmem:s22+$0xFFFFFEE0];
	v1 =	vmul.f32 v1, v2  }
0x34b: {  	v62 =	vmov s28;
	v61 =	vld [tilespmem:s22+$0xFFFFFEF0];
	v3 =	vmul.f32 v3, v2  }
0x34c: {  	v63 =	vld [tilespmem:s22+$0xFFFFFEA0];
	[tilespmem:s22+$0xFFFFFF00] =	vst v1;
	v1 =	vmul.f32 v4, v2;
	v4 =	vand.u32 $0x7E, v62  }
0x34d: {  	[tilespmem:s22+$0xFFFFFE90] =	vst v3;
	v3 =	vmul.f32 v5, v2;
	v4 =	vor.u32 $0x180, v4  }
0x34e: {  	v5 =	vmul.f32 v6, v2;
	[tilespmem:s22+$0xFFFFFED0] =	vst v1;
	v1 =	vbroadcast v4, $0x0  }
0x34f: {  	[tilespmem:s22+$0xFFFFFEB0] =	vst v3;
	v3 =	vmul.f32 v7, v2  }
0x350: {  	[tilespmem:s22+$0xFFFFFEC0] =	vst v5;
	v4 =	vmul.f32 v61, v2  }
0x351: {  	v2 =	vmul.f32 v63, v2;
	[tilespmem:s22+$0xFFFFFEE0] =	vst v3  }
0x352: {  	[tilespmem:s22+$0xFFFFFEF0] =	vst v4  }
0x353: {  	[tilespmem:s22+$0xFFFFFEA0] =	vst v2  }
0x354: {  	v2 =	vld.idx.msk [tilespmem:v1+s19+$0x0], $0xffff;
	_ =	sdelay $0x4  }
0x355: {  	v2 =	vmul.f32 $1.442695020e+00, v2;
	_ =	sdelay $0x1  }
0x356: {  	(erf) = vpow2.f32 v2;
	_ =	sdelay $0x1  }
0x357: {  	v2 =	vld.idx.msk [tilespmem:v1+s4+$0x0], $0xffff;
	_ =	sdelay $0x6  }
0x358: {  	v1 =	vpop (erf)  }
0x359: {  	[tilespmem:v2+s8+$0x0] =	vst.idx.add.f32.msk $0x1, v1  }
0x35a: {  	v2 =	vld [tilespmem:s22+$0xFFFFFF60]  }
0x35b: {  	v4 =	vld [tilespmem:s22+$0xFFFFFF80]  }
0x35c: {  	s24 =	simm.s32 $0x45F0;
	s23 =	simm.s32 $0x4;
	v3 =	vld [tilespmem:s22+$0xFFFFFF50]  }
.LBB2_13:
0x35d: {  	p1 =	slt.u32 s23, $0x24  }
0x35e: {  	v5 =	vld [tilespmem:s22+$0xFFFFFF30];
	s24 =	sadd.s32 $0x200, s24;
	s25 =	smov.u32 s23;
	s23 =	sadd.s32 $0x4, s23  }
0x35f: {  	v6 =	vld [tilespmem:s22+$0xFFFFFF70]  }
0x360: {  	v7 =	vld [tilespmem:s22+$0xFFFFFF20]  }
0x361: {  	s28 =	sadd.s32 $0x3, s18;
	s18 =	smov.u32 s25;
	v8 =	vld [tilespmem:s22+$0xFFFFFF10];
	v4 =	vmul.f32 v4, v1  }
0x362: {  	v10 =	vmov s28;
	v9 =	vld [tilespmem:s22+$0xFFFFFF40];
	v3 =	vmul.f32 v3, v1  }
0x363: {  	v2 =	vmul.f32 v2, v1;
	v5 =	vmul.f32 v5, v1;
	[tilespmem:s22+$0xFFFFFF80] =	vst v4;
	v4 =	vand.u32 $0x7F, v10  }
0x364: {  	[tilespmem:s22+$0xFFFFFF50] =	vst v3;
	v3 =	vmul.f32 v6, v1;
	v4 =	vor.u32 $0x180, v4  }
0x365: {  	v6 =	vmul.f32 v7, v1;
	[tilespmem:s22+$0xFFFFFF60] =	vst v2;
	v2 =	vbroadcast v4, $0x0  }
0x366: {  	v4 =	vmul.f32 v8, v1;
	[tilespmem:s22+$0xFFFFFF70] =	vst v3  }
0x367: {  	[tilespmem:s22+$0xFFFFFF30] =	vst v5;
	v1 =	vmul.f32 v9, v1  }
0x368: {  	[tilespmem:s22+$0xFFFFFF10] =	vst v4  }
0x369: {  	[tilespmem:s22+$0xFFFFFF40] =	vst v1  }
0x36a: {  	[tilespmem:s22+$0xFFFFFF20] =	vst v6  }
0x36b: {  	v1 =	vld.idx.msk [tilespmem:v2+s19+$0x0], $0xffff  }
0x36c: {  	v2 =	vld.idx.msk [tilespmem:v2+s4+$0x0], $0xffff;
	_ =	sdelay $0x4  }
0x36d: {  	v1 =	vmul.f32 $1.442695020e+00, v1;
	_ =	sdelay $0x1  }
0x36e: {  	(erf) = vpow2.f32 v1  }
0x36f: {  	v1 =	vmov s18  }
0x370: {  	v1 =	vand.u32 $0x7C, v1  }
0x371: {  	v1 =	vor.u32 $0x180, v1  }
0x372: {  	v1 =	vbroadcast v1, $0x0;
	_ =	sdelay $0x4  }
0x373: {  	v3 =	vpop (erf)  }
0x374: {  	[tilespmem:v2+s8+$0x0] =	vst.idx.add.f32.msk $0x1, v3  }
0x375: {  	v2 =	vld [tilespmem:s22+$0xFFFFFF90]  }
0x376: {  	v4 =	vld [tilespmem:s22+$0xFFFFFFA0]  }
0x377: {  	v5 =	vld [tilespmem:s22+$0xFFFFFFB0]  }
0x378: {  	v6 =	vld [tilespmem:s22+$0xFFFFFFC0]  }
0x379: {  	v7 =	vld [tilespmem:s22+$0xFFFFFFD0]  }
0x37a: {  	v2 =	vmul.f32 v2, v3;
	v8 =	vld [tilespmem:s22+$0xFFFFFFE0]  }
0x37b: {  	v4 =	vmul.f32 v4, v3;
	v9 =	vld [tilespmem:s22+$0xFFFFFFF0]  }
0x37c: {  	[tilespmem:s22+$0xFFFFFF90] =	vst v2;
	v2 =	vmul.f32 v5, v3;
	v5 =	vld [tilespmem:s22+$0x0]  }
0x37d: {  	[tilespmem:s22+$0xFFFFFFA0] =	vst v4;
	v4 =	vmul.f32 v6, v3  }
0x37e: {  	[tilespmem:s22+$0xFFFFFFB0] =	vst v2;
	v2 =	vmul.f32 v7, v3  }
0x37f: {  	[tilespmem:s22+$0xFFFFFFC0] =	vst v4;
	v4 =	vmul.f32 v8, v3  }
0x380: {  	[tilespmem:s22+$0xFFFFFFD0] =	vst v2;
	v2 =	vmul.f32 v9, v3  }
0x381: {  	[tilespmem:s22+$0xFFFFFFE0] =	vst v4;
	v3 =	vmul.f32 v5, v3  }
0x382: {  	[tilespmem:s22+$0xFFFFFFF0] =	vst v2  }
0x383: {  	[tilespmem:s22+$0x0] =	vst v3;
	s22 =	smov.u32 s24  }
0x384: {  	v2 =	vld.idx.msk [tilespmem:v1+s19+$0x0], $0xffff;
	_ =	sdelay $0x3  }
0x385: {  	v1 =	vld.idx.msk [tilespmem:v1+s4+$0x0], $0xffff;
	_ =	sdelay $0x1  }
0x386: {  	v2 =	vmul.f32 $1.442695020e+00, v2;
	_ =	sdelay $0x1  }
0x387: {  	(erf) = vpow2.f32 v2;
	_ =	sdelay $0x8  }
0x388: {  	v2 =	vpop (erf)  }
0x389: {  	[tilespmem:v1+s8+$0x0] =	vst.idx.add.f32.msk $0x1, v2  }
0x38a: {  	v1 =	vld [tilespmem:s24+$0xFFFFFE80]  }
0x38b: {  	v3 =	vld [tilespmem:s24+$0xFFFFFE60]  }
0x38c: {  	v4 =	vld [tilespmem:s24+$0xFFFFFE50]  }
0x38d: {  	v5 =	vld [tilespmem:s24+$0xFFFFFE40]  }
0x38e: {  	v6 =	vld [tilespmem:s24+$0xFFFFFE30]  }
0x38f: {  	s25 =	sadd.s32 $0x1, s18;
	v7 =	vld [tilespmem:s24+$0xFFFFFE20];
	v1 =	vmul.f32 v1, v2  }
0x390: {  	v9 =	vmov s25;
	v8 =	vld [tilespmem:s24+$0xFFFFFE10];
	v3 =	vmul.f32 v3, v2  }
0x391: {  	v4 =	vmul.f32 v4, v2;
	v10 =	vld [tilespmem:s24+$0xFFFFFE70];
	[tilespmem:s24+$0xFFFFFE80] =	vst v1;
	v1 =	vand.u32 $0x7D, v9  }
0x392: {  	v5 =	vmul.f32 v5, v2;
	[tilespmem:s24+$0xFFFFFE60] =	vst v3;
	v1 =	vor.u32 $0x180, v1  }
0x393: {  	v3 =	vmul.f32 v6, v2;
	[tilespmem:s24+$0xFFFFFE50] =	vst v4;
	v1 =	vbroadcast v1, $0x0  }
0x394: {  	v4 =	vmul.f32 v7, v2;
	[tilespmem:s24+$0xFFFFFE40] =	vst v5  }
0x395: {  	v5 =	vmul.f32 v8, v2;
	[tilespmem:s24+$0xFFFFFE30] =	vst v3  }
0x396: {  	[tilespmem:s24+$0xFFFFFE20] =	vst v4;
	v2 =	vmul.f32 v10, v2  }
0x397: {  	[tilespmem:s24+$0xFFFFFE10] =	vst v5  }
0x398: {  	[tilespmem:s24+$0xFFFFFE70] =	vst v2  }
0x399: {  	v2 =	vld.idx.msk [tilespmem:v1+s19+$0x0], $0xffff  }
0x39a: {  	v1 =	vld.idx.msk [tilespmem:v1+s4+$0x0], $0xffff;
	_ =	sdelay $0x4  }
0x39b: {  	v2 =	vmul.f32 $1.442695020e+00, v2;
	_ =	sdelay $0x1  }
0x39c: {  	(erf) = vpow2.f32 v2;
	_ =	sdelay $0x8  }
0x39d: {  	v2 =	vpop (erf)  }
0x39e: {  	[tilespmem:v1+s8+$0x0] =	vst.idx.add.f32.msk $0x1, v2  }
0x39f: {  	v1 =	vld [tilespmem:s24+$0xFFFFFF00]  }
0x3a0: {  	v3 =	vld [tilespmem:s24+$0xFFFFFEA0]  }
0x3a1: {  	v4 =	vld [tilespmem:s24+$0xFFFFFE90]  }
0x3a2: {  	v5 =	vld [tilespmem:s24+$0xFFFFFED0]  }
0x3a3: {  	v6 =	vld [tilespmem:s24+$0xFFFFFEB0]  }
0x3a4: {  	v7 =	vld [tilespmem:s24+$0xFFFFFEC0];
	v1 =	vmul.f32 v1, v2  }
0x3a5: {  	s25 =	sadd.s32 $0x2, s18;
	v8 =	vld [tilespmem:s24+$0xFFFFFEE0]  }
0x3a6: {  	v3 =	vmul.f32 v3, v2;
	v4 =	vmul.f32 v4, v2;
	v9 =	vld [tilespmem:s24+$0xFFFFFEF0];
	[tilespmem:s24+$0xFFFFFF00] =	vst v1;
	v1 =	vmov s25  }
0x3a7: {  	v5 =	vmul.f32 v5, v2;
	v1 =	vand.u32 $0x7E, v1  }
0x3a8: {  	[tilespmem:s24+$0xFFFFFE90] =	vst v4;
	v4 =	vmul.f32 v6, v2;
	v1 =	vor.u32 $0x180, v1  }
0x3a9: {  	v6 =	vmul.f32 v7, v2;
	[tilespmem:s24+$0xFFFFFED0] =	vst v5;
	v1 =	vbroadcast v1, $0x0  }
0x3aa: {  	[tilespmem:s24+$0xFFFFFEB0] =	vst v4;
	v4 =	vmul.f32 v8, v2  }
0x3ab: {  	[tilespmem:s24+$0xFFFFFEC0] =	vst v6;
	v2 =	vmul.f32 v9, v2  }
0x3ac: {  	[tilespmem:s24+$0xFFFFFEE0] =	vst v4  }
0x3ad: {  	[tilespmem:s24+$0xFFFFFEF0] =	vst v2  }
0x3ae: {  	[tilespmem:s24+$0xFFFFFEA0] =	vst v3  }
0x3af: {  	v2 =	vld.idx.msk [tilespmem:v1+s19+$0x0], $0xffff;
	_ =	sdelay $0x5  }
0x3b0: {  	v2 =	vmul.f32 $1.442695020e+00, v2;
	_ =	sdelay $0x1  }
0x3b1: {  	(erf) = vpow2.f32 v2;
	_ =	sdelay $0x1  }
0x3b2: {  	v2 =	vld.idx.msk [tilespmem:v1+s4+$0x0], $0xffff;
	_ =	sdelay $0x6  }
.Ltmp7:
0x3b3: {  	v1 =	vpop (erf);
	(pc) =	sbr.rel @p1 .LBB2_13-.Ltmp7, $4  }
0x3b4: {  	[tilespmem:v2+s8+$0x0] =	vst.idx.add.f32.msk $0x1, v1  }
0x3b5: {  	v2 =	vld [tilespmem:s24+$0xFFFFFF60]  }
0x3b6: {  	v4 =	vld [tilespmem:s24+$0xFFFFFF80]  }
0x3b7: {  	v3 =	vld [tilespmem:s24+$0xFFFFFF50]  }
0x3b8: {  	_ = 	snop  }
0x3b9: {  	v5 =	vld [tilespmem:s22+$0xFFFFFF70]  }
0x3ba: {  	v6 =	vld [tilespmem:s22+$0xFFFFFF30]  }
0x3bb: {  	v7 =	vld [tilespmem:s22+$0xFFFFFF10];
	s18 =	sadd.s32 $0x3, s18;
	v4 =	vmul.f32 v4, v1  }
0x3bc: {  	v8 =	vld [tilespmem:s22+$0xFFFFFF40];
	v9 =	vmov s18;
	v3 =	vmul.f32 v3, v1  }
0x3bd: {  	v10 =	vld [tilespmem:s22+$0xFFFFFF20];
	v2 =	vmul.f32 v2, v1;
	[tilespmem:s22+$0xFFFFFF80] =	vst v4;
	v4 =	vand.u32 $0x7F, v9  }
0x3be: {  	[tilespmem:s22+$0xFFFFFF50] =	vst v3;
	v3 =	vmul.f32 v5, v1;
	v4 =	vor.u32 $0x180, v4  }
0x3bf: {  	[tilespmem:s22+$0xFFFFFF60] =	vst v2;
	v5 =	vmul.f32 v6, v1;
	v2 =	vbroadcast v4, $0x0  }
0x3c0: {  	v4 =	vmul.f32 v7, v1;
	[tilespmem:s22+$0xFFFFFF70] =	vst v3  }
0x3c1: {  	[tilespmem:s22+$0xFFFFFF30] =	vst v5;
	v3 =	vmul.f32 v8, v1  }
0x3c2: {  	v1 =	vmul.f32 v10, v1;
	[tilespmem:s22+$0xFFFFFF10] =	vst v4  }
0x3c3: {  	[tilespmem:s22+$0xFFFFFF40] =	vst v3  }
0x3c4: {  	[tilespmem:s22+$0xFFFFFF20] =	vst v1  }
0x3c5: {  	v1 =	vld.idx.msk [tilespmem:v2+s19+$0x0], $0xffff;
	_ =	sdelay $0x4  }
0x3c6: {  	v1 =	vmul.f32 $1.442695020e+00, v1;
	_ =	sdelay $0x1  }
0x3c7: {  	(erf) = vpow2.f32 v1;
	_ =	sdelay $0x1  }
0x3c8: {  	v1 =	vld.idx.msk [tilespmem:v2+s4+$0x0], $0xffff;
	_ =	sdelay $0x6  }
0x3c9: {  	v2 =	vpop (erf)  }
0x3ca: {  	[tilespmem:v1+s8+$0x0] =	vst.idx.add.f32.msk $0x1, v2  }
0x3cb: {  	v1 =	vld [tilespmem:s22+$0xFFFFFF90]  }
0x3cc: {  	v3 =	vld [tilespmem:s22+$0xFFFFFFA0]  }
0x3cd: {  	v4 =	vld [tilespmem:s22+$0xFFFFFFB0]  }
0x3ce: {  	v5 =	vld [tilespmem:s22+$0xFFFFFFC0]  }
0x3cf: {  	v6 =	vld [tilespmem:s22+$0xFFFFFFD0]  }
0x3d0: {  	v7 =	vld [tilespmem:s22+$0xFFFFFFE0];
	v1 =	vmul.f32 v1, v2  }
0x3d1: {  	v57 =	vld [tilespmem:s22+$0xFFFFFFF0];
	v3 =	vmul.f32 v3, v2  }
0x3d2: {  	[tilespmem:s22+$0xFFFFFF90] =	vst v1;
	v1 =	vmul.f32 v4, v2;
	v4 =	vld [tilespmem:s22+$0x0]  }
0x3d3: {  	[tilespmem:s22+$0xFFFFFFA0] =	vst v3;
	v3 =	vmul.f32 v5, v2  }
0x3d4: {  	[tilespmem:s22+$0xFFFFFFB0] =	vst v1;
	v1 =	vmul.f32 v6, v2  }
0x3d5: {  	[tilespmem:s22+$0xFFFFFFC0] =	vst v3;
	v3 =	vmul.f32 v7, v2  }
0x3d6: {  	[tilespmem:s22+$0xFFFFFFD0] =	vst v1;
	v1 =	vmul.f32 v57, v2  }
0x3d7: {  	p1 =	seq.s32 s31, $0x31;
	[tilespmem:s22+$0xFFFFFFE0] =	vst v3;
	v2 =	vmul.f32 v4, v2  }
0x3d8: {  	s18 =	sadd.s32 @!p1 $0x5, s17;
	[tilespmem:s22+$0xFFFFFFF0] =	vst v1  }
0x3d9: {  	s23 =	simm.s32 $0x4400;
	s24 =	simm.s32 $0x180;
	[tilespmem:s22+$0x0] =	vst v2;
	s22 =	smul.u32 @!p1 $0x28, s18  }
0x3da: {  	[spmem:s3] =	stream.indirect.scatter.add.f32 [tilespmem:s23], [sflag:$0x9], $0x80, s24, s10, $0xb8;
	[tilespmem:$0x1E480] =	vst v63  }
0x3db: {  	s18 =	sshll.u32 @!p1 s18, $0x7;
	_ =	swait.ge [sflag:s14], $0x1400;
	s22 =	sadd.s32 @!p1 s7, s22  }
0x3dc: {  	s23 =	simm.s32 @!p1 $0x0;
	[sflag:s14] =	ssyncset.done $0x0;
	s22 =	sshll.u32 @!p1 s22, $0x4  }
0x3dd: {  	s24 =	simm.s32 @!p1 $0x800;
	[sflag:s14] =	ssyncadd.s32 $0xFFFFEC00;
	s22 =	sadd.s32 @!p1 s0, s22  }
0x3de: {  	[tilespmem:s24], [sflag:$0x1] =	stream.linear.gather @!p1 [hbm4b:s22+s23], $0x1400, $0x38;
	[tilespmem:$0x1E480] =	vst v63  }
0x3df: {  	s22 =	sand.u32 @!p1 $0xFC00, s18  }
0x3e0: {  	s18 =	sand.u32 @!p1 $0x380, s18;
	s22 =	sadd.s32 @!p1 s9, s22  }
0x3e1: {  	s18 =	sor.u32 @!p1 s18, s22  }
0x3e2: {  	s18 =	sshrl.u32 @!p1 s18, $0x3  }
0x3e3: {  	s22 =	sadd.s32 @!p1 s5, s18  }
0x3e4: {  	[tilespmem:s23], [sflag:$0x1] =	stream.linear.gather @!p1 [hbm4b:s22+s23], $0x80, $0x38;
	[tilespmem:$0x1E480] =	vst v63  }
0x3e5: {  	s18 =	sadd.s32 @!p1 s6, s18;
	s22 =	simm.s32 @!p1 $0x400  }
0x3e6: {  	[tilespmem:s22], [sflag:$0x1] =	stream.linear.gather @!p1 [hbm4b:s18+s23], $0x80, $0x38;
	[tilespmem:$0x1E480] =	vst v63  }
0x3e7: {  	s18 =	simm.s32 $0x0  }
0x3e8: {  	_ =	swait.ge [sflag:s15], $0x1400;
	v1 =	vmov s18  }
0x3e9: {  	[sflag:s15] =	ssyncset.done $0x0;
	v1 =	vand.u32 $0x7C, v1  }
0x3ea: {  	[sflag:s15] =	ssyncadd.s32 $0xFFFFEC00;
	v1 =	vor.u32 $0x200, v1  }
0x3eb: {  	_ =	swait.ge [sflag:s15], $0x80;
	v1 =	vbroadcast v1, $0x0  }
0x3ec: {  	[sflag:s15] =	ssyncset.done $0x0  }
0x3ed: {  	[sflag:s15] =	ssyncadd.s32 $0xFFFFFF80  }
0x3ee: {  	_ =	swait.ge [sflag:s15], $0x80  }
0x3ef: {  	[sflag:s15] =	ssyncset.done $0x0  }
0x3f0: {  	[sflag:s15] =	ssyncadd.s32 $0xFFFFFF80  }
0x3f1: {  	v2 =	vld.idx.msk [tilespmem:v1+s19+$0x0], $0xffff;
	_ =	sdelay $0x4  }
0x3f2: {  	v2 =	vmul.f32 $1.442695020e+00, v2;
	_ =	sdelay $0x1  }
0x3f3: {  	(erf) = vpow2.f32 v2;
	_ =	sdelay $0x1  }
0x3f4: {  	v1 =	vld.idx.msk [tilespmem:v1+s4+$0x0], $0xffff;
	_ =	sdelay $0x6  }
0x3f5: {  	v2 =	vpop (erf)  }
0x3f6: {  	s22 =	simm.s32 $0x59F0;
	[tilespmem:v1+s8+$0x0] =	vst.idx.add.f32.msk $0x1, v2  }
0x3f7: {  	v1 =	vld [tilespmem:s22+$0xFFFFFE80]  }
0x3f8: {  	v3 =	vld [tilespmem:s22+$0xFFFFFE60]  }
0x3f9: {  	v4 =	vld [tilespmem:s22+$0xFFFFFE50]  }
0x3fa: {  	v5 =	vld [tilespmem:s22+$0xFFFFFE40]  }
0x3fb: {  	v6 =	vld [tilespmem:s22+$0xFFFFFE30]  }
0x3fc: {  	s25 =	simm.s32 $0x1;
	v7 =	vld [tilespmem:s22+$0xFFFFFE20];
	v1 =	vmul.f32 v1, v2  }
0x3fd: {  	v59 =	vmov s25;
	v58 =	vld [tilespmem:s22+$0xFFFFFE10];
	v3 =	vmul.f32 v3, v2  }
0x3fe: {  	v60 =	vld [tilespmem:s22+$0xFFFFFE70];
	v4 =	vmul.f32 v4, v2;
	[tilespmem:s22+$0xFFFFFE80] =	vst v1;
	v1 =	vand.u32 $0x7D, v59  }
0x3ff: {  	v5 =	vmul.f32 v5, v2;
	[tilespmem:s22+$0xFFFFFE60] =	vst v3;
	v1 =	vor.u32 $0x200, v1  }
0x400: {  	v3 =	vmul.f32 v6, v2;
	[tilespmem:s22+$0xFFFFFE50] =	vst v4;
	v1 =	vbroadcast v1, $0x0  }
0x401: {  	v4 =	vmul.f32 v7, v2;
	[tilespmem:s22+$0xFFFFFE40] =	vst v5  }
0x402: {  	v5 =	vmul.f32 v58, v2;
	[tilespmem:s22+$0xFFFFFE30] =	vst v3  }
0x403: {  	v2 =	vmul.f32 v60, v2;
	[tilespmem:s22+$0xFFFFFE20] =	vst v4  }
0x404: {  	[tilespmem:s22+$0xFFFFFE10] =	vst v5  }
0x405: {  	[tilespmem:s22+$0xFFFFFE70] =	vst v2  }
0x406: {  	v2 =	vld.idx.msk [tilespmem:v1+s19+$0x0], $0xffff;
	_ =	sdelay $0x4  }
0x407: {  	v2 =	vmul.f32 $1.442695020e+00, v2;
	_ =	sdelay $0x1  }
0x408: {  	(erf) = vpow2.f32 v2;
	_ =	sdelay $0x1  }
0x409: {  	v1 =	vld.idx.msk [tilespmem:v1+s4+$0x0], $0xffff;
	_ =	sdelay $0x6  }
0x40a: {  	v2 =	vpop (erf)  }
0x40b: {  	[tilespmem:v1+s8+$0x0] =	vst.idx.add.f32.msk $0x1, v2  }
0x40c: {  	v1 =	vld [tilespmem:s22+$0xFFFFFF00]  }
0x40d: {  	v3 =	vld [tilespmem:s22+$0xFFFFFE90]  }
0x40e: {  	v4 =	vld [tilespmem:s22+$0xFFFFFED0]  }
0x40f: {  	v5 =	vld [tilespmem:s22+$0xFFFFFEB0]  }
0x410: {  	v6 =	vld [tilespmem:s22+$0xFFFFFEC0]  }
0x411: {  	s28 =	simm.s32 $0x2;
	v7 =	vld [tilespmem:s22+$0xFFFFFEE0];
	v1 =	vmul.f32 v1, v2  }
0x412: {  	v62 =	vmov s28;
	v61 =	vld [tilespmem:s22+$0xFFFFFEF0];
	v3 =	vmul.f32 v3, v2  }
0x413: {  	v63 =	vld [tilespmem:s22+$0xFFFFFEA0];
	[tilespmem:s22+$0xFFFFFF00] =	vst v1;
	v1 =	vmul.f32 v4, v2;
	v4 =	vand.u32 $0x7E, v62  }
0x414: {  	[tilespmem:s22+$0xFFFFFE90] =	vst v3;
	v3 =	vmul.f32 v5, v2;
	v4 =	vor.u32 $0x200, v4  }
0x415: {  	v5 =	vmul.f32 v6, v2;
	[tilespmem:s22+$0xFFFFFED0] =	vst v1;
	v1 =	vbroadcast v4, $0x0  }
0x416: {  	[tilespmem:s22+$0xFFFFFEB0] =	vst v3;
	v3 =	vmul.f32 v7, v2  }
0x417: {  	[tilespmem:s22+$0xFFFFFEC0] =	vst v5;
	v4 =	vmul.f32 v61, v2  }
0x418: {  	v2 =	vmul.f32 v63, v2;
	[tilespmem:s22+$0xFFFFFEE0] =	vst v3  }
0x419: {  	[tilespmem:s22+$0xFFFFFEF0] =	vst v4  }
0x41a: {  	[tilespmem:s22+$0xFFFFFEA0] =	vst v2  }
0x41b: {  	v2 =	vld.idx.msk [tilespmem:v1+s19+$0x0], $0xffff;
	_ =	sdelay $0x4  }
0x41c: {  	v2 =	vmul.f32 $1.442695020e+00, v2;
	_ =	sdelay $0x1  }
0x41d: {  	(erf) = vpow2.f32 v2;
	_ =	sdelay $0x1  }
0x41e: {  	v2 =	vld.idx.msk [tilespmem:v1+s4+$0x0], $0xffff;
	_ =	sdelay $0x6  }
0x41f: {  	v1 =	vpop (erf)  }
0x420: {  	[tilespmem:v2+s8+$0x0] =	vst.idx.add.f32.msk $0x1, v1  }
0x421: {  	v2 =	vld [tilespmem:s22+$0xFFFFFF60]  }
0x422: {  	v4 =	vld [tilespmem:s22+$0xFFFFFF80]  }
0x423: {  	s24 =	simm.s32 $0x59F0;
	s23 =	simm.s32 $0x4;
	v3 =	vld [tilespmem:s22+$0xFFFFFF50]  }
.LBB2_15:
0x424: {  	p2 =	slt.u32 s23, $0x24  }
0x425: {  	v5 =	vld [tilespmem:s22+$0xFFFFFF30];
	s24 =	sadd.s32 $0x200, s24;
	s25 =	smov.u32 s23;
	s23 =	sadd.s32 $0x4, s23  }
0x426: {  	v6 =	vld [tilespmem:s22+$0xFFFFFF70]  }
0x427: {  	v7 =	vld [tilespmem:s22+$0xFFFFFF20]  }
0x428: {  	s28 =	sadd.s32 $0x3, s18;
	s18 =	smov.u32 s25;
	v8 =	vld [tilespmem:s22+$0xFFFFFF10];
	v4 =	vmul.f32 v4, v1  }
0x429: {  	v10 =	vmov s28;
	v9 =	vld [tilespmem:s22+$0xFFFFFF40];
	v3 =	vmul.f32 v3, v1  }
0x42a: {  	v2 =	vmul.f32 v2, v1;
	v5 =	vmul.f32 v5, v1;
	[tilespmem:s22+$0xFFFFFF80] =	vst v4;
	v4 =	vand.u32 $0x7F, v10  }
0x42b: {  	[tilespmem:s22+$0xFFFFFF50] =	vst v3;
	v3 =	vmul.f32 v6, v1;
	v4 =	vor.u32 $0x200, v4  }
0x42c: {  	v6 =	vmul.f32 v7, v1;
	[tilespmem:s22+$0xFFFFFF60] =	vst v2;
	v2 =	vbroadcast v4, $0x0  }
0x42d: {  	v4 =	vmul.f32 v8, v1;
	[tilespmem:s22+$0xFFFFFF70] =	vst v3  }
0x42e: {  	[tilespmem:s22+$0xFFFFFF30] =	vst v5;
	v1 =	vmul.f32 v9, v1  }
0x42f: {  	[tilespmem:s22+$0xFFFFFF10] =	vst v4  }
0x430: {  	[tilespmem:s22+$0xFFFFFF40] =	vst v1  }
0x431: {  	[tilespmem:s22+$0xFFFFFF20] =	vst v6  }
0x432: {  	v1 =	vld.idx.msk [tilespmem:v2+s19+$0x0], $0xffff  }
0x433: {  	v2 =	vld.idx.msk [tilespmem:v2+s4+$0x0], $0xffff;
	_ =	sdelay $0x4  }
0x434: {  	v1 =	vmul.f32 $1.442695020e+00, v1;
	_ =	sdelay $0x1  }
0x435: {  	(erf) = vpow2.f32 v1  }
0x436: {  	v1 =	vmov s18  }
0x437: {  	v1 =	vand.u32 $0x7C, v1  }
0x438: {  	v1 =	vor.u32 $0x200, v1  }
0x439: {  	v1 =	vbroadcast v1, $0x0;
	_ =	sdelay $0x4  }
0x43a: {  	v3 =	vpop (erf)  }
0x43b: {  	[tilespmem:v2+s8+$0x0] =	vst.idx.add.f32.msk $0x1, v3  }
0x43c: {  	v2 =	vld [tilespmem:s22+$0xFFFFFF90]  }
0x43d: {  	v4 =	vld [tilespmem:s22+$0xFFFFFFA0]  }
0x43e: {  	v5 =	vld [tilespmem:s22+$0xFFFFFFB0]  }
0x43f: {  	v6 =	vld [tilespmem:s22+$0xFFFFFFC0]  }
0x440: {  	v7 =	vld [tilespmem:s22+$0xFFFFFFD0]  }
0x441: {  	v2 =	vmul.f32 v2, v3;
	v8 =	vld [tilespmem:s22+$0xFFFFFFE0]  }
0x442: {  	v4 =	vmul.f32 v4, v3;
	v9 =	vld [tilespmem:s22+$0xFFFFFFF0]  }
0x443: {  	[tilespmem:s22+$0xFFFFFF90] =	vst v2;
	v2 =	vmul.f32 v5, v3;
	v5 =	vld [tilespmem:s22+$0x0]  }
0x444: {  	[tilespmem:s22+$0xFFFFFFA0] =	vst v4;
	v4 =	vmul.f32 v6, v3  }
0x445: {  	[tilespmem:s22+$0xFFFFFFB0] =	vst v2;
	v2 =	vmul.f32 v7, v3  }
0x446: {  	[tilespmem:s22+$0xFFFFFFC0] =	vst v4;
	v4 =	vmul.f32 v8, v3  }
0x447: {  	[tilespmem:s22+$0xFFFFFFD0] =	vst v2;
	v2 =	vmul.f32 v9, v3  }
0x448: {  	[tilespmem:s22+$0xFFFFFFE0] =	vst v4;
	v3 =	vmul.f32 v5, v3  }
0x449: {  	[tilespmem:s22+$0xFFFFFFF0] =	vst v2  }
0x44a: {  	[tilespmem:s22+$0x0] =	vst v3;
	s22 =	smov.u32 s24  }
0x44b: {  	v2 =	vld.idx.msk [tilespmem:v1+s19+$0x0], $0xffff;
	_ =	sdelay $0x3  }
0x44c: {  	v1 =	vld.idx.msk [tilespmem:v1+s4+$0x0], $0xffff;
	_ =	sdelay $0x1  }
0x44d: {  	v2 =	vmul.f32 $1.442695020e+00, v2;
	_ =	sdelay $0x1  }
0x44e: {  	(erf) = vpow2.f32 v2;
	_ =	sdelay $0x8  }
0x44f: {  	v2 =	vpop (erf)  }
0x450: {  	[tilespmem:v1+s8+$0x0] =	vst.idx.add.f32.msk $0x1, v2  }
0x451: {  	v1 =	vld [tilespmem:s24+$0xFFFFFE80]  }
0x452: {  	v3 =	vld [tilespmem:s24+$0xFFFFFE60]  }
0x453: {  	v4 =	vld [tilespmem:s24+$0xFFFFFE50]  }
0x454: {  	v5 =	vld [tilespmem:s24+$0xFFFFFE40]  }
0x455: {  	v6 =	vld [tilespmem:s24+$0xFFFFFE30]  }
0x456: {  	s25 =	sadd.s32 $0x1, s18;
	v7 =	vld [tilespmem:s24+$0xFFFFFE20];
	v1 =	vmul.f32 v1, v2  }
0x457: {  	v9 =	vmov s25;
	v8 =	vld [tilespmem:s24+$0xFFFFFE10];
	v3 =	vmul.f32 v3, v2  }
0x458: {  	v4 =	vmul.f32 v4, v2;
	v10 =	vld [tilespmem:s24+$0xFFFFFE70];
	[tilespmem:s24+$0xFFFFFE80] =	vst v1;
	v1 =	vand.u32 $0x7D, v9  }
0x459: {  	v5 =	vmul.f32 v5, v2;
	[tilespmem:s24+$0xFFFFFE60] =	vst v3;
	v1 =	vor.u32 $0x200, v1  }
0x45a: {  	v3 =	vmul.f32 v6, v2;
	[tilespmem:s24+$0xFFFFFE50] =	vst v4;
	v1 =	vbroadcast v1, $0x0  }
0x45b: {  	v4 =	vmul.f32 v7, v2;
	[tilespmem:s24+$0xFFFFFE40] =	vst v5  }
0x45c: {  	v5 =	vmul.f32 v8, v2;
	[tilespmem:s24+$0xFFFFFE30] =	vst v3  }
0x45d: {  	[tilespmem:s24+$0xFFFFFE20] =	vst v4;
	v2 =	vmul.f32 v10, v2  }
0x45e: {  	[tilespmem:s24+$0xFFFFFE10] =	vst v5  }
0x45f: {  	[tilespmem:s24+$0xFFFFFE70] =	vst v2  }
0x460: {  	v2 =	vld.idx.msk [tilespmem:v1+s19+$0x0], $0xffff  }
0x461: {  	v1 =	vld.idx.msk [tilespmem:v1+s4+$0x0], $0xffff;
	_ =	sdelay $0x4  }
0x462: {  	v2 =	vmul.f32 $1.442695020e+00, v2;
	_ =	sdelay $0x1  }
0x463: {  	(erf) = vpow2.f32 v2;
	_ =	sdelay $0x8  }
0x464: {  	v2 =	vpop (erf)  }
0x465: {  	[tilespmem:v1+s8+$0x0] =	vst.idx.add.f32.msk $0x1, v2  }
0x466: {  	v1 =	vld [tilespmem:s24+$0xFFFFFF00]  }
0x467: {  	v3 =	vld [tilespmem:s24+$0xFFFFFEA0]  }
0x468: {  	v4 =	vld [tilespmem:s24+$0xFFFFFE90]  }
0x469: {  	v5 =	vld [tilespmem:s24+$0xFFFFFED0]  }
0x46a: {  	v6 =	vld [tilespmem:s24+$0xFFFFFEB0]  }
0x46b: {  	v7 =	vld [tilespmem:s24+$0xFFFFFEC0];
	v1 =	vmul.f32 v1, v2  }
0x46c: {  	s25 =	sadd.s32 $0x2, s18;
	v8 =	vld [tilespmem:s24+$0xFFFFFEE0]  }
0x46d: {  	v3 =	vmul.f32 v3, v2;
	v4 =	vmul.f32 v4, v2;
	v9 =	vld [tilespmem:s24+$0xFFFFFEF0];
	[tilespmem:s24+$0xFFFFFF00] =	vst v1;
	v1 =	vmov s25  }
0x46e: {  	v5 =	vmul.f32 v5, v2;
	v1 =	vand.u32 $0x7E, v1  }
0x46f: {  	[tilespmem:s24+$0xFFFFFE90] =	vst v4;
	v4 =	vmul.f32 v6, v2;
	v1 =	vor.u32 $0x200, v1  }
0x470: {  	v6 =	vmul.f32 v7, v2;
	[tilespmem:s24+$0xFFFFFED0] =	vst v5;
	v1 =	vbroadcast v1, $0x0  }
0x471: {  	[tilespmem:s24+$0xFFFFFEB0] =	vst v4;
	v4 =	vmul.f32 v8, v2  }
0x472: {  	[tilespmem:s24+$0xFFFFFEC0] =	vst v6;
	v2 =	vmul.f32 v9, v2  }
0x473: {  	[tilespmem:s24+$0xFFFFFEE0] =	vst v4  }
0x474: {  	[tilespmem:s24+$0xFFFFFEF0] =	vst v2  }
0x475: {  	[tilespmem:s24+$0xFFFFFEA0] =	vst v3  }
0x476: {  	v2 =	vld.idx.msk [tilespmem:v1+s19+$0x0], $0xffff;
	_ =	sdelay $0x5  }
0x477: {  	v2 =	vmul.f32 $1.442695020e+00, v2;
	_ =	sdelay $0x1  }
0x478: {  	(erf) = vpow2.f32 v2;
	_ =	sdelay $0x1  }
0x479: {  	v2 =	vld.idx.msk [tilespmem:v1+s4+$0x0], $0xffff;
	_ =	sdelay $0x6  }
.Ltmp8:
0x47a: {  	v1 =	vpop (erf);
	(pc) =	sbr.rel @p2 .LBB2_15-.Ltmp8, $4  }
0x47b: {  	[tilespmem:v2+s8+$0x0] =	vst.idx.add.f32.msk $0x1, v1  }
0x47c: {  	v2 =	vld [tilespmem:s24+$0xFFFFFF60]  }
0x47d: {  	v4 =	vld [tilespmem:s24+$0xFFFFFF80]  }
0x47e: {  	v3 =	vld [tilespmem:s24+$0xFFFFFF50]  }
0x47f: {  	v6 =	vld [tilespmem:s22+$0xFFFFFF30]  }
0x480: {  	v5 =	vld [tilespmem:s22+$0xFFFFFF70]  }
0x481: {  	v7 =	vld [tilespmem:s22+$0xFFFFFF10];
	s18 =	sadd.s32 $0x3, s18;
	v2 =	vmul.f32 v2, v1  }
0x482: {  	v8 =	vld [tilespmem:s22+$0xFFFFFF40];
	v9 =	vmov s18;
	v4 =	vmul.f32 v4, v1  }
0x483: {  	v10 =	vld [tilespmem:s22+$0xFFFFFF20];
	v55 =	vand.u32 $0x7F, v9;
	v3 =	vmul.f32 v3, v1;
	[tilespmem:s22+$0xFFFFFF60] =	vst v2  }
0x484: {  	[tilespmem:s22+$0xFFFFFF80] =	vst v4;
	v4 =	vor.u32 $0x200, v55;
	v56 =	vmul.f32 v6, v1  }
0x485: {  	[tilespmem:s22+$0xFFFFFF50] =	vst v3;
	v3 =	vmul.f32 v5, v1;
	v2 =	vbroadcast v4, $0x0  }
0x486: {  	v57 =	vmul.f32 v7, v1;
	[tilespmem:s22+$0xFFFFFF30] =	vst v56  }
0x487: {  	[tilespmem:s22+$0xFFFFFF70] =	vst v3;
	v3 =	vmul.f32 v8, v1  }
0x488: {  	[tilespmem:s22+$0xFFFFFF10] =	vst v57;
	v1 =	vmul.f32 v10, v1  }
0x489: {  	[tilespmem:s22+$0xFFFFFF40] =	vst v3  }
0x48a: {  	[tilespmem:s22+$0xFFFFFF20] =	vst v1  }
0x48b: {  	v1 =	vld.idx.msk [tilespmem:v2+s19+$0x0], $0xffff;
	_ =	sdelay $0x4  }
0x48c: {  	v1 =	vmul.f32 $1.442695020e+00, v1;
	_ =	sdelay $0x1  }
0x48d: {  	(erf) = vpow2.f32 v1;
	_ =	sdelay $0x1  }
0x48e: {  	v1 =	vld.idx.msk [tilespmem:v2+s4+$0x0], $0xffff;
	_ =	sdelay $0x6  }
0x48f: {  	v2 =	vpop (erf)  }
0x490: {  	[tilespmem:v1+s8+$0x0] =	vst.idx.add.f32.msk $0x1, v2  }
0x491: {  	v1 =	vld [tilespmem:s22+$0xFFFFFF90]  }
0x492: {  	v3 =	vld [tilespmem:s22+$0xFFFFFFA0]  }
0x493: {  	v58 =	vld [tilespmem:s22+$0xFFFFFFB0]  }
0x494: {  	v59 =	vld [tilespmem:s22+$0xFFFFFFC0]  }
0x495: {  	v60 =	vld [tilespmem:s22+$0xFFFFFFD0]  }
0x496: {  	v61 =	vld [tilespmem:s22+$0xFFFFFFE0];
	v1 =	vmul.f32 v1, v2  }
0x497: {  	v62 =	vld [tilespmem:s22+$0xFFFFFFF0];
	v3 =	vmul.f32 v3, v2  }
0x498: {  	v63 =	vld [tilespmem:s22+$0x0];
	[tilespmem:s22+$0xFFFFFF90] =	vst v1;
	v1 =	vmul.f32 v58, v2  }
0x499: {  	[tilespmem:s22+$0xFFFFFFA0] =	vst v3;
	v3 =	vmul.f32 v59, v2  }
0x49a: {  	[tilespmem:s22+$0xFFFFFFB0] =	vst v1;
	v1 =	vmul.f32 v60, v2  }
0x49b: {  	[tilespmem:s22+$0xFFFFFFC0] =	vst v3;
	v3 =	vmul.f32 v61, v2  }
0x49c: {  	[tilespmem:s22+$0xFFFFFFD0] =	vst v1;
	v1 =	vmul.f32 v62, v2  }
0x49d: {  	[tilespmem:s22+$0xFFFFFFE0] =	vst v3;
	v2 =	vmul.f32 v63, v2  }
0x49e: {  	[tilespmem:s22+$0xFFFFFFF0] =	vst v1  }
.Ltmp9:
0x49f: {  	[tilespmem:s22+$0x0] =	vst v2;
	(pc) =	sbr.rel @p1 .LBB2_18-.Ltmp9, $4  }
0x4a0: {  	[spmem:s3] =	stream.indirect.scatter.add.f32 [tilespmem:s29], [sflag:$0xA], $0x80, s30, s10, $0xb8;
	[tilespmem:$0x1E480] =	vst v63  }
0x4a1: {  	_ =	swait.ge [sflag:s16], $0x1400  }
0x4a2: {  	[sflag:s16] =	ssyncset.done $0x0  }
0x4a3: {  	[sflag:s16] =	ssyncadd.s32 $0xFFFFEC00  }
0x4a4: {  	s17 =	sadd.s32 $0x6, s17  }
0x4a5: {  	s18 =	smul.u32 $0x28, s17;
	_ =	sdelay $0x1  }
0x4a6: {  	s18 =	sadd.s32 s7, s18  }
0x4a7: {  	s17 =	sshll.u32 s17, $0x7;
	s18 =	sshll.u32 s18, $0x4  }
0x4a8: {  	s24 =	sand.u32 $0x1FC00, s17;
	s18 =	sadd.s32 s0, s18  }
0x4a9: {  	[tilespmem:s20], [sflag:$0x2] =	stream.linear.gather [hbm4b:s18+s4], $0x1400, $0x38;
	[tilespmem:$0x1E480] =	vst v63  }
0x4aa: {  	s17 =	sand.u32 $0x380, s17;
	s18 =	sadd.s32 s9, s24  }
0x4ab: {  	s17 =	sor.u32 s17, s18  }
.Ltmp10:
0x4ac: {  	s17 =	sshrl.u32 s17, $0x3;
	(pc) =	sbr.rel .LBB2_6-.Ltmp10, $4  }
0x4ad: {  	s25 =	sadd.s32 s5, s17  }
0x4ae: {  	[tilespmem:s21], [sflag:$0x2] =	stream.linear.gather [hbm4b:s25+s4], $0x80, $0x38;
	[tilespmem:$0x1E480] =	vst v63  }
0x4af: {  	s28 =	simm.s32 $0x480;
	s31 =	sadd.s32 $0x1, s31;
	s17 =	sadd.s32 s6, s17  }
0x4b0: {  	[tilespmem:s28], [sflag:$0x2] =	stream.linear.gather [hbm4b:s17+s4], $0x80, $0x38;
	[tilespmem:$0x1E480] =	vst v63  }
.LBB2_19:
0x4b1: {  	_ =	sfence.sel $0x180000  }
0x4b2: {  	[bflag:$0x0] =	sbarrier.arrive $0xFFFF  }
0x4b3: {  	_ =	strace $0x90000047  }
0x4b4: {  	s0 =	stileid.u32;
	[bflag:$0x2] =	sbarrier.arrive $0xFFFF  }
0x4b5: {  	p0 =	sne.s32 s0, $0x0;
	s0 =	rddreg [dreg:$0x5]  }
0x4b6: {  	s0 =	sadd.s32 @!p0 $0x100000, s0  }
0x4b7: {  	[sflag:s0] =	ssyncadd.tile.s32 @!p0 $0x1;
	_ =	shalt  }
.Lfunc_end2:
_tile_overlayer_lowered:
.L_overlay_start_2:
0x4b8: {  	(tag) =	ssettag $0x2  }
0x4b9: {  	s0 =	rddreg [dreg:$0x0];
	s2 =	stileid.u32  }
0x4ba: {  	s1 =	rddreg [dreg:$0x1];
	p0 =	sne.s32 s2, $0x0  }
0x4bb: {  	s3 =	rddreg [dreg:$0x2];
	[bflag:$0x3] =	sbarrier.arrive $0xFFFF;
	s2 =	simm.s32 @!p0 $0x1C0B  }
0x4bc: {  	[timem:s3], [sflag:s2] =	dma.local @!p0 [hbm:s0], s1  }
0x4bd: {  	s0 =	simm.s32 @!p0 $0xB  }
0x4be: {  	_ =	swait.ge @!p0 [sflag:s0], s1  }
0x4bf: {  	s1 =	ssub.s32 @!p0 $0x0, s1;
	[sflag:s0] =	ssyncset.done @!p0 $0x0  }
0x4c0: {  	[sflag:s0] =	ssyncadd.s32 @!p0 s1  }
0x4c1: {  	[bflag:$0x3] =	sbarrier.arrive $0xFFFF  }
0x4c2: {  	_ =	shalt  }

</sc_bundles>
